<compile_context>
chip_gen: v7x
topology: tpu7x:2x2x1
jax: 0.10.2.dev20260603
libtpu: 0.0.44.dev20260713+nightly
codegen_flags: <defaults>
</compile_context>

<pallas_src>
import functools

import jax
import jax.numpy as jnp
from jax import lax
from jax.experimental import pallas as pl
from jax.experimental.pallas import tpu as pltpu
from jax.experimental.pallas import tpu_sc as plsc

N = 10000
E = 320000
ATTN = 128
SLOPE = 0.2

NC = 2
NS = 16
NW = NC * NS
EPT = E // NW
B = 80
NB = EPT // B
PB = 25
NPH = NB // PB
ZCH = 125


def _prep_body(d_ref, m_ref, nt_ref, wdt_ref, wmt_ref, a_ref,
               z_ref, s_ref, g_ref):
    zd = jnp.dot(d_ref[...], wdt_ref[...], preferred_element_type=jnp.float32)
    zm = jnp.dot(m_ref[...], wmt_ref[...], preferred_element_type=jnp.float32)
    z = jnp.where(nt_ref[...] == 1, zd, zm)
    z_ref[...] = z
    s = jax.lax.dot_general(a_ref[...], z, (((1,), (1,)), ((), ())),
                            preferred_element_type=jnp.float32)
    s_ref[...] = s
    bmax = jnp.max(s[0, :]) + jnp.max(s[1, :])
    g_ref[...] = jnp.full((8, 128), bmax, jnp.float32)


def _edge_body(esrc_hbm, edst_hbm, ssrc_hbm, sdst_hbm, g_hbm, z_hbm, h_out, d_out,
               g_v, src_all_v, dst_all_v, sstage_v, dst_v, vals_v, s1_v, s2_v,
               rows_v, h_sh, d_sh, ssrc_sh, sdst_sh,
               gsem, s1sem, s2sem, rsem, vsem, isems, isemd):
    cid = lax.axis_index("c")
    sid = lax.axis_index("s")
    wid = cid * NS + sid

    pltpu.sync_copy(g_hbm, g_v)
    gvec = g_v[...]

    zero16 = jnp.zeros((16,), jnp.float32)

    @pl.when(sid < 10)
    def _():
        pltpu.sync_copy(ssrc_hbm.at[pl.ds(sid * 1000, 1000)], sstage_v)
        pltpu.sync_copy(sstage_v, ssrc_sh.at[pl.ds(sid * 1000, 1000)])

    @pl.when(sid >= 6)
    def _():
        pltpu.sync_copy(sdst_hbm.at[pl.ds((sid - 6) * 1000, 1000)], sstage_v)
        pltpu.sync_copy(sstage_v, sdst_sh.at[pl.ds((sid - 6) * 1000, 1000)])

    @pl.loop(0, B)
    def _zr(i):
        for j in range(8):
            rows_v[0, i, pl.ds(j * 16, 16)] = zero16

    for g in range(B // 16):
        vals_v[0, pl.ds(g * 16, 16)] = zero16

    @pl.loop(0, 8)
    def _zh(k):
        ch = sid + k * NS

        @pl.when(ch < ZCH)
        def _():
            pltpu.sync_copy(rows_v.at[0], h_sh.at[pl.ds(ch * 80, 80), :])
            pltpu.sync_copy(vals_v.at[0], d_sh.at[pl.ds(ch * 80, 80)])

    plsc.subcore_barrier()

    base = wid * EPT
    R = 4

    def _gsrc(j):
        return src_all_v.at[pl.ds(j * B, B)]

    def _gdst(j):
        return dst_all_v.at[pl.ds(j * B, B)]

    def _start_gathers(j, r):
        pltpu.async_copy(z_hbm.at[_gsrc(j)], rows_v.at[r], gsem.at[r])
        pltpu.async_copy(ssrc_sh.at[_gsrc(j)], s1_v.at[r], s1sem.at[r])
        pltpu.async_copy(sdst_sh.at[_gdst(j)], s2_v.at[r], s2sem.at[r])

    def _wait_scatters(j, r):
        pltpu.make_async_copy(rows_v.at[r], h_sh.at[dst_v.at[r]],
                              rsem.at[r]).wait()
        pltpu.make_async_copy(vals_v.at[r], d_sh.at[dst_v.at[r]],
                              vsem.at[r]).wait()

    def _block(j, r):
        pltpu.make_async_copy(ssrc_sh.at[_gsrc(j)], s1_v.at[r],
                              s1sem.at[r]).wait()
        pltpu.make_async_copy(sdst_sh.at[_gdst(j)], s2_v.at[r],
                              s2sem.at[r]).wait()
        for g in range(B // 16):
            dst_v[r, pl.ds(g * 16, 16)] = dst_all_v[pl.ds(j * B + g * 16, 16)]
            a = s1_v[r, pl.ds(g * 16, 16)] + s2_v[r, pl.ds(g * 16, 16)]
            e = jnp.maximum(a, SLOPE * a)
            vals_v[r, pl.ds(g * 16, 16)] = jnp.exp(e - gvec)
        pltpu.make_async_copy(z_hbm.at[_gsrc(j)], rows_v.at[r],
                              gsem.at[r]).wait()

        @pl.loop(0, B, unroll=4)
        def _scale(i):
            vi = plsc.load_gather(vals_v.at[r],
                                  [jnp.zeros((16,), jnp.int32) + i])
            for jj in range(8):
                rows_v[r, i, pl.ds(jj * 16, 16)] = (
                    rows_v[r, i, pl.ds(jj * 16, 16)] * vi)

        pltpu.async_copy(rows_v.at[r], h_sh.at[dst_v.at[r]], rsem.at[r],
                         add=True)
        pltpu.async_copy(vals_v.at[r], d_sh.at[dst_v.at[r]], vsem.at[r],
                         add=True)

        r2 = (r + 2) % R
        if isinstance(j, int):
            if j >= 2:
                _wait_scatters(j - 2, r2)
            if j + 2 < PB:
                _start_gathers(j + 2, r2)
        else:
            @pl.when(j >= 2)
            def _():
                _wait_scatters(j - 2, r2)

            @pl.when(j + 2 < PB)
            def _():
                _start_gathers(j + 2, r2)

    pltpu.sync_copy(esrc_hbm.at[pl.ds(base, PB * B)], src_all_v)
    pltpu.sync_copy(edst_hbm.at[pl.ds(base, PB * B)], dst_all_v)

    @pl.loop(0, NPH)
    def _phase(p):
        _start_gathers(0, 0)
        _start_gathers(1, 1)

        @pl.loop(0, PB // R)
        def _quad(jj):
            for half in range(R):
                _block(R * jj + half, half)

        _block(PB - 1, (PB - 1) % R)

        nxt = base + (p + 1) * (PB * B)

        @pl.when(p + 1 < NPH)
        def _():
            pltpu.async_copy(esrc_hbm.at[pl.ds(nxt, PB * B)], src_all_v, isems)
            pltpu.async_copy(edst_hbm.at[pl.ds(nxt, PB * B)], dst_all_v, isemd)

        _wait_scatters(PB - 2, (PB - 2) % R)
        _wait_scatters(PB - 1, (PB - 1) % R)

        @pl.when(p + 1 < NPH)
        def _():
            pltpu.make_async_copy(esrc_hbm.at[pl.ds(nxt, PB * B)], src_all_v,
                                  isems).wait()
            pltpu.make_async_copy(edst_hbm.at[pl.ds(nxt, PB * B)], dst_all_v,
                                  isemd).wait()

    plsc.subcore_barrier()

    @pl.loop(0, 8)
    def _rb(k):
        ch = sid + k * NS

        @pl.when(ch < ZCH)
        def _():
            pltpu.sync_copy(h_sh.at[pl.ds(ch * 80, 80), :], rows_v.at[0])
            pltpu.sync_copy(rows_v.at[0], h_out.at[cid, pl.ds(ch * 80, 80), :])
            pltpu.sync_copy(d_sh.at[pl.ds(ch * 80, 80)], vals_v.at[0])
            pltpu.sync_copy(vals_v.at[0], d_out.at[pl.ds(cid * N + ch * 80, 80)])


def _combine_body(h0_ref, h1_ref, d0_ref, d1_ref, o_ref):
    h = (h0_ref[0] + h1_ref[0]) / (d0_ref[...] + d1_ref[...] + 1e-16)
    o_ref[...] = jnp.where(h > 0, h, jnp.exp(h) - 1.0)


@jax.jit
def _run(d_sim, m_sim, nt2, edge_index, WdT, WmT, A):
    z, s2w, g8 = pl.pallas_call(
        _prep_body,
        out_shape=[
            jax.ShapeDtypeStruct((N, 128), jnp.float32),
            jax.ShapeDtypeStruct((8, N), jnp.float32),
            jax.ShapeDtypeStruct((8, 128), jnp.float32),
        ],
    )(d_sim, m_sim, nt2, WdT, WmT, A)

    ssrc = s2w[0]
    sdst = s2w[1]
    g16 = g8[0, :16]

    mesh = plsc.VectorSubcoreMesh(core_axis_name="c", subcore_axis_name="s",
                                  num_cores=NC, num_subcores=NS)
    hp, dp = pl.kernel(
        _edge_body,
        out_type=[
            jax.ShapeDtypeStruct((NC, N, ATTN), jnp.float32),
            jax.ShapeDtypeStruct((NC * N,), jnp.float32),
        ],
        mesh=mesh,
        compiler_params=pltpu.CompilerParams(needs_layout_passes=False),
        scratch_types=[
            pltpu.VMEM((16,), jnp.float32),
            pltpu.VMEM((PB * B,), jnp.int32),
            pltpu.VMEM((PB * B,), jnp.int32),
            pltpu.VMEM((1000,), jnp.float32),
            pltpu.VMEM((4, B), jnp.int32),
            pltpu.VMEM((4, B), jnp.float32),
            pltpu.VMEM((4, B), jnp.float32),
            pltpu.VMEM((4, B), jnp.float32),
            pltpu.VMEM((4, B, ATTN), jnp.float32),
            pltpu.VMEM_SHARED((N, ATTN), jnp.float32),
            pltpu.VMEM_SHARED((N,), jnp.float32),
            pltpu.VMEM_SHARED((N,), jnp.float32),
            pltpu.VMEM_SHARED((N,), jnp.float32),
            pltpu.SemaphoreType.DMA((4,)),
            pltpu.SemaphoreType.DMA((4,)),
            pltpu.SemaphoreType.DMA((4,)),
            pltpu.SemaphoreType.DMA((4,)),
            pltpu.SemaphoreType.DMA((4,)),
            pltpu.SemaphoreType.DMA,
            pltpu.SemaphoreType.DMA,
        ],
    )(edge_index[0], edge_index[1], ssrc, sdst, g16, z)

    dp2 = dp.reshape(2 * N, 1)
    out = pl.pallas_call(
        _combine_body,
        grid=(10,),
        in_specs=[
            pl.BlockSpec((1, 1000, 128), lambda i: (0, i, 0)),
            pl.BlockSpec((1, 1000, 128), lambda i: (1, i, 0)),
            pl.BlockSpec((1000, 1), lambda i: (i, 0)),
            pl.BlockSpec((1000, 1), lambda i: (i + 10, 0)),
        ],
        out_specs=pl.BlockSpec((1000, 128), lambda i: (i, 0)),
        out_shape=jax.ShapeDtypeStruct((N, 128), jnp.float32),
    )(hp, hp, dp2, dp2)
    return out


def kernel(d_sim, m_sim, node_type, edge_index, W_m, W_d, W_attn):
    nt2 = node_type.reshape(N, 1)
    A = jnp.zeros((8, ATTN), jnp.float32)
    A = A.at[0].set(W_attn[0, :ATTN]).at[1].set(W_attn[0, ATTN:])
    return _run(d_sim, m_sim, nt2, edge_index, W_d.T, W_m.T, A)

# --- scband reference (transcript-rebuilt; emitter-appended) ---
"""Pipeline reference for scband-gatlayer-11467562680537 (READ-ONLY COPY).

The authoritative reference and input builder live on the scoring server;
editing this copy changes nothing except your own understanding.
"""

import jax, jax.numpy as jnp
import numpy as np

N = 10000
E = 320000
D_FEAT = 128
ATTN = 128
SLOPE = 0.2

def setup_inputs(seed: int = 0) -> dict:
    key = jax.random.key(seed)
    k1, k2, k3, k4, k5, k6, k7 = jax.random.split(key, 7)
    d_sim = jax.random.normal(k1, (N, D_FEAT), dtype=jnp.float32)
    m_sim = jax.random.normal(k2, (N, D_FEAT), dtype=jnp.float32)
    node_type = jax.random.randint(k3, (N,), 0, 2, dtype=jnp.int32)
    edge_index = jax.random.randint(k4, (2, E), 0, N, dtype=jnp.int32)
    # xavier-normal-ish learned parameters (gain for relu ~ sqrt(2))
    gain = float(np.sqrt(2.0))
    W_m = jax.random.normal(k5, (ATTN, D_FEAT), dtype=jnp.float32) * (gain * np.sqrt(2.0 / (ATTN + D_FEAT)))
    W_d = jax.random.normal(k6, (ATTN, D_FEAT), dtype=jnp.float32) * (gain * np.sqrt(2.0 / (ATTN + D_FEAT)))
    W_attn = jax.random.normal(k7, (1, 2 * ATTN), dtype=jnp.float32) * (gain * np.sqrt(2.0 / (1 + 2 * ATTN)))
    return {"d_sim": d_sim, "m_sim": m_sim, "node_type": node_type, "edge_index": edge_index,
            "W_m": W_m, "W_d": W_d, "W_attn": W_attn}

def reference(d_sim, m_sim, node_type, edge_index, W_m, W_d, W_attn):
    # apply_nodes: project disease nodes with d_fc, mirna nodes with m_fc (dropout = identity in eval)
    z_d = d_sim @ W_d.T
    z_m = m_sim @ W_m.T
    z = jnp.where((node_type == 1)[:, None], z_d, z_m)  # [N, ATTN]
    src = edge_index[0]
    dst = edge_index[1]
    z_src = z[src]  # gather [E, ATTN]
    z_dst = z[dst]  # gather [E, ATTN]
    # edge_attention: e = leaky_relu(attn_fc(cat([z_src, z_dst])))
    z2 = jnp.concatenate([z_src, z_dst], axis=1)  # [E, 2*ATTN]
    a = z2 @ W_attn.T  # [E, 1]
    e = jax.nn.leaky_relu(a, negative_slope=SLOPE)[:, 0]  # [E]
    # reduce_func: per-dst softmax over incoming edges (mailbox softmax)
    e_max = jax.ops.segment_max(e, dst, num_segments=N)
    e_max = jnp.where(jnp.isfinite(e_max), e_max, 0.0)
    ex = jnp.exp(e - e_max[dst])
    denom = jax.ops.segment_sum(ex, dst, num_segments=N)
    alpha = ex / (denom[dst] + 1e-16)  # [E]
    h = jax.ops.segment_sum(alpha[:, None] * z_src, dst, num_segments=N)  # scatter-add [N, ATTN]
    return jax.nn.elu(h)

if __name__ == "__main__":
    import jax
    _d = setup_inputs()
    print(jax.jit(kernel)(*tuple(_d.values())))

</pallas_src>

<mosaic_0001>
#map = affine_map<(d0, d1) -> (0)>
#map1 = affine_map<(d0, d1) -> (0, 0)>
#map2 = affine_map<(d0, d1) -> (0, 0, 0)>
module attributes {stable_mosaic.version = 14 : i64} {
  func.func @_edge_body(%arg0: i32, %arg1: i32, %arg2: memref<320000xi32, #tpu.memory_space<hbm>>, %arg3: memref<320000xi32, #tpu.memory_space<hbm>>, %arg4: memref<10000xf32, #tpu.memory_space<hbm>>, %arg5: memref<10000xf32, #tpu.memory_space<hbm>>, %arg6: memref<16xf32, #tpu.memory_space<hbm>>, %arg7: memref<10000x128xf32, #tpu.memory_space<hbm>>, %arg8: memref<2x10000x128xf32, #tpu.memory_space<hbm>>, %arg9: memref<20000xf32, #tpu.memory_space<hbm>>, %arg10: memref<16xf32, #tpu.memory_space<vmem>>, %arg11: memref<2000xi32, #tpu.memory_space<vmem>>, %arg12: memref<2000xi32, #tpu.memory_space<vmem>>, %arg13: memref<1000xf32, #tpu.memory_space<vmem>>, %arg14: memref<4x80xi32, #tpu.memory_space<vmem>>, %arg15: memref<4x80xf32, #tpu.memory_space<vmem>>, %arg16: memref<4x80xf32, #tpu.memory_space<vmem>>, %arg17: memref<4x80xf32, #tpu.memory_space<vmem>>, %arg18: memref<4x80x128xf32, #tpu.memory_space<vmem>>, %arg19: memref<10000x128xf32, #tpu.memory_space<vmem_shared>>, %arg20: memref<10000xf32, #tpu.memory_space<vmem_shared>>, %arg21: memref<10000xf32, #tpu.memory_space<vmem_shared>>, %arg22: memref<10000xf32, #tpu.memory_space<vmem_shared>>, %arg23: memref<4x!tpu.dma_semaphore, #tpu.memory_space<semaphore_mem>>, %arg24: memref<4x!tpu.dma_semaphore, #tpu.memory_space<semaphore_mem>>, %arg25: memref<4x!tpu.dma_semaphore, #tpu.memory_space<semaphore_mem>>, %arg26: memref<4x!tpu.dma_semaphore, #tpu.memory_space<semaphore_mem>>, %arg27: memref<4x!tpu.dma_semaphore, #tpu.memory_space<semaphore_mem>>, %arg28: memref<!tpu.dma_semaphore, #tpu.memory_space<semaphore_mem>>, %arg29: memref<!tpu.dma_semaphore, #tpu.memory_space<semaphore_mem>>) attributes {dimension_semantics = [#tpu.dimension_semantics<core_parallel>, #tpu.dimension_semantics<subcore_parallel>], iteration_bounds = array<i64: 2, 16>, scalar_prefetch = 0 : i64, scratch_operands = 20 : i64, tpu.core_type = #tpu.core_type<sc_vector_subcore>, window_params = [{transform_indices = #map}, {transform_indices = #map}, {transform_indices = #map}, {transform_indices = #map}, {transform_indices = #map}, {transform_indices = #map1}, {transform_indices = #map2}, {transform_indices = #map}]} {
    %mul3A = arith.constant 16 : i32
    %mul3A_0 = arith.muli %arg0, %mul3A : i32
    %add3A = arith.addi %mul3A_0, %arg1 : i32
    "tpu.region"() ({
      %run_scoped3A = tpu.sem_alloc : memref<!tpu.dma_semaphore, #tpu.memory_space<semaphore_mem>>
      tpu.enqueue_dma source(%arg6 : memref<16xf32, #tpu.memory_space<hbm>>) target(%arg10 : memref<16xf32, #tpu.memory_space<vmem>>) target_semaphore(%run_scoped3A : memref<!tpu.dma_semaphore, #tpu.memory_space<semaphore_mem>>)
      tpu.wait_dma2 semaphore(%run_scoped3A : memref<!tpu.dma_semaphore, #tpu.memory_space<semaphore_mem>>) src(%arg6 : memref<16xf32, #tpu.memory_space<hbm>>) dst(%arg10 : memref<16xf32, #tpu.memory_space<vmem>>)
      tpu.yield
    }) : () -> ()
    %get3A = arith.constant 0 : index
    %get3A_1 = tpu.vector_load %arg10[%get3A] {strides = array<i32>} : memref<16xf32, #tpu.memory_space<vmem>>, vector<16xf32>,
    %broadcast_in_dim3A = arith.constant 0.000000e+00 : f32
    %broadcast_in_dim3A_2 = vector.broadcast %broadcast_in_dim3A : f32 to vector<16xf32>
    %lt3A = arith.constant 10 : i32
    %lt3A_3 = arith.cmpi slt, %arg1, %lt3A : i32
    %convert_element_type3A = arith.extui %lt3A_3 : i1 to i32
    %cond3A = arith.constant 0 : i32
    %cond3A_4 = arith.cmpi ne, %convert_element_type3A, %cond3A : i32
    scf.if %cond3A_4 {
      %mul3A_50 = arith.constant 1000 : i32
      %mul3A_51 = arith.muli %arg1, %mul3A_50 : i32
      "tpu.region"() ({
        %run_scoped3A = tpu.sem_alloc : memref<!tpu.dma_semaphore, #tpu.memory_space<semaphore_mem>>
        %dma_start3A = tpu.memref_slice %arg4[%mul3A_51] : memref<10000xf32, #tpu.memory_space<hbm>> -> memref<1000xf32, #tpu.memory_space<hbm>>
        %dma_start3A_54 = tpu.memref_slice %arg4[%mul3A_51] : memref<10000xf32, #tpu.memory_space<hbm>> -> memref<1000xf32, #tpu.memory_space<hbm>>
        tpu.enqueue_dma source(%dma_start3A_54 : memref<1000xf32, #tpu.memory_space<hbm>>) target(%arg13 : memref<1000xf32, #tpu.memory_space<vmem>>) target_semaphore(%run_scoped3A : memref<!tpu.dma_semaphore, #tpu.memory_space<semaphore_mem>>)
        %dma_wait3A = tpu.memref_slice %arg4[%mul3A_51] : memref<10000xf32, #tpu.memory_space<hbm>> -> memref<1000xf32, #tpu.memory_space<hbm>>
        %dma_wait3A_55 = tpu.memref_slice %arg4[%mul3A_51] : memref<10000xf32, #tpu.memory_space<hbm>> -> memref<1000xf32, #tpu.memory_space<hbm>>
        tpu.wait_dma2 semaphore(%run_scoped3A : memref<!tpu.dma_semaphore, #tpu.memory_space<semaphore_mem>>) src(%dma_wait3A_55 : memref<1000xf32, #tpu.memory_space<hbm>>) dst(%arg13 : memref<1000xf32, #tpu.memory_space<vmem>>)
        tpu.yield
      }) : () -> ()
      %mul3A_52 = arith.constant 1000 : i32
      %mul3A_53 = arith.muli %arg1, %mul3A_52 : i32
      "tpu.region"() ({
        %run_scoped3A = tpu.sem_alloc : memref<!tpu.dma_semaphore, #tpu.memory_space<semaphore_mem>>
        %dma_start3A = tpu.memref_slice %arg21[%mul3A_53] : memref<10000xf32, #tpu.memory_space<vmem_shared>> -> memref<1000xf32, #tpu.memory_space<vmem_shared>>
        %dma_start3A_54 = tpu.memref_slice %arg21[%mul3A_53] : memref<10000xf32, #tpu.memory_space<vmem_shared>> -> memref<1000xf32, #tpu.memory_space<vmem_shared>>
        tpu.enqueue_dma source(%arg13 : memref<1000xf32, #tpu.memory_space<vmem>>) target(%dma_start3A_54 : memref<1000xf32, #tpu.memory_space<vmem_shared>>) target_semaphore(%run_scoped3A : memref<!tpu.dma_semaphore, #tpu.memory_space<semaphore_mem>>)
        %dma_wait3A = tpu.memref_slice %arg21[%mul3A_53] : memref<10000xf32, #tpu.memory_space<vmem_shared>> -> memref<1000xf32, #tpu.memory_space<vmem_shared>>
        %dma_wait3A_55 = tpu.memref_slice %arg21[%mul3A_53] : memref<10000xf32, #tpu.memory_space<vmem_shared>> -> memref<1000xf32, #tpu.memory_space<vmem_shared>>
        tpu.wait_dma2 semaphore(%run_scoped3A : memref<!tpu.dma_semaphore, #tpu.memory_space<semaphore_mem>>) src(%arg13 : memref<1000xf32, #tpu.memory_space<vmem>>) dst(%dma_wait3A_55 : memref<1000xf32, #tpu.memory_space<vmem_shared>>)
        tpu.yield
      }) : () -> ()
    } else {
    }
    %ge3A = arith.constant 6 : i32
    %ge3A_5 = arith.cmpi sge, %arg1, %ge3A : i32
    %convert_element_type3A_6 = arith.extui %ge3A_5 : i1 to i32
    %cond3A_7 = arith.constant 0 : i32
    %cond3A_8 = arith.cmpi ne, %convert_element_type3A_6, %cond3A_7 : i32
    scf.if %cond3A_8 {
      %sub3A = arith.constant 6 : i32
      %sub3A_50 = arith.subi %arg1, %sub3A : i32
      %mul3A_51 = arith.constant 1000 : i32
      %mul3A_52 = arith.muli %sub3A_50, %mul3A_51 : i32
      "tpu.region"() ({
        %run_scoped3A = tpu.sem_alloc : memref<!tpu.dma_semaphore, #tpu.memory_space<semaphore_mem>>
        %dma_start3A = tpu.memref_slice %arg5[%mul3A_52] : memref<10000xf32, #tpu.memory_space<hbm>> -> memref<1000xf32, #tpu.memory_space<hbm>>
        %dma_start3A_57 = tpu.memref_slice %arg5[%mul3A_52] : memref<10000xf32, #tpu.memory_space<hbm>> -> memref<1000xf32, #tpu.memory_space<hbm>>
        tpu.enqueue_dma source(%dma_start3A_57 : memref<1000xf32, #tpu.memory_space<hbm>>) target(%arg13 : memref<1000xf32, #tpu.memory_space<vmem>>) target_semaphore(%run_scoped3A : memref<!tpu.dma_semaphore, #tpu.memory_space<semaphore_mem>>)
        %dma_wait3A = tpu.memref_slice %arg5[%mul3A_52] : memref<10000xf32, #tpu.memory_space<hbm>> -> memref<1000xf32, #tpu.memory_space<hbm>>
        %dma_wait3A_58 = tpu.memref_slice %arg5[%mul3A_52] : memref<10000xf32, #tpu.memory_space<hbm>> -> memref<1000xf32, #tpu.memory_space<hbm>>
        tpu.wait_dma2 semaphore(%run_scoped3A : memref<!tpu.dma_semaphore, #tpu.memory_space<semaphore_mem>>) src(%dma_wait3A_58 : memref<1000xf32, #tpu.memory_space<hbm>>) dst(%arg13 : memref<1000xf32, #tpu.memory_space<vmem>>)
        tpu.yield
      }) : () -> ()
      %sub3A_53 = arith.constant 6 : i32
      %sub3A_54 = arith.subi %arg1, %sub3A_53 : i32
      %mul3A_55 = arith.constant 1000 : i32
      %mul3A_56 = arith.muli %sub3A_54, %mul3A_55 : i32
      "tpu.region"() ({
        %run_scoped3A = tpu.sem_alloc : memref<!tpu.dma_semaphore, #tpu.memory_space<semaphore_mem>>
        %dma_start3A = tpu.memref_slice %arg22[%mul3A_56] : memref<10000xf32, #tpu.memory_space<vmem_shared>> -> memref<1000xf32, #tpu.memory_space<vmem_shared>>
        %dma_start3A_57 = tpu.memref_slice %arg22[%mul3A_56] : memref<10000xf32, #tpu.memory_space<vmem_shared>> -> memref<1000xf32, #tpu.memory_space<vmem_shared>>
        tpu.enqueue_dma source(%arg13 : memref<1000xf32, #tpu.memory_space<vmem>>) target(%dma_start3A_57 : memref<1000xf32, #tpu.memory_space<vmem_shared>>) target_semaphore(%run_scoped3A : memref<!tpu.dma_semaphore, #tpu.memory_space<semaphore_mem>>)
        %dma_wait3A = tpu.memref_slice %arg22[%mul3A_56] : memref<10000xf32, #tpu.memory_space<vmem_shared>> -> memref<1000xf32, #tpu.memory_space<vmem_shared>>
        %dma_wait3A_58 = tpu.memref_slice %arg22[%mul3A_56] : memref<10000xf32, #tpu.memory_space<vmem_shared>> -> memref<1000xf32, #tpu.memory_space<vmem_shared>>
        tpu.wait_dma2 semaphore(%run_scoped3A : memref<!tpu.dma_semaphore, #tpu.memory_space<semaphore_mem>>) src(%arg13 : memref<1000xf32, #tpu.memory_space<vmem>>) dst(%dma_wait3A_58 : memref<1000xf32, #tpu.memory_space<vmem_shared>>)
        tpu.yield
      }) : () -> ()
    } else {
    }
    %scan3A = arith.constant 0 : i32
    %scan3A_9 = arith.constant 80 : i32
    %scan3A_10 = arith.addi %scan3A, %scan3A_9 : i32
    %scan3A_11 = arith.constant 1 : i32
    scf.for %scan3A_50 = %scan3A to %scan3A_10 step %scan3A_11  : i32 {
      %mul3A_51 = arith.constant 1 : i32
      %mul3A_52 = arith.muli %scan3A_50, %mul3A_51 : i32
      %add3A_53 = arith.constant 0 : i32
      %add3A_54 = arith.addi %add3A_53, %mul3A_52 : i32
      %swap3A_55 = arith.constant 0 : i32
      %swap3A_56 = arith.index_cast %swap3A_55 : i32 to index
      %swap3A_57 = arith.index_cast %add3A_54 : i32 to index
      %swap3A_58 = arith.constant 0 : index
      %swap3A_59 = tpu.vector_load %arg18[%swap3A_56, %swap3A_57, %swap3A_58] {strides = array<i32>} : memref<4x80x128xf32, #tpu.memory_space<vmem>>, vector<16xf32>,
      tpu.vector_store %arg18[%swap3A_56, %swap3A_57, %swap3A_58], %broadcast_in_dim3A_2 {strides = array<i32>} : memref<4x80x128xf32, #tpu.memory_space<vmem>>, vector<16xf32>,
      %swap3A_60 = arith.constant 0 : i32
      %swap3A_61 = arith.index_cast %swap3A_60 : i32 to index
      %swap3A_62 = arith.index_cast %add3A_54 : i32 to index
      %swap3A_63 = arith.constant 16 : index
      %swap3A_64 = tpu.vector_load %arg18[%swap3A_61, %swap3A_62, %swap3A_63] {strides = array<i32>} : memref<4x80x128xf32, #tpu.memory_space<vmem>>, vector<16xf32>,
      tpu.vector_store %arg18[%swap3A_61, %swap3A_62, %swap3A_63], %broadcast_in_dim3A_2 {strides = array<i32>} : memref<4x80x128xf32, #tpu.memory_space<vmem>>, vector<16xf32>,
      %swap3A_65 = arith.constant 0 : i32
      %swap3A_66 = arith.index_cast %swap3A_65 : i32 to index
      %swap3A_67 = arith.index_cast %add3A_54 : i32 to index
      %swap3A_68 = arith.constant 32 : index
      %swap3A_69 = tpu.vector_load %arg18[%swap3A_66, %swap3A_67, %swap3A_68] {strides = array<i32>} : memref<4x80x128xf32, #tpu.memory_space<vmem>>, vector<16xf32>,
      tpu.vector_store %arg18[%swap3A_66, %swap3A_67, %swap3A_68], %broadcast_in_dim3A_2 {strides = array<i32>} : memref<4x80x128xf32, #tpu.memory_space<vmem>>, vector<16xf32>,
      %swap3A_70 = arith.constant 0 : i32
      %swap3A_71 = arith.index_cast %swap3A_70 : i32 to index
      %swap3A_72 = arith.index_cast %add3A_54 : i32 to index
      %swap3A_73 = arith.constant 48 : index
      %swap3A_74 = tpu.vector_load %arg18[%swap3A_71, %swap3A_72, %swap3A_73] {strides = array<i32>} : memref<4x80x128xf32, #tpu.memory_space<vmem>>, vector<16xf32>,
      tpu.vector_store %arg18[%swap3A_71, %swap3A_72, %swap3A_73], %broadcast_in_dim3A_2 {strides = array<i32>} : memref<4x80x128xf32, #tpu.memory_space<vmem>>, vector<16xf32>,
      %swap3A_75 = arith.constant 0 : i32
      %swap3A_76 = arith.index_cast %swap3A_75 : i32 to index
      %swap3A_77 = arith.index_cast %add3A_54 : i32 to index
      %swap3A_78 = arith.constant 64 : index
      %swap3A_79 = tpu.vector_load %arg18[%swap3A_76, %swap3A_77, %swap3A_78] {strides = array<i32>} : memref<4x80x128xf32, #tpu.memory_space<vmem>>, vector<16xf32>,
      tpu.vector_store %arg18[%swap3A_76, %swap3A_77, %swap3A_78], %broadcast_in_dim3A_2 {strides = array<i32>} : memref<4x80x128xf32, #tpu.memory_space<vmem>>, vector<16xf32>,
      %swap3A_80 = arith.constant 0 : i32
      %swap3A_81 = arith.index_cast %swap3A_80 : i32 to index
      %swap3A_82 = arith.index_cast %add3A_54 : i32 to index
      %swap3A_83 = arith.constant 80 : index
      %swap3A_84 = tpu.vector_load %arg18[%swap3A_81, %swap3A_82, %swap3A_83] {strides = array<i32>} : memref<4x80x128xf32, #tpu.memory_space<vmem>>, vector<16xf32>,
      tpu.vector_store %arg18[%swap3A_81, %swap3A_82, %swap3A_83], %broadcast_in_dim3A_2 {strides = array<i32>} : memref<4x80x128xf32, #tpu.memory_space<vmem>>, vector<16xf32>,
      %swap3A_85 = arith.constant 0 : i32
      %swap3A_86 = arith.index_cast %swap3A_85 : i32 to index
      %swap3A_87 = arith.index_cast %add3A_54 : i32 to index
      %swap3A_88 = arith.constant 96 : index
      %swap3A_89 = tpu.vector_load %arg18[%swap3A_86, %swap3A_87, %swap3A_88] {strides = array<i32>} : memref<4x80x128xf32, #tpu.memory_space<vmem>>, vector<16xf32>,
      tpu.vector_store %arg18[%swap3A_86, %swap3A_87, %swap3A_88], %broadcast_in_dim3A_2 {strides = array<i32>} : memref<4x80x128xf32, #tpu.memory_space<vmem>>, vector<16xf32>,
      %swap3A_90 = arith.constant 0 : i32
      %swap3A_91 = arith.index_cast %swap3A_90 : i32 to index
      %swap3A_92 = arith.index_cast %add3A_54 : i32 to index
      %swap3A_93 = arith.constant 112 : index
      %swap3A_94 = tpu.vector_load %arg18[%swap3A_91, %swap3A_92, %swap3A_93] {strides = array<i32>} : memref<4x80x128xf32, #tpu.memory_space<vmem>>, vector<16xf32>,
      tpu.vector_store %arg18[%swap3A_91, %swap3A_92, %swap3A_93], %broadcast_in_dim3A_2 {strides = array<i32>} : memref<4x80x128xf32, #tpu.memory_space<vmem>>, vector<16xf32>,
    }
    %scan3A_12 = arith.constant 80 : i32
    %swap3A = arith.constant 0 : i32
    %swap3A_13 = arith.index_cast %swap3A : i32 to index
    %swap3A_14 = arith.constant 0 : index
    %swap3A_15 = tpu.vector_load %arg15[%swap3A_13, %swap3A_14] {strides = array<i32>} : memref<4x80xf32, #tpu.memory_space<vmem>>, vector<16xf32>,
    tpu.vector_store %arg15[%swap3A_13, %swap3A_14], %broadcast_in_dim3A_2 {strides = array<i32>} : memref<4x80xf32, #tpu.memory_space<vmem>>, vector<16xf32>,
    %swap3A_16 = arith.constant 0 : i32
    %swap3A_17 = arith.index_cast %swap3A_16 : i32 to index
    %swap3A_18 = arith.constant 16 : index
    %swap3A_19 = tpu.vector_load %arg15[%swap3A_17, %swap3A_18] {strides = array<i32>} : memref<4x80xf32, #tpu.memory_space<vmem>>, vector<16xf32>,
    tpu.vector_store %arg15[%swap3A_17, %swap3A_18], %broadcast_in_dim3A_2 {strides = array<i32>} : memref<4x80xf32, #tpu.memory_space<vmem>>, vector<16xf32>,
    %swap3A_20 = arith.constant 0 : i32
    %swap3A_21 = arith.index_cast %swap3A_20 : i32 to index
    %swap3A_22 = arith.constant 32 : index
    %swap3A_23 = tpu.vector_load %arg15[%swap3A_21, %swap3A_22] {strides = array<i32>} : memref<4x80xf32, #tpu.memory_space<vmem>>, vector<16xf32>,
    tpu.vector_store %arg15[%swap3A_21, %swap3A_22], %broadcast_in_dim3A_2 {strides = array<i32>} : memref<4x80xf32, #tpu.memory_space<vmem>>, vector<16xf32>,
    %swap3A_24 = arith.constant 0 : i32
    %swap3A_25 = arith.index_cast %swap3A_24 : i32 to index
    %swap3A_26 = arith.constant 48 : index
    %swap3A_27 = tpu.vector_load %arg15[%swap3A_25, %swap3A_26] {strides = array<i32>} : memref<4x80xf32, #tpu.memory_space<vmem>>, vector<16xf32>,
    tpu.vector_store %arg15[%swap3A_25, %swap3A_26], %broadcast_in_dim3A_2 {strides = array<i32>} : memref<4x80xf32, #tpu.memory_space<vmem>>, vector<16xf32>,
    %swap3A_28 = arith.constant 0 : i32
    %swap3A_29 = arith.index_cast %swap3A_28 : i32 to index
    %swap3A_30 = arith.constant 64 : index
    %swap3A_31 = tpu.vector_load %arg15[%swap3A_29, %swap3A_30] {strides = array<i32>} : memref<4x80xf32, #tpu.memory_space<vmem>>, vector<16xf32>,
    tpu.vector_store %arg15[%swap3A_29, %swap3A_30], %broadcast_in_dim3A_2 {strides = array<i32>} : memref<4x80xf32, #tpu.memory_space<vmem>>, vector<16xf32>,
    %scan3A_32 = arith.constant 0 : i32
    %scan3A_33 = arith.constant 8 : i32
    %scan3A_34 = arith.addi %scan3A_32, %scan3A_33 : i32
    %scan3A_35 = arith.constant 1 : i32
    scf.for %scan3A_50 = %scan3A_32 to %scan3A_34 step %scan3A_35  : i32 {
      %mul3A_51 = arith.constant 1 : i32
      %mul3A_52 = arith.muli %scan3A_50, %mul3A_51 : i32
      %add3A_53 = arith.constant 0 : i32
      %add3A_54 = arith.addi %add3A_53, %mul3A_52 : i32
      %mul3A_55 = arith.constant 16 : i32
      %mul3A_56 = arith.muli %add3A_54, %mul3A_55 : i32
      %add3A_57 = arith.addi %arg1, %mul3A_56 : i32
      %lt3A_58 = arith.constant 125 : i32
      %lt3A_59 = arith.cmpi slt, %add3A_57, %lt3A_58 : i32
      %convert_element_type3A_60 = arith.extui %lt3A_59 : i1 to i32
      %cond3A_61 = arith.constant 0 : i32
      %cond3A_62 = arith.cmpi ne, %convert_element_type3A_60, %cond3A_61 : i32
      scf.if %cond3A_62 {
        %mul3A_63 = arith.constant 80 : i32
        %mul3A_64 = arith.muli %add3A_57, %mul3A_63 : i32
        %run_scoped3A = arith.constant 0 : i32
        "tpu.region"() ({
          %run_scoped3A_68 = tpu.sem_alloc : memref<!tpu.dma_semaphore, #tpu.memory_space<semaphore_mem>>
          %dma_start3A = arith.constant 0 : i32
          %dma_start3A_69 = arith.constant 0 : i32
          %dma_start3A_70 = tpu.memref_slice %arg18[%run_scoped3A, %dma_start3A, %dma_start3A_69] : memref<4x80x128xf32, #tpu.memory_space<vmem>> -> memref<1x80x128xf32, #tpu.memory_space<vmem>>
          %dma_start3A_71 = tpu.memref_squeeze %dma_start3A_70 : memref<1x80x128xf32, #tpu.memory_space<vmem>> -> memref<80x128xf32, #tpu.memory_space<vmem>>
          %dma_start3A_72 = arith.constant 0 : i32
          %dma_start3A_73 = tpu.memref_slice %arg19[%mul3A_64, %dma_start3A_72] : memref<10000x128xf32, #tpu.memory_space<vmem_shared>> -> memref<80x128xf32, #tpu.memory_space<vmem_shared>>
          %dma_start3A_74 = arith.constant 0 : i32
          %dma_start3A_75 = tpu.memref_slice %arg19[%mul3A_64, %dma_start3A_74] : memref<10000x128xf32, #tpu.memory_space<vmem_shared>> -> memref<80x128xf32, #tpu.memory_space<vmem_shared>>
          %dma_start3A_76 = arith.constant 0 : i32
          %dma_start3A_77 = arith.constant 0 : i32
          %dma_start3A_78 = tpu.memref_slice %arg18[%run_scoped3A, %dma_start3A_76, %dma_start3A_77] : memref<4x80x128xf32, #tpu.memory_space<vmem>> -> memref<1x80x128xf32, #tpu.memory_space<vmem>>
          %dma_start3A_79 = tpu.memref_squeeze %dma_start3A_78 : memref<1x80x128xf32, #tpu.memory_space<vmem>> -> memref<80x128xf32, #tpu.memory_space<vmem>>
          tpu.enqueue_dma source(%dma_start3A_79 : memref<80x128xf32, #tpu.memory_space<vmem>>) target(%dma_start3A_75 : memref<80x128xf32, #tpu.memory_space<vmem_shared>>) target_semaphore(%run_scoped3A_68 : memref<!tpu.dma_semaphore, #tpu.memory_space<semaphore_mem>>)
          %dma_wait3A = arith.constant 0 : i32
          %dma_wait3A_80 = arith.constant 0 : i32
          %dma_wait3A_81 = tpu.memref_slice %arg18[%run_scoped3A, %dma_wait3A, %dma_wait3A_80] : memref<4x80x128xf32, #tpu.memory_space<vmem>> -> memref<1x80x128xf32, #tpu.memory_space<vmem>>
          %dma_wait3A_82 = tpu.memref_squeeze %dma_wait3A_81 : memref<1x80x128xf32, #tpu.memory_space<vmem>> -> memref<80x128xf32, #tpu.memory_space<vmem>>
          %dma_wait3A_83 = arith.constant 0 : i32
          %dma_wait3A_84 = tpu.memref_slice %arg19[%mul3A_64, %dma_wait3A_83] : memref<10000x128xf32, #tpu.memory_space<vmem_shared>> -> memref<80x128xf32, #tpu.memory_space<vmem_shared>>
          %dma_wait3A_85 = arith.constant 0 : i32
          %dma_wait3A_86 = tpu.memref_slice %arg19[%mul3A_64, %dma_wait3A_85] : memref<10000x128xf32, #tpu.memory_space<vmem_shared>> -> memref<80x128xf32, #tpu.memory_space<vmem_shared>>
          %dma_wait3A_87 = arith.constant 0 : i32
          %dma_wait3A_88 = arith.constant 0 : i32
          %dma_wait3A_89 = tpu.memref_slice %arg18[%run_scoped3A, %dma_wait3A_87, %dma_wait3A_88] : memref<4x80x128xf32, #tpu.memory_space<vmem>> -> memref<1x80x128xf32, #tpu.memory_space<vmem>>
          %dma_wait3A_90 = tpu.memref_squeeze %dma_wait3A_89 : memref<1x80x128xf32, #tpu.memory_space<vmem>> -> memref<80x128xf32, #tpu.memory_space<vmem>>
          tpu.wait_dma2 semaphore(%run_scoped3A_68 : memref<!tpu.dma_semaphore, #tpu.memory_space<semaphore_mem>>) src(%dma_wait3A_90 : memref<80x128xf32, #tpu.memory_space<vmem>>) dst(%dma_wait3A_86 : memref<80x128xf32, #tpu.memory_space<vmem_shared>>)
          tpu.yield
        }) : () -> ()
        %mul3A_65 = arith.constant 80 : i32
        %mul3A_66 = arith.muli %add3A_57, %mul3A_65 : i32
        %run_scoped3A_67 = arith.constant 0 : i32
        "tpu.region"() ({
          %run_scoped3A_68 = tpu.sem_alloc : memref<!tpu.dma_semaphore, #tpu.memory_space<semaphore_mem>>
          %dma_start3A = arith.constant 0 : i32
          %dma_start3A_69 = tpu.memref_slice %arg15[%run_scoped3A_67, %dma_start3A] : memref<4x80xf32, #tpu.memory_space<vmem>> -> memref<1x80xf32, #tpu.memory_space<vmem>>
          %dma_start3A_70 = tpu.memref_squeeze %dma_start3A_69 : memref<1x80xf32, #tpu.memory_space<vmem>> -> memref<80xf32, #tpu.memory_space<vmem>>
          %dma_start3A_71 = tpu.memref_slice %arg20[%mul3A_66] : memref<10000xf32, #tpu.memory_space<vmem_shared>> -> memref<80xf32, #tpu.memory_space<vmem_shared>>
          %dma_start3A_72 = tpu.memref_slice %arg20[%mul3A_66] : memref<10000xf32, #tpu.memory_space<vmem_shared>> -> memref<80xf32, #tpu.memory_space<vmem_shared>>
          %dma_start3A_73 = arith.constant 0 : i32
          %dma_start3A_74 = tpu.memref_slice %arg15[%run_scoped3A_67, %dma_start3A_73] : memref<4x80xf32, #tpu.memory_space<vmem>> -> memref<1x80xf32, #tpu.memory_space<vmem>>
          %dma_start3A_75 = tpu.memref_squeeze %dma_start3A_74 : memref<1x80xf32, #tpu.memory_space<vmem>> -> memref<80xf32, #tpu.memory_space<vmem>>
          tpu.enqueue_dma source(%dma_start3A_75 : memref<80xf32, #tpu.memory_space<vmem>>) target(%dma_start3A_72 : memref<80xf32, #tpu.memory_space<vmem_shared>>) target_semaphore(%run_scoped3A_68 : memref<!tpu.dma_semaphore, #tpu.memory_space<semaphore_mem>>)
          %dma_wait3A = arith.constant 0 : i32
          %dma_wait3A_76 = tpu.memref_slice %arg15[%run_scoped3A_67, %dma_wait3A] : memref<4x80xf32, #tpu.memory_space<vmem>> -> memref<1x80xf32, #tpu.memory_space<vmem>>
          %dma_wait3A_77 = tpu.memref_squeeze %dma_wait3A_76 : memref<1x80xf32, #tpu.memory_space<vmem>> -> memref<80xf32, #tpu.memory_space<vmem>>
          %dma_wait3A_78 = tpu.memref_slice %arg20[%mul3A_66] : memref<10000xf32, #tpu.memory_space<vmem_shared>> -> memref<80xf32, #tpu.memory_space<vmem_shared>>
          %dma_wait3A_79 = tpu.memref_slice %arg20[%mul3A_66] : memref<10000xf32, #tpu.memory_space<vmem_shared>> -> memref<80xf32, #tpu.memory_space<vmem_shared>>
          %dma_wait3A_80 = arith.constant 0 : i32
          %dma_wait3A_81 = tpu.memref_slice %arg15[%run_scoped3A_67, %dma_wait3A_80] : memref<4x80xf32, #tpu.memory_space<vmem>> -> memref<1x80xf32, #tpu.memory_space<vmem>>
          %dma_wait3A_82 = tpu.memref_squeeze %dma_wait3A_81 : memref<1x80xf32, #tpu.memory_space<vmem>> -> memref<80xf32, #tpu.memory_space<vmem>>
          tpu.wait_dma2 semaphore(%run_scoped3A_68 : memref<!tpu.dma_semaphore, #tpu.memory_space<semaphore_mem>>) src(%dma_wait3A_82 : memref<80xf32, #tpu.memory_space<vmem>>) dst(%dma_wait3A_79 : memref<80xf32, #tpu.memory_space<vmem_shared>>)
          tpu.yield
        }) : () -> ()
      } else {
      }
    }
    %scan3A_36 = arith.constant 8 : i32
    %barrier3A = arith.constant 0 : index
    tpu.barrier barrier_id(%barrier3A)
    %mul3A_37 = arith.constant 10000 : i32
    %mul3A_38 = arith.muli %add3A, %mul3A_37 : i32
    "tpu.region"() ({
      %run_scoped3A = tpu.sem_alloc : memref<!tpu.dma_semaphore, #tpu.memory_space<semaphore_mem>>
      %dma_start3A = tpu.memref_slice %arg2[%mul3A_38] : memref<320000xi32, #tpu.memory_space<hbm>> -> memref<2000xi32, #tpu.memory_space<hbm>>
      %dma_start3A_50 = tpu.memref_slice %arg2[%mul3A_38] : memref<320000xi32, #tpu.memory_space<hbm>> -> memref<2000xi32, #tpu.memory_space<hbm>>
      tpu.enqueue_dma source(%dma_start3A_50 : memref<2000xi32, #tpu.memory_space<hbm>>) target(%arg11 : memref<2000xi32, #tpu.memory_space<vmem>>) target_semaphore(%run_scoped3A : memref<!tpu.dma_semaphore, #tpu.memory_space<semaphore_mem>>)
      %dma_wait3A = tpu.memref_slice %arg2[%mul3A_38] : memref<320000xi32, #tpu.memory_space<hbm>> -> memref<2000xi32, #tpu.memory_space<hbm>>
      %dma_wait3A_51 = tpu.memref_slice %arg2[%mul3A_38] : memref<320000xi32, #tpu.memory_space<hbm>> -> memref<2000xi32, #tpu.memory_space<hbm>>
      tpu.wait_dma2 semaphore(%run_scoped3A : memref<!tpu.dma_semaphore, #tpu.memory_space<semaphore_mem>>) src(%dma_wait3A_51 : memref<2000xi32, #tpu.memory_space<hbm>>) dst(%arg11 : memref<2000xi32, #tpu.memory_space<vmem>>)
      tpu.yield
    }) : () -> ()
    "tpu.region"() ({
      %run_scoped3A = tpu.sem_alloc : memref<!tpu.dma_semaphore, #tpu.memory_space<semaphore_mem>>
      %dma_start3A = tpu.memref_slice %arg3[%mul3A_38] : memref<320000xi32, #tpu.memory_space<hbm>> -> memref<2000xi32, #tpu.memory_space<hbm>>
      %dma_start3A_50 = tpu.memref_slice %arg3[%mul3A_38] : memref<320000xi32, #tpu.memory_space<hbm>> -> memref<2000xi32, #tpu.memory_space<hbm>>
      tpu.enqueue_dma source(%dma_start3A_50 : memref<2000xi32, #tpu.memory_space<hbm>>) target(%arg12 : memref<2000xi32, #tpu.memory_space<vmem>>) target_semaphore(%run_scoped3A : memref<!tpu.dma_semaphore, #tpu.memory_space<semaphore_mem>>)
      %dma_wait3A = tpu.memref_slice %arg3[%mul3A_38] : memref<320000xi32, #tpu.memory_space<hbm>> -> memref<2000xi32, #tpu.memory_space<hbm>>
      %dma_wait3A_51 = tpu.memref_slice %arg3[%mul3A_38] : memref<320000xi32, #tpu.memory_space<hbm>> -> memref<2000xi32, #tpu.memory_space<hbm>>
      tpu.wait_dma2 semaphore(%run_scoped3A : memref<!tpu.dma_semaphore, #tpu.memory_space<semaphore_mem>>) src(%dma_wait3A_51 : memref<2000xi32, #tpu.memory_space<hbm>>) dst(%arg12 : memref<2000xi32, #tpu.memory_space<vmem>>)
      tpu.yield
    }) : () -> ()
    %scan3A_39 = arith.constant 0 : i32
    %scan3A_40 = arith.constant 5 : i32
    %scan3A_41 = arith.addi %scan3A_39, %scan3A_40 : i32
    %scan3A_42 = arith.constant 1 : i32
    scf.for %scan3A_50 = %scan3A_39 to %scan3A_41 step %scan3A_42  : i32 {
      %mul3A_51 = arith.constant 1 : i32
      %mul3A_52 = arith.muli %scan3A_50, %mul3A_51 : i32
      %add3A_53 = arith.constant 0 : i32
      %add3A_54 = arith.addi %add3A_53, %mul3A_52 : i32
      %dma_start3A = arith.constant 0 : i32
      %dma_start3A_55 = arith.constant 0 : i32
      %dma_start3A_56 = arith.constant 0 : i32
      %dma_start3A_57 = arith.constant 0 : i32
      %dma_start3A_58 = tpu.memref_slice %arg18[%dma_start3A, %dma_start3A_56, %dma_start3A_57] : memref<4x80x128xf32, #tpu.memory_space<vmem>> -> memref<1x80x128xf32, #tpu.memory_space<vmem>>
      %dma_start3A_59 = tpu.memref_squeeze %dma_start3A_58 : memref<1x80x128xf32, #tpu.memory_space<vmem>> -> memref<80x128xf32, #tpu.memory_space<vmem>>
      %dma_start3A_60 = arith.constant 0 : i32
      %dma_start3A_61 = tpu.memref_slice %arg11[%dma_start3A_60] : memref<2000xi32, #tpu.memory_space<vmem>> -> memref<80xi32, #tpu.memory_space<vmem>>
      %dma_start3A_62 = arith.constant 0 : i32
      %dma_start3A_63 = arith.constant 0 : i32
      %dma_start3A_64 = tpu.memref_slice %arg7[%dma_start3A_62, %dma_start3A_63] : memref<10000x128xf32, #tpu.memory_space<hbm>> -> memref<10000x128xf32, #tpu.memory_space<hbm>>
      %dma_start3A_65 = tpu.memref_slice %arg23[%dma_start3A_55] : memref<4x!tpu.dma_semaphore, #tpu.memory_space<semaphore_mem>> -> memref<1x!tpu.dma_semaphore, #tpu.memory_space<semaphore_mem>>
      %dma_start3A_66 = tpu.memref_squeeze %dma_start3A_65 : memref<1x!tpu.dma_semaphore, #tpu.memory_space<semaphore_mem>> -> memref<!tpu.dma_semaphore, #tpu.memory_space<semaphore_mem>>
      tpu.enqueue_indirect_dma source(%dma_start3A_64 : memref<10000x128xf32, #tpu.memory_space<hbm>>) target(%dma_start3A_59 : memref<80x128xf32, #tpu.memory_space<vmem>>) offsets(%dma_start3A_61 : memref<80xi32, #tpu.memory_space<vmem>>) semaphore(%dma_start3A_66 : memref<!tpu.dma_semaphore, #tpu.memory_space<semaphore_mem>>)
      %dma_start3A_67 = arith.constant 0 : i32
      %dma_start3A_68 = arith.constant 0 : i32
      %dma_start3A_69 = arith.constant 0 : i32
      %dma_start3A_70 = tpu.memref_slice %arg16[%dma_start3A_67, %dma_start3A_69] : memref<4x80xf32, #tpu.memory_space<vmem>> -> memref<1x80xf32, #tpu.memory_space<vmem>>
      %dma_start3A_71 = tpu.memref_squeeze %dma_start3A_70 : memref<1x80xf32, #tpu.memory_space<vmem>> -> memref<80xf32, #tpu.memory_space<vmem>>
      %dma_start3A_72 = arith.constant 0 : i32
      %dma_start3A_73 = tpu.memref_slice %arg11[%dma_start3A_72] : memref<2000xi32, #tpu.memory_space<vmem>> -> memref<80xi32, #tpu.memory_space<vmem>>
      %dma_start3A_74 = arith.constant 0 : i32
      %dma_start3A_75 = tpu.memref_slice %arg21[%dma_start3A_74] : memref<10000xf32, #tpu.memory_space<vmem_shared>> -> memref<10000xf32, #tpu.memory_space<vmem_shared>>
      %dma_start3A_76 = tpu.memref_slice %arg24[%dma_start3A_68] : memref<4x!tpu.dma_semaphore, #tpu.memory_space<semaphore_mem>> -> memref<1x!tpu.dma_semaphore, #tpu.memory_space<semaphore_mem>>
      %dma_start3A_77 = tpu.memref_squeeze %dma_start3A_76 : memref<1x!tpu.dma_semaphore, #tpu.memory_space<semaphore_mem>> -> memref<!tpu.dma_semaphore, #tpu.memory_space<semaphore_mem>>
      tpu.enqueue_indirect_dma source(%dma_start3A_75 : memref<10000xf32, #tpu.memory_space<vmem_shared>>) target(%dma_start3A_71 : memref<80xf32, #tpu.memory_space<vmem>>) offsets(%dma_start3A_73 : memref<80xi32, #tpu.memory_space<vmem>>) semaphore(%dma_start3A_77 : memref<!tpu.dma_semaphore, #tpu.memory_space<semaphore_mem>>)
      %dma_start3A_78 = arith.constant 0 : i32
      %dma_start3A_79 = arith.constant 0 : i32
      %dma_start3A_80 = arith.constant 0 : i32
      %dma_start3A_81 = tpu.memref_slice %arg17[%dma_start3A_78, %dma_start3A_80] : memref<4x80xf32, #tpu.memory_space<vmem>> -> memref<1x80xf32, #tpu.memory_space<vmem>>
      %dma_start3A_82 = tpu.memref_squeeze %dma_start3A_81 : memref<1x80xf32, #tpu.memory_space<vmem>> -> memref<80xf32, #tpu.memory_space<vmem>>
      %dma_start3A_83 = arith.constant 0 : i32
      %dma_start3A_84 = tpu.memref_slice %arg12[%dma_start3A_83] : memref<2000xi32, #tpu.memory_space<vmem>> -> memref<80xi32, #tpu.memory_space<vmem>>
      %dma_start3A_85 = arith.constant 0 : i32
      %dma_start3A_86 = tpu.memref_slice %arg22[%dma_start3A_85] : memref<10000xf32, #tpu.memory_space<vmem_shared>> -> memref<10000xf32, #tpu.memory_space<vmem_shared>>
      %dma_start3A_87 = tpu.memref_slice %arg25[%dma_start3A_79] : memref<4x!tpu.dma_semaphore, #tpu.memory_space<semaphore_mem>> -> memref<1x!tpu.dma_semaphore, #tpu.memory_space<semaphore_mem>>
      %dma_start3A_88 = tpu.memref_squeeze %dma_start3A_87 : memref<1x!tpu.dma_semaphore, #tpu.memory_space<semaphore_mem>> -> memref<!tpu.dma_semaphore, #tpu.memory_space<semaphore_mem>>
      tpu.enqueue_indirect_dma source(%dma_start3A_86 : memref<10000xf32, #tpu.memory_space<vmem_shared>>) target(%dma_start3A_82 : memref<80xf32, #tpu.memory_space<vmem>>) offsets(%dma_start3A_84 : memref<80xi32, #tpu.memory_space<vmem>>) semaphore(%dma_start3A_88 : memref<!tpu.dma_semaphore, #tpu.memory_space<semaphore_mem>>)
      %dma_start3A_89 = arith.constant 1 : i32
      %dma_start3A_90 = arith.constant 1 : i32
      %dma_start3A_91 = arith.constant 0 : i32
      %dma_start3A_92 = arith.constant 0 : i32
      %dma_start3A_93 = tpu.memref_slice %arg18[%dma_start3A_89, %dma_start3A_91, %dma_start3A_92] : memref<4x80x128xf32, #tpu.memory_space<vmem>> -> memref<1x80x128xf32, #tpu.memory_space<vmem>>
      %dma_start3A_94 = tpu.memref_squeeze %dma_start3A_93 : memref<1x80x128xf32, #tpu.memory_space<vmem>> -> memref<80x128xf32, #tpu.memory_space<vmem>>
      %dma_start3A_95 = arith.constant 80 : i32
      %dma_start3A_96 = tpu.memref_slice %arg11[%dma_start3A_95] : memref<2000xi32, #tpu.memory_space<vmem>> -> memref<80xi32, #tpu.memory_space<vmem>>
      %dma_start3A_97 = arith.constant 0 : i32
      %dma_start3A_98 = arith.constant 0 : i32
      %dma_start3A_99 = tpu.memref_slice %arg7[%dma_start3A_97, %dma_start3A_98] : memref<10000x128xf32, #tpu.memory_space<hbm>> -> memref<10000x128xf32, #tpu.memory_space<hbm>>
      %dma_start3A_100 = tpu.memref_slice %arg23[%dma_start3A_90] : memref<4x!tpu.dma_semaphore, #tpu.memory_space<semaphore_mem>> -> memref<1x!tpu.dma_semaphore, #tpu.memory_space<semaphore_mem>>
      %dma_start3A_101 = tpu.memref_squeeze %dma_start3A_100 : memref<1x!tpu.dma_semaphore, #tpu.memory_space<semaphore_mem>> -> memref<!tpu.dma_semaphore, #tpu.memory_space<semaphore_mem>>
      tpu.enqueue_indirect_dma source(%dma_start3A_99 : memref<10000x128xf32, #tpu.memory_space<hbm>>) target(%dma_start3A_94 : memref<80x128xf32, #tpu.memory_space<vmem>>) offsets(%dma_start3A_96 : memref<80xi32, #tpu.memory_space<vmem>>) semaphore(%dma_start3A_101 : memref<!tpu.dma_semaphore, #tpu.memory_space<semaphore_mem>>)
      %dma_start3A_102 = arith.constant 1 : i32
      %dma_start3A_103 = arith.constant 1 : i32
      %dma_start3A_104 = arith.constant 0 : i32
      %dma_start3A_105 = tpu.memref_slice %arg16[%dma_start3A_102, %dma_start3A_104] : memref<4x80xf32, #tpu.memory_space<vmem>> -> memref<1x80xf32, #tpu.memory_space<vmem>>
      %dma_start3A_106 = tpu.memref_squeeze %dma_start3A_105 : memref<1x80xf32, #tpu.memory_space<vmem>> -> memref<80xf32, #tpu.memory_space<vmem>>
      %dma_start3A_107 = arith.constant 80 : i32
      %dma_start3A_108 = tpu.memref_slice %arg11[%dma_start3A_107] : memref<2000xi32, #tpu.memory_space<vmem>> -> memref<80xi32, #tpu.memory_space<vmem>>
      %dma_start3A_109 = arith.constant 0 : i32
      %dma_start3A_110 = tpu.memref_slice %arg21[%dma_start3A_109] : memref<10000xf32, #tpu.memory_space<vmem_shared>> -> memref<10000xf32, #tpu.memory_space<vmem_shared>>
      %dma_start3A_111 = tpu.memref_slice %arg24[%dma_start3A_103] : memref<4x!tpu.dma_semaphore, #tpu.memory_space<semaphore_mem>> -> memref<1x!tpu.dma_semaphore, #tpu.memory_space<semaphore_mem>>
      %dma_start3A_112 = tpu.memref_squeeze %dma_start3A_111 : memref<1x!tpu.dma_semaphore, #tpu.memory_space<semaphore_mem>> -> memref<!tpu.dma_semaphore, #tpu.memory_space<semaphore_mem>>
      tpu.enqueue_indirect_dma source(%dma_start3A_110 : memref<10000xf32, #tpu.memory_space<vmem_shared>>) target(%dma_start3A_106 : memref<80xf32, #tpu.memory_space<vmem>>) offsets(%dma_start3A_108 : memref<80xi32, #tpu.memory_space<vmem>>) semaphore(%dma_start3A_112 : memref<!tpu.dma_semaphore, #tpu.memory_space<semaphore_mem>>)
      %dma_start3A_113 = arith.constant 1 : i32
      %dma_start3A_114 = arith.constant 1 : i32
      %dma_start3A_115 = arith.constant 0 : i32
      %dma_start3A_116 = tpu.memref_slice %arg17[%dma_start3A_113, %dma_start3A_115] : memref<4x80xf32, #tpu.memory_space<vmem>> -> memref<1x80xf32, #tpu.memory_space<vmem>>
      %dma_start3A_117 = tpu.memref_squeeze %dma_start3A_116 : memref<1x80xf32, #tpu.memory_space<vmem>> -> memref<80xf32, #tpu.memory_space<vmem>>
      %dma_start3A_118 = arith.constant 80 : i32
      %dma_start3A_119 = tpu.memref_slice %arg12[%dma_start3A_118] : memref<2000xi32, #tpu.memory_space<vmem>> -> memref<80xi32, #tpu.memory_space<vmem>>
      %dma_start3A_120 = arith.constant 0 : i32
      %dma_start3A_121 = tpu.memref_slice %arg22[%dma_start3A_120] : memref<10000xf32, #tpu.memory_space<vmem_shared>> -> memref<10000xf32, #tpu.memory_space<vmem_shared>>
      %dma_start3A_122 = tpu.memref_slice %arg25[%dma_start3A_114] : memref<4x!tpu.dma_semaphore, #tpu.memory_space<semaphore_mem>> -> memref<1x!tpu.dma_semaphore, #tpu.memory_space<semaphore_mem>>
      %dma_start3A_123 = tpu.memref_squeeze %dma_start3A_122 : memref<1x!tpu.dma_semaphore, #tpu.memory_space<semaphore_mem>> -> memref<!tpu.dma_semaphore, #tpu.memory_space<semaphore_mem>>
      tpu.enqueue_indirect_dma source(%dma_start3A_121 : memref<10000xf32, #tpu.memory_space<vmem_shared>>) target(%dma_start3A_117 : memref<80xf32, #tpu.memory_space<vmem>>) offsets(%dma_start3A_119 : memref<80xi32, #tpu.memory_space<vmem>>) semaphore(%dma_start3A_123 : memref<!tpu.dma_semaphore, #tpu.memory_space<semaphore_mem>>)
      %scan3A_124 = arith.constant 0 : i32
      %scan3A_125 = arith.constant 6 : i32
      %scan3A_126 = arith.addi %scan3A_124, %scan3A_125 : i32
      %scan3A_127 = arith.constant 1 : i32
      scf.for %scan3A_421 = %scan3A_124 to %scan3A_126 step %scan3A_127  : i32 {
        %mul3A_422 = arith.constant 1 : i32
        %mul3A_423 = arith.muli %scan3A_421, %mul3A_422 : i32
        %add3A_424 = arith.constant 0 : i32
        %add3A_425 = arith.addi %add3A_424, %mul3A_423 : i32
        %mul3A_426 = arith.constant 4 : i32
        %mul3A_427 = arith.muli %mul3A_426, %add3A_425 : i32
        %add3A_428 = arith.constant 0 : i32
        %add3A_429 = arith.addi %mul3A_427, %add3A_428 : i32
        %mul3A_430 = arith.constant 80 : i32
        %mul3A_431 = arith.muli %add3A_429, %mul3A_430 : i32
        %dma_wait3A_432 = arith.constant 0 : i32
        %dma_wait3A_433 = arith.constant 0 : i32
        %dma_wait3A_434 = arith.constant 0 : i32
        %dma_wait3A_435 = tpu.memref_slice %arg16[%dma_wait3A_432, %dma_wait3A_434] : memref<4x80xf32, #tpu.memory_space<vmem>> -> memref<1x80xf32, #tpu.memory_space<vmem>>
        %dma_wait3A_436 = tpu.memref_squeeze %dma_wait3A_435 : memref<1x80xf32, #tpu.memory_space<vmem>> -> memref<80xf32, #tpu.memory_space<vmem>>
        %dma_wait3A_437 = tpu.memref_slice %arg11[%mul3A_431] : memref<2000xi32, #tpu.memory_space<vmem>> -> memref<80xi32, #tpu.memory_space<vmem>>
        %dma_wait3A_438 = arith.constant 0 : i32
        %dma_wait3A_439 = tpu.memref_slice %arg21[%dma_wait3A_438] : memref<10000xf32, #tpu.memory_space<vmem_shared>> -> memref<10000xf32, #tpu.memory_space<vmem_shared>>
        %dma_wait3A_440 = tpu.memref_slice %arg24[%dma_wait3A_433] : memref<4x!tpu.dma_semaphore, #tpu.memory_space<semaphore_mem>> -> memref<1x!tpu.dma_semaphore, #tpu.memory_space<semaphore_mem>>
        %dma_wait3A_441 = tpu.memref_squeeze %dma_wait3A_440 : memref<1x!tpu.dma_semaphore, #tpu.memory_space<semaphore_mem>> -> memref<!tpu.dma_semaphore, #tpu.memory_space<semaphore_mem>>
        tpu.wait_indirect_dma semaphore(%dma_wait3A_441 : memref<!tpu.dma_semaphore, #tpu.memory_space<semaphore_mem>>) src(%dma_wait3A_439 : memref<10000xf32, #tpu.memory_space<vmem_shared>>) dst(%dma_wait3A_436 : memref<80xf32, #tpu.memory_space<vmem>>)
        %mul3A_442 = arith.constant 80 : i32
        %mul3A_443 = arith.muli %add3A_429, %mul3A_442 : i32
        %dma_wait3A_444 = arith.constant 0 : i32
        %dma_wait3A_445 = arith.constant 0 : i32
        %dma_wait3A_446 = arith.constant 0 : i32
        %dma_wait3A_447 = tpu.memref_slice %arg17[%dma_wait3A_444, %dma_wait3A_446] : memref<4x80xf32, #tpu.memory_space<vmem>> -> memref<1x80xf32, #tpu.memory_space<vmem>>
        %dma_wait3A_448 = tpu.memref_squeeze %dma_wait3A_447 : memref<1x80xf32, #tpu.memory_space<vmem>> -> memref<80xf32, #tpu.memory_space<vmem>>
        %dma_wait3A_449 = tpu.memref_slice %arg12[%mul3A_443] : memref<2000xi32, #tpu.memory_space<vmem>> -> memref<80xi32, #tpu.memory_space<vmem>>
        %dma_wait3A_450 = arith.constant 0 : i32
        %dma_wait3A_451 = tpu.memref_slice %arg22[%dma_wait3A_450] : memref<10000xf32, #tpu.memory_space<vmem_shared>> -> memref<10000xf32, #tpu.memory_space<vmem_shared>>
        %dma_wait3A_452 = tpu.memref_slice %arg25[%dma_wait3A_445] : memref<4x!tpu.dma_semaphore, #tpu.memory_space<semaphore_mem>> -> memref<1x!tpu.dma_semaphore, #tpu.memory_space<semaphore_mem>>
        %dma_wait3A_453 = tpu.memref_squeeze %dma_wait3A_452 : memref<1x!tpu.dma_semaphore, #tpu.memory_space<semaphore_mem>> -> memref<!tpu.dma_semaphore, #tpu.memory_space<semaphore_mem>>
        tpu.wait_indirect_dma semaphore(%dma_wait3A_453 : memref<!tpu.dma_semaphore, #tpu.memory_space<semaphore_mem>>) src(%dma_wait3A_451 : memref<10000xf32, #tpu.memory_space<vmem_shared>>) dst(%dma_wait3A_448 : memref<80xf32, #tpu.memory_space<vmem>>)
        %mul3A_454 = arith.constant 80 : i32
        %mul3A_455 = arith.muli %add3A_429, %mul3A_454 : i32
        %add3A_456 = arith.constant 0 : i32
        %add3A_457 = arith.addi %mul3A_455, %add3A_456 : i32
        %get3A_458 = arith.index_cast %add3A_457 : i32 to index
        %get3A_459 = tpu.vector_load %arg12[%get3A_458] {strides = array<i32>} : memref<2000xi32, #tpu.memory_space<vmem>>, vector<16xi32>,
        %swap3A_460 = arith.constant 0 : i32
        %swap3A_461 = arith.index_cast %swap3A_460 : i32 to index
        %swap3A_462 = arith.constant 0 : index
        %swap3A_463 = tpu.vector_load %arg14[%swap3A_461, %swap3A_462] {strides = array<i32>} : memref<4x80xi32, #tpu.memory_space<vmem>>, vector<16xi32>,
        tpu.vector_store %arg14[%swap3A_461, %swap3A_462], %get3A_459 {strides = array<i32>} : memref<4x80xi32, #tpu.memory_space<vmem>>, vector<16xi32>,
        %get3A_464 = arith.constant 0 : i32
        %get3A_465 = arith.index_cast %get3A_464 : i32 to index
        %get3A_466 = arith.constant 0 : index
        %get3A_467 = tpu.vector_load %arg16[%get3A_465, %get3A_466] {strides = array<i32>} : memref<4x80xf32, #tpu.memory_space<vmem>>, vector<16xf32>,
        %get3A_468 = arith.constant 0 : i32
        %get3A_469 = arith.index_cast %get3A_468 : i32 to index
        %get3A_470 = arith.constant 0 : index
        %get3A_471 = tpu.vector_load %arg17[%get3A_469, %get3A_470] {strides = array<i32>} : memref<4x80xf32, #tpu.memory_space<vmem>>, vector<16xf32>,
        %add3A_472 = arith.addf %get3A_467, %get3A_471 : vector<16xf32>
        %mul3A_473 = arith.constant 2.000000e-01 : f32
        %mul3A_474 = vector.broadcast %mul3A_473 : f32 to vector<16xf32>
        %mul3A_475 = arith.mulf %mul3A_474, %add3A_472 : vector<16xf32>
        %max3A_476 = arith.maximumf %add3A_472, %mul3A_475 : vector<16xf32>
        %sub3A_477 = arith.subf %max3A_476, %get3A_1 : vector<16xf32>
        %exp3A_478 = math.exp %sub3A_477 : vector<16xf32>
        %swap3A_479 = arith.constant 0 : i32
        %swap3A_480 = arith.index_cast %swap3A_479 : i32 to index
        %swap3A_481 = arith.constant 0 : index
        %swap3A_482 = tpu.vector_load %arg15[%swap3A_480, %swap3A_481] {strides = array<i32>} : memref<4x80xf32, #tpu.memory_space<vmem>>, vector<16xf32>,
        tpu.vector_store %arg15[%swap3A_480, %swap3A_481], %exp3A_478 {strides = array<i32>} : memref<4x80xf32, #tpu.memory_space<vmem>>, vector<16xf32>,
        %mul3A_483 = arith.constant 80 : i32
        %mul3A_484 = arith.muli %add3A_429, %mul3A_483 : i32
        %add3A_485 = arith.constant 16 : i32
        %add3A_486 = arith.addi %mul3A_484, %add3A_485 : i32
        %get3A_487 = arith.index_cast %add3A_486 : i32 to index
        %get3A_488 = tpu.vector_load %arg12[%get3A_487] {strides = array<i32>} : memref<2000xi32, #tpu.memory_space<vmem>>, vector<16xi32>,
        %swap3A_489 = arith.constant 0 : i32
        %swap3A_490 = arith.index_cast %swap3A_489 : i32 to index
        %swap3A_491 = arith.constant 16 : index
        %swap3A_492 = tpu.vector_load %arg14[%swap3A_490, %swap3A_491] {strides = array<i32>} : memref<4x80xi32, #tpu.memory_space<vmem>>, vector<16xi32>,
        tpu.vector_store %arg14[%swap3A_490, %swap3A_491], %get3A_488 {strides = array<i32>} : memref<4x80xi32, #tpu.memory_space<vmem>>, vector<16xi32>,
        %get3A_493 = arith.constant 0 : i32
        %get3A_494 = arith.index_cast %get3A_493 : i32 to index
        %get3A_495 = arith.constant 16 : index
        %get3A_496 = tpu.vector_load %arg16[%get3A_494, %get3A_495] {strides = array<i32>} : memref<4x80xf32, #tpu.memory_space<vmem>>, vector<16xf32>,
        %get3A_497 = arith.constant 0 : i32
        %get3A_498 = arith.index_cast %get3A_497 : i32 to index
        %get3A_499 = arith.constant 16 : index
        %get3A_500 = tpu.vector_load %arg17[%get3A_498, %get3A_499] {strides = array<i32>} : memref<4x80xf32, #tpu.memory_space<vmem>>, vector<16xf32>,
        %add3A_501 = arith.addf %get3A_496, %get3A_500 : vector<16xf32>
        %mul3A_502 = arith.constant 2.000000e-01 : f32
        %mul3A_503 = vector.broadcast %mul3A_502 : f32 to vector<16xf32>
        %mul3A_504 = arith.mulf %mul3A_503, %add3A_501 : vector<16xf32>
        %max3A_505 = arith.maximumf %add3A_501, %mul3A_504 : vector<16xf32>
        %sub3A_506 = arith.subf %max3A_505, %get3A_1 : vector<16xf32>
        %exp3A_507 = math.exp %sub3A_506 : vector<16xf32>
        %swap3A_508 = arith.constant 0 : i32
        %swap3A_509 = arith.index_cast %swap3A_508 : i32 to index
        %swap3A_510 = arith.constant 16 : index
        %swap3A_511 = tpu.vector_load %arg15[%swap3A_509, %swap3A_510] {strides = array<i32>} : memref<4x80xf32, #tpu.memory_space<vmem>>, vector<16xf32>,
        tpu.vector_store %arg15[%swap3A_509, %swap3A_510], %exp3A_507 {strides = array<i32>} : memref<4x80xf32, #tpu.memory_space<vmem>>, vector<16xf32>,
        %mul3A_512 = arith.constant 80 : i32
        %mul3A_513 = arith.muli %add3A_429, %mul3A_512 : i32
        %add3A_514 = arith.constant 32 : i32
        %add3A_515 = arith.addi %mul3A_513, %add3A_514 : i32
        %get3A_516 = arith.index_cast %add3A_515 : i32 to index
        %get3A_517 = tpu.vector_load %arg12[%get3A_516] {strides = array<i32>} : memref<2000xi32, #tpu.memory_space<vmem>>, vector<16xi32>,
        %swap3A_518 = arith.constant 0 : i32
        %swap3A_519 = arith.index_cast %swap3A_518 : i32 to index
        %swap3A_520 = arith.constant 32 : index
        %swap3A_521 = tpu.vector_load %arg14[%swap3A_519, %swap3A_520] {strides = array<i32>} : memref<4x80xi32, #tpu.memory_space<vmem>>, vector<16xi32>,
        tpu.vector_store %arg14[%swap3A_519, %swap3A_520], %get3A_517 {strides = array<i32>} : memref<4x80xi32, #tpu.memory_space<vmem>>, vector<16xi32>,
        %get3A_522 = arith.constant 0 : i32
        %get3A_523 = arith.index_cast %get3A_522 : i32 to index
        %get3A_524 = arith.constant 32 : index
        %get3A_525 = tpu.vector_load %arg16[%get3A_523, %get3A_524] {strides = array<i32>} : memref<4x80xf32, #tpu.memory_space<vmem>>, vector<16xf32>,
        %get3A_526 = arith.constant 0 : i32
        %get3A_527 = arith.index_cast %get3A_526 : i32 to index
        %get3A_528 = arith.constant 32 : index
        %get3A_529 = tpu.vector_load %arg17[%get3A_527, %get3A_528] {strides = array<i32>} : memref<4x80xf32, #tpu.memory_space<vmem>>, vector<16xf32>,
        %add3A_530 = arith.addf %get3A_525, %get3A_529 : vector<16xf32>
        %mul3A_531 = arith.constant 2.000000e-01 : f32
        %mul3A_532 = vector.broadcast %mul3A_531 : f32 to vector<16xf32>
        %mul3A_533 = arith.mulf %mul3A_532, %add3A_530 : vector<16xf32>
        %max3A_534 = arith.maximumf %add3A_530, %mul3A_533 : vector<16xf32>
        %sub3A_535 = arith.subf %max3A_534, %get3A_1 : vector<16xf32>
        %exp3A_536 = math.exp %sub3A_535 : vector<16xf32>
        %swap3A_537 = arith.constant 0 : i32
        %swap3A_538 = arith.index_cast %swap3A_537 : i32 to index
        %swap3A_539 = arith.constant 32 : index
        %swap3A_540 = tpu.vector_load %arg15[%swap3A_538, %swap3A_539] {strides = array<i32>} : memref<4x80xf32, #tpu.memory_space<vmem>>, vector<16xf32>,
        tpu.vector_store %arg15[%swap3A_538, %swap3A_539], %exp3A_536 {strides = array<i32>} : memref<4x80xf32, #tpu.memory_space<vmem>>, vector<16xf32>,
        %mul3A_541 = arith.constant 80 : i32
        %mul3A_542 = arith.muli %add3A_429, %mul3A_541 : i32
        %add3A_543 = arith.constant 48 : i32
        %add3A_544 = arith.addi %mul3A_542, %add3A_543 : i32
        %get3A_545 = arith.index_cast %add3A_544 : i32 to index
        %get3A_546 = tpu.vector_load %arg12[%get3A_545] {strides = array<i32>} : memref<2000xi32, #tpu.memory_space<vmem>>, vector<16xi32>,
        %swap3A_547 = arith.constant 0 : i32
        %swap3A_548 = arith.index_cast %swap3A_547 : i32 to index
        %swap3A_549 = arith.constant 48 : index
        %swap3A_550 = tpu.vector_load %arg14[%swap3A_548, %swap3A_549] {strides = array<i32>} : memref<4x80xi32, #tpu.memory_space<vmem>>, vector<16xi32>,
        tpu.vector_store %arg14[%swap3A_548, %swap3A_549], %get3A_546 {strides = array<i32>} : memref<4x80xi32, #tpu.memory_space<vmem>>, vector<16xi32>,
        %get3A_551 = arith.constant 0 : i32
        %get3A_552 = arith.index_cast %get3A_551 : i32 to index
        %get3A_553 = arith.constant 48 : index
        %get3A_554 = tpu.vector_load %arg16[%get3A_552, %get3A_553] {strides = array<i32>} : memref<4x80xf32, #tpu.memory_space<vmem>>, vector<16xf32>,
        %get3A_555 = arith.constant 0 : i32
        %get3A_556 = arith.index_cast %get3A_555 : i32 to index
        %get3A_557 = arith.constant 48 : index
        %get3A_558 = tpu.vector_load %arg17[%get3A_556, %get3A_557] {strides = array<i32>} : memref<4x80xf32, #tpu.memory_space<vmem>>, vector<16xf32>,
        %add3A_559 = arith.addf %get3A_554, %get3A_558 : vector<16xf32>
        %mul3A_560 = arith.constant 2.000000e-01 : f32
        %mul3A_561 = vector.broadcast %mul3A_560 : f32 to vector<16xf32>
        %mul3A_562 = arith.mulf %mul3A_561, %add3A_559 : vector<16xf32>
        %max3A_563 = arith.maximumf %add3A_559, %mul3A_562 : vector<16xf32>
        %sub3A_564 = arith.subf %max3A_563, %get3A_1 : vector<16xf32>
        %exp3A_565 = math.exp %sub3A_564 : vector<16xf32>
        %swap3A_566 = arith.constant 0 : i32
        %swap3A_567 = arith.index_cast %swap3A_566 : i32 to index
        %swap3A_568 = arith.constant 48 : index
        %swap3A_569 = tpu.vector_load %arg15[%swap3A_567, %swap3A_568] {strides = array<i32>} : memref<4x80xf32, #tpu.memory_space<vmem>>, vector<16xf32>,
        tpu.vector_store %arg15[%swap3A_567, %swap3A_568], %exp3A_565 {strides = array<i32>} : memref<4x80xf32, #tpu.memory_space<vmem>>, vector<16xf32>,
        %mul3A_570 = arith.constant 80 : i32
        %mul3A_571 = arith.muli %add3A_429, %mul3A_570 : i32
        %add3A_572 = arith.constant 64 : i32
        %add3A_573 = arith.addi %mul3A_571, %add3A_572 : i32
        %get3A_574 = arith.index_cast %add3A_573 : i32 to index
        %get3A_575 = tpu.vector_load %arg12[%get3A_574] {strides = array<i32>} : memref<2000xi32, #tpu.memory_space<vmem>>, vector<16xi32>,
        %swap3A_576 = arith.constant 0 : i32
        %swap3A_577 = arith.index_cast %swap3A_576 : i32 to index
        %swap3A_578 = arith.constant 64 : index
        %swap3A_579 = tpu.vector_load %arg14[%swap3A_577, %swap3A_578] {strides = array<i32>} : memref<4x80xi32, #tpu.memory_space<vmem>>, vector<16xi32>,
        tpu.vector_store %arg14[%swap3A_577, %swap3A_578], %get3A_575 {strides = array<i32>} : memref<4x80xi32, #tpu.memory_space<vmem>>, vector<16xi32>,
        %get3A_580 = arith.constant 0 : i32
        %get3A_581 = arith.index_cast %get3A_580 : i32 to index
        %get3A_582 = arith.constant 64 : index
        %get3A_583 = tpu.vector_load %arg16[%get3A_581, %get3A_582] {strides = array<i32>} : memref<4x80xf32, #tpu.memory_space<vmem>>, vector<16xf32>,
        %get3A_584 = arith.constant 0 : i32
        %get3A_585 = arith.index_cast %get3A_584 : i32 to index
        %get3A_586 = arith.constant 64 : index
        %get3A_587 = tpu.vector_load %arg17[%get3A_585, %get3A_586] {strides = array<i32>} : memref<4x80xf32, #tpu.memory_space<vmem>>, vector<16xf32>,
        %add3A_588 = arith.addf %get3A_583, %get3A_587 : vector<16xf32>
        %mul3A_589 = arith.constant 2.000000e-01 : f32
        %mul3A_590 = vector.broadcast %mul3A_589 : f32 to vector<16xf32>
        %mul3A_591 = arith.mulf %mul3A_590, %add3A_588 : vector<16xf32>
        %max3A_592 = arith.maximumf %add3A_588, %mul3A_591 : vector<16xf32>
        %sub3A_593 = arith.subf %max3A_592, %get3A_1 : vector<16xf32>
        %exp3A_594 = math.exp %sub3A_593 : vector<16xf32>
        %swap3A_595 = arith.constant 0 : i32
        %swap3A_596 = arith.index_cast %swap3A_595 : i32 to index
        %swap3A_597 = arith.constant 64 : index
        %swap3A_598 = tpu.vector_load %arg15[%swap3A_596, %swap3A_597] {strides = array<i32>} : memref<4x80xf32, #tpu.memory_space<vmem>>, vector<16xf32>,
        tpu.vector_store %arg15[%swap3A_596, %swap3A_597], %exp3A_594 {strides = array<i32>} : memref<4x80xf32, #tpu.memory_space<vmem>>, vector<16xf32>,
        %mul3A_599 = arith.constant 80 : i32
        %mul3A_600 = arith.muli %add3A_429, %mul3A_599 : i32
        %dma_wait3A_601 = arith.constant 0 : i32
        %dma_wait3A_602 = arith.constant 0 : i32
        %dma_wait3A_603 = arith.constant 0 : i32
        %dma_wait3A_604 = arith.constant 0 : i32
        %dma_wait3A_605 = tpu.memref_slice %arg18[%dma_wait3A_601, %dma_wait3A_603, %dma_wait3A_604] : memref<4x80x128xf32, #tpu.memory_space<vmem>> -> memref<1x80x128xf32, #tpu.memory_space<vmem>>
        %dma_wait3A_606 = tpu.memref_squeeze %dma_wait3A_605 : memref<1x80x128xf32, #tpu.memory_space<vmem>> -> memref<80x128xf32, #tpu.memory_space<vmem>>
        %dma_wait3A_607 = tpu.memref_slice %arg11[%mul3A_600] : memref<2000xi32, #tpu.memory_space<vmem>> -> memref<80xi32, #tpu.memory_space<vmem>>
        %dma_wait3A_608 = arith.constant 0 : i32
        %dma_wait3A_609 = arith.constant 0 : i32
        %dma_wait3A_610 = tpu.memref_slice %arg7[%dma_wait3A_608, %dma_wait3A_609] : memref<10000x128xf32, #tpu.memory_space<hbm>> -> memref<10000x128xf32, #tpu.memory_space<hbm>>
        %dma_wait3A_611 = tpu.memref_slice %arg23[%dma_wait3A_602] : memref<4x!tpu.dma_semaphore, #tpu.memory_space<semaphore_mem>> -> memref<1x!tpu.dma_semaphore, #tpu.memory_space<semaphore_mem>>
        %dma_wait3A_612 = tpu.memref_squeeze %dma_wait3A_611 : memref<1x!tpu.dma_semaphore, #tpu.memory_space<semaphore_mem>> -> memref<!tpu.dma_semaphore, #tpu.memory_space<semaphore_mem>>
        tpu.wait_indirect_dma semaphore(%dma_wait3A_612 : memref<!tpu.dma_semaphore, #tpu.memory_space<semaphore_mem>>) src(%dma_wait3A_610 : memref<10000x128xf32, #tpu.memory_space<hbm>>) dst(%dma_wait3A_606 : memref<80x128xf32, #tpu.memory_space<vmem>>)
        %scan3A_613 = arith.constant 0 : i32
        %scan3A_614 = arith.constant 80 : i32
        %scan3A_615 = arith.addi %scan3A_613, %scan3A_614 : i32
        %scan3A_616 = arith.constant 4 : i32
        scf.for %scan3A_1354 = %scan3A_613 to %scan3A_615 step %scan3A_616  : i32 {
          %mul3A_1355 = arith.constant 1 : i32
          %mul3A_1356 = arith.muli %scan3A_1354, %mul3A_1355 : i32
          %add3A_1357 = arith.constant 0 : i32
          %add3A_1358 = arith.addi %add3A_1357, %mul3A_1356 : i32
          %broadcast_in_dim3A_1359 = arith.constant 0 : i32
          %broadcast_in_dim3A_1360 = vector.broadcast %broadcast_in_dim3A_1359 : i32 to vector<16xi32>
          %add3A_1361 = vector.broadcast %add3A_1358 : i32 to vector<16xi32>
          %add3A_1362 = arith.addi %broadcast_in_dim3A_1360, %add3A_1361 : vector<16xi32>
          %gather3A = arith.constant 0 : i32
          %gather3A_1363 = arith.constant 0 : i32
          %gather3A_1364 = tpu.memref_slice %arg15[%gather3A, %gather3A_1363] : memref<4x80xf32, #tpu.memory_space<vmem>> -> memref<1x80xf32, #tpu.memory_space<vmem>>
          %gather3A_1365 = tpu.memref_squeeze %gather3A_1364 : memref<1x80xf32, #tpu.memory_space<vmem>> -> memref<80xf32, #tpu.memory_space<vmem>>
          %gather3A_1366 = tpu.vector_load_idx %gather3A_1365[%add3A_1362] : memref<80xf32, #tpu.memory_space<vmem>>[vector<16xi32>], vector<16xf32>,
          %get3A_1367 = arith.constant 0 : i32
          %get3A_1368 = arith.index_cast %get3A_1367 : i32 to index
          %get3A_1369 = arith.index_cast %add3A_1358 : i32 to index
          %get3A_1370 = arith.constant 0 : index
          %get3A_1371 = tpu.vector_load %arg18[%get3A_1368, %get3A_1369, %get3A_1370] {strides = array<i32>} : memref<4x80x128xf32, #tpu.memory_space<vmem>>, vector<16xf32>,
          %mul3A_1372 = arith.mulf %get3A_1371, %gather3A_1366 : vector<16xf32>
          %swap3A_1373 = arith.constant 0 : i32
          %swap3A_1374 = arith.index_cast %swap3A_1373 : i32 to index
          %swap3A_1375 = arith.index_cast %add3A_1358 : i32 to index
          %swap3A_1376 = arith.constant 0 : index
          %swap3A_1377 = tpu.vector_load %arg18[%swap3A_1374, %swap3A_1375, %swap3A_1376] {strides = array<i32>} : memref<4x80x128xf32, #tpu.memory_space<vmem>>, vector<16xf32>,
          tpu.vector_store %arg18[%swap3A_1374, %swap3A_1375, %swap3A_1376], %mul3A_1372 {strides = array<i32>} : memref<4x80x128xf32, #tpu.memory_space<vmem>>, vector<16xf32>,
          %get3A_1378 = arith.constant 0 : i32
          %get3A_1379 = arith.index_cast %get3A_1378 : i32 to index
          %get3A_1380 = arith.index_cast %add3A_1358 : i32 to index
          %get3A_1381 = arith.constant 16 : index
          %get3A_1382 = tpu.vector_load %arg18[%get3A_1379, %get3A_1380, %get3A_1381] {strides = array<i32>} : memref<4x80x128xf32, #tpu.memory_space<vmem>>, vector<16xf32>,
          %mul3A_1383 = arith.mulf %get3A_1382, %gather3A_1366 : vector<16xf32>
          %swap3A_1384 = arith.constant 0 : i32
          %swap3A_1385 = arith.index_cast %swap3A_1384 : i32 to index
          %swap3A_1386 = arith.index_cast %add3A_1358 : i32 to index
          %swap3A_1387 = arith.constant 16 : index
          %swap3A_1388 = tpu.vector_load %arg18[%swap3A_1385, %swap3A_1386, %swap3A_1387] {strides = array<i32>} : memref<4x80x128xf32, #tpu.memory_space<vmem>>, vector<16xf32>,
          tpu.vector_store %arg18[%swap3A_1385, %swap3A_1386, %swap3A_1387], %mul3A_1383 {strides = array<i32>} : memref<4x80x128xf32, #tpu.memory_space<vmem>>, vector<16xf32>,
          %get3A_1389 = arith.constant 0 : i32
          %get3A_1390 = arith.index_cast %get3A_1389 : i32 to index
          %get3A_1391 = arith.index_cast %add3A_1358 : i32 to index
          %get3A_1392 = arith.constant 32 : index
          %get3A_1393 = tpu.vector_load %arg18[%get3A_1390, %get3A_1391, %get3A_1392] {strides = array<i32>} : memref<4x80x128xf32, #tpu.memory_space<vmem>>, vector<16xf32>,
          %mul3A_1394 = arith.mulf %get3A_1393, %gather3A_1366 : vector<16xf32>
          %swap3A_1395 = arith.constant 0 : i32
          %swap3A_1396 = arith.index_cast %swap3A_1395 : i32 to index
          %swap3A_1397 = arith.index_cast %add3A_1358 : i32 to index
          %swap3A_1398 = arith.constant 32 : index
          %swap3A_1399 = tpu.vector_load %arg18[%swap3A_1396, %swap3A_1397, %swap3A_1398] {strides = array<i32>} : memref<4x80x128xf32, #tpu.memory_space<vmem>>, vector<16xf32>,
          tpu.vector_store %arg18[%swap3A_1396, %swap3A_1397, %swap3A_1398], %mul3A_1394 {strides = array<i32>} : memref<4x80x128xf32, #tpu.memory_space<vmem>>, vector<16xf32>,
          %get3A_1400 = arith.constant 0 : i32
          %get3A_1401 = arith.index_cast %get3A_1400 : i32 to index
          %get3A_1402 = arith.index_cast %add3A_1358 : i32 to index
          %get3A_1403 = arith.constant 48 : index
          %get3A_1404 = tpu.vector_load %arg18[%get3A_1401, %get3A_1402, %get3A_1403] {strides = array<i32>} : memref<4x80x128xf32, #tpu.memory_space<vmem>>, vector<16xf32>,
          %mul3A_1405 = arith.mulf %get3A_1404, %gather3A_1366 : vector<16xf32>
          %swap3A_1406 = arith.constant 0 : i32
          %swap3A_1407 = arith.index_cast %swap3A_1406 : i32 to index
          %swap3A_1408 = arith.index_cast %add3A_1358 : i32 to index
          %swap3A_1409 = arith.constant 48 : index
          %swap3A_1410 = tpu.vector_load %arg18[%swap3A_1407, %swap3A_1408, %swap3A_1409] {strides = array<i32>} : memref<4x80x128xf32, #tpu.memory_space<vmem>>, vector<16xf32>,
          tpu.vector_store %arg18[%swap3A_1407, %swap3A_1408, %swap3A_1409], %mul3A_1405 {strides = array<i32>} : memref<4x80x128xf32, #tpu.memory_space<vmem>>, vector<16xf32>,
          %get3A_1411 = arith.constant 0 : i32
          %get3A_1412 = arith.index_cast %get3A_1411 : i32 to index
          %get3A_1413 = arith.index_cast %add3A_1358 : i32 to index
          %get3A_1414 = arith.constant 64 : index
          %get3A_1415 = tpu.vector_load %arg18[%get3A_1412, %get3A_1413, %get3A_1414] {strides = array<i32>} : memref<4x80x128xf32, #tpu.memory_space<vmem>>, vector<16xf32>,
          %mul3A_1416 = arith.mulf %get3A_1415, %gather3A_1366 : vector<16xf32>
          %swap3A_1417 = arith.constant 0 : i32
          %swap3A_1418 = arith.index_cast %swap3A_1417 : i32 to index
          %swap3A_1419 = arith.index_cast %add3A_1358 : i32 to index
          %swap3A_1420 = arith.constant 64 : index
          %swap3A_1421 = tpu.vector_load %arg18[%swap3A_1418, %swap3A_1419, %swap3A_1420] {strides = array<i32>} : memref<4x80x128xf32, #tpu.memory_space<vmem>>, vector<16xf32>,
          tpu.vector_store %arg18[%swap3A_1418, %swap3A_1419, %swap3A_1420], %mul3A_1416 {strides = array<i32>} : memref<4x80x128xf32, #tpu.memory_space<vmem>>, vector<16xf32>,
          %get3A_1422 = arith.constant 0 : i32
          %get3A_1423 = arith.index_cast %get3A_1422 : i32 to index
          %get3A_1424 = arith.index_cast %add3A_1358 : i32 to index
          %get3A_1425 = arith.constant 80 : index
          %get3A_1426 = tpu.vector_load %arg18[%get3A_1423, %get3A_1424, %get3A_1425] {strides = array<i32>} : memref<4x80x128xf32, #tpu.memory_space<vmem>>, vector<16xf32>,
          %mul3A_1427 = arith.mulf %get3A_1426, %gather3A_1366 : vector<16xf32>
          %swap3A_1428 = arith.constant 0 : i32
          %swap3A_1429 = arith.index_cast %swap3A_1428 : i32 to index
          %swap3A_1430 = arith.index_cast %add3A_1358 : i32 to index
          %swap3A_1431 = arith.constant 80 : index
          %swap3A_1432 = tpu.vector_load %arg18[%swap3A_1429, %swap3A_1430, %swap3A_1431] {strides = array<i32>} : memref<4x80x128xf32, #tpu.memory_space<vmem>>, vector<16xf32>,
          tpu.vector_store %arg18[%swap3A_1429, %swap3A_1430, %swap3A_1431], %mul3A_1427 {strides = array<i32>} : memref<4x80x128xf32, #tpu.memory_space<vmem>>, vector<16xf32>,
          %get3A_1433 = arith.constant 0 : i32
          %get3A_1434 = arith.index_cast %get3A_1433 : i32 to index
          %get3A_1435 = arith.index_cast %add3A_1358 : i32 to index
          %get3A_1436 = arith.constant 96 : index
          %get3A_1437 = tpu.vector_load %arg18[%get3A_1434, %get3A_1435, %get3A_1436] {strides = array<i32>} : memref<4x80x128xf32, #tpu.memory_space<vmem>>, vector<16xf32>,
          %mul3A_1438 = arith.mulf %get3A_1437, %gather3A_1366 : vector<16xf32>
          %swap3A_1439 = arith.constant 0 : i32
          %swap3A_1440 = arith.index_cast %swap3A_1439 : i32 to index
          %swap3A_1441 = arith.index_cast %add3A_1358 : i32 to index
          %swap3A_1442 = arith.constant 96 : index
          %swap3A_1443 = tpu.vector_load %arg18[%swap3A_1440, %swap3A_1441, %swap3A_1442] {strides = array<i32>} : memref<4x80x128xf32, #tpu.memory_space<vmem>>, vector<16xf32>,
          tpu.vector_store %arg18[%swap3A_1440, %swap3A_1441, %swap3A_1442], %mul3A_1438 {strides = array<i32>} : memref<4x80x128xf32, #tpu.memory_space<vmem>>, vector<16xf32>,
          %get3A_1444 = arith.constant 0 : i32
          %get3A_1445 = arith.index_cast %get3A_1444 : i32 to index
          %get3A_1446 = arith.index_cast %add3A_1358 : i32 to index
          %get3A_1447 = arith.constant 112 : index
          %get3A_1448 = tpu.vector_load %arg18[%get3A_1445, %get3A_1446, %get3A_1447] {strides = array<i32>} : memref<4x80x128xf32, #tpu.memory_space<vmem>>, vector<16xf32>,
          %mul3A_1449 = arith.mulf %get3A_1448, %gather3A_1366 : vector<16xf32>
          %swap3A_1450 = arith.constant 0 : i32
          %swap3A_1451 = arith.index_cast %swap3A_1450 : i32 to index
          %swap3A_1452 = arith.index_cast %add3A_1358 : i32 to index
          %swap3A_1453 = arith.constant 112 : index
          %swap3A_1454 = tpu.vector_load %arg18[%swap3A_1451, %swap3A_1452, %swap3A_1453] {strides = array<i32>} : memref<4x80x128xf32, #tpu.memory_space<vmem>>, vector<16xf32>,
          tpu.vector_store %arg18[%swap3A_1451, %swap3A_1452, %swap3A_1453], %mul3A_1449 {strides = array<i32>} : memref<4x80x128xf32, #tpu.memory_space<vmem>>, vector<16xf32>,
          %scan3A_1455 = arith.constant 1 : i32
          %scan3A_1456 = arith.addi %scan3A_1354, %scan3A_1455 : i32
          %mul3A_1457 = arith.constant 1 : i32
          %mul3A_1458 = arith.muli %scan3A_1456, %mul3A_1457 : i32
          %add3A_1459 = arith.constant 0 : i32
          %add3A_1460 = arith.addi %add3A_1459, %mul3A_1458 : i32
          %broadcast_in_dim3A_1461 = arith.constant 0 : i32
          %broadcast_in_dim3A_1462 = vector.broadcast %broadcast_in_dim3A_1461 : i32 to vector<16xi32>
          %add3A_1463 = vector.broadcast %add3A_1460 : i32 to vector<16xi32>
          %add3A_1464 = arith.addi %broadcast_in_dim3A_1462, %add3A_1463 : vector<16xi32>
          %gather3A_1465 = arith.constant 0 : i32
          %gather3A_1466 = arith.constant 0 : i32
          %gather3A_1467 = tpu.memref_slice %arg15[%gather3A_1465, %gather3A_1466] : memref<4x80xf32, #tpu.memory_space<vmem>> -> memref<1x80xf32, #tpu.memory_space<vmem>>
          %gather3A_1468 = tpu.memref_squeeze %gather3A_1467 : memref<1x80xf32, #tpu.memory_space<vmem>> -> memref<80xf32, #tpu.memory_space<vmem>>
          %gather3A_1469 = tpu.vector_load_idx %gather3A_1468[%add3A_1464] : memref<80xf32, #tpu.memory_space<vmem>>[vector<16xi32>], vector<16xf32>,
          %get3A_1470 = arith.constant 0 : i32
          %get3A_1471 = arith.index_cast %get3A_1470 : i32 to index
          %get3A_1472 = arith.index_cast %add3A_1460 : i32 to index
          %get3A_1473 = arith.constant 0 : index
          %get3A_1474 = tpu.vector_load %arg18[%get3A_1471, %get3A_1472, %get3A_1473] {strides = array<i32>} : memref<4x80x128xf32, #tpu.memory_space<vmem>>, vector<16xf32>,
          %mul3A_1475 = arith.mulf %get3A_1474, %gather3A_1469 : vector<16xf32>
          %swap3A_1476 = arith.constant 0 : i32
          %swap3A_1477 = arith.index_cast %swap3A_1476 : i32 to index
          %swap3A_1478 = arith.index_cast %add3A_1460 : i32 to index
          %swap3A_1479 = arith.constant 0 : index
          %swap3A_1480 = tpu.vector_load %arg18[%swap3A_1477, %swap3A_1478, %swap3A_1479] {strides = array<i32>} : memref<4x80x128xf32, #tpu.memory_space<vmem>>, vector<16xf32>,
          tpu.vector_store %arg18[%swap3A_1477, %swap3A_1478, %swap3A_1479], %mul3A_1475 {strides = array<i32>} : memref<4x80x128xf32, #tpu.memory_space<vmem>>, vector<16xf32>,
          %get3A_1481 = arith.constant 0 : i32
          %get3A_1482 = arith.index_cast %get3A_1481 : i32 to index
          %get3A_1483 = arith.index_cast %add3A_1460 : i32 to index
          %get3A_1484 = arith.constant 16 : index
          %get3A_1485 = tpu.vector_load %arg18[%get3A_1482, %get3A_1483, %get3A_1484] {strides = array<i32>} : memref<4x80x128xf32, #tpu.memory_space<vmem>>, vector<16xf32>,
          %mul3A_1486 = arith.mulf %get3A_1485, %gather3A_1469 : vector<16xf32>
          %swap3A_1487 = arith.constant 0 : i32
          %swap3A_1488 = arith.index_cast %swap3A_1487 : i32 to index
          %swap3A_1489 = arith.index_cast %add3A_1460 : i32 to index
          %swap3A_1490 = arith.constant 16 : index
          %swap3A_1491 = tpu.vector_load %arg18[%swap3A_1488, %swap3A_1489, %swap3A_1490] {strides = array<i32>} : memref<4x80x128xf32, #tpu.memory_space<vmem>>, vector<16xf32>,
          tpu.vector_store %arg18[%swap3A_1488, %swap3A_1489, %swap3A_1490], %mul3A_1486 {strides = array<i32>} : memref<4x80x128xf32, #tpu.memory_space<vmem>>, vector<16xf32>,
          %get3A_1492 = arith.constant 0 : i32
          %get3A_1493 = arith.index_cast %get3A_1492 : i32 to index
          %get3A_1494 = arith.index_cast %add3A_1460 : i32 to index
          %get3A_1495 = arith.constant 32 : index
          %get3A_1496 = tpu.vector_load %arg18[%get3A_1493, %get3A_1494, %get3A_1495] {strides = array<i32>} : memref<4x80x128xf32, #tpu.memory_space<vmem>>, vector<16xf32>,
          %mul3A_1497 = arith.mulf %get3A_1496, %gather3A_1469 : vector<16xf32>
          %swap3A_1498 = arith.constant 0 : i32
          %swap3A_1499 = arith.index_cast %swap3A_1498 : i32 to index
          %swap3A_1500 = arith.index_cast %add3A_1460 : i32 to index
          %swap3A_1501 = arith.constant 32 : index
          %swap3A_1502 = tpu.vector_load %arg18[%swap3A_1499, %swap3A_1500, %swap3A_1501] {strides = array<i32>} : memref<4x80x128xf32, #tpu.memory_space<vmem>>, vector<16xf32>,
          tpu.vector_store %arg18[%swap3A_1499, %swap3A_1500, %swap3A_1501], %mul3A_1497 {strides = array<i32>} : memref<4x80x128xf32, #tpu.memory_space<vmem>>, vector<16xf32>,
          %get3A_1503 = arith.constant 0 : i32
          %get3A_1504 = arith.index_cast %get3A_1503 : i32 to index
          %get3A_1505 = arith.index_cast %add3A_1460 : i32 to index
          %get3A_1506 = arith.constant 48 : index
          %get3A_1507 = tpu.vector_load %arg18[%get3A_1504, %get3A_1505, %get3A_1506] {strides = array<i32>} : memref<4x80x128xf32, #tpu.memory_space<vmem>>, vector<16xf32>,
          %mul3A_1508 = arith.mulf %get3A_1507, %gather3A_1469 : vector<16xf32>
          %swap3A_1509 = arith.constant 0 : i32
          %swap3A_1510 = arith.index_cast %swap3A_1509 : i32 to index
          %swap3A_1511 = arith.index_cast %add3A_1460 : i32 to index
          %swap3A_1512 = arith.constant 48 : index
          %swap3A_1513 = tpu.vector_load %arg18[%swap3A_1510, %swap3A_1511, %swap3A_1512] {strides = array<i32>} : memref<4x80x128xf32, #tpu.memory_space<vmem>>, vector<16xf32>,
          tpu.vector_store %arg18[%swap3A_1510, %swap3A_1511, %swap3A_1512], %mul3A_1508 {strides = array<i32>} : memref<4x80x128xf32, #tpu.memory_space<vmem>>, vector<16xf32>,
          %get3A_1514 = arith.constant 0 : i32
          %get3A_1515 = arith.index_cast %get3A_1514 : i32 to index
          %get3A_1516 = arith.index_cast %add3A_1460 : i32 to index
          %get3A_1517 = arith.constant 64 : index
          %get3A_1518 = tpu.vector_load %arg18[%get3A_1515, %get3A_1516, %get3A_1517] {strides = array<i32>} : memref<4x80x128xf32, #tpu.memory_space<vmem>>, vector<16xf32>,
          %mul3A_1519 = arith.mulf %get3A_1518, %gather3A_1469 : vector<16xf32>
          %swap3A_1520 = arith.constant 0 : i32
          %swap3A_1521 = arith.index_cast %swap3A_1520 : i32 to index
          %swap3A_1522 = arith.index_cast %add3A_1460 : i32 to index
          %swap3A_1523 = arith.constant 64 : index
          %swap3A_1524 = tpu.vector_load %arg18[%swap3A_1521, %swap3A_1522, %swap3A_1523] {strides = array<i32>} : memref<4x80x128xf32, #tpu.memory_space<vmem>>, vector<16xf32>,
          tpu.vector_store %arg18[%swap3A_1521, %swap3A_1522, %swap3A_1523], %mul3A_1519 {strides = array<i32>} : memref<4x80x128xf32, #tpu.memory_space<vmem>>, vector<16xf32>,
          %get3A_1525 = arith.constant 0 : i32
          %get3A_1526 = arith.index_cast %get3A_1525 : i32 to index
          %get3A_1527 = arith.index_cast %add3A_1460 : i32 to index
          %get3A_1528 = arith.constant 80 : index
          %get3A_1529 = tpu.vector_load %arg18[%get3A_1526, %get3A_1527, %get3A_1528] {strides = array<i32>} : memref<4x80x128xf32, #tpu.memory_space<vmem>>, vector<16xf32>,
          %mul3A_1530 = arith.mulf %get3A_1529, %gather3A_1469 : vector<16xf32>
          %swap3A_1531 = arith.constant 0 : i32
          %swap3A_1532 = arith.index_cast %swap3A_1531 : i32 to index
          %swap3A_1533 = arith.index_cast %add3A_1460 : i32 to index
          %swap3A_1534 = arith.constant 80 : index
          %swap3A_1535 = tpu.vector_load %arg18[%swap3A_1532, %swap3A_1533, %swap3A_1534] {strides = array<i32>} : memref<4x80x128xf32, #tpu.memory_space<vmem>>, vector<16xf32>,
          tpu.vector_store %arg18[%swap3A_1532, %swap3A_1533, %swap3A_1534], %mul3A_1530 {strides = array<i32>} : memref<4x80x128xf32, #tpu.memory_space<vmem>>, vector<16xf32>,
          %get3A_1536 = arith.constant 0 : i32
          %get3A_1537 = arith.index_cast %get3A_1536 : i32 to index
          %get3A_1538 = arith.index_cast %add3A_1460 : i32 to index
          %get3A_1539 = arith.constant 96 : index
          %get3A_1540 = tpu.vector_load %arg18[%get3A_1537, %get3A_1538, %get3A_1539] {strides = array<i32>} : memref<4x80x128xf32, #tpu.memory_space<vmem>>, vector<16xf32>,
          %mul3A_1541 = arith.mulf %get3A_1540, %gather3A_1469 : vector<16xf32>
          %swap3A_1542 = arith.constant 0 : i32
          %swap3A_1543 = arith.index_cast %swap3A_1542 : i32 to index
          %swap3A_1544 = arith.index_cast %add3A_1460 : i32 to index
          %swap3A_1545 = arith.constant 96 : index
          %swap3A_1546 = tpu.vector_load %arg18[%swap3A_1543, %swap3A_1544, %swap3A_1545] {strides = array<i32>} : memref<4x80x128xf32, #tpu.memory_space<vmem>>, vector<16xf32>,
          tpu.vector_store %arg18[%swap3A_1543, %swap3A_1544, %swap3A_1545], %mul3A_1541 {strides = array<i32>} : memref<4x80x128xf32, #tpu.memory_space<vmem>>, vector<16xf32>,
          %get3A_1547 = arith.constant 0 : i32
          %get3A_1548 = arith.index_cast %get3A_1547 : i32 to index
          %get3A_1549 = arith.index_cast %add3A_1460 : i32 to index
          %get3A_1550 = arith.constant 112 : index
          %get3A_1551 = tpu.vector_load %arg18[%get3A_1548, %get3A_1549, %get3A_1550] {strides = array<i32>} : memref<4x80x128xf32, #tpu.memory_space<vmem>>, vector<16xf32>,
          %mul3A_1552 = arith.mulf %get3A_1551, %gather3A_1469 : vector<16xf32>
          %swap3A_1553 = arith.constant 0 : i32
          %swap3A_1554 = arith.index_cast %swap3A_1553 : i32 to index
          %swap3A_1555 = arith.index_cast %add3A_1460 : i32 to index
          %swap3A_1556 = arith.constant 112 : index
          %swap3A_1557 = tpu.vector_load %arg18[%swap3A_1554, %swap3A_1555, %swap3A_1556] {strides = array<i32>} : memref<4x80x128xf32, #tpu.memory_space<vmem>>, vector<16xf32>,
          tpu.vector_store %arg18[%swap3A_1554, %swap3A_1555, %swap3A_1556], %mul3A_1552 {strides = array<i32>} : memref<4x80x128xf32, #tpu.memory_space<vmem>>, vector<16xf32>,
          %scan3A_1558 = arith.constant 2 : i32
          %scan3A_1559 = arith.addi %scan3A_1354, %scan3A_1558 : i32
          %mul3A_1560 = arith.constant 1 : i32
          %mul3A_1561 = arith.muli %scan3A_1559, %mul3A_1560 : i32
          %add3A_1562 = arith.constant 0 : i32
          %add3A_1563 = arith.addi %add3A_1562, %mul3A_1561 : i32
          %broadcast_in_dim3A_1564 = arith.constant 0 : i32
          %broadcast_in_dim3A_1565 = vector.broadcast %broadcast_in_dim3A_1564 : i32 to vector<16xi32>
          %add3A_1566 = vector.broadcast %add3A_1563 : i32 to vector<16xi32>
          %add3A_1567 = arith.addi %broadcast_in_dim3A_1565, %add3A_1566 : vector<16xi32>
          %gather3A_1568 = arith.constant 0 : i32
          %gather3A_1569 = arith.constant 0 : i32
          %gather3A_1570 = tpu.memref_slice %arg15[%gather3A_1568, %gather3A_1569] : memref<4x80xf32, #tpu.memory_space<vmem>> -> memref<1x80xf32, #tpu.memory_space<vmem>>
          %gather3A_1571 = tpu.memref_squeeze %gather3A_1570 : memref<1x80xf32, #tpu.memory_space<vmem>> -> memref<80xf32, #tpu.memory_space<vmem>>
          %gather3A_1572 = tpu.vector_load_idx %gather3A_1571[%add3A_1567] : memref<80xf32, #tpu.memory_space<vmem>>[vector<16xi32>], vector<16xf32>,
          %get3A_1573 = arith.constant 0 : i32
          %get3A_1574 = arith.index_cast %get3A_1573 : i32 to index
          %get3A_1575 = arith.index_cast %add3A_1563 : i32 to index
          %get3A_1576 = arith.constant 0 : index
          %get3A_1577 = tpu.vector_load %arg18[%get3A_1574, %get3A_1575, %get3A_1576] {strides = array<i32>} : memref<4x80x128xf32, #tpu.memory_space<vmem>>, vector<16xf32>,
          %mul3A_1578 = arith.mulf %get3A_1577, %gather3A_1572 : vector<16xf32>
          %swap3A_1579 = arith.constant 0 : i32
          %swap3A_1580 = arith.index_cast %swap3A_1579 : i32 to index
          %swap3A_1581 = arith.index_cast %add3A_1563 : i32 to index
          %swap3A_1582 = arith.constant 0 : index
          %swap3A_1583 = tpu.vector_load %arg18[%swap3A_1580, %swap3A_1581, %swap3A_1582] {strides = array<i32>} : memref<4x80x128xf32, #tpu.memory_space<vmem>>, vector<16xf32>,
          tpu.vector_store %arg18[%swap3A_1580, %swap3A_1581, %swap3A_1582], %mul3A_1578 {strides = array<i32>} : memref<4x80x128xf32, #tpu.memory_space<vmem>>, vector<16xf32>,
          %get3A_1584 = arith.constant 0 : i32
          %get3A_1585 = arith.index_cast %get3A_1584 : i32 to index
          %get3A_1586 = arith.index_cast %add3A_1563 : i32 to index
          %get3A_1587 = arith.constant 16 : index
          %get3A_1588 = tpu.vector_load %arg18[%get3A_1585, %get3A_1586, %get3A_1587] {strides = array<i32>} : memref<4x80x128xf32, #tpu.memory_space<vmem>>, vector<16xf32>,
          %mul3A_1589 = arith.mulf %get3A_1588, %gather3A_1572 : vector<16xf32>
          %swap3A_1590 = arith.constant 0 : i32
          %swap3A_1591 = arith.index_cast %swap3A_1590 : i32 to index
          %swap3A_1592 = arith.index_cast %add3A_1563 : i32 to index
          %swap3A_1593 = arith.constant 16 : index
          %swap3A_1594 = tpu.vector_load %arg18[%swap3A_1591, %swap3A_1592, %swap3A_1593] {strides = array<i32>} : memref<4x80x128xf32, #tpu.memory_space<vmem>>, vector<16xf32>,
          tpu.vector_store %arg18[%swap3A_1591, %swap3A_1592, %swap3A_1593], %mul3A_1589 {strides = array<i32>} : memref<4x80x128xf32, #tpu.memory_space<vmem>>, vector<16xf32>,
          %get3A_1595 = arith.constant 0 : i32
          %get3A_1596 = arith.index_cast %get3A_1595 : i32 to index
          %get3A_1597 = arith.index_cast %add3A_1563 : i32 to index
          %get3A_1598 = arith.constant 32 : index
          %get3A_1599 = tpu.vector_load %arg18[%get3A_1596, %get3A_1597, %get3A_1598] {strides = array<i32>} : memref<4x80x128xf32, #tpu.memory_space<vmem>>, vector<16xf32>,
          %mul3A_1600 = arith.mulf %get3A_1599, %gather3A_1572 : vector<16xf32>
          %swap3A_1601 = arith.constant 0 : i32
          %swap3A_1602 = arith.index_cast %swap3A_1601 : i32 to index
          %swap3A_1603 = arith.index_cast %add3A_1563 : i32 to index
          %swap3A_1604 = arith.constant 32 : index
          %swap3A_1605 = tpu.vector_load %arg18[%swap3A_1602, %swap3A_1603, %swap3A_1604] {strides = array<i32>} : memref<4x80x128xf32, #tpu.memory_space<vmem>>, vector<16xf32>,
          tpu.vector_store %arg18[%swap3A_1602, %swap3A_1603, %swap3A_1604], %mul3A_1600 {strides = array<i32>} : memref<4x80x128xf32, #tpu.memory_space<vmem>>, vector<16xf32>,
          %get3A_1606 = arith.constant 0 : i32
          %get3A_1607 = arith.index_cast %get3A_1606 : i32 to index
          %get3A_1608 = arith.index_cast %add3A_1563 : i32 to index
          %get3A_1609 = arith.constant 48 : index
          %get3A_1610 = tpu.vector_load %arg18[%get3A_1607, %get3A_1608, %get3A_1609] {strides = array<i32>} : memref<4x80x128xf32, #tpu.memory_space<vmem>>, vector<16xf32>,
          %mul3A_1611 = arith.mulf %get3A_1610, %gather3A_1572 : vector<16xf32>
          %swap3A_1612 = arith.constant 0 : i32
          %swap3A_1613 = arith.index_cast %swap3A_1612 : i32 to index
          %swap3A_1614 = arith.index_cast %add3A_1563 : i32 to index
          %swap3A_1615 = arith.constant 48 : index
          %swap3A_1616 = tpu.vector_load %arg18[%swap3A_1613, %swap3A_1614, %swap3A_1615] {strides = array<i32>} : memref<4x80x128xf32, #tpu.memory_space<vmem>>, vector<16xf32>,
          tpu.vector_store %arg18[%swap3A_1613, %swap3A_1614, %swap3A_1615], %mul3A_1611 {strides = array<i32>} : memref<4x80x128xf32, #tpu.memory_space<vmem>>, vector<16xf32>,
          %get3A_1617 = arith.constant 0 : i32
          %get3A_1618 = arith.index_cast %get3A_1617 : i32 to index
          %get3A_1619 = arith.index_cast %add3A_1563 : i32 to index
          %get3A_1620 = arith.constant 64 : index
          %get3A_1621 = tpu.vector_load %arg18[%get3A_1618, %get3A_1619, %get3A_1620] {strides = array<i32>} : memref<4x80x128xf32, #tpu.memory_space<vmem>>, vector<16xf32>,
          %mul3A_1622 = arith.mulf %get3A_1621, %gather3A_1572 : vector<16xf32>
          %swap3A_1623 = arith.constant 0 : i32
          %swap3A_1624 = arith.index_cast %swap3A_1623 : i32 to index
          %swap3A_1625 = arith.index_cast %add3A_1563 : i32 to index
          %swap3A_1626 = arith.constant 64 : index
          %swap3A_1627 = tpu.vector_load %arg18[%swap3A_1624, %swap3A_1625, %swap3A_1626] {strides = array<i32>} : memref<4x80x128xf32, #tpu.memory_space<vmem>>, vector<16xf32>,
          tpu.vector_store %arg18[%swap3A_1624, %swap3A_1625, %swap3A_1626], %mul3A_1622 {strides = array<i32>} : memref<4x80x128xf32, #tpu.memory_space<vmem>>, vector<16xf32>,
          %get3A_1628 = arith.constant 0 : i32
          %get3A_1629 = arith.index_cast %get3A_1628 : i32 to index
          %get3A_1630 = arith.index_cast %add3A_1563 : i32 to index
          %get3A_1631 = arith.constant 80 : index
          %get3A_1632 = tpu.vector_load %arg18[%get3A_1629, %get3A_1630, %get3A_1631] {strides = array<i32>} : memref<4x80x128xf32, #tpu.memory_space<vmem>>, vector<16xf32>,
          %mul3A_1633 = arith.mulf %get3A_1632, %gather3A_1572 : vector<16xf32>
          %swap3A_1634 = arith.constant 0 : i32
          %swap3A_1635 = arith.index_cast %swap3A_1634 : i32 to index
          %swap3A_1636 = arith.index_cast %add3A_1563 : i32 to index
          %swap3A_1637 = arith.constant 80 : index
          %swap3A_1638 = tpu.vector_load %arg18[%swap3A_1635, %swap3A_1636, %swap3A_1637] {strides = array<i32>} : memref<4x80x128xf32, #tpu.memory_space<vmem>>, vector<16xf32>,
          tpu.vector_store %arg18[%swap3A_1635, %swap3A_1636, %swap3A_1637], %mul3A_1633 {strides = array<i32>} : memref<4x80x128xf32, #tpu.memory_space<vmem>>, vector<16xf32>,
          %get3A_1639 = arith.constant 0 : i32
          %get3A_1640 = arith.index_cast %get3A_1639 : i32 to index
          %get3A_1641 = arith.index_cast %add3A_1563 : i32 to index
          %get3A_1642 = arith.constant 96 : index
          %get3A_1643 = tpu.vector_load %arg18[%get3A_1640, %get3A_1641, %get3A_1642] {strides = array<i32>} : memref<4x80x128xf32, #tpu.memory_space<vmem>>, vector<16xf32>,
          %mul3A_1644 = arith.mulf %get3A_1643, %gather3A_1572 : vector<16xf32>
          %swap3A_1645 = arith.constant 0 : i32
          %swap3A_1646 = arith.index_cast %swap3A_1645 : i32 to index
          %swap3A_1647 = arith.index_cast %add3A_1563 : i32 to index
          %swap3A_1648 = arith.constant 96 : index
          %swap3A_1649 = tpu.vector_load %arg18[%swap3A_1646, %swap3A_1647, %swap3A_1648] {strides = array<i32>} : memref<4x80x128xf32, #tpu.memory_space<vmem>>, vector<16xf32>,
          tpu.vector_store %arg18[%swap3A_1646, %swap3A_1647, %swap3A_1648], %mul3A_1644 {strides = array<i32>} : memref<4x80x128xf32, #tpu.memory_space<vmem>>, vector<16xf32>,
          %get3A_1650 = arith.constant 0 : i32
          %get3A_1651 = arith.index_cast %get3A_1650 : i32 to index
          %get3A_1652 = arith.index_cast %add3A_1563 : i32 to index
          %get3A_1653 = arith.constant 112 : index
          %get3A_1654 = tpu.vector_load %arg18[%get3A_1651, %get3A_1652, %get3A_1653] {strides = array<i32>} : memref<4x80x128xf32, #tpu.memory_space<vmem>>, vector<16xf32>,
          %mul3A_1655 = arith.mulf %get3A_1654, %gather3A_1572 : vector<16xf32>
          %swap3A_1656 = arith.constant 0 : i32
          %swap3A_1657 = arith.index_cast %swap3A_1656 : i32 to index
          %swap3A_1658 = arith.index_cast %add3A_1563 : i32 to index
          %swap3A_1659 = arith.constant 112 : index
          %swap3A_1660 = tpu.vector_load %arg18[%swap3A_1657, %swap3A_1658, %swap3A_1659] {strides = array<i32>} : memref<4x80x128xf32, #tpu.memory_space<vmem>>, vector<16xf32>,
          tpu.vector_store %arg18[%swap3A_1657, %swap3A_1658, %swap3A_1659], %mul3A_1655 {strides = array<i32>} : memref<4x80x128xf32, #tpu.memory_space<vmem>>, vector<16xf32>,
          %scan3A_1661 = arith.constant 3 : i32
          %scan3A_1662 = arith.addi %scan3A_1354, %scan3A_1661 : i32
          %mul3A_1663 = arith.constant 1 : i32
          %mul3A_1664 = arith.muli %scan3A_1662, %mul3A_1663 : i32
          %add3A_1665 = arith.constant 0 : i32
          %add3A_1666 = arith.addi %add3A_1665, %mul3A_1664 : i32
          %broadcast_in_dim3A_1667 = arith.constant 0 : i32
          %broadcast_in_dim3A_1668 = vector.broadcast %broadcast_in_dim3A_1667 : i32 to vector<16xi32>
          %add3A_1669 = vector.broadcast %add3A_1666 : i32 to vector<16xi32>
          %add3A_1670 = arith.addi %broadcast_in_dim3A_1668, %add3A_1669 : vector<16xi32>
          %gather3A_1671 = arith.constant 0 : i32
          %gather3A_1672 = arith.constant 0 : i32
          %gather3A_1673 = tpu.memref_slice %arg15[%gather3A_1671, %gather3A_1672] : memref<4x80xf32, #tpu.memory_space<vmem>> -> memref<1x80xf32, #tpu.memory_space<vmem>>
          %gather3A_1674 = tpu.memref_squeeze %gather3A_1673 : memref<1x80xf32, #tpu.memory_space<vmem>> -> memref<80xf32, #tpu.memory_space<vmem>>
          %gather3A_1675 = tpu.vector_load_idx %gather3A_1674[%add3A_1670] : memref<80xf32, #tpu.memory_space<vmem>>[vector<16xi32>], vector<16xf32>,
          %get3A_1676 = arith.constant 0 : i32
          %get3A_1677 = arith.index_cast %get3A_1676 : i32 to index
          %get3A_1678 = arith.index_cast %add3A_1666 : i32 to index
          %get3A_1679 = arith.constant 0 : index
          %get3A_1680 = tpu.vector_load %arg18[%get3A_1677, %get3A_1678, %get3A_1679] {strides = array<i32>} : memref<4x80x128xf32, #tpu.memory_space<vmem>>, vector<16xf32>,
          %mul3A_1681 = arith.mulf %get3A_1680, %gather3A_1675 : vector<16xf32>
          %swap3A_1682 = arith.constant 0 : i32
          %swap3A_1683 = arith.index_cast %swap3A_1682 : i32 to index
          %swap3A_1684 = arith.index_cast %add3A_1666 : i32 to index
          %swap3A_1685 = arith.constant 0 : index
          %swap3A_1686 = tpu.vector_load %arg18[%swap3A_1683, %swap3A_1684, %swap3A_1685] {strides = array<i32>} : memref<4x80x128xf32, #tpu.memory_space<vmem>>, vector<16xf32>,
          tpu.vector_store %arg18[%swap3A_1683, %swap3A_1684, %swap3A_1685], %mul3A_1681 {strides = array<i32>} : memref<4x80x128xf32, #tpu.memory_space<vmem>>, vector<16xf32>,
          %get3A_1687 = arith.constant 0 : i32
          %get3A_1688 = arith.index_cast %get3A_1687 : i32 to index
          %get3A_1689 = arith.index_cast %add3A_1666 : i32 to index
          %get3A_1690 = arith.constant 16 : index
          %get3A_1691 = tpu.vector_load %arg18[%get3A_1688, %get3A_1689, %get3A_1690] {strides = array<i32>} : memref<4x80x128xf32, #tpu.memory_space<vmem>>, vector<16xf32>,
          %mul3A_1692 = arith.mulf %get3A_1691, %gather3A_1675 : vector<16xf32>
          %swap3A_1693 = arith.constant 0 : i32
          %swap3A_1694 = arith.index_cast %swap3A_1693 : i32 to index
          %swap3A_1695 = arith.index_cast %add3A_1666 : i32 to index
          %swap3A_1696 = arith.constant 16 : index
          %swap3A_1697 = tpu.vector_load %arg18[%swap3A_1694, %swap3A_1695, %swap3A_1696] {strides = array<i32>} : memref<4x80x128xf32, #tpu.memory_space<vmem>>, vector<16xf32>,
          tpu.vector_store %arg18[%swap3A_1694, %swap3A_1695, %swap3A_1696], %mul3A_1692 {strides = array<i32>} : memref<4x80x128xf32, #tpu.memory_space<vmem>>, vector<16xf32>,
          %get3A_1698 = arith.constant 0 : i32
          %get3A_1699 = arith.index_cast %get3A_1698 : i32 to index
          %get3A_1700 = arith.index_cast %add3A_1666 : i32 to index
          %get3A_1701 = arith.constant 32 : index
          %get3A_1702 = tpu.vector_load %arg18[%get3A_1699, %get3A_1700, %get3A_1701] {strides = array<i32>} : memref<4x80x128xf32, #tpu.memory_space<vmem>>, vector<16xf32>,
          %mul3A_1703 = arith.mulf %get3A_1702, %gather3A_1675 : vector<16xf32>
          %swap3A_1704 = arith.constant 0 : i32
          %swap3A_1705 = arith.index_cast %swap3A_1704 : i32 to index
          %swap3A_1706 = arith.index_cast %add3A_1666 : i32 to index
          %swap3A_1707 = arith.constant 32 : index
          %swap3A_1708 = tpu.vector_load %arg18[%swap3A_1705, %swap3A_1706, %swap3A_1707] {strides = array<i32>} : memref<4x80x128xf32, #tpu.memory_space<vmem>>, vector<16xf32>,
          tpu.vector_store %arg18[%swap3A_1705, %swap3A_1706, %swap3A_1707], %mul3A_1703 {strides = array<i32>} : memref<4x80x128xf32, #tpu.memory_space<vmem>>, vector<16xf32>,
          %get3A_1709 = arith.constant 0 : i32
          %get3A_1710 = arith.index_cast %get3A_1709 : i32 to index
          %get3A_1711 = arith.index_cast %add3A_1666 : i32 to index
          %get3A_1712 = arith.constant 48 : index
          %get3A_1713 = tpu.vector_load %arg18[%get3A_1710, %get3A_1711, %get3A_1712] {strides = array<i32>} : memref<4x80x128xf32, #tpu.memory_space<vmem>>, vector<16xf32>,
          %mul3A_1714 = arith.mulf %get3A_1713, %gather3A_1675 : vector<16xf32>
          %swap3A_1715 = arith.constant 0 : i32
          %swap3A_1716 = arith.index_cast %swap3A_1715 : i32 to index
          %swap3A_1717 = arith.index_cast %add3A_1666 : i32 to index
          %swap3A_1718 = arith.constant 48 : index
          %swap3A_1719 = tpu.vector_load %arg18[%swap3A_1716, %swap3A_1717, %swap3A_1718] {strides = array<i32>} : memref<4x80x128xf32, #tpu.memory_space<vmem>>, vector<16xf32>,
          tpu.vector_store %arg18[%swap3A_1716, %swap3A_1717, %swap3A_1718], %mul3A_1714 {strides = array<i32>} : memref<4x80x128xf32, #tpu.memory_space<vmem>>, vector<16xf32>,
          %get3A_1720 = arith.constant 0 : i32
          %get3A_1721 = arith.index_cast %get3A_1720 : i32 to index
          %get3A_1722 = arith.index_cast %add3A_1666 : i32 to index
          %get3A_1723 = arith.constant 64 : index
          %get3A_1724 = tpu.vector_load %arg18[%get3A_1721, %get3A_1722, %get3A_1723] {strides = array<i32>} : memref<4x80x128xf32, #tpu.memory_space<vmem>>, vector<16xf32>,
          %mul3A_1725 = arith.mulf %get3A_1724, %gather3A_1675 : vector<16xf32>
          %swap3A_1726 = arith.constant 0 : i32
          %swap3A_1727 = arith.index_cast %swap3A_1726 : i32 to index
          %swap3A_1728 = arith.index_cast %add3A_1666 : i32 to index
          %swap3A_1729 = arith.constant 64 : index
          %swap3A_1730 = tpu.vector_load %arg18[%swap3A_1727, %swap3A_1728, %swap3A_1729] {strides = array<i32>} : memref<4x80x128xf32, #tpu.memory_space<vmem>>, vector<16xf32>,
          tpu.vector_store %arg18[%swap3A_1727, %swap3A_1728, %swap3A_1729], %mul3A_1725 {strides = array<i32>} : memref<4x80x128xf32, #tpu.memory_space<vmem>>, vector<16xf32>,
          %get3A_1731 = arith.constant 0 : i32
          %get3A_1732 = arith.index_cast %get3A_1731 : i32 to index
          %get3A_1733 = arith.index_cast %add3A_1666 : i32 to index
          %get3A_1734 = arith.constant 80 : index
          %get3A_1735 = tpu.vector_load %arg18[%get3A_1732, %get3A_1733, %get3A_1734] {strides = array<i32>} : memref<4x80x128xf32, #tpu.memory_space<vmem>>, vector<16xf32>,
          %mul3A_1736 = arith.mulf %get3A_1735, %gather3A_1675 : vector<16xf32>
          %swap3A_1737 = arith.constant 0 : i32
          %swap3A_1738 = arith.index_cast %swap3A_1737 : i32 to index
          %swap3A_1739 = arith.index_cast %add3A_1666 : i32 to index
          %swap3A_1740 = arith.constant 80 : index
          %swap3A_1741 = tpu.vector_load %arg18[%swap3A_1738, %swap3A_1739, %swap3A_1740] {strides = array<i32>} : memref<4x80x128xf32, #tpu.memory_space<vmem>>, vector<16xf32>,
          tpu.vector_store %arg18[%swap3A_1738, %swap3A_1739, %swap3A_1740], %mul3A_1736 {strides = array<i32>} : memref<4x80x128xf32, #tpu.memory_space<vmem>>, vector<16xf32>,
          %get3A_1742 = arith.constant 0 : i32
          %get3A_1743 = arith.index_cast %get3A_1742 : i32 to index
          %get3A_1744 = arith.index_cast %add3A_1666 : i32 to index
          %get3A_1745 = arith.constant 96 : index
          %get3A_1746 = tpu.vector_load %arg18[%get3A_1743, %get3A_1744, %get3A_1745] {strides = array<i32>} : memref<4x80x128xf32, #tpu.memory_space<vmem>>, vector<16xf32>,
          %mul3A_1747 = arith.mulf %get3A_1746, %gather3A_1675 : vector<16xf32>
          %swap3A_1748 = arith.constant 0 : i32
          %swap3A_1749 = arith.index_cast %swap3A_1748 : i32 to index
          %swap3A_1750 = arith.index_cast %add3A_1666 : i32 to index
          %swap3A_1751 = arith.constant 96 : index
          %swap3A_1752 = tpu.vector_load %arg18[%swap3A_1749, %swap3A_1750, %swap3A_1751] {strides = array<i32>} : memref<4x80x128xf32, #tpu.memory_space<vmem>>, vector<16xf32>,
          tpu.vector_store %arg18[%swap3A_1749, %swap3A_1750, %swap3A_1751], %mul3A_1747 {strides = array<i32>} : memref<4x80x128xf32, #tpu.memory_space<vmem>>, vector<16xf32>,
          %get3A_1753 = arith.constant 0 : i32
          %get3A_1754 = arith.index_cast %get3A_1753 : i32 to index
          %get3A_1755 = arith.index_cast %add3A_1666 : i32 to index
          %get3A_1756 = arith.constant 112 : index
          %get3A_1757 = tpu.vector_load %arg18[%get3A_1754, %get3A_1755, %get3A_1756] {strides = array<i32>} : memref<4x80x128xf32, #tpu.memory_space<vmem>>, vector<16xf32>,
          %mul3A_1758 = arith.mulf %get3A_1757, %gather3A_1675 : vector<16xf32>
          %swap3A_1759 = arith.constant 0 : i32
          %swap3A_1760 = arith.index_cast %swap3A_1759 : i32 to index
          %swap3A_1761 = arith.index_cast %add3A_1666 : i32 to index
          %swap3A_1762 = arith.constant 112 : index
          %swap3A_1763 = tpu.vector_load %arg18[%swap3A_1760, %swap3A_1761, %swap3A_1762] {strides = array<i32>} : memref<4x80x128xf32, #tpu.memory_space<vmem>>, vector<16xf32>,
          tpu.vector_store %arg18[%swap3A_1760, %swap3A_1761, %swap3A_1762], %mul3A_1758 {strides = array<i32>} : memref<4x80x128xf32, #tpu.memory_space<vmem>>, vector<16xf32>,
        }
        %scan3A_617 = arith.constant 80 : i32
        %dma_start3A_618 = arith.constant 0 : i32
        %dma_start3A_619 = arith.constant 0 : i32
        %dma_start3A_620 = arith.constant 0 : i32
        %dma_start3A_621 = arith.constant 0 : i32
        %dma_start3A_622 = arith.constant 0 : i32
        %dma_start3A_623 = tpu.memref_slice %arg18[%dma_start3A_618, %dma_start3A_621, %dma_start3A_622] : memref<4x80x128xf32, #tpu.memory_space<vmem>> -> memref<1x80x128xf32, #tpu.memory_space<vmem>>
        %dma_start3A_624 = tpu.memref_squeeze %dma_start3A_623 : memref<1x80x128xf32, #tpu.memory_space<vmem>> -> memref<80x128xf32, #tpu.memory_space<vmem>>
        %dma_start3A_625 = arith.constant 0 : i32
        %dma_start3A_626 = tpu.memref_slice %arg14[%dma_start3A_619, %dma_start3A_625] : memref<4x80xi32, #tpu.memory_space<vmem>> -> memref<1x80xi32, #tpu.memory_space<vmem>>
        %dma_start3A_627 = tpu.memref_squeeze %dma_start3A_626 : memref<1x80xi32, #tpu.memory_space<vmem>> -> memref<80xi32, #tpu.memory_space<vmem>>
        %dma_start3A_628 = arith.constant 0 : i32
        %dma_start3A_629 = arith.constant 0 : i32
        %dma_start3A_630 = tpu.memref_slice %arg19[%dma_start3A_628, %dma_start3A_629] : memref<10000x128xf32, #tpu.memory_space<vmem_shared>> -> memref<10000x128xf32, #tpu.memory_space<vmem_shared>>
        %dma_start3A_631 = tpu.memref_slice %arg26[%dma_start3A_620] : memref<4x!tpu.dma_semaphore, #tpu.memory_space<semaphore_mem>> -> memref<1x!tpu.dma_semaphore, #tpu.memory_space<semaphore_mem>>
        %dma_start3A_632 = tpu.memref_squeeze %dma_start3A_631 : memref<1x!tpu.dma_semaphore, #tpu.memory_space<semaphore_mem>> -> memref<!tpu.dma_semaphore, #tpu.memory_space<semaphore_mem>>
        tpu.enqueue_indirect_dma source(%dma_start3A_624 : memref<80x128xf32, #tpu.memory_space<vmem>>) target(%dma_start3A_630 : memref<10000x128xf32, #tpu.memory_space<vmem_shared>>) offsets(%dma_start3A_627 : memref<80xi32, #tpu.memory_space<vmem>>) semaphore(%dma_start3A_632 : memref<!tpu.dma_semaphore, #tpu.memory_space<semaphore_mem>>) {add = true}
        %dma_start3A_633 = arith.constant 0 : i32
        %dma_start3A_634 = arith.constant 0 : i32
        %dma_start3A_635 = arith.constant 0 : i32
        %dma_start3A_636 = arith.constant 0 : i32
        %dma_start3A_637 = tpu.memref_slice %arg15[%dma_start3A_633, %dma_start3A_636] : memref<4x80xf32, #tpu.memory_space<vmem>> -> memref<1x80xf32, #tpu.memory_space<vmem>>
        %dma_start3A_638 = tpu.memref_squeeze %dma_start3A_637 : memref<1x80xf32, #tpu.memory_space<vmem>> -> memref<80xf32, #tpu.memory_space<vmem>>
        %dma_start3A_639 = arith.constant 0 : i32
        %dma_start3A_640 = tpu.memref_slice %arg14[%dma_start3A_634, %dma_start3A_639] : memref<4x80xi32, #tpu.memory_space<vmem>> -> memref<1x80xi32, #tpu.memory_space<vmem>>
        %dma_start3A_641 = tpu.memref_squeeze %dma_start3A_640 : memref<1x80xi32, #tpu.memory_space<vmem>> -> memref<80xi32, #tpu.memory_space<vmem>>
        %dma_start3A_642 = arith.constant 0 : i32
        %dma_start3A_643 = tpu.memref_slice %arg20[%dma_start3A_642] : memref<10000xf32, #tpu.memory_space<vmem_shared>> -> memref<10000xf32, #tpu.memory_space<vmem_shared>>
        %dma_start3A_644 = tpu.memref_slice %arg27[%dma_start3A_635] : memref<4x!tpu.dma_semaphore, #tpu.memory_space<semaphore_mem>> -> memref<1x!tpu.dma_semaphore, #tpu.memory_space<semaphore_mem>>
        %dma_start3A_645 = tpu.memref_squeeze %dma_start3A_644 : memref<1x!tpu.dma_semaphore, #tpu.memory_space<semaphore_mem>> -> memref<!tpu.dma_semaphore, #tpu.memory_space<semaphore_mem>>
        tpu.enqueue_indirect_dma source(%dma_start3A_638 : memref<80xf32, #tpu.memory_space<vmem>>) target(%dma_start3A_643 : memref<10000xf32, #tpu.memory_space<vmem_shared>>) offsets(%dma_start3A_641 : memref<80xi32, #tpu.memory_space<vmem>>) semaphore(%dma_start3A_645 : memref<!tpu.dma_semaphore, #tpu.memory_space<semaphore_mem>>) {add = true}
        %ge3A_646 = arith.constant 2 : i32
        %ge3A_647 = arith.cmpi sge, %add3A_429, %ge3A_646 : i32
        %convert_element_type3A_648 = arith.extui %ge3A_647 : i1 to i32
        %cond3A_649 = arith.constant 0 : i32
        %cond3A_650 = arith.cmpi ne, %convert_element_type3A_648, %cond3A_649 : i32
        scf.if %cond3A_650 {
          %sub3A_1354 = arith.constant 2 : i32
          %sub3A_1355 = arith.subi %add3A_429, %sub3A_1354 : i32
          %dma_wait3A_1356 = arith.constant 2 : i32
          %dma_wait3A_1357 = arith.constant 2 : i32
          %dma_wait3A_1358 = arith.constant 2 : i32
          %dma_wait3A_1359 = arith.constant 0 : i32
          %dma_wait3A_1360 = arith.constant 0 : i32
          %dma_wait3A_1361 = tpu.memref_slice %arg18[%dma_wait3A_1356, %dma_wait3A_1359, %dma_wait3A_1360] : memref<4x80x128xf32, #tpu.memory_space<vmem>> -> memref<1x80x128xf32, #tpu.memory_space<vmem>>
          %dma_wait3A_1362 = tpu.memref_squeeze %dma_wait3A_1361 : memref<1x80x128xf32, #tpu.memory_space<vmem>> -> memref<80x128xf32, #tpu.memory_space<vmem>>
          %dma_wait3A_1363 = arith.constant 0 : i32
          %dma_wait3A_1364 = tpu.memref_slice %arg14[%dma_wait3A_1357, %dma_wait3A_1363] : memref<4x80xi32, #tpu.memory_space<vmem>> -> memref<1x80xi32, #tpu.memory_space<vmem>>
          %dma_wait3A_1365 = tpu.memref_squeeze %dma_wait3A_1364 : memref<1x80xi32, #tpu.memory_space<vmem>> -> memref<80xi32, #tpu.memory_space<vmem>>
          %dma_wait3A_1366 = arith.constant 0 : i32
          %dma_wait3A_1367 = arith.constant 0 : i32
          %dma_wait3A_1368 = tpu.memref_slice %arg19[%dma_wait3A_1366, %dma_wait3A_1367] : memref<10000x128xf32, #tpu.memory_space<vmem_shared>> -> memref<10000x128xf32, #tpu.memory_space<vmem_shared>>
          %dma_wait3A_1369 = tpu.memref_slice %arg26[%dma_wait3A_1358] : memref<4x!tpu.dma_semaphore, #tpu.memory_space<semaphore_mem>> -> memref<1x!tpu.dma_semaphore, #tpu.memory_space<semaphore_mem>>
          %dma_wait3A_1370 = tpu.memref_squeeze %dma_wait3A_1369 : memref<1x!tpu.dma_semaphore, #tpu.memory_space<semaphore_mem>> -> memref<!tpu.dma_semaphore, #tpu.memory_space<semaphore_mem>>
          tpu.wait_indirect_dma semaphore(%dma_wait3A_1370 : memref<!tpu.dma_semaphore, #tpu.memory_space<semaphore_mem>>) src(%dma_wait3A_1362 : memref<80x128xf32, #tpu.memory_space<vmem>>) dst(%dma_wait3A_1368 : memref<10000x128xf32, #tpu.memory_space<vmem_shared>>)
          %dma_wait3A_1371 = arith.constant 2 : i32
          %dma_wait3A_1372 = arith.constant 2 : i32
          %dma_wait3A_1373 = arith.constant 2 : i32
          %dma_wait3A_1374 = arith.constant 0 : i32
          %dma_wait3A_1375 = tpu.memref_slice %arg15[%dma_wait3A_1371, %dma_wait3A_1374] : memref<4x80xf32, #tpu.memory_space<vmem>> -> memref<1x80xf32, #tpu.memory_space<vmem>>
          %dma_wait3A_1376 = tpu.memref_squeeze %dma_wait3A_1375 : memref<1x80xf32, #tpu.memory_space<vmem>> -> memref<80xf32, #tpu.memory_space<vmem>>
          %dma_wait3A_1377 = arith.constant 0 : i32
          %dma_wait3A_1378 = tpu.memref_slice %arg14[%dma_wait3A_1372, %dma_wait3A_1377] : memref<4x80xi32, #tpu.memory_space<vmem>> -> memref<1x80xi32, #tpu.memory_space<vmem>>
          %dma_wait3A_1379 = tpu.memref_squeeze %dma_wait3A_1378 : memref<1x80xi32, #tpu.memory_space<vmem>> -> memref<80xi32, #tpu.memory_space<vmem>>
          %dma_wait3A_1380 = arith.constant 0 : i32
          %dma_wait3A_1381 = tpu.memref_slice %arg20[%dma_wait3A_1380] : memref<10000xf32, #tpu.memory_space<vmem_shared>> -> memref<10000xf32, #tpu.memory_space<vmem_shared>>
          %dma_wait3A_1382 = tpu.memref_slice %arg27[%dma_wait3A_1373] : memref<4x!tpu.dma_semaphore, #tpu.memory_space<semaphore_mem>> -> memref<1x!tpu.dma_semaphore, #tpu.memory_space<semaphore_mem>>
          %dma_wait3A_1383 = tpu.memref_squeeze %dma_wait3A_1382 : memref<1x!tpu.dma_semaphore, #tpu.memory_space<semaphore_mem>> -> memref<!tpu.dma_semaphore, #tpu.memory_space<semaphore_mem>>
          tpu.wait_indirect_dma semaphore(%dma_wait3A_1383 : memref<!tpu.dma_semaphore, #tpu.memory_space<semaphore_mem>>) src(%dma_wait3A_1376 : memref<80xf32, #tpu.memory_space<vmem>>) dst(%dma_wait3A_1381 : memref<10000xf32, #tpu.memory_space<vmem_shared>>)
        } else {
        }
        %add3A_651 = arith.constant 2 : i32
        %add3A_652 = arith.addi %add3A_429, %add3A_651 : i32
        %lt3A_653 = arith.constant 25 : i32
        %lt3A_654 = arith.cmpi slt, %add3A_652, %lt3A_653 : i32
        %convert_element_type3A_655 = arith.extui %lt3A_654 : i1 to i32
        %cond3A_656 = arith.constant 0 : i32
        %cond3A_657 = arith.cmpi ne, %convert_element_type3A_655, %cond3A_656 : i32
        scf.if %cond3A_657 {
          %add3A_1354 = arith.constant 2 : i32
          %add3A_1355 = arith.addi %add3A_429, %add3A_1354 : i32
          %mul3A_1356 = arith.constant 80 : i32
          %mul3A_1357 = arith.muli %add3A_1355, %mul3A_1356 : i32
          %dma_start3A_1358 = arith.constant 2 : i32
          %dma_start3A_1359 = arith.constant 2 : i32
          %dma_start3A_1360 = arith.constant 0 : i32
          %dma_start3A_1361 = arith.constant 0 : i32
          %dma_start3A_1362 = tpu.memref_slice %arg18[%dma_start3A_1358, %dma_start3A_1360, %dma_start3A_1361] : memref<4x80x128xf32, #tpu.memory_space<vmem>> -> memref<1x80x128xf32, #tpu.memory_space<vmem>>
          %dma_start3A_1363 = tpu.memref_squeeze %dma_start3A_1362 : memref<1x80x128xf32, #tpu.memory_space<vmem>> -> memref<80x128xf32, #tpu.memory_space<vmem>>
          %dma_start3A_1364 = tpu.memref_slice %arg11[%mul3A_1357] : memref<2000xi32, #tpu.memory_space<vmem>> -> memref<80xi32, #tpu.memory_space<vmem>>
          %dma_start3A_1365 = arith.constant 0 : i32
          %dma_start3A_1366 = arith.constant 0 : i32
          %dma_start3A_1367 = tpu.memref_slice %arg7[%dma_start3A_1365, %dma_start3A_1366] : memref<10000x128xf32, #tpu.memory_space<hbm>> -> memref<10000x128xf32, #tpu.memory_space<hbm>>
          %dma_start3A_1368 = tpu.memref_slice %arg23[%dma_start3A_1359] : memref<4x!tpu.dma_semaphore, #tpu.memory_space<semaphore_mem>> -> memref<1x!tpu.dma_semaphore, #tpu.memory_space<semaphore_mem>>
          %dma_start3A_1369 = tpu.memref_squeeze %dma_start3A_1368 : memref<1x!tpu.dma_semaphore, #tpu.memory_space<semaphore_mem>> -> memref<!tpu.dma_semaphore, #tpu.memory_space<semaphore_mem>>
          tpu.enqueue_indirect_dma source(%dma_start3A_1367 : memref<10000x128xf32, #tpu.memory_space<hbm>>) target(%dma_start3A_1363 : memref<80x128xf32, #tpu.memory_space<vmem>>) offsets(%dma_start3A_1364 : memref<80xi32, #tpu.memory_space<vmem>>) semaphore(%dma_start3A_1369 : memref<!tpu.dma_semaphore, #tpu.memory_space<semaphore_mem>>)
          %mul3A_1370 = arith.constant 80 : i32
          %mul3A_1371 = arith.muli %add3A_1355, %mul3A_1370 : i32
          %dma_start3A_1372 = arith.constant 2 : i32
          %dma_start3A_1373 = arith.constant 2 : i32
          %dma_start3A_1374 = arith.constant 0 : i32
          %dma_start3A_1375 = tpu.memref_slice %arg16[%dma_start3A_1372, %dma_start3A_1374] : memref<4x80xf32, #tpu.memory_space<vmem>> -> memref<1x80xf32, #tpu.memory_space<vmem>>
          %dma_start3A_1376 = tpu.memref_squeeze %dma_start3A_1375 : memref<1x80xf32, #tpu.memory_space<vmem>> -> memref<80xf32, #tpu.memory_space<vmem>>
          %dma_start3A_1377 = tpu.memref_slice %arg11[%mul3A_1371] : memref<2000xi32, #tpu.memory_space<vmem>> -> memref<80xi32, #tpu.memory_space<vmem>>
          %dma_start3A_1378 = arith.constant 0 : i32
          %dma_start3A_1379 = tpu.memref_slice %arg21[%dma_start3A_1378] : memref<10000xf32, #tpu.memory_space<vmem_shared>> -> memref<10000xf32, #tpu.memory_space<vmem_shared>>
          %dma_start3A_1380 = tpu.memref_slice %arg24[%dma_start3A_1373] : memref<4x!tpu.dma_semaphore, #tpu.memory_space<semaphore_mem>> -> memref<1x!tpu.dma_semaphore, #tpu.memory_space<semaphore_mem>>
          %dma_start3A_1381 = tpu.memref_squeeze %dma_start3A_1380 : memref<1x!tpu.dma_semaphore, #tpu.memory_space<semaphore_mem>> -> memref<!tpu.dma_semaphore, #tpu.memory_space<semaphore_mem>>
          tpu.enqueue_indirect_dma source(%dma_start3A_1379 : memref<10000xf32, #tpu.memory_space<vmem_shared>>) target(%dma_start3A_1376 : memref<80xf32, #tpu.memory_space<vmem>>) offsets(%dma_start3A_1377 : memref<80xi32, #tpu.memory_space<vmem>>) semaphore(%dma_start3A_1381 : memref<!tpu.dma_semaphore, #tpu.memory_space<semaphore_mem>>)
          %mul3A_1382 = arith.constant 80 : i32
          %mul3A_1383 = arith.muli %add3A_1355, %mul3A_1382 : i32
          %dma_start3A_1384 = arith.constant 2 : i32
          %dma_start3A_1385 = arith.constant 2 : i32
          %dma_start3A_1386 = arith.constant 0 : i32
          %dma_start3A_1387 = tpu.memref_slice %arg17[%dma_start3A_1384, %dma_start3A_1386] : memref<4x80xf32, #tpu.memory_space<vmem>> -> memref<1x80xf32, #tpu.memory_space<vmem>>
          %dma_start3A_1388 = tpu.memref_squeeze %dma_start3A_1387 : memref<1x80xf32, #tpu.memory_space<vmem>> -> memref<80xf32, #tpu.memory_space<vmem>>
          %dma_start3A_1389 = tpu.memref_slice %arg12[%mul3A_1383] : memref<2000xi32, #tpu.memory_space<vmem>> -> memref<80xi32, #tpu.memory_space<vmem>>
          %dma_start3A_1390 = arith.constant 0 : i32
          %dma_start3A_1391 = tpu.memref_slice %arg22[%dma_start3A_1390] : memref<10000xf32, #tpu.memory_space<vmem_shared>> -> memref<10000xf32, #tpu.memory_space<vmem_shared>>
          %dma_start3A_1392 = tpu.memref_slice %arg25[%dma_start3A_1385] : memref<4x!tpu.dma_semaphore, #tpu.memory_space<semaphore_mem>> -> memref<1x!tpu.dma_semaphore, #tpu.memory_space<semaphore_mem>>
          %dma_start3A_1393 = tpu.memref_squeeze %dma_start3A_1392 : memref<1x!tpu.dma_semaphore, #tpu.memory_space<semaphore_mem>> -> memref<!tpu.dma_semaphore, #tpu.memory_space<semaphore_mem>>
          tpu.enqueue_indirect_dma source(%dma_start3A_1391 : memref<10000xf32, #tpu.memory_space<vmem_shared>>) target(%dma_start3A_1388 : memref<80xf32, #tpu.memory_space<vmem>>) offsets(%dma_start3A_1389 : memref<80xi32, #tpu.memory_space<vmem>>) semaphore(%dma_start3A_1393 : memref<!tpu.dma_semaphore, #tpu.memory_space<semaphore_mem>>)
        } else {
        }
        %mul3A_658 = arith.constant 4 : i32
        %mul3A_659 = arith.muli %mul3A_658, %add3A_425 : i32
        %add3A_660 = arith.constant 1 : i32
        %add3A_661 = arith.addi %mul3A_659, %add3A_660 : i32
        %mul3A_662 = arith.constant 80 : i32
        %mul3A_663 = arith.muli %add3A_661, %mul3A_662 : i32
        %dma_wait3A_664 = arith.constant 1 : i32
        %dma_wait3A_665 = arith.constant 1 : i32
        %dma_wait3A_666 = arith.constant 0 : i32
        %dma_wait3A_667 = tpu.memref_slice %arg16[%dma_wait3A_664, %dma_wait3A_666] : memref<4x80xf32, #tpu.memory_space<vmem>> -> memref<1x80xf32, #tpu.memory_space<vmem>>
        %dma_wait3A_668 = tpu.memref_squeeze %dma_wait3A_667 : memref<1x80xf32, #tpu.memory_space<vmem>> -> memref<80xf32, #tpu.memory_space<vmem>>
        %dma_wait3A_669 = tpu.memref_slice %arg11[%mul3A_663] : memref<2000xi32, #tpu.memory_space<vmem>> -> memref<80xi32, #tpu.memory_space<vmem>>
        %dma_wait3A_670 = arith.constant 0 : i32
        %dma_wait3A_671 = tpu.memref_slice %arg21[%dma_wait3A_670] : memref<10000xf32, #tpu.memory_space<vmem_shared>> -> memref<10000xf32, #tpu.memory_space<vmem_shared>>
        %dma_wait3A_672 = tpu.memref_slice %arg24[%dma_wait3A_665] : memref<4x!tpu.dma_semaphore, #tpu.memory_space<semaphore_mem>> -> memref<1x!tpu.dma_semaphore, #tpu.memory_space<semaphore_mem>>
        %dma_wait3A_673 = tpu.memref_squeeze %dma_wait3A_672 : memref<1x!tpu.dma_semaphore, #tpu.memory_space<semaphore_mem>> -> memref<!tpu.dma_semaphore, #tpu.memory_space<semaphore_mem>>
        tpu.wait_indirect_dma semaphore(%dma_wait3A_673 : memref<!tpu.dma_semaphore, #tpu.memory_space<semaphore_mem>>) src(%dma_wait3A_671 : memref<10000xf32, #tpu.memory_space<vmem_shared>>) dst(%dma_wait3A_668 : memref<80xf32, #tpu.memory_space<vmem>>)
        %mul3A_674 = arith.constant 80 : i32
        %mul3A_675 = arith.muli %add3A_661, %mul3A_674 : i32
        %dma_wait3A_676 = arith.constant 1 : i32
        %dma_wait3A_677 = arith.constant 1 : i32
        %dma_wait3A_678 = arith.constant 0 : i32
        %dma_wait3A_679 = tpu.memref_slice %arg17[%dma_wait3A_676, %dma_wait3A_678] : memref<4x80xf32, #tpu.memory_space<vmem>> -> memref<1x80xf32, #tpu.memory_space<vmem>>
        %dma_wait3A_680 = tpu.memref_squeeze %dma_wait3A_679 : memref<1x80xf32, #tpu.memory_space<vmem>> -> memref<80xf32, #tpu.memory_space<vmem>>
        %dma_wait3A_681 = tpu.memref_slice %arg12[%mul3A_675] : memref<2000xi32, #tpu.memory_space<vmem>> -> memref<80xi32, #tpu.memory_space<vmem>>
        %dma_wait3A_682 = arith.constant 0 : i32
        %dma_wait3A_683 = tpu.memref_slice %arg22[%dma_wait3A_682] : memref<10000xf32, #tpu.memory_space<vmem_shared>> -> memref<10000xf32, #tpu.memory_space<vmem_shared>>
        %dma_wait3A_684 = tpu.memref_slice %arg25[%dma_wait3A_677] : memref<4x!tpu.dma_semaphore, #tpu.memory_space<semaphore_mem>> -> memref<1x!tpu.dma_semaphore, #tpu.memory_space<semaphore_mem>>
        %dma_wait3A_685 = tpu.memref_squeeze %dma_wait3A_684 : memref<1x!tpu.dma_semaphore, #tpu.memory_space<semaphore_mem>> -> memref<!tpu.dma_semaphore, #tpu.memory_space<semaphore_mem>>
        tpu.wait_indirect_dma semaphore(%dma_wait3A_685 : memref<!tpu.dma_semaphore, #tpu.memory_space<semaphore_mem>>) src(%dma_wait3A_683 : memref<10000xf32, #tpu.memory_space<vmem_shared>>) dst(%dma_wait3A_680 : memref<80xf32, #tpu.memory_space<vmem>>)
        %mul3A_686 = arith.constant 80 : i32
        %mul3A_687 = arith.muli %add3A_661, %mul3A_686 : i32
        %add3A_688 = arith.constant 0 : i32
        %add3A_689 = arith.addi %mul3A_687, %add3A_688 : i32
        %get3A_690 = arith.index_cast %add3A_689 : i32 to index
        %get3A_691 = tpu.vector_load %arg12[%get3A_690] {strides = array<i32>} : memref<2000xi32, #tpu.memory_space<vmem>>, vector<16xi32>,
        %swap3A_692 = arith.constant 1 : i32
        %swap3A_693 = arith.index_cast %swap3A_692 : i32 to index
        %swap3A_694 = arith.constant 0 : index
        %swap3A_695 = tpu.vector_load %arg14[%swap3A_693, %swap3A_694] {strides = array<i32>} : memref<4x80xi32, #tpu.memory_space<vmem>>, vector<16xi32>,
        tpu.vector_store %arg14[%swap3A_693, %swap3A_694], %get3A_691 {strides = array<i32>} : memref<4x80xi32, #tpu.memory_space<vmem>>, vector<16xi32>,
        %get3A_696 = arith.constant 1 : i32
        %get3A_697 = arith.index_cast %get3A_696 : i32 to index
        %get3A_698 = arith.constant 0 : index
        %get3A_699 = tpu.vector_load %arg16[%get3A_697, %get3A_698] {strides = array<i32>} : memref<4x80xf32, #tpu.memory_space<vmem>>, vector<16xf32>,
        %get3A_700 = arith.constant 1 : i32
        %get3A_701 = arith.index_cast %get3A_700 : i32 to index
        %get3A_702 = arith.constant 0 : index
        %get3A_703 = tpu.vector_load %arg17[%get3A_701, %get3A_702] {strides = array<i32>} : memref<4x80xf32, #tpu.memory_space<vmem>>, vector<16xf32>,
        %add3A_704 = arith.addf %get3A_699, %get3A_703 : vector<16xf32>
        %mul3A_705 = arith.constant 2.000000e-01 : f32
        %mul3A_706 = vector.broadcast %mul3A_705 : f32 to vector<16xf32>
        %mul3A_707 = arith.mulf %mul3A_706, %add3A_704 : vector<16xf32>
        %max3A_708 = arith.maximumf %add3A_704, %mul3A_707 : vector<16xf32>
        %sub3A_709 = arith.subf %max3A_708, %get3A_1 : vector<16xf32>
        %exp3A_710 = math.exp %sub3A_709 : vector<16xf32>
        %swap3A_711 = arith.constant 1 : i32
        %swap3A_712 = arith.index_cast %swap3A_711 : i32 to index
        %swap3A_713 = arith.constant 0 : index
        %swap3A_714 = tpu.vector_load %arg15[%swap3A_712, %swap3A_713] {strides = array<i32>} : memref<4x80xf32, #tpu.memory_space<vmem>>, vector<16xf32>,
        tpu.vector_store %arg15[%swap3A_712, %swap3A_713], %exp3A_710 {strides = array<i32>} : memref<4x80xf32, #tpu.memory_space<vmem>>, vector<16xf32>,
        %mul3A_715 = arith.constant 80 : i32
        %mul3A_716 = arith.muli %add3A_661, %mul3A_715 : i32
        %add3A_717 = arith.constant 16 : i32
        %add3A_718 = arith.addi %mul3A_716, %add3A_717 : i32
        %get3A_719 = arith.index_cast %add3A_718 : i32 to index
        %get3A_720 = tpu.vector_load %arg12[%get3A_719] {strides = array<i32>} : memref<2000xi32, #tpu.memory_space<vmem>>, vector<16xi32>,
        %swap3A_721 = arith.constant 1 : i32
        %swap3A_722 = arith.index_cast %swap3A_721 : i32 to index
        %swap3A_723 = arith.constant 16 : index
        %swap3A_724 = tpu.vector_load %arg14[%swap3A_722, %swap3A_723] {strides = array<i32>} : memref<4x80xi32, #tpu.memory_space<vmem>>, vector<16xi32>,
        tpu.vector_store %arg14[%swap3A_722, %swap3A_723], %get3A_720 {strides = array<i32>} : memref<4x80xi32, #tpu.memory_space<vmem>>, vector<16xi32>,
        %get3A_725 = arith.constant 1 : i32
        %get3A_726 = arith.index_cast %get3A_725 : i32 to index
        %get3A_727 = arith.constant 16 : index
        %get3A_728 = tpu.vector_load %arg16[%get3A_726, %get3A_727] {strides = array<i32>} : memref<4x80xf32, #tpu.memory_space<vmem>>, vector<16xf32>,
        %get3A_729 = arith.constant 1 : i32
        %get3A_730 = arith.index_cast %get3A_729 : i32 to index
        %get3A_731 = arith.constant 16 : index
        %get3A_732 = tpu.vector_load %arg17[%get3A_730, %get3A_731] {strides = array<i32>} : memref<4x80xf32, #tpu.memory_space<vmem>>, vector<16xf32>,
        %add3A_733 = arith.addf %get3A_728, %get3A_732 : vector<16xf32>
        %mul3A_734 = arith.constant 2.000000e-01 : f32
        %mul3A_735 = vector.broadcast %mul3A_734 : f32 to vector<16xf32>
        %mul3A_736 = arith.mulf %mul3A_735, %add3A_733 : vector<16xf32>
        %max3A_737 = arith.maximumf %add3A_733, %mul3A_736 : vector<16xf32>
        %sub3A_738 = arith.subf %max3A_737, %get3A_1 : vector<16xf32>
        %exp3A_739 = math.exp %sub3A_738 : vector<16xf32>
        %swap3A_740 = arith.constant 1 : i32
        %swap3A_741 = arith.index_cast %swap3A_740 : i32 to index
        %swap3A_742 = arith.constant 16 : index
        %swap3A_743 = tpu.vector_load %arg15[%swap3A_741, %swap3A_742] {strides = array<i32>} : memref<4x80xf32, #tpu.memory_space<vmem>>, vector<16xf32>,
        tpu.vector_store %arg15[%swap3A_741, %swap3A_742], %exp3A_739 {strides = array<i32>} : memref<4x80xf32, #tpu.memory_space<vmem>>, vector<16xf32>,
        %mul3A_744 = arith.constant 80 : i32
        %mul3A_745 = arith.muli %add3A_661, %mul3A_744 : i32
        %add3A_746 = arith.constant 32 : i32
        %add3A_747 = arith.addi %mul3A_745, %add3A_746 : i32
        %get3A_748 = arith.index_cast %add3A_747 : i32 to index
        %get3A_749 = tpu.vector_load %arg12[%get3A_748] {strides = array<i32>} : memref<2000xi32, #tpu.memory_space<vmem>>, vector<16xi32>,
        %swap3A_750 = arith.constant 1 : i32
        %swap3A_751 = arith.index_cast %swap3A_750 : i32 to index
        %swap3A_752 = arith.constant 32 : index
        %swap3A_753 = tpu.vector_load %arg14[%swap3A_751, %swap3A_752] {strides = array<i32>} : memref<4x80xi32, #tpu.memory_space<vmem>>, vector<16xi32>,
        tpu.vector_store %arg14[%swap3A_751, %swap3A_752], %get3A_749 {strides = array<i32>} : memref<4x80xi32, #tpu.memory_space<vmem>>, vector<16xi32>,
        %get3A_754 = arith.constant 1 : i32
        %get3A_755 = arith.index_cast %get3A_754 : i32 to index
        %get3A_756 = arith.constant 32 : index
        %get3A_757 = tpu.vector_load %arg16[%get3A_755, %get3A_756] {strides = array<i32>} : memref<4x80xf32, #tpu.memory_space<vmem>>, vector<16xf32>,
        %get3A_758 = arith.constant 1 : i32
        %get3A_759 = arith.index_cast %get3A_758 : i32 to index
        %get3A_760 = arith.constant 32 : index
        %get3A_761 = tpu.vector_load %arg17[%get3A_759, %get3A_760] {strides = array<i32>} : memref<4x80xf32, #tpu.memory_space<vmem>>, vector<16xf32>,
        %add3A_762 = arith.addf %get3A_757, %get3A_761 : vector<16xf32>
        %mul3A_763 = arith.constant 2.000000e-01 : f32
        %mul3A_764 = vector.broadcast %mul3A_763 : f32 to vector<16xf32>
        %mul3A_765 = arith.mulf %mul3A_764, %add3A_762 : vector<16xf32>
        %max3A_766 = arith.maximumf %add3A_762, %mul3A_765 : vector<16xf32>
        %sub3A_767 = arith.subf %max3A_766, %get3A_1 : vector<16xf32>
        %exp3A_768 = math.exp %sub3A_767 : vector<16xf32>
        %swap3A_769 = arith.constant 1 : i32
        %swap3A_770 = arith.index_cast %swap3A_769 : i32 to index
        %swap3A_771 = arith.constant 32 : index
        %swap3A_772 = tpu.vector_load %arg15[%swap3A_770, %swap3A_771] {strides = array<i32>} : memref<4x80xf32, #tpu.memory_space<vmem>>, vector<16xf32>,
        tpu.vector_store %arg15[%swap3A_770, %swap3A_771], %exp3A_768 {strides = array<i32>} : memref<4x80xf32, #tpu.memory_space<vmem>>, vector<16xf32>,
        %mul3A_773 = arith.constant 80 : i32
        %mul3A_774 = arith.muli %add3A_661, %mul3A_773 : i32
        %add3A_775 = arith.constant 48 : i32
        %add3A_776 = arith.addi %mul3A_774, %add3A_775 : i32
        %get3A_777 = arith.index_cast %add3A_776 : i32 to index
        %get3A_778 = tpu.vector_load %arg12[%get3A_777] {strides = array<i32>} : memref<2000xi32, #tpu.memory_space<vmem>>, vector<16xi32>,
        %swap3A_779 = arith.constant 1 : i32
        %swap3A_780 = arith.index_cast %swap3A_779 : i32 to index
        %swap3A_781 = arith.constant 48 : index
        %swap3A_782 = tpu.vector_load %arg14[%swap3A_780, %swap3A_781] {strides = array<i32>} : memref<4x80xi32, #tpu.memory_space<vmem>>, vector<16xi32>,
        tpu.vector_store %arg14[%swap3A_780, %swap3A_781], %get3A_778 {strides = array<i32>} : memref<4x80xi32, #tpu.memory_space<vmem>>, vector<16xi32>,
        %get3A_783 = arith.constant 1 : i32
        %get3A_784 = arith.index_cast %get3A_783 : i32 to index
        %get3A_785 = arith.constant 48 : index
        %get3A_786 = tpu.vector_load %arg16[%get3A_784, %get3A_785] {strides = array<i32>} : memref<4x80xf32, #tpu.memory_space<vmem>>, vector<16xf32>,
        %get3A_787 = arith.constant 1 : i32
        %get3A_788 = arith.index_cast %get3A_787 : i32 to index
        %get3A_789 = arith.constant 48 : index
        %get3A_790 = tpu.vector_load %arg17[%get3A_788, %get3A_789] {strides = array<i32>} : memref<4x80xf32, #tpu.memory_space<vmem>>, vector<16xf32>,
        %add3A_791 = arith.addf %get3A_786, %get3A_790 : vector<16xf32>
        %mul3A_792 = arith.constant 2.000000e-01 : f32
        %mul3A_793 = vector.broadcast %mul3A_792 : f32 to vector<16xf32>
        %mul3A_794 = arith.mulf %mul3A_793, %add3A_791 : vector<16xf32>
        %max3A_795 = arith.maximumf %add3A_791, %mul3A_794 : vector<16xf32>
        %sub3A_796 = arith.subf %max3A_795, %get3A_1 : vector<16xf32>
        %exp3A_797 = math.exp %sub3A_796 : vector<16xf32>
        %swap3A_798 = arith.constant 1 : i32
        %swap3A_799 = arith.index_cast %swap3A_798 : i32 to index
        %swap3A_800 = arith.constant 48 : index
        %swap3A_801 = tpu.vector_load %arg15[%swap3A_799, %swap3A_800] {strides = array<i32>} : memref<4x80xf32, #tpu.memory_space<vmem>>, vector<16xf32>,
        tpu.vector_store %arg15[%swap3A_799, %swap3A_800], %exp3A_797 {strides = array<i32>} : memref<4x80xf32, #tpu.memory_space<vmem>>, vector<16xf32>,
        %mul3A_802 = arith.constant 80 : i32
        %mul3A_803 = arith.muli %add3A_661, %mul3A_802 : i32
        %add3A_804 = arith.constant 64 : i32
        %add3A_805 = arith.addi %mul3A_803, %add3A_804 : i32
        %get3A_806 = arith.index_cast %add3A_805 : i32 to index
        %get3A_807 = tpu.vector_load %arg12[%get3A_806] {strides = array<i32>} : memref<2000xi32, #tpu.memory_space<vmem>>, vector<16xi32>,
        %swap3A_808 = arith.constant 1 : i32
        %swap3A_809 = arith.index_cast %swap3A_808 : i32 to index
        %swap3A_810 = arith.constant 64 : index
        %swap3A_811 = tpu.vector_load %arg14[%swap3A_809, %swap3A_810] {strides = array<i32>} : memref<4x80xi32, #tpu.memory_space<vmem>>, vector<16xi32>,
        tpu.vector_store %arg14[%swap3A_809, %swap3A_810], %get3A_807 {strides = array<i32>} : memref<4x80xi32, #tpu.memory_space<vmem>>, vector<16xi32>,
        %get3A_812 = arith.constant 1 : i32
        %get3A_813 = arith.index_cast %get3A_812 : i32 to index
        %get3A_814 = arith.constant 64 : index
        %get3A_815 = tpu.vector_load %arg16[%get3A_813, %get3A_814] {strides = array<i32>} : memref<4x80xf32, #tpu.memory_space<vmem>>, vector<16xf32>,
        %get3A_816 = arith.constant 1 : i32
        %get3A_817 = arith.index_cast %get3A_816 : i32 to index
        %get3A_818 = arith.constant 64 : index
        %get3A_819 = tpu.vector_load %arg17[%get3A_817, %get3A_818] {strides = array<i32>} : memref<4x80xf32, #tpu.memory_space<vmem>>, vector<16xf32>,
        %add3A_820 = arith.addf %get3A_815, %get3A_819 : vector<16xf32>
        %mul3A_821 = arith.constant 2.000000e-01 : f32
        %mul3A_822 = vector.broadcast %mul3A_821 : f32 to vector<16xf32>
        %mul3A_823 = arith.mulf %mul3A_822, %add3A_820 : vector<16xf32>
        %max3A_824 = arith.maximumf %add3A_820, %mul3A_823 : vector<16xf32>
        %sub3A_825 = arith.subf %max3A_824, %get3A_1 : vector<16xf32>
        %exp3A_826 = math.exp %sub3A_825 : vector<16xf32>
        %swap3A_827 = arith.constant 1 : i32
        %swap3A_828 = arith.index_cast %swap3A_827 : i32 to index
        %swap3A_829 = arith.constant 64 : index
        %swap3A_830 = tpu.vector_load %arg15[%swap3A_828, %swap3A_829] {strides = array<i32>} : memref<4x80xf32, #tpu.memory_space<vmem>>, vector<16xf32>,
        tpu.vector_store %arg15[%swap3A_828, %swap3A_829], %exp3A_826 {strides = array<i32>} : memref<4x80xf32, #tpu.memory_space<vmem>>, vector<16xf32>,
        %mul3A_831 = arith.constant 80 : i32
        %mul3A_832 = arith.muli %add3A_661, %mul3A_831 : i32
        %dma_wait3A_833 = arith.constant 1 : i32
        %dma_wait3A_834 = arith.constant 1 : i32
        %dma_wait3A_835 = arith.constant 0 : i32
        %dma_wait3A_836 = arith.constant 0 : i32
        %dma_wait3A_837 = tpu.memref_slice %arg18[%dma_wait3A_833, %dma_wait3A_835, %dma_wait3A_836] : memref<4x80x128xf32, #tpu.memory_space<vmem>> -> memref<1x80x128xf32, #tpu.memory_space<vmem>>
        %dma_wait3A_838 = tpu.memref_squeeze %dma_wait3A_837 : memref<1x80x128xf32, #tpu.memory_space<vmem>> -> memref<80x128xf32, #tpu.memory_space<vmem>>
        %dma_wait3A_839 = tpu.memref_slice %arg11[%mul3A_832] : memref<2000xi32, #tpu.memory_space<vmem>> -> memref<80xi32, #tpu.memory_space<vmem>>
        %dma_wait3A_840 = arith.constant 0 : i32
        %dma_wait3A_841 = arith.constant 0 : i32
        %dma_wait3A_842 = tpu.memref_slice %arg7[%dma_wait3A_840, %dma_wait3A_841] : memref<10000x128xf32, #tpu.memory_space<hbm>> -> memref<10000x128xf32, #tpu.memory_space<hbm>>
        %dma_wait3A_843 = tpu.memref_slice %arg23[%dma_wait3A_834] : memref<4x!tpu.dma_semaphore, #tpu.memory_space<semaphore_mem>> -> memref<1x!tpu.dma_semaphore, #tpu.memory_space<semaphore_mem>>
        %dma_wait3A_844 = tpu.memref_squeeze %dma_wait3A_843 : memref<1x!tpu.dma_semaphore, #tpu.memory_space<semaphore_mem>> -> memref<!tpu.dma_semaphore, #tpu.memory_space<semaphore_mem>>
        tpu.wait_indirect_dma semaphore(%dma_wait3A_844 : memref<!tpu.dma_semaphore, #tpu.memory_space<semaphore_mem>>) src(%dma_wait3A_842 : memref<10000x128xf32, #tpu.memory_space<hbm>>) dst(%dma_wait3A_838 : memref<80x128xf32, #tpu.memory_space<vmem>>)
        %scan3A_845 = arith.constant 0 : i32
        %scan3A_846 = arith.constant 80 : i32
        %scan3A_847 = arith.addi %scan3A_845, %scan3A_846 : i32
        %scan3A_848 = arith.constant 4 : i32
        scf.for %scan3A_1354 = %scan3A_845 to %scan3A_847 step %scan3A_848  : i32 {
          %mul3A_1355 = arith.constant 1 : i32
          %mul3A_1356 = arith.muli %scan3A_1354, %mul3A_1355 : i32
          %add3A_1357 = arith.constant 0 : i32
          %add3A_1358 = arith.addi %add3A_1357, %mul3A_1356 : i32
          %broadcast_in_dim3A_1359 = arith.constant 0 : i32
          %broadcast_in_dim3A_1360 = vector.broadcast %broadcast_in_dim3A_1359 : i32 to vector<16xi32>
          %add3A_1361 = vector.broadcast %add3A_1358 : i32 to vector<16xi32>
          %add3A_1362 = arith.addi %broadcast_in_dim3A_1360, %add3A_1361 : vector<16xi32>
          %gather3A = arith.constant 1 : i32
          %gather3A_1363 = arith.constant 0 : i32
          %gather3A_1364 = tpu.memref_slice %arg15[%gather3A, %gather3A_1363] : memref<4x80xf32, #tpu.memory_space<vmem>> -> memref<1x80xf32, #tpu.memory_space<vmem>>
          %gather3A_1365 = tpu.memref_squeeze %gather3A_1364 : memref<1x80xf32, #tpu.memory_space<vmem>> -> memref<80xf32, #tpu.memory_space<vmem>>
          %gather3A_1366 = tpu.vector_load_idx %gather3A_1365[%add3A_1362] : memref<80xf32, #tpu.memory_space<vmem>>[vector<16xi32>], vector<16xf32>,
          %get3A_1367 = arith.constant 1 : i32
          %get3A_1368 = arith.index_cast %get3A_1367 : i32 to index
          %get3A_1369 = arith.index_cast %add3A_1358 : i32 to index
          %get3A_1370 = arith.constant 0 : index
          %get3A_1371 = tpu.vector_load %arg18[%get3A_1368, %get3A_1369, %get3A_1370] {strides = array<i32>} : memref<4x80x128xf32, #tpu.memory_space<vmem>>, vector<16xf32>,
          %mul3A_1372 = arith.mulf %get3A_1371, %gather3A_1366 : vector<16xf32>
          %swap3A_1373 = arith.constant 1 : i32
          %swap3A_1374 = arith.index_cast %swap3A_1373 : i32 to index
          %swap3A_1375 = arith.index_cast %add3A_1358 : i32 to index
          %swap3A_1376 = arith.constant 0 : index
          %swap3A_1377 = tpu.vector_load %arg18[%swap3A_1374, %swap3A_1375, %swap3A_1376] {strides = array<i32>} : memref<4x80x128xf32, #tpu.memory_space<vmem>>, vector<16xf32>,
          tpu.vector_store %arg18[%swap3A_1374, %swap3A_1375, %swap3A_1376], %mul3A_1372 {strides = array<i32>} : memref<4x80x128xf32, #tpu.memory_space<vmem>>, vector<16xf32>,
          %get3A_1378 = arith.constant 1 : i32
          %get3A_1379 = arith.index_cast %get3A_1378 : i32 to index
          %get3A_1380 = arith.index_cast %add3A_1358 : i32 to index
          %get3A_1381 = arith.constant 16 : index
          %get3A_1382 = tpu.vector_load %arg18[%get3A_1379, %get3A_1380, %get3A_1381] {strides = array<i32>} : memref<4x80x128xf32, #tpu.memory_space<vmem>>, vector<16xf32>,
          %mul3A_1383 = arith.mulf %get3A_1382, %gather3A_1366 : vector<16xf32>
          %swap3A_1384 = arith.constant 1 : i32
          %swap3A_1385 = arith.index_cast %swap3A_1384 : i32 to index
          %swap3A_1386 = arith.index_cast %add3A_1358 : i32 to index
          %swap3A_1387 = arith.constant 16 : index
          %swap3A_1388 = tpu.vector_load %arg18[%swap3A_1385, %swap3A_1386, %swap3A_1387] {strides = array<i32>} : memref<4x80x128xf32, #tpu.memory_space<vmem>>, vector<16xf32>,
          tpu.vector_store %arg18[%swap3A_1385, %swap3A_1386, %swap3A_1387], %mul3A_1383 {strides = array<i32>} : memref<4x80x128xf32, #tpu.memory_space<vmem>>, vector<16xf32>,
          %get3A_1389 = arith.constant 1 : i32
          %get3A_1390 = arith.index_cast %get3A_1389 : i32 to index
          %get3A_1391 = arith.index_cast %add3A_1358 : i32 to index
          %get3A_1392 = arith.constant 32 : index
          %get3A_1393 = tpu.vector_load %arg18[%get3A_1390, %get3A_1391, %get3A_1392] {strides = array<i32>} : memref<4x80x128xf32, #tpu.memory_space<vmem>>, vector<16xf32>,
          %mul3A_1394 = arith.mulf %get3A_1393, %gather3A_1366 : vector<16xf32>
          %swap3A_1395 = arith.constant 1 : i32
          %swap3A_1396 = arith.index_cast %swap3A_1395 : i32 to index
          %swap3A_1397 = arith.index_cast %add3A_1358 : i32 to index
          %swap3A_1398 = arith.constant 32 : index
          %swap3A_1399 = tpu.vector_load %arg18[%swap3A_1396, %swap3A_1397, %swap3A_1398] {strides = array<i32>} : memref<4x80x128xf32, #tpu.memory_space<vmem>>, vector<16xf32>,
          tpu.vector_store %arg18[%swap3A_1396, %swap3A_1397, %swap3A_1398], %mul3A_1394 {strides = array<i32>} : memref<4x80x128xf32, #tpu.memory_space<vmem>>, vector<16xf32>,
          %get3A_1400 = arith.constant 1 : i32
          %get3A_1401 = arith.index_cast %get3A_1400 : i32 to index
          %get3A_1402 = arith.index_cast %add3A_1358 : i32 to index
          %get3A_1403 = arith.constant 48 : index
          %get3A_1404 = tpu.vector_load %arg18[%get3A_1401, %get3A_1402, %get3A_1403] {strides = array<i32>} : memref<4x80x128xf32, #tpu.memory_space<vmem>>, vector<16xf32>,
          %mul3A_1405 = arith.mulf %get3A_1404, %gather3A_1366 : vector<16xf32>
          %swap3A_1406 = arith.constant 1 : i32
          %swap3A_1407 = arith.index_cast %swap3A_1406 : i32 to index
          %swap3A_1408 = arith.index_cast %add3A_1358 : i32 to index
          %swap3A_1409 = arith.constant 48 : index
          %swap3A_1410 = tpu.vector_load %arg18[%swap3A_1407, %swap3A_1408, %swap3A_1409] {strides = array<i32>} : memref<4x80x128xf32, #tpu.memory_space<vmem>>, vector<16xf32>,
          tpu.vector_store %arg18[%swap3A_1407, %swap3A_1408, %swap3A_1409], %mul3A_1405 {strides = array<i32>} : memref<4x80x128xf32, #tpu.memory_space<vmem>>, vector<16xf32>,
          %get3A_1411 = arith.constant 1 : i32
          %get3A_1412 = arith.index_cast %get3A_1411 : i32 to index
          %get3A_1413 = arith.index_cast %add3A_1358 : i32 to index
          %get3A_1414 = arith.constant 64 : index
          %get3A_1415 = tpu.vector_load %arg18[%get3A_1412, %get3A_1413, %get3A_1414] {strides = array<i32>} : memref<4x80x128xf32, #tpu.memory_space<vmem>>, vector<16xf32>,
          %mul3A_1416 = arith.mulf %get3A_1415, %gather3A_1366 : vector<16xf32>
          %swap3A_1417 = arith.constant 1 : i32
          %swap3A_1418 = arith.index_cast %swap3A_1417 : i32 to index
          %swap3A_1419 = arith.index_cast %add3A_1358 : i32 to index
          %swap3A_1420 = arith.constant 64 : index
          %swap3A_1421 = tpu.vector_load %arg18[%swap3A_1418, %swap3A_1419, %swap3A_1420] {strides = array<i32>} : memref<4x80x128xf32, #tpu.memory_space<vmem>>, vector<16xf32>,
          tpu.vector_store %arg18[%swap3A_1418, %swap3A_1419, %swap3A_1420], %mul3A_1416 {strides = array<i32>} : memref<4x80x128xf32, #tpu.memory_space<vmem>>, vector<16xf32>,
          %get3A_1422 = arith.constant 1 : i32
          %get3A_1423 = arith.index_cast %get3A_1422 : i32 to index
          %get3A_1424 = arith.index_cast %add3A_1358 : i32 to index
          %get3A_1425 = arith.constant 80 : index
          %get3A_1426 = tpu.vector_load %arg18[%get3A_1423, %get3A_1424, %get3A_1425] {strides = array<i32>} : memref<4x80x128xf32, #tpu.memory_space<vmem>>, vector<16xf32>,
          %mul3A_1427 = arith.mulf %get3A_1426, %gather3A_1366 : vector<16xf32>
          %swap3A_1428 = arith.constant 1 : i32
          %swap3A_1429 = arith.index_cast %swap3A_1428 : i32 to index
          %swap3A_1430 = arith.index_cast %add3A_1358 : i32 to index
          %swap3A_1431 = arith.constant 80 : index
          %swap3A_1432 = tpu.vector_load %arg18[%swap3A_1429, %swap3A_1430, %swap3A_1431] {strides = array<i32>} : memref<4x80x128xf32, #tpu.memory_space<vmem>>, vector<16xf32>,
          tpu.vector_store %arg18[%swap3A_1429, %swap3A_1430, %swap3A_1431], %mul3A_1427 {strides = array<i32>} : memref<4x80x128xf32, #tpu.memory_space<vmem>>, vector<16xf32>,
          %get3A_1433 = arith.constant 1 : i32
          %get3A_1434 = arith.index_cast %get3A_1433 : i32 to index
          %get3A_1435 = arith.index_cast %add3A_1358 : i32 to index
          %get3A_1436 = arith.constant 96 : index
          %get3A_1437 = tpu.vector_load %arg18[%get3A_1434, %get3A_1435, %get3A_1436] {strides = array<i32>} : memref<4x80x128xf32, #tpu.memory_space<vmem>>, vector<16xf32>,
          %mul3A_1438 = arith.mulf %get3A_1437, %gather3A_1366 : vector<16xf32>
          %swap3A_1439 = arith.constant 1 : i32
          %swap3A_1440 = arith.index_cast %swap3A_1439 : i32 to index
          %swap3A_1441 = arith.index_cast %add3A_1358 : i32 to index
          %swap3A_1442 = arith.constant 96 : index
          %swap3A_1443 = tpu.vector_load %arg18[%swap3A_1440, %swap3A_1441, %swap3A_1442] {strides = array<i32>} : memref<4x80x128xf32, #tpu.memory_space<vmem>>, vector<16xf32>,
          tpu.vector_store %arg18[%swap3A_1440, %swap3A_1441, %swap3A_1442], %mul3A_1438 {strides = array<i32>} : memref<4x80x128xf32, #tpu.memory_space<vmem>>, vector<16xf32>,
          %get3A_1444 = arith.constant 1 : i32
          %get3A_1445 = arith.index_cast %get3A_1444 : i32 to index
          %get3A_1446 = arith.index_cast %add3A_1358 : i32 to index
          %get3A_1447 = arith.constant 112 : index
          %get3A_1448 = tpu.vector_load %arg18[%get3A_1445, %get3A_1446, %get3A_1447] {strides = array<i32>} : memref<4x80x128xf32, #tpu.memory_space<vmem>>, vector<16xf32>,
          %mul3A_1449 = arith.mulf %get3A_1448, %gather3A_1366 : vector<16xf32>
          %swap3A_1450 = arith.constant 1 : i32
          %swap3A_1451 = arith.index_cast %swap3A_1450 : i32 to index
          %swap3A_1452 = arith.index_cast %add3A_1358 : i32 to index
          %swap3A_1453 = arith.constant 112 : index
          %swap3A_1454 = tpu.vector_load %arg18[%swap3A_1451, %swap3A_1452, %swap3A_1453] {strides = array<i32>} : memref<4x80x128xf32, #tpu.memory_space<vmem>>, vector<16xf32>,
          tpu.vector_store %arg18[%swap3A_1451, %swap3A_1452, %swap3A_1453], %mul3A_1449 {strides = array<i32>} : memref<4x80x128xf32, #tpu.memory_space<vmem>>, vector<16xf32>,
          %scan3A_1455 = arith.constant 1 : i32
          %scan3A_1456 = arith.addi %scan3A_1354, %scan3A_1455 : i32
          %mul3A_1457 = arith.constant 1 : i32
          %mul3A_1458 = arith.muli %scan3A_1456, %mul3A_1457 : i32
          %add3A_1459 = arith.constant 0 : i32
          %add3A_1460 = arith.addi %add3A_1459, %mul3A_1458 : i32
          %broadcast_in_dim3A_1461 = arith.constant 0 : i32
          %broadcast_in_dim3A_1462 = vector.broadcast %broadcast_in_dim3A_1461 : i32 to vector<16xi32>
          %add3A_1463 = vector.broadcast %add3A_1460 : i32 to vector<16xi32>
          %add3A_1464 = arith.addi %broadcast_in_dim3A_1462, %add3A_1463 : vector<16xi32>
          %gather3A_1465 = arith.constant 1 : i32
          %gather3A_1466 = arith.constant 0 : i32
          %gather3A_1467 = tpu.memref_slice %arg15[%gather3A_1465, %gather3A_1466] : memref<4x80xf32, #tpu.memory_space<vmem>> -> memref<1x80xf32, #tpu.memory_space<vmem>>
          %gather3A_1468 = tpu.memref_squeeze %gather3A_1467 : memref<1x80xf32, #tpu.memory_space<vmem>> -> memref<80xf32, #tpu.memory_space<vmem>>
          %gather3A_1469 = tpu.vector_load_idx %gather3A_1468[%add3A_1464] : memref<80xf32, #tpu.memory_space<vmem>>[vector<16xi32>], vector<16xf32>,
          %get3A_1470 = arith.constant 1 : i32
          %get3A_1471 = arith.index_cast %get3A_1470 : i32 to index
          %get3A_1472 = arith.index_cast %add3A_1460 : i32 to index
          %get3A_1473 = arith.constant 0 : index
          %get3A_1474 = tpu.vector_load %arg18[%get3A_1471, %get3A_1472, %get3A_1473] {strides = array<i32>} : memref<4x80x128xf32, #tpu.memory_space<vmem>>, vector<16xf32>,
          %mul3A_1475 = arith.mulf %get3A_1474, %gather3A_1469 : vector<16xf32>
          %swap3A_1476 = arith.constant 1 : i32
          %swap3A_1477 = arith.index_cast %swap3A_1476 : i32 to index
          %swap3A_1478 = arith.index_cast %add3A_1460 : i32 to index
          %swap3A_1479 = arith.constant 0 : index
          %swap3A_1480 = tpu.vector_load %arg18[%swap3A_1477, %swap3A_1478, %swap3A_1479] {strides = array<i32>} : memref<4x80x128xf32, #tpu.memory_space<vmem>>, vector<16xf32>,
          tpu.vector_store %arg18[%swap3A_1477, %swap3A_1478, %swap3A_1479], %mul3A_1475 {strides = array<i32>} : memref<4x80x128xf32, #tpu.memory_space<vmem>>, vector<16xf32>,
          %get3A_1481 = arith.constant 1 : i32
          %get3A_1482 = arith.index_cast %get3A_1481 : i32 to index
          %get3A_1483 = arith.index_cast %add3A_1460 : i32 to index
          %get3A_1484 = arith.constant 16 : index
          %get3A_1485 = tpu.vector_load %arg18[%get3A_1482, %get3A_1483, %get3A_1484] {strides = array<i32>} : memref<4x80x128xf32, #tpu.memory_space<vmem>>, vector<16xf32>,
          %mul3A_1486 = arith.mulf %get3A_1485, %gather3A_1469 : vector<16xf32>
          %swap3A_1487 = arith.constant 1 : i32
          %swap3A_1488 = arith.index_cast %swap3A_1487 : i32 to index
          %swap3A_1489 = arith.index_cast %add3A_1460 : i32 to index
          %swap3A_1490 = arith.constant 16 : index
          %swap3A_1491 = tpu.vector_load %arg18[%swap3A_1488, %swap3A_1489, %swap3A_1490] {strides = array<i32>} : memref<4x80x128xf32, #tpu.memory_space<vmem>>, vector<16xf32>,
          tpu.vector_store %arg18[%swap3A_1488, %swap3A_1489, %swap3A_1490], %mul3A_1486 {strides = array<i32>} : memref<4x80x128xf32, #tpu.memory_space<vmem>>, vector<16xf32>,
          %get3A_1492 = arith.constant 1 : i32
          %get3A_1493 = arith.index_cast %get3A_1492 : i32 to index
          %get3A_1494 = arith.index_cast %add3A_1460 : i32 to index
          %get3A_1495 = arith.constant 32 : index
          %get3A_1496 = tpu.vector_load %arg18[%get3A_1493, %get3A_1494, %get3A_1495] {strides = array<i32>} : memref<4x80x128xf32, #tpu.memory_space<vmem>>, vector<16xf32>,
          %mul3A_1497 = arith.mulf %get3A_1496, %gather3A_1469 : vector<16xf32>
          %swap3A_1498 = arith.constant 1 : i32
          %swap3A_1499 = arith.index_cast %swap3A_1498 : i32 to index
          %swap3A_1500 = arith.index_cast %add3A_1460 : i32 to index
          %swap3A_1501 = arith.constant 32 : index
          %swap3A_1502 = tpu.vector_load %arg18[%swap3A_1499, %swap3A_1500, %swap3A_1501] {strides = array<i32>} : memref<4x80x128xf32, #tpu.memory_space<vmem>>, vector<16xf32>,
          tpu.vector_store %arg18[%swap3A_1499, %swap3A_1500, %swap3A_1501], %mul3A_1497 {strides = array<i32>} : memref<4x80x128xf32, #tpu.memory_space<vmem>>, vector<16xf32>,
          %get3A_1503 = arith.constant 1 : i32
          %get3A_1504 = arith.index_cast %get3A_1503 : i32 to index
          %get3A_1505 = arith.index_cast %add3A_1460 : i32 to index
          %get3A_1506 = arith.constant 48 : index
          %get3A_1507 = tpu.vector_load %arg18[%get3A_1504, %get3A_1505, %get3A_1506] {strides = array<i32>} : memref<4x80x128xf32, #tpu.memory_space<vmem>>, vector<16xf32>,
          %mul3A_1508 = arith.mulf %get3A_1507, %gather3A_1469 : vector<16xf32>
          %swap3A_1509 = arith.constant 1 : i32
          %swap3A_1510 = arith.index_cast %swap3A_1509 : i32 to index
          %swap3A_1511 = arith.index_cast %add3A_1460 : i32 to index
          %swap3A_1512 = arith.constant 48 : index
          %swap3A_1513 = tpu.vector_load %arg18[%swap3A_1510, %swap3A_1511, %swap3A_1512] {strides = array<i32>} : memref<4x80x128xf32, #tpu.memory_space<vmem>>, vector<16xf32>,
          tpu.vector_store %arg18[%swap3A_1510, %swap3A_1511, %swap3A_1512], %mul3A_1508 {strides = array<i32>} : memref<4x80x128xf32, #tpu.memory_space<vmem>>, vector<16xf32>,
          %get3A_1514 = arith.constant 1 : i32
          %get3A_1515 = arith.index_cast %get3A_1514 : i32 to index
          %get3A_1516 = arith.index_cast %add3A_1460 : i32 to index
          %get3A_1517 = arith.constant 64 : index
          %get3A_1518 = tpu.vector_load %arg18[%get3A_1515, %get3A_1516, %get3A_1517] {strides = array<i32>} : memref<4x80x128xf32, #tpu.memory_space<vmem>>, vector<16xf32>,
          %mul3A_1519 = arith.mulf %get3A_1518, %gather3A_1469 : vector<16xf32>
          %swap3A_1520 = arith.constant 1 : i32
          %swap3A_1521 = arith.index_cast %swap3A_1520 : i32 to index
          %swap3A_1522 = arith.index_cast %add3A_1460 : i32 to index
          %swap3A_1523 = arith.constant 64 : index
          %swap3A_1524 = tpu.vector_load %arg18[%swap3A_1521, %swap3A_1522, %swap3A_1523] {strides = array<i32>} : memref<4x80x128xf32, #tpu.memory_space<vmem>>, vector<16xf32>,
          tpu.vector_store %arg18[%swap3A_1521, %swap3A_1522, %swap3A_1523], %mul3A_1519 {strides = array<i32>} : memref<4x80x128xf32, #tpu.memory_space<vmem>>, vector<16xf32>,
          %get3A_1525 = arith.constant 1 : i32
          %get3A_1526 = arith.index_cast %get3A_1525 : i32 to index
          %get3A_1527 = arith.index_cast %add3A_1460 : i32 to index
          %get3A_1528 = arith.constant 80 : index
          %get3A_1529 = tpu.vector_load %arg18[%get3A_1526, %get3A_1527, %get3A_1528] {strides = array<i32>} : memref<4x80x128xf32, #tpu.memory_space<vmem>>, vector<16xf32>,
          %mul3A_1530 = arith.mulf %get3A_1529, %gather3A_1469 : vector<16xf32>
          %swap3A_1531 = arith.constant 1 : i32
          %swap3A_1532 = arith.index_cast %swap3A_1531 : i32 to index
          %swap3A_1533 = arith.index_cast %add3A_1460 : i32 to index
          %swap3A_1534 = arith.constant 80 : index
          %swap3A_1535 = tpu.vector_load %arg18[%swap3A_1532, %swap3A_1533, %swap3A_1534] {strides = array<i32>} : memref<4x80x128xf32, #tpu.memory_space<vmem>>, vector<16xf32>,
          tpu.vector_store %arg18[%swap3A_1532, %swap3A_1533, %swap3A_1534], %mul3A_1530 {strides = array<i32>} : memref<4x80x128xf32, #tpu.memory_space<vmem>>, vector<16xf32>,
          %get3A_1536 = arith.constant 1 : i32
          %get3A_1537 = arith.index_cast %get3A_1536 : i32 to index
          %get3A_1538 = arith.index_cast %add3A_1460 : i32 to index
          %get3A_1539 = arith.constant 96 : index
          %get3A_1540 = tpu.vector_load %arg18[%get3A_1537, %get3A_1538, %get3A_1539] {strides = array<i32>} : memref<4x80x128xf32, #tpu.memory_space<vmem>>, vector<16xf32>,
          %mul3A_1541 = arith.mulf %get3A_1540, %gather3A_1469 : vector<16xf32>
          %swap3A_1542 = arith.constant 1 : i32
          %swap3A_1543 = arith.index_cast %swap3A_1542 : i32 to index
          %swap3A_1544 = arith.index_cast %add3A_1460 : i32 to index
          %swap3A_1545 = arith.constant 96 : index
          %swap3A_1546 = tpu.vector_load %arg18[%swap3A_1543, %swap3A_1544, %swap3A_1545] {strides = array<i32>} : memref<4x80x128xf32, #tpu.memory_space<vmem>>, vector<16xf32>,
          tpu.vector_store %arg18[%swap3A_1543, %swap3A_1544, %swap3A_1545], %mul3A_1541 {strides = array<i32>} : memref<4x80x128xf32, #tpu.memory_space<vmem>>, vector<16xf32>,
          %get3A_1547 = arith.constant 1 : i32
          %get3A_1548 = arith.index_cast %get3A_1547 : i32 to index
          %get3A_1549 = arith.index_cast %add3A_1460 : i32 to index
          %get3A_1550 = arith.constant 112 : index
          %get3A_1551 = tpu.vector_load %arg18[%get3A_1548, %get3A_1549, %get3A_1550] {strides = array<i32>} : memref<4x80x128xf32, #tpu.memory_space<vmem>>, vector<16xf32>,
          %mul3A_1552 = arith.mulf %get3A_1551, %gather3A_1469 : vector<16xf32>
          %swap3A_1553 = arith.constant 1 : i32
          %swap3A_1554 = arith.index_cast %swap3A_1553 : i32 to index
          %swap3A_1555 = arith.index_cast %add3A_1460 : i32 to index
          %swap3A_1556 = arith.constant 112 : index
          %swap3A_1557 = tpu.vector_load %arg18[%swap3A_1554, %swap3A_1555, %swap3A_1556] {strides = array<i32>} : memref<4x80x128xf32, #tpu.memory_space<vmem>>, vector<16xf32>,
          tpu.vector_store %arg18[%swap3A_1554, %swap3A_1555, %swap3A_1556], %mul3A_1552 {strides = array<i32>} : memref<4x80x128xf32, #tpu.memory_space<vmem>>, vector<16xf32>,
          %scan3A_1558 = arith.constant 2 : i32
          %scan3A_1559 = arith.addi %scan3A_1354, %scan3A_1558 : i32
          %mul3A_1560 = arith.constant 1 : i32
          %mul3A_1561 = arith.muli %scan3A_1559, %mul3A_1560 : i32
          %add3A_1562 = arith.constant 0 : i32
          %add3A_1563 = arith.addi %add3A_1562, %mul3A_1561 : i32
          %broadcast_in_dim3A_1564 = arith.constant 0 : i32
          %broadcast_in_dim3A_1565 = vector.broadcast %broadcast_in_dim3A_1564 : i32 to vector<16xi32>
          %add3A_1566 = vector.broadcast %add3A_1563 : i32 to vector<16xi32>
          %add3A_1567 = arith.addi %broadcast_in_dim3A_1565, %add3A_1566 : vector<16xi32>
          %gather3A_1568 = arith.constant 1 : i32
          %gather3A_1569 = arith.constant 0 : i32
          %gather3A_1570 = tpu.memref_slice %arg15[%gather3A_1568, %gather3A_1569] : memref<4x80xf32, #tpu.memory_space<vmem>> -> memref<1x80xf32, #tpu.memory_space<vmem>>
          %gather3A_1571 = tpu.memref_squeeze %gather3A_1570 : memref<1x80xf32, #tpu.memory_space<vmem>> -> memref<80xf32, #tpu.memory_space<vmem>>
          %gather3A_1572 = tpu.vector_load_idx %gather3A_1571[%add3A_1567] : memref<80xf32, #tpu.memory_space<vmem>>[vector<16xi32>], vector<16xf32>,
          %get3A_1573 = arith.constant 1 : i32
          %get3A_1574 = arith.index_cast %get3A_1573 : i32 to index
          %get3A_1575 = arith.index_cast %add3A_1563 : i32 to index
          %get3A_1576 = arith.constant 0 : index
          %get3A_1577 = tpu.vector_load %arg18[%get3A_1574, %get3A_1575, %get3A_1576] {strides = array<i32>} : memref<4x80x128xf32, #tpu.memory_space<vmem>>, vector<16xf32>,
          %mul3A_1578 = arith.mulf %get3A_1577, %gather3A_1572 : vector<16xf32>
          %swap3A_1579 = arith.constant 1 : i32
          %swap3A_1580 = arith.index_cast %swap3A_1579 : i32 to index
          %swap3A_1581 = arith.index_cast %add3A_1563 : i32 to index
          %swap3A_1582 = arith.constant 0 : index
          %swap3A_1583 = tpu.vector_load %arg18[%swap3A_1580, %swap3A_1581, %swap3A_1582] {strides = array<i32>} : memref<4x80x128xf32, #tpu.memory_space<vmem>>, vector<16xf32>,
          tpu.vector_store %arg18[%swap3A_1580, %swap3A_1581, %swap3A_1582], %mul3A_1578 {strides = array<i32>} : memref<4x80x128xf32, #tpu.memory_space<vmem>>, vector<16xf32>,
          %get3A_1584 = arith.constant 1 : i32
          %get3A_1585 = arith.index_cast %get3A_1584 : i32 to index
          %get3A_1586 = arith.index_cast %add3A_1563 : i32 to index
          %get3A_1587 = arith.constant 16 : index
          %get3A_1588 = tpu.vector_load %arg18[%get3A_1585, %get3A_1586, %get3A_1587] {strides = array<i32>} : memref<4x80x128xf32, #tpu.memory_space<vmem>>, vector<16xf32>,
          %mul3A_1589 = arith.mulf %get3A_1588, %gather3A_1572 : vector<16xf32>
          %swap3A_1590 = arith.constant 1 : i32
          %swap3A_1591 = arith.index_cast %swap3A_1590 : i32 to index
          %swap3A_1592 = arith.index_cast %add3A_1563 : i32 to index
          %swap3A_1593 = arith.constant 16 : index
          %swap3A_1594 = tpu.vector_load %arg18[%swap3A_1591, %swap3A_1592, %swap3A_1593] {strides = array<i32>} : memref<4x80x128xf32, #tpu.memory_space<vmem>>, vector<16xf32>,
          tpu.vector_store %arg18[%swap3A_1591, %swap3A_1592, %swap3A_1593], %mul3A_1589 {strides = array<i32>} : memref<4x80x128xf32, #tpu.memory_space<vmem>>, vector<16xf32>,
          %get3A_1595 = arith.constant 1 : i32
          %get3A_1596 = arith.index_cast %get3A_1595 : i32 to index
          %get3A_1597 = arith.index_cast %add3A_1563 : i32 to index
          %get3A_1598 = arith.constant 32 : index
          %get3A_1599 = tpu.vector_load %arg18[%get3A_1596, %get3A_1597, %get3A_1598] {strides = array<i32>} : memref<4x80x128xf32, #tpu.memory_space<vmem>>, vector<16xf32>,
          %mul3A_1600 = arith.mulf %get3A_1599, %gather3A_1572 : vector<16xf32>
          %swap3A_1601 = arith.constant 1 : i32
          %swap3A_1602 = arith.index_cast %swap3A_1601 : i32 to index
          %swap3A_1603 = arith.index_cast %add3A_1563 : i32 to index
          %swap3A_1604 = arith.constant 32 : index
          %swap3A_1605 = tpu.vector_load %arg18[%swap3A_1602, %swap3A_1603, %swap3A_1604] {strides = array<i32>} : memref<4x80x128xf32, #tpu.memory_space<vmem>>, vector<16xf32>,
          tpu.vector_store %arg18[%swap3A_1602, %swap3A_1603, %swap3A_1604], %mul3A_1600 {strides = array<i32>} : memref<4x80x128xf32, #tpu.memory_space<vmem>>, vector<16xf32>,
          %get3A_1606 = arith.constant 1 : i32
          %get3A_1607 = arith.index_cast %get3A_1606 : i32 to index
          %get3A_1608 = arith.index_cast %add3A_1563 : i32 to index
          %get3A_1609 = arith.constant 48 : index
          %get3A_1610 = tpu.vector_load %arg18[%get3A_1607, %get3A_1608, %get3A_1609] {strides = array<i32>} : memref<4x80x128xf32, #tpu.memory_space<vmem>>, vector<16xf32>,
          %mul3A_1611 = arith.mulf %get3A_1610, %gather3A_1572 : vector<16xf32>
          %swap3A_1612 = arith.constant 1 : i32
          %swap3A_1613 = arith.index_cast %swap3A_1612 : i32 to index
          %swap3A_1614 = arith.index_cast %add3A_1563 : i32 to index
          %swap3A_1615 = arith.constant 48 : index
          %swap3A_1616 = tpu.vector_load %arg18[%swap3A_1613, %swap3A_1614, %swap3A_1615] {strides = array<i32>} : memref<4x80x128xf32, #tpu.memory_space<vmem>>, vector<16xf32>,
          tpu.vector_store %arg18[%swap3A_1613, %swap3A_1614, %swap3A_1615], %mul3A_1611 {strides = array<i32>} : memref<4x80x128xf32, #tpu.memory_space<vmem>>, vector<16xf32>,
          %get3A_1617 = arith.constant 1 : i32
          %get3A_1618 = arith.index_cast %get3A_1617 : i32 to index
          %get3A_1619 = arith.index_cast %add3A_1563 : i32 to index
          %get3A_1620 = arith.constant 64 : index
          %get3A_1621 = tpu.vector_load %arg18[%get3A_1618, %get3A_1619, %get3A_1620] {strides = array<i32>} : memref<4x80x128xf32, #tpu.memory_space<vmem>>, vector<16xf32>,
          %mul3A_1622 = arith.mulf %get3A_1621, %gather3A_1572 : vector<16xf32>
          %swap3A_1623 = arith.constant 1 : i32
          %swap3A_1624 = arith.index_cast %swap3A_1623 : i32 to index
          %swap3A_1625 = arith.index_cast %add3A_1563 : i32 to index
          %swap3A_1626 = arith.constant 64 : index
          %swap3A_1627 = tpu.vector_load %arg18[%swap3A_1624, %swap3A_1625, %swap3A_1626] {strides = array<i32>} : memref<4x80x128xf32, #tpu.memory_space<vmem>>, vector<16xf32>,
          tpu.vector_store %arg18[%swap3A_1624, %swap3A_1625, %swap3A_1626], %mul3A_1622 {strides = array<i32>} : memref<4x80x128xf32, #tpu.memory_space<vmem>>, vector<16xf32>,
          %get3A_1628 = arith.constant 1 : i32
          %get3A_1629 = arith.index_cast %get3A_1628 : i32 to index
          %get3A_1630 = arith.index_cast %add3A_1563 : i32 to index
          %get3A_1631 = arith.constant 80 : index
          %get3A_1632 = tpu.vector_load %arg18[%get3A_1629, %get3A_1630, %get3A_1631] {strides = array<i32>} : memref<4x80x128xf32, #tpu.memory_space<vmem>>, vector<16xf32>,
          %mul3A_1633 = arith.mulf %get3A_1632, %gather3A_1572 : vector<16xf32>
          %swap3A_1634 = arith.constant 1 : i32
          %swap3A_1635 = arith.index_cast %swap3A_1634 : i32 to index
          %swap3A_1636 = arith.index_cast %add3A_1563 : i32 to index
          %swap3A_1637 = arith.constant 80 : index
          %swap3A_1638 = tpu.vector_load %arg18[%swap3A_1635, %swap3A_1636, %swap3A_1637] {strides = array<i32>} : memref<4x80x128xf32, #tpu.memory_space<vmem>>, vector<16xf32>,
          tpu.vector_store %arg18[%swap3A_1635, %swap3A_1636, %swap3A_1637], %mul3A_1633 {strides = array<i32>} : memref<4x80x128xf32, #tpu.memory_space<vmem>>, vector<16xf32>,
          %get3A_1639 = arith.constant 1 : i32
          %get3A_1640 = arith.index_cast %get3A_1639 : i32 to index
          %get3A_1641 = arith.index_cast %add3A_1563 : i32 to index
          %get3A_1642 = arith.constant 96 : index
          %get3A_1643 = tpu.vector_load %arg18[%get3A_1640, %get3A_1641, %get3A_1642] {strides = array<i32>} : memref<4x80x128xf32, #tpu.memory_space<vmem>>, vector<16xf32>,
          %mul3A_1644 = arith.mulf %get3A_1643, %gather3A_1572 : vector<16xf32>
          %swap3A_1645 = arith.constant 1 : i32
          %swap3A_1646 = arith.index_cast %swap3A_1645 : i32 to index
          %swap3A_1647 = arith.index_cast %add3A_1563 : i32 to index
          %swap3A_1648 = arith.constant 96 : index
          %swap3A_1649 = tpu.vector_load %arg18[%swap3A_1646, %swap3A_1647, %swap3A_1648] {strides = array<i32>} : memref<4x80x128xf32, #tpu.memory_space<vmem>>, vector<16xf32>,
          tpu.vector_store %arg18[%swap3A_1646, %swap3A_1647, %swap3A_1648], %mul3A_1644 {strides = array<i32>} : memref<4x80x128xf32, #tpu.memory_space<vmem>>, vector<16xf32>,
          %get3A_1650 = arith.constant 1 : i32
          %get3A_1651 = arith.index_cast %get3A_1650 : i32 to index
          %get3A_1652 = arith.index_cast %add3A_1563 : i32 to index
          %get3A_1653 = arith.constant 112 : index
          %get3A_1654 = tpu.vector_load %arg18[%get3A_1651, %get3A_1652, %get3A_1653] {strides = array<i32>} : memref<4x80x128xf32, #tpu.memory_space<vmem>>, vector<16xf32>,
          %mul3A_1655 = arith.mulf %get3A_1654, %gather3A_1572 : vector<16xf32>
          %swap3A_1656 = arith.constant 1 : i32
          %swap3A_1657 = arith.index_cast %swap3A_1656 : i32 to index
          %swap3A_1658 = arith.index_cast %add3A_1563 : i32 to index
          %swap3A_1659 = arith.constant 112 : index
          %swap3A_1660 = tpu.vector_load %arg18[%swap3A_1657, %swap3A_1658, %swap3A_1659] {strides = array<i32>} : memref<4x80x128xf32, #tpu.memory_space<vmem>>, vector<16xf32>,
          tpu.vector_store %arg18[%swap3A_1657, %swap3A_1658, %swap3A_1659], %mul3A_1655 {strides = array<i32>} : memref<4x80x128xf32, #tpu.memory_space<vmem>>, vector<16xf32>,
          %scan3A_1661 = arith.constant 3 : i32
          %scan3A_1662 = arith.addi %scan3A_1354, %scan3A_1661 : i32
          %mul3A_1663 = arith.constant 1 : i32
          %mul3A_1664 = arith.muli %scan3A_1662, %mul3A_1663 : i32
          %add3A_1665 = arith.constant 0 : i32
          %add3A_1666 = arith.addi %add3A_1665, %mul3A_1664 : i32
          %broadcast_in_dim3A_1667 = arith.constant 0 : i32
          %broadcast_in_dim3A_1668 = vector.broadcast %broadcast_in_dim3A_1667 : i32 to vector<16xi32>
          %add3A_1669 = vector.broadcast %add3A_1666 : i32 to vector<16xi32>
          %add3A_1670 = arith.addi %broadcast_in_dim3A_1668, %add3A_1669 : vector<16xi32>
          %gather3A_1671 = arith.constant 1 : i32
          %gather3A_1672 = arith.constant 0 : i32
          %gather3A_1673 = tpu.memref_slice %arg15[%gather3A_1671, %gather3A_1672] : memref<4x80xf32, #tpu.memory_space<vmem>> -> memref<1x80xf32, #tpu.memory_space<vmem>>
          %gather3A_1674 = tpu.memref_squeeze %gather3A_1673 : memref<1x80xf32, #tpu.memory_space<vmem>> -> memref<80xf32, #tpu.memory_space<vmem>>
          %gather3A_1675 = tpu.vector_load_idx %gather3A_1674[%add3A_1670] : memref<80xf32, #tpu.memory_space<vmem>>[vector<16xi32>], vector<16xf32>,
          %get3A_1676 = arith.constant 1 : i32
          %get3A_1677 = arith.index_cast %get3A_1676 : i32 to index
          %get3A_1678 = arith.index_cast %add3A_1666 : i32 to index
          %get3A_1679 = arith.constant 0 : index
          %get3A_1680 = tpu.vector_load %arg18[%get3A_1677, %get3A_1678, %get3A_1679] {strides = array<i32>} : memref<4x80x128xf32, #tpu.memory_space<vmem>>, vector<16xf32>,
          %mul3A_1681 = arith.mulf %get3A_1680, %gather3A_1675 : vector<16xf32>
          %swap3A_1682 = arith.constant 1 : i32
          %swap3A_1683 = arith.index_cast %swap3A_1682 : i32 to index
          %swap3A_1684 = arith.index_cast %add3A_1666 : i32 to index
          %swap3A_1685 = arith.constant 0 : index
          %swap3A_1686 = tpu.vector_load %arg18[%swap3A_1683, %swap3A_1684, %swap3A_1685] {strides = array<i32>} : memref<4x80x128xf32, #tpu.memory_space<vmem>>, vector<16xf32>,
          tpu.vector_store %arg18[%swap3A_1683, %swap3A_1684, %swap3A_1685], %mul3A_1681 {strides = array<i32>} : memref<4x80x128xf32, #tpu.memory_space<vmem>>, vector<16xf32>,
          %get3A_1687 = arith.constant 1 : i32
          %get3A_1688 = arith.index_cast %get3A_1687 : i32 to index
          %get3A_1689 = arith.index_cast %add3A_1666 : i32 to index
          %get3A_1690 = arith.constant 16 : index
          %get3A_1691 = tpu.vector_load %arg18[%get3A_1688, %get3A_1689, %get3A_1690] {strides = array<i32>} : memref<4x80x128xf32, #tpu.memory_space<vmem>>, vector<16xf32>,
          %mul3A_1692 = arith.mulf %get3A_1691, %gather3A_1675 : vector<16xf32>
          %swap3A_1693 = arith.constant 1 : i32
          %swap3A_1694 = arith.index_cast %swap3A_1693 : i32 to index
          %swap3A_1695 = arith.index_cast %add3A_1666 : i32 to index
          %swap3A_1696 = arith.constant 16 : index
          %swap3A_1697 = tpu.vector_load %arg18[%swap3A_1694, %swap3A_1695, %swap3A_1696] {strides = array<i32>} : memref<4x80x128xf32, #tpu.memory_space<vmem>>, vector<16xf32>,
          tpu.vector_store %arg18[%swap3A_1694, %swap3A_1695, %swap3A_1696], %mul3A_1692 {strides = array<i32>} : memref<4x80x128xf32, #tpu.memory_space<vmem>>, vector<16xf32>,
          %get3A_1698 = arith.constant 1 : i32
          %get3A_1699 = arith.index_cast %get3A_1698 : i32 to index
          %get3A_1700 = arith.index_cast %add3A_1666 : i32 to index
          %get3A_1701 = arith.constant 32 : index
          %get3A_1702 = tpu.vector_load %arg18[%get3A_1699, %get3A_1700, %get3A_1701] {strides = array<i32>} : memref<4x80x128xf32, #tpu.memory_space<vmem>>, vector<16xf32>,
          %mul3A_1703 = arith.mulf %get3A_1702, %gather3A_1675 : vector<16xf32>
          %swap3A_1704 = arith.constant 1 : i32
          %swap3A_1705 = arith.index_cast %swap3A_1704 : i32 to index
          %swap3A_1706 = arith.index_cast %add3A_1666 : i32 to index
          %swap3A_1707 = arith.constant 32 : index
          %swap3A_1708 = tpu.vector_load %arg18[%swap3A_1705, %swap3A_1706, %swap3A_1707] {strides = array<i32>} : memref<4x80x128xf32, #tpu.memory_space<vmem>>, vector<16xf32>,
          tpu.vector_store %arg18[%swap3A_1705, %swap3A_1706, %swap3A_1707], %mul3A_1703 {strides = array<i32>} : memref<4x80x128xf32, #tpu.memory_space<vmem>>, vector<16xf32>,
          %get3A_1709 = arith.constant 1 : i32
          %get3A_1710 = arith.index_cast %get3A_1709 : i32 to index
          %get3A_1711 = arith.index_cast %add3A_1666 : i32 to index
          %get3A_1712 = arith.constant 48 : index
          %get3A_1713 = tpu.vector_load %arg18[%get3A_1710, %get3A_1711, %get3A_1712] {strides = array<i32>} : memref<4x80x128xf32, #tpu.memory_space<vmem>>, vector<16xf32>,
          %mul3A_1714 = arith.mulf %get3A_1713, %gather3A_1675 : vector<16xf32>
          %swap3A_1715 = arith.constant 1 : i32
          %swap3A_1716 = arith.index_cast %swap3A_1715 : i32 to index
          %swap3A_1717 = arith.index_cast %add3A_1666 : i32 to index
          %swap3A_1718 = arith.constant 48 : index
          %swap3A_1719 = tpu.vector_load %arg18[%swap3A_1716, %swap3A_1717, %swap3A_1718] {strides = array<i32>} : memref<4x80x128xf32, #tpu.memory_space<vmem>>, vector<16xf32>,
          tpu.vector_store %arg18[%swap3A_1716, %swap3A_1717, %swap3A_1718], %mul3A_1714 {strides = array<i32>} : memref<4x80x128xf32, #tpu.memory_space<vmem>>, vector<16xf32>,
          %get3A_1720 = arith.constant 1 : i32
          %get3A_1721 = arith.index_cast %get3A_1720 : i32 to index
          %get3A_1722 = arith.index_cast %add3A_1666 : i32 to index
          %get3A_1723 = arith.constant 64 : index
          %get3A_1724 = tpu.vector_load %arg18[%get3A_1721, %get3A_1722, %get3A_1723] {strides = array<i32>} : memref<4x80x128xf32, #tpu.memory_space<vmem>>, vector<16xf32>,
          %mul3A_1725 = arith.mulf %get3A_1724, %gather3A_1675 : vector<16xf32>
          %swap3A_1726 = arith.constant 1 : i32
          %swap3A_1727 = arith.index_cast %swap3A_1726 : i32 to index
          %swap3A_1728 = arith.index_cast %add3A_1666 : i32 to index
          %swap3A_1729 = arith.constant 64 : index
          %swap3A_1730 = tpu.vector_load %arg18[%swap3A_1727, %swap3A_1728, %swap3A_1729] {strides = array<i32>} : memref<4x80x128xf32, #tpu.memory_space<vmem>>, vector<16xf32>,
          tpu.vector_store %arg18[%swap3A_1727, %swap3A_1728, %swap3A_1729], %mul3A_1725 {strides = array<i32>} : memref<4x80x128xf32, #tpu.memory_space<vmem>>, vector<16xf32>,
          %get3A_1731 = arith.constant 1 : i32
          %get3A_1732 = arith.index_cast %get3A_1731 : i32 to index
          %get3A_1733 = arith.index_cast %add3A_1666 : i32 to index
          %get3A_1734 = arith.constant 80 : index
          %get3A_1735 = tpu.vector_load %arg18[%get3A_1732, %get3A_1733, %get3A_1734] {strides = array<i32>} : memref<4x80x128xf32, #tpu.memory_space<vmem>>, vector<16xf32>,
          %mul3A_1736 = arith.mulf %get3A_1735, %gather3A_1675 : vector<16xf32>
          %swap3A_1737 = arith.constant 1 : i32
          %swap3A_1738 = arith.index_cast %swap3A_1737 : i32 to index
          %swap3A_1739 = arith.index_cast %add3A_1666 : i32 to index
          %swap3A_1740 = arith.constant 80 : index
          %swap3A_1741 = tpu.vector_load %arg18[%swap3A_1738, %swap3A_1739, %swap3A_1740] {strides = array<i32>} : memref<4x80x128xf32, #tpu.memory_space<vmem>>, vector<16xf32>,
          tpu.vector_store %arg18[%swap3A_1738, %swap3A_1739, %swap3A_1740], %mul3A_1736 {strides = array<i32>} : memref<4x80x128xf32, #tpu.memory_space<vmem>>, vector<16xf32>,
          %get3A_1742 = arith.constant 1 : i32
          %get3A_1743 = arith.index_cast %get3A_1742 : i32 to index
          %get3A_1744 = arith.index_cast %add3A_1666 : i32 to index
          %get3A_1745 = arith.constant 96 : index
          %get3A_1746 = tpu.vector_load %arg18[%get3A_1743, %get3A_1744, %get3A_1745] {strides = array<i32>} : memref<4x80x128xf32, #tpu.memory_space<vmem>>, vector<16xf32>,
          %mul3A_1747 = arith.mulf %get3A_1746, %gather3A_1675 : vector<16xf32>
          %swap3A_1748 = arith.constant 1 : i32
          %swap3A_1749 = arith.index_cast %swap3A_1748 : i32 to index
          %swap3A_1750 = arith.index_cast %add3A_1666 : i32 to index
          %swap3A_1751 = arith.constant 96 : index
          %swap3A_1752 = tpu.vector_load %arg18[%swap3A_1749, %swap3A_1750, %swap3A_1751] {strides = array<i32>} : memref<4x80x128xf32, #tpu.memory_space<vmem>>, vector<16xf32>,
          tpu.vector_store %arg18[%swap3A_1749, %swap3A_1750, %swap3A_1751], %mul3A_1747 {strides = array<i32>} : memref<4x80x128xf32, #tpu.memory_space<vmem>>, vector<16xf32>,
          %get3A_1753 = arith.constant 1 : i32
          %get3A_1754 = arith.index_cast %get3A_1753 : i32 to index
          %get3A_1755 = arith.index_cast %add3A_1666 : i32 to index
          %get3A_1756 = arith.constant 112 : index
          %get3A_1757 = tpu.vector_load %arg18[%get3A_1754, %get3A_1755, %get3A_1756] {strides = array<i32>} : memref<4x80x128xf32, #tpu.memory_space<vmem>>, vector<16xf32>,
          %mul3A_1758 = arith.mulf %get3A_1757, %gather3A_1675 : vector<16xf32>
          %swap3A_1759 = arith.constant 1 : i32
          %swap3A_1760 = arith.index_cast %swap3A_1759 : i32 to index
          %swap3A_1761 = arith.index_cast %add3A_1666 : i32 to index
          %swap3A_1762 = arith.constant 112 : index
          %swap3A_1763 = tpu.vector_load %arg18[%swap3A_1760, %swap3A_1761, %swap3A_1762] {strides = array<i32>} : memref<4x80x128xf32, #tpu.memory_space<vmem>>, vector<16xf32>,
          tpu.vector_store %arg18[%swap3A_1760, %swap3A_1761, %swap3A_1762], %mul3A_1758 {strides = array<i32>} : memref<4x80x128xf32, #tpu.memory_space<vmem>>, vector<16xf32>,
        }
        %scan3A_849 = arith.constant 80 : i32
        %dma_start3A_850 = arith.constant 1 : i32
        %dma_start3A_851 = arith.constant 1 : i32
        %dma_start3A_852 = arith.constant 1 : i32
        %dma_start3A_853 = arith.constant 0 : i32
        %dma_start3A_854 = arith.constant 0 : i32
        %dma_start3A_855 = tpu.memref_slice %arg18[%dma_start3A_850, %dma_start3A_853, %dma_start3A_854] : memref<4x80x128xf32, #tpu.memory_space<vmem>> -> memref<1x80x128xf32, #tpu.memory_space<vmem>>
        %dma_start3A_856 = tpu.memref_squeeze %dma_start3A_855 : memref<1x80x128xf32, #tpu.memory_space<vmem>> -> memref<80x128xf32, #tpu.memory_space<vmem>>
        %dma_start3A_857 = arith.constant 0 : i32
        %dma_start3A_858 = tpu.memref_slice %arg14[%dma_start3A_851, %dma_start3A_857] : memref<4x80xi32, #tpu.memory_space<vmem>> -> memref<1x80xi32, #tpu.memory_space<vmem>>
        %dma_start3A_859 = tpu.memref_squeeze %dma_start3A_858 : memref<1x80xi32, #tpu.memory_space<vmem>> -> memref<80xi32, #tpu.memory_space<vmem>>
        %dma_start3A_860 = arith.constant 0 : i32
        %dma_start3A_861 = arith.constant 0 : i32
        %dma_start3A_862 = tpu.memref_slice %arg19[%dma_start3A_860, %dma_start3A_861] : memref<10000x128xf32, #tpu.memory_space<vmem_shared>> -> memref<10000x128xf32, #tpu.memory_space<vmem_shared>>
        %dma_start3A_863 = tpu.memref_slice %arg26[%dma_start3A_852] : memref<4x!tpu.dma_semaphore, #tpu.memory_space<semaphore_mem>> -> memref<1x!tpu.dma_semaphore, #tpu.memory_space<semaphore_mem>>
        %dma_start3A_864 = tpu.memref_squeeze %dma_start3A_863 : memref<1x!tpu.dma_semaphore, #tpu.memory_space<semaphore_mem>> -> memref<!tpu.dma_semaphore, #tpu.memory_space<semaphore_mem>>
        tpu.enqueue_indirect_dma source(%dma_start3A_856 : memref<80x128xf32, #tpu.memory_space<vmem>>) target(%dma_start3A_862 : memref<10000x128xf32, #tpu.memory_space<vmem_shared>>) offsets(%dma_start3A_859 : memref<80xi32, #tpu.memory_space<vmem>>) semaphore(%dma_start3A_864 : memref<!tpu.dma_semaphore, #tpu.memory_space<semaphore_mem>>) {add = true}
        %dma_start3A_865 = arith.constant 1 : i32
        %dma_start3A_866 = arith.constant 1 : i32
        %dma_start3A_867 = arith.constant 1 : i32
        %dma_start3A_868 = arith.constant 0 : i32
        %dma_start3A_869 = tpu.memref_slice %arg15[%dma_start3A_865, %dma_start3A_868] : memref<4x80xf32, #tpu.memory_space<vmem>> -> memref<1x80xf32, #tpu.memory_space<vmem>>
        %dma_start3A_870 = tpu.memref_squeeze %dma_start3A_869 : memref<1x80xf32, #tpu.memory_space<vmem>> -> memref<80xf32, #tpu.memory_space<vmem>>
        %dma_start3A_871 = arith.constant 0 : i32
        %dma_start3A_872 = tpu.memref_slice %arg14[%dma_start3A_866, %dma_start3A_871] : memref<4x80xi32, #tpu.memory_space<vmem>> -> memref<1x80xi32, #tpu.memory_space<vmem>>
        %dma_start3A_873 = tpu.memref_squeeze %dma_start3A_872 : memref<1x80xi32, #tpu.memory_space<vmem>> -> memref<80xi32, #tpu.memory_space<vmem>>
        %dma_start3A_874 = arith.constant 0 : i32
        %dma_start3A_875 = tpu.memref_slice %arg20[%dma_start3A_874] : memref<10000xf32, #tpu.memory_space<vmem_shared>> -> memref<10000xf32, #tpu.memory_space<vmem_shared>>
        %dma_start3A_876 = tpu.memref_slice %arg27[%dma_start3A_867] : memref<4x!tpu.dma_semaphore, #tpu.memory_space<semaphore_mem>> -> memref<1x!tpu.dma_semaphore, #tpu.memory_space<semaphore_mem>>
        %dma_start3A_877 = tpu.memref_squeeze %dma_start3A_876 : memref<1x!tpu.dma_semaphore, #tpu.memory_space<semaphore_mem>> -> memref<!tpu.dma_semaphore, #tpu.memory_space<semaphore_mem>>
        tpu.enqueue_indirect_dma source(%dma_start3A_870 : memref<80xf32, #tpu.memory_space<vmem>>) target(%dma_start3A_875 : memref<10000xf32, #tpu.memory_space<vmem_shared>>) offsets(%dma_start3A_873 : memref<80xi32, #tpu.memory_space<vmem>>) semaphore(%dma_start3A_877 : memref<!tpu.dma_semaphore, #tpu.memory_space<semaphore_mem>>) {add = true}
        %ge3A_878 = arith.constant 2 : i32
        %ge3A_879 = arith.cmpi sge, %add3A_661, %ge3A_878 : i32
        %convert_element_type3A_880 = arith.extui %ge3A_879 : i1 to i32
        %cond3A_881 = arith.constant 0 : i32
        %cond3A_882 = arith.cmpi ne, %convert_element_type3A_880, %cond3A_881 : i32
        scf.if %cond3A_882 {
          %sub3A_1354 = arith.constant 2 : i32
          %sub3A_1355 = arith.subi %add3A_661, %sub3A_1354 : i32
          %dma_wait3A_1356 = arith.constant 3 : i32
          %dma_wait3A_1357 = arith.constant 3 : i32
          %dma_wait3A_1358 = arith.constant 3 : i32
          %dma_wait3A_1359 = arith.constant 0 : i32
          %dma_wait3A_1360 = arith.constant 0 : i32
          %dma_wait3A_1361 = tpu.memref_slice %arg18[%dma_wait3A_1356, %dma_wait3A_1359, %dma_wait3A_1360] : memref<4x80x128xf32, #tpu.memory_space<vmem>> -> memref<1x80x128xf32, #tpu.memory_space<vmem>>
          %dma_wait3A_1362 = tpu.memref_squeeze %dma_wait3A_1361 : memref<1x80x128xf32, #tpu.memory_space<vmem>> -> memref<80x128xf32, #tpu.memory_space<vmem>>
          %dma_wait3A_1363 = arith.constant 0 : i32
          %dma_wait3A_1364 = tpu.memref_slice %arg14[%dma_wait3A_1357, %dma_wait3A_1363] : memref<4x80xi32, #tpu.memory_space<vmem>> -> memref<1x80xi32, #tpu.memory_space<vmem>>
          %dma_wait3A_1365 = tpu.memref_squeeze %dma_wait3A_1364 : memref<1x80xi32, #tpu.memory_space<vmem>> -> memref<80xi32, #tpu.memory_space<vmem>>
          %dma_wait3A_1366 = arith.constant 0 : i32
          %dma_wait3A_1367 = arith.constant 0 : i32
          %dma_wait3A_1368 = tpu.memref_slice %arg19[%dma_wait3A_1366, %dma_wait3A_1367] : memref<10000x128xf32, #tpu.memory_space<vmem_shared>> -> memref<10000x128xf32, #tpu.memory_space<vmem_shared>>
          %dma_wait3A_1369 = tpu.memref_slice %arg26[%dma_wait3A_1358] : memref<4x!tpu.dma_semaphore, #tpu.memory_space<semaphore_mem>> -> memref<1x!tpu.dma_semaphore, #tpu.memory_space<semaphore_mem>>
          %dma_wait3A_1370 = tpu.memref_squeeze %dma_wait3A_1369 : memref<1x!tpu.dma_semaphore, #tpu.memory_space<semaphore_mem>> -> memref<!tpu.dma_semaphore, #tpu.memory_space<semaphore_mem>>
          tpu.wait_indirect_dma semaphore(%dma_wait3A_1370 : memref<!tpu.dma_semaphore, #tpu.memory_space<semaphore_mem>>) src(%dma_wait3A_1362 : memref<80x128xf32, #tpu.memory_space<vmem>>) dst(%dma_wait3A_1368 : memref<10000x128xf32, #tpu.memory_space<vmem_shared>>)
          %dma_wait3A_1371 = arith.constant 3 : i32
          %dma_wait3A_1372 = arith.constant 3 : i32
          %dma_wait3A_1373 = arith.constant 3 : i32
          %dma_wait3A_1374 = arith.constant 0 : i32
          %dma_wait3A_1375 = tpu.memref_slice %arg15[%dma_wait3A_1371, %dma_wait3A_1374] : memref<4x80xf32, #tpu.memory_space<vmem>> -> memref<1x80xf32, #tpu.memory_space<vmem>>
          %dma_wait3A_1376 = tpu.memref_squeeze %dma_wait3A_1375 : memref<1x80xf32, #tpu.memory_space<vmem>> -> memref<80xf32, #tpu.memory_space<vmem>>
          %dma_wait3A_1377 = arith.constant 0 : i32
          %dma_wait3A_1378 = tpu.memref_slice %arg14[%dma_wait3A_1372, %dma_wait3A_1377] : memref<4x80xi32, #tpu.memory_space<vmem>> -> memref<1x80xi32, #tpu.memory_space<vmem>>
          %dma_wait3A_1379 = tpu.memref_squeeze %dma_wait3A_1378 : memref<1x80xi32, #tpu.memory_space<vmem>> -> memref<80xi32, #tpu.memory_space<vmem>>
          %dma_wait3A_1380 = arith.constant 0 : i32
          %dma_wait3A_1381 = tpu.memref_slice %arg20[%dma_wait3A_1380] : memref<10000xf32, #tpu.memory_space<vmem_shared>> -> memref<10000xf32, #tpu.memory_space<vmem_shared>>
          %dma_wait3A_1382 = tpu.memref_slice %arg27[%dma_wait3A_1373] : memref<4x!tpu.dma_semaphore, #tpu.memory_space<semaphore_mem>> -> memref<1x!tpu.dma_semaphore, #tpu.memory_space<semaphore_mem>>
          %dma_wait3A_1383 = tpu.memref_squeeze %dma_wait3A_1382 : memref<1x!tpu.dma_semaphore, #tpu.memory_space<semaphore_mem>> -> memref<!tpu.dma_semaphore, #tpu.memory_space<semaphore_mem>>
          tpu.wait_indirect_dma semaphore(%dma_wait3A_1383 : memref<!tpu.dma_semaphore, #tpu.memory_space<semaphore_mem>>) src(%dma_wait3A_1376 : memref<80xf32, #tpu.memory_space<vmem>>) dst(%dma_wait3A_1381 : memref<10000xf32, #tpu.memory_space<vmem_shared>>)
        } else {
        }
        %add3A_883 = arith.constant 2 : i32
        %add3A_884 = arith.addi %add3A_661, %add3A_883 : i32
        %lt3A_885 = arith.constant 25 : i32
        %lt3A_886 = arith.cmpi slt, %add3A_884, %lt3A_885 : i32
        %convert_element_type3A_887 = arith.extui %lt3A_886 : i1 to i32
        %cond3A_888 = arith.constant 0 : i32
        %cond3A_889 = arith.cmpi ne, %convert_element_type3A_887, %cond3A_888 : i32
        scf.if %cond3A_889 {
          %add3A_1354 = arith.constant 2 : i32
          %add3A_1355 = arith.addi %add3A_661, %add3A_1354 : i32
          %mul3A_1356 = arith.constant 80 : i32
          %mul3A_1357 = arith.muli %add3A_1355, %mul3A_1356 : i32
          %dma_start3A_1358 = arith.constant 3 : i32
          %dma_start3A_1359 = arith.constant 3 : i32
          %dma_start3A_1360 = arith.constant 0 : i32
          %dma_start3A_1361 = arith.constant 0 : i32
          %dma_start3A_1362 = tpu.memref_slice %arg18[%dma_start3A_1358, %dma_start3A_1360, %dma_start3A_1361] : memref<4x80x128xf32, #tpu.memory_space<vmem>> -> memref<1x80x128xf32, #tpu.memory_space<vmem>>
          %dma_start3A_1363 = tpu.memref_squeeze %dma_start3A_1362 : memref<1x80x128xf32, #tpu.memory_space<vmem>> -> memref<80x128xf32, #tpu.memory_space<vmem>>
          %dma_start3A_1364 = tpu.memref_slice %arg11[%mul3A_1357] : memref<2000xi32, #tpu.memory_space<vmem>> -> memref<80xi32, #tpu.memory_space<vmem>>
          %dma_start3A_1365 = arith.constant 0 : i32
          %dma_start3A_1366 = arith.constant 0 : i32
          %dma_start3A_1367 = tpu.memref_slice %arg7[%dma_start3A_1365, %dma_start3A_1366] : memref<10000x128xf32, #tpu.memory_space<hbm>> -> memref<10000x128xf32, #tpu.memory_space<hbm>>
          %dma_start3A_1368 = tpu.memref_slice %arg23[%dma_start3A_1359] : memref<4x!tpu.dma_semaphore, #tpu.memory_space<semaphore_mem>> -> memref<1x!tpu.dma_semaphore, #tpu.memory_space<semaphore_mem>>
          %dma_start3A_1369 = tpu.memref_squeeze %dma_start3A_1368 : memref<1x!tpu.dma_semaphore, #tpu.memory_space<semaphore_mem>> -> memref<!tpu.dma_semaphore, #tpu.memory_space<semaphore_mem>>
          tpu.enqueue_indirect_dma source(%dma_start3A_1367 : memref<10000x128xf32, #tpu.memory_space<hbm>>) target(%dma_start3A_1363 : memref<80x128xf32, #tpu.memory_space<vmem>>) offsets(%dma_start3A_1364 : memref<80xi32, #tpu.memory_space<vmem>>) semaphore(%dma_start3A_1369 : memref<!tpu.dma_semaphore, #tpu.memory_space<semaphore_mem>>)
          %mul3A_1370 = arith.constant 80 : i32
          %mul3A_1371 = arith.muli %add3A_1355, %mul3A_1370 : i32
          %dma_start3A_1372 = arith.constant 3 : i32
          %dma_start3A_1373 = arith.constant 3 : i32
          %dma_start3A_1374 = arith.constant 0 : i32
          %dma_start3A_1375 = tpu.memref_slice %arg16[%dma_start3A_1372, %dma_start3A_1374] : memref<4x80xf32, #tpu.memory_space<vmem>> -> memref<1x80xf32, #tpu.memory_space<vmem>>
          %dma_start3A_1376 = tpu.memref_squeeze %dma_start3A_1375 : memref<1x80xf32, #tpu.memory_space<vmem>> -> memref<80xf32, #tpu.memory_space<vmem>>
          %dma_start3A_1377 = tpu.memref_slice %arg11[%mul3A_1371] : memref<2000xi32, #tpu.memory_space<vmem>> -> memref<80xi32, #tpu.memory_space<vmem>>
          %dma_start3A_1378 = arith.constant 0 : i32
          %dma_start3A_1379 = tpu.memref_slice %arg21[%dma_start3A_1378] : memref<10000xf32, #tpu.memory_space<vmem_shared>> -> memref<10000xf32, #tpu.memory_space<vmem_shared>>
          %dma_start3A_1380 = tpu.memref_slice %arg24[%dma_start3A_1373] : memref<4x!tpu.dma_semaphore, #tpu.memory_space<semaphore_mem>> -> memref<1x!tpu.dma_semaphore, #tpu.memory_space<semaphore_mem>>
          %dma_start3A_1381 = tpu.memref_squeeze %dma_start3A_1380 : memref<1x!tpu.dma_semaphore, #tpu.memory_space<semaphore_mem>> -> memref<!tpu.dma_semaphore, #tpu.memory_space<semaphore_mem>>
          tpu.enqueue_indirect_dma source(%dma_start3A_1379 : memref<10000xf32, #tpu.memory_space<vmem_shared>>) target(%dma_start3A_1376 : memref<80xf32, #tpu.memory_space<vmem>>) offsets(%dma_start3A_1377 : memref<80xi32, #tpu.memory_space<vmem>>) semaphore(%dma_start3A_1381 : memref<!tpu.dma_semaphore, #tpu.memory_space<semaphore_mem>>)
          %mul3A_1382 = arith.constant 80 : i32
          %mul3A_1383 = arith.muli %add3A_1355, %mul3A_1382 : i32
          %dma_start3A_1384 = arith.constant 3 : i32
          %dma_start3A_1385 = arith.constant 3 : i32
          %dma_start3A_1386 = arith.constant 0 : i32
          %dma_start3A_1387 = tpu.memref_slice %arg17[%dma_start3A_1384, %dma_start3A_1386] : memref<4x80xf32, #tpu.memory_space<vmem>> -> memref<1x80xf32, #tpu.memory_space<vmem>>
          %dma_start3A_1388 = tpu.memref_squeeze %dma_start3A_1387 : memref<1x80xf32, #tpu.memory_space<vmem>> -> memref<80xf32, #tpu.memory_space<vmem>>
          %dma_start3A_1389 = tpu.memref_slice %arg12[%mul3A_1383] : memref<2000xi32, #tpu.memory_space<vmem>> -> memref<80xi32, #tpu.memory_space<vmem>>
          %dma_start3A_1390 = arith.constant 0 : i32
          %dma_start3A_1391 = tpu.memref_slice %arg22[%dma_start3A_1390] : memref<10000xf32, #tpu.memory_space<vmem_shared>> -> memref<10000xf32, #tpu.memory_space<vmem_shared>>
          %dma_start3A_1392 = tpu.memref_slice %arg25[%dma_start3A_1385] : memref<4x!tpu.dma_semaphore, #tpu.memory_space<semaphore_mem>> -> memref<1x!tpu.dma_semaphore, #tpu.memory_space<semaphore_mem>>
          %dma_start3A_1393 = tpu.memref_squeeze %dma_start3A_1392 : memref<1x!tpu.dma_semaphore, #tpu.memory_space<semaphore_mem>> -> memref<!tpu.dma_semaphore, #tpu.memory_space<semaphore_mem>>
          tpu.enqueue_indirect_dma source(%dma_start3A_1391 : memref<10000xf32, #tpu.memory_space<vmem_shared>>) target(%dma_start3A_1388 : memref<80xf32, #tpu.memory_space<vmem>>) offsets(%dma_start3A_1389 : memref<80xi32, #tpu.memory_space<vmem>>) semaphore(%dma_start3A_1393 : memref<!tpu.dma_semaphore, #tpu.memory_space<semaphore_mem>>)
        } else {
        }
        %mul3A_890 = arith.constant 4 : i32
        %mul3A_891 = arith.muli %mul3A_890, %add3A_425 : i32
        %add3A_892 = arith.constant 2 : i32
        %add3A_893 = arith.addi %mul3A_891, %add3A_892 : i32
        %mul3A_894 = arith.constant 80 : i32
        %mul3A_895 = arith.muli %add3A_893, %mul3A_894 : i32
        %dma_wait3A_896 = arith.constant 2 : i32
        %dma_wait3A_897 = arith.constant 2 : i32
        %dma_wait3A_898 = arith.constant 0 : i32
        %dma_wait3A_899 = tpu.memref_slice %arg16[%dma_wait3A_896, %dma_wait3A_898] : memref<4x80xf32, #tpu.memory_space<vmem>> -> memref<1x80xf32, #tpu.memory_space<vmem>>
        %dma_wait3A_900 = tpu.memref_squeeze %dma_wait3A_899 : memref<1x80xf32, #tpu.memory_space<vmem>> -> memref<80xf32, #tpu.memory_space<vmem>>
        %dma_wait3A_901 = tpu.memref_slice %arg11[%mul3A_895] : memref<2000xi32, #tpu.memory_space<vmem>> -> memref<80xi32, #tpu.memory_space<vmem>>
        %dma_wait3A_902 = arith.constant 0 : i32
        %dma_wait3A_903 = tpu.memref_slice %arg21[%dma_wait3A_902] : memref<10000xf32, #tpu.memory_space<vmem_shared>> -> memref<10000xf32, #tpu.memory_space<vmem_shared>>
        %dma_wait3A_904 = tpu.memref_slice %arg24[%dma_wait3A_897] : memref<4x!tpu.dma_semaphore, #tpu.memory_space<semaphore_mem>> -> memref<1x!tpu.dma_semaphore, #tpu.memory_space<semaphore_mem>>
        %dma_wait3A_905 = tpu.memref_squeeze %dma_wait3A_904 : memref<1x!tpu.dma_semaphore, #tpu.memory_space<semaphore_mem>> -> memref<!tpu.dma_semaphore, #tpu.memory_space<semaphore_mem>>
        tpu.wait_indirect_dma semaphore(%dma_wait3A_905 : memref<!tpu.dma_semaphore, #tpu.memory_space<semaphore_mem>>) src(%dma_wait3A_903 : memref<10000xf32, #tpu.memory_space<vmem_shared>>) dst(%dma_wait3A_900 : memref<80xf32, #tpu.memory_space<vmem>>)
        %mul3A_906 = arith.constant 80 : i32
        %mul3A_907 = arith.muli %add3A_893, %mul3A_906 : i32
        %dma_wait3A_908 = arith.constant 2 : i32
        %dma_wait3A_909 = arith.constant 2 : i32
        %dma_wait3A_910 = arith.constant 0 : i32
        %dma_wait3A_911 = tpu.memref_slice %arg17[%dma_wait3A_908, %dma_wait3A_910] : memref<4x80xf32, #tpu.memory_space<vmem>> -> memref<1x80xf32, #tpu.memory_space<vmem>>
        %dma_wait3A_912 = tpu.memref_squeeze %dma_wait3A_911 : memref<1x80xf32, #tpu.memory_space<vmem>> -> memref<80xf32, #tpu.memory_space<vmem>>
        %dma_wait3A_913 = tpu.memref_slice %arg12[%mul3A_907] : memref<2000xi32, #tpu.memory_space<vmem>> -> memref<80xi32, #tpu.memory_space<vmem>>
        %dma_wait3A_914 = arith.constant 0 : i32
        %dma_wait3A_915 = tpu.memref_slice %arg22[%dma_wait3A_914] : memref<10000xf32, #tpu.memory_space<vmem_shared>> -> memref<10000xf32, #tpu.memory_space<vmem_shared>>
        %dma_wait3A_916 = tpu.memref_slice %arg25[%dma_wait3A_909] : memref<4x!tpu.dma_semaphore, #tpu.memory_space<semaphore_mem>> -> memref<1x!tpu.dma_semaphore, #tpu.memory_space<semaphore_mem>>
        %dma_wait3A_917 = tpu.memref_squeeze %dma_wait3A_916 : memref<1x!tpu.dma_semaphore, #tpu.memory_space<semaphore_mem>> -> memref<!tpu.dma_semaphore, #tpu.memory_space<semaphore_mem>>
        tpu.wait_indirect_dma semaphore(%dma_wait3A_917 : memref<!tpu.dma_semaphore, #tpu.memory_space<semaphore_mem>>) src(%dma_wait3A_915 : memref<10000xf32, #tpu.memory_space<vmem_shared>>) dst(%dma_wait3A_912 : memref<80xf32, #tpu.memory_space<vmem>>)
        %mul3A_918 = arith.constant 80 : i32
        %mul3A_919 = arith.muli %add3A_893, %mul3A_918 : i32
        %add3A_920 = arith.constant 0 : i32
        %add3A_921 = arith.addi %mul3A_919, %add3A_920 : i32
        %get3A_922 = arith.index_cast %add3A_921 : i32 to index
        %get3A_923 = tpu.vector_load %arg12[%get3A_922] {strides = array<i32>} : memref<2000xi32, #tpu.memory_space<vmem>>, vector<16xi32>,
        %swap3A_924 = arith.constant 2 : i32
        %swap3A_925 = arith.index_cast %swap3A_924 : i32 to index
        %swap3A_926 = arith.constant 0 : index
        %swap3A_927 = tpu.vector_load %arg14[%swap3A_925, %swap3A_926] {strides = array<i32>} : memref<4x80xi32, #tpu.memory_space<vmem>>, vector<16xi32>,
        tpu.vector_store %arg14[%swap3A_925, %swap3A_926], %get3A_923 {strides = array<i32>} : memref<4x80xi32, #tpu.memory_space<vmem>>, vector<16xi32>,
        %get3A_928 = arith.constant 2 : i32
        %get3A_929 = arith.index_cast %get3A_928 : i32 to index
        %get3A_930 = arith.constant 0 : index
        %get3A_931 = tpu.vector_load %arg16[%get3A_929, %get3A_930] {strides = array<i32>} : memref<4x80xf32, #tpu.memory_space<vmem>>, vector<16xf32>,
        %get3A_932 = arith.constant 2 : i32
        %get3A_933 = arith.index_cast %get3A_932 : i32 to index
        %get3A_934 = arith.constant 0 : index
        %get3A_935 = tpu.vector_load %arg17[%get3A_933, %get3A_934] {strides = array<i32>} : memref<4x80xf32, #tpu.memory_space<vmem>>, vector<16xf32>,
        %add3A_936 = arith.addf %get3A_931, %get3A_935 : vector<16xf32>
        %mul3A_937 = arith.constant 2.000000e-01 : f32
        %mul3A_938 = vector.broadcast %mul3A_937 : f32 to vector<16xf32>
        %mul3A_939 = arith.mulf %mul3A_938, %add3A_936 : vector<16xf32>
        %max3A_940 = arith.maximumf %add3A_936, %mul3A_939 : vector<16xf32>
        %sub3A_941 = arith.subf %max3A_940, %get3A_1 : vector<16xf32>
        %exp3A_942 = math.exp %sub3A_941 : vector<16xf32>
        %swap3A_943 = arith.constant 2 : i32
        %swap3A_944 = arith.index_cast %swap3A_943 : i32 to index
        %swap3A_945 = arith.constant 0 : index
        %swap3A_946 = tpu.vector_load %arg15[%swap3A_944, %swap3A_945] {strides = array<i32>} : memref<4x80xf32, #tpu.memory_space<vmem>>, vector<16xf32>,
        tpu.vector_store %arg15[%swap3A_944, %swap3A_945], %exp3A_942 {strides = array<i32>} : memref<4x80xf32, #tpu.memory_space<vmem>>, vector<16xf32>,
        %mul3A_947 = arith.constant 80 : i32
        %mul3A_948 = arith.muli %add3A_893, %mul3A_947 : i32
        %add3A_949 = arith.constant 16 : i32
        %add3A_950 = arith.addi %mul3A_948, %add3A_949 : i32
        %get3A_951 = arith.index_cast %add3A_950 : i32 to index
        %get3A_952 = tpu.vector_load %arg12[%get3A_951] {strides = array<i32>} : memref<2000xi32, #tpu.memory_space<vmem>>, vector<16xi32>,
        %swap3A_953 = arith.constant 2 : i32
        %swap3A_954 = arith.index_cast %swap3A_953 : i32 to index
        %swap3A_955 = arith.constant 16 : index
        %swap3A_956 = tpu.vector_load %arg14[%swap3A_954, %swap3A_955] {strides = array<i32>} : memref<4x80xi32, #tpu.memory_space<vmem>>, vector<16xi32>,
        tpu.vector_store %arg14[%swap3A_954, %swap3A_955], %get3A_952 {strides = array<i32>} : memref<4x80xi32, #tpu.memory_space<vmem>>, vector<16xi32>,
        %get3A_957 = arith.constant 2 : i32
        %get3A_958 = arith.index_cast %get3A_957 : i32 to index
        %get3A_959 = arith.constant 16 : index
        %get3A_960 = tpu.vector_load %arg16[%get3A_958, %get3A_959] {strides = array<i32>} : memref<4x80xf32, #tpu.memory_space<vmem>>, vector<16xf32>,
        %get3A_961 = arith.constant 2 : i32
        %get3A_962 = arith.index_cast %get3A_961 : i32 to index
        %get3A_963 = arith.constant 16 : index
        %get3A_964 = tpu.vector_load %arg17[%get3A_962, %get3A_963] {strides = array<i32>} : memref<4x80xf32, #tpu.memory_space<vmem>>, vector<16xf32>,
        %add3A_965 = arith.addf %get3A_960, %get3A_964 : vector<16xf32>
        %mul3A_966 = arith.constant 2.000000e-01 : f32
        %mul3A_967 = vector.broadcast %mul3A_966 : f32 to vector<16xf32>
        %mul3A_968 = arith.mulf %mul3A_967, %add3A_965 : vector<16xf32>
        %max3A_969 = arith.maximumf %add3A_965, %mul3A_968 : vector<16xf32>
        %sub3A_970 = arith.subf %max3A_969, %get3A_1 : vector<16xf32>
        %exp3A_971 = math.exp %sub3A_970 : vector<16xf32>
        %swap3A_972 = arith.constant 2 : i32
        %swap3A_973 = arith.index_cast %swap3A_972 : i32 to index
        %swap3A_974 = arith.constant 16 : index
        %swap3A_975 = tpu.vector_load %arg15[%swap3A_973, %swap3A_974] {strides = array<i32>} : memref<4x80xf32, #tpu.memory_space<vmem>>, vector<16xf32>,
        tpu.vector_store %arg15[%swap3A_973, %swap3A_974], %exp3A_971 {strides = array<i32>} : memref<4x80xf32, #tpu.memory_space<vmem>>, vector<16xf32>,
        %mul3A_976 = arith.constant 80 : i32
        %mul3A_977 = arith.muli %add3A_893, %mul3A_976 : i32
        %add3A_978 = arith.constant 32 : i32
        %add3A_979 = arith.addi %mul3A_977, %add3A_978 : i32
        %get3A_980 = arith.index_cast %add3A_979 : i32 to index
        %get3A_981 = tpu.vector_load %arg12[%get3A_980] {strides = array<i32>} : memref<2000xi32, #tpu.memory_space<vmem>>, vector<16xi32>,
        %swap3A_982 = arith.constant 2 : i32
        %swap3A_983 = arith.index_cast %swap3A_982 : i32 to index
        %swap3A_984 = arith.constant 32 : index
        %swap3A_985 = tpu.vector_load %arg14[%swap3A_983, %swap3A_984] {strides = array<i32>} : memref<4x80xi32, #tpu.memory_space<vmem>>, vector<16xi32>,
        tpu.vector_store %arg14[%swap3A_983, %swap3A_984], %get3A_981 {strides = array<i32>} : memref<4x80xi32, #tpu.memory_space<vmem>>, vector<16xi32>,
        %get3A_986 = arith.constant 2 : i32
        %get3A_987 = arith.index_cast %get3A_986 : i32 to index
        %get3A_988 = arith.constant 32 : index
        %get3A_989 = tpu.vector_load %arg16[%get3A_987, %get3A_988] {strides = array<i32>} : memref<4x80xf32, #tpu.memory_space<vmem>>, vector<16xf32>,
        %get3A_990 = arith.constant 2 : i32
        %get3A_991 = arith.index_cast %get3A_990 : i32 to index
        %get3A_992 = arith.constant 32 : index
        %get3A_993 = tpu.vector_load %arg17[%get3A_991, %get3A_992] {strides = array<i32>} : memref<4x80xf32, #tpu.memory_space<vmem>>, vector<16xf32>,
        %add3A_994 = arith.addf %get3A_989, %get3A_993 : vector<16xf32>
        %mul3A_995 = arith.constant 2.000000e-01 : f32
        %mul3A_996 = vector.broadcast %mul3A_995 : f32 to vector<16xf32>
        %mul3A_997 = arith.mulf %mul3A_996, %add3A_994 : vector<16xf32>
        %max3A_998 = arith.maximumf %add3A_994, %mul3A_997 : vector<16xf32>
        %sub3A_999 = arith.subf %max3A_998, %get3A_1 : vector<16xf32>
        %exp3A_1000 = math.exp %sub3A_999 : vector<16xf32>
        %swap3A_1001 = arith.constant 2 : i32
        %swap3A_1002 = arith.index_cast %swap3A_1001 : i32 to index
        %swap3A_1003 = arith.constant 32 : index
        %swap3A_1004 = tpu.vector_load %arg15[%swap3A_1002, %swap3A_1003] {strides = array<i32>} : memref<4x80xf32, #tpu.memory_space<vmem>>, vector<16xf32>,
        tpu.vector_store %arg15[%swap3A_1002, %swap3A_1003], %exp3A_1000 {strides = array<i32>} : memref<4x80xf32, #tpu.memory_space<vmem>>, vector<16xf32>,
        %mul3A_1005 = arith.constant 80 : i32
        %mul3A_1006 = arith.muli %add3A_893, %mul3A_1005 : i32
        %add3A_1007 = arith.constant 48 : i32
        %add3A_1008 = arith.addi %mul3A_1006, %add3A_1007 : i32
        %get3A_1009 = arith.index_cast %add3A_1008 : i32 to index
        %get3A_1010 = tpu.vector_load %arg12[%get3A_1009] {strides = array<i32>} : memref<2000xi32, #tpu.memory_space<vmem>>, vector<16xi32>,
        %swap3A_1011 = arith.constant 2 : i32
        %swap3A_1012 = arith.index_cast %swap3A_1011 : i32 to index
        %swap3A_1013 = arith.constant 48 : index
        %swap3A_1014 = tpu.vector_load %arg14[%swap3A_1012, %swap3A_1013] {strides = array<i32>} : memref<4x80xi32, #tpu.memory_space<vmem>>, vector<16xi32>,
        tpu.vector_store %arg14[%swap3A_1012, %swap3A_1013], %get3A_1010 {strides = array<i32>} : memref<4x80xi32, #tpu.memory_space<vmem>>, vector<16xi32>,
        %get3A_1015 = arith.constant 2 : i32
        %get3A_1016 = arith.index_cast %get3A_1015 : i32 to index
        %get3A_1017 = arith.constant 48 : index
        %get3A_1018 = tpu.vector_load %arg16[%get3A_1016, %get3A_1017] {strides = array<i32>} : memref<4x80xf32, #tpu.memory_space<vmem>>, vector<16xf32>,
        %get3A_1019 = arith.constant 2 : i32
        %get3A_1020 = arith.index_cast %get3A_1019 : i32 to index
        %get3A_1021 = arith.constant 48 : index
        %get3A_1022 = tpu.vector_load %arg17[%get3A_1020, %get3A_1021] {strides = array<i32>} : memref<4x80xf32, #tpu.memory_space<vmem>>, vector<16xf32>,
        %add3A_1023 = arith.addf %get3A_1018, %get3A_1022 : vector<16xf32>
        %mul3A_1024 = arith.constant 2.000000e-01 : f32
        %mul3A_1025 = vector.broadcast %mul3A_1024 : f32 to vector<16xf32>
        %mul3A_1026 = arith.mulf %mul3A_1025, %add3A_1023 : vector<16xf32>
        %max3A_1027 = arith.maximumf %add3A_1023, %mul3A_1026 : vector<16xf32>
        %sub3A_1028 = arith.subf %max3A_1027, %get3A_1 : vector<16xf32>
        %exp3A_1029 = math.exp %sub3A_1028 : vector<16xf32>
        %swap3A_1030 = arith.constant 2 : i32
        %swap3A_1031 = arith.index_cast %swap3A_1030 : i32 to index
        %swap3A_1032 = arith.constant 48 : index
        %swap3A_1033 = tpu.vector_load %arg15[%swap3A_1031, %swap3A_1032] {strides = array<i32>} : memref<4x80xf32, #tpu.memory_space<vmem>>, vector<16xf32>,
        tpu.vector_store %arg15[%swap3A_1031, %swap3A_1032], %exp3A_1029 {strides = array<i32>} : memref<4x80xf32, #tpu.memory_space<vmem>>, vector<16xf32>,
        %mul3A_1034 = arith.constant 80 : i32
        %mul3A_1035 = arith.muli %add3A_893, %mul3A_1034 : i32
        %add3A_1036 = arith.constant 64 : i32
        %add3A_1037 = arith.addi %mul3A_1035, %add3A_1036 : i32
        %get3A_1038 = arith.index_cast %add3A_1037 : i32 to index
        %get3A_1039 = tpu.vector_load %arg12[%get3A_1038] {strides = array<i32>} : memref<2000xi32, #tpu.memory_space<vmem>>, vector<16xi32>,
        %swap3A_1040 = arith.constant 2 : i32
        %swap3A_1041 = arith.index_cast %swap3A_1040 : i32 to index
        %swap3A_1042 = arith.constant 64 : index
        %swap3A_1043 = tpu.vector_load %arg14[%swap3A_1041, %swap3A_1042] {strides = array<i32>} : memref<4x80xi32, #tpu.memory_space<vmem>>, vector<16xi32>,
        tpu.vector_store %arg14[%swap3A_1041, %swap3A_1042], %get3A_1039 {strides = array<i32>} : memref<4x80xi32, #tpu.memory_space<vmem>>, vector<16xi32>,
        %get3A_1044 = arith.constant 2 : i32
        %get3A_1045 = arith.index_cast %get3A_1044 : i32 to index
        %get3A_1046 = arith.constant 64 : index
        %get3A_1047 = tpu.vector_load %arg16[%get3A_1045, %get3A_1046] {strides = array<i32>} : memref<4x80xf32, #tpu.memory_space<vmem>>, vector<16xf32>,
        %get3A_1048 = arith.constant 2 : i32
        %get3A_1049 = arith.index_cast %get3A_1048 : i32 to index
        %get3A_1050 = arith.constant 64 : index
        %get3A_1051 = tpu.vector_load %arg17[%get3A_1049, %get3A_1050] {strides = array<i32>} : memref<4x80xf32, #tpu.memory_space<vmem>>, vector<16xf32>,
        %add3A_1052 = arith.addf %get3A_1047, %get3A_1051 : vector<16xf32>
        %mul3A_1053 = arith.constant 2.000000e-01 : f32
        %mul3A_1054 = vector.broadcast %mul3A_1053 : f32 to vector<16xf32>
        %mul3A_1055 = arith.mulf %mul3A_1054, %add3A_1052 : vector<16xf32>
        %max3A_1056 = arith.maximumf %add3A_1052, %mul3A_1055 : vector<16xf32>
        %sub3A_1057 = arith.subf %max3A_1056, %get3A_1 : vector<16xf32>
        %exp3A_1058 = math.exp %sub3A_1057 : vector<16xf32>
        %swap3A_1059 = arith.constant 2 : i32
        %swap3A_1060 = arith.index_cast %swap3A_1059 : i32 to index
        %swap3A_1061 = arith.constant 64 : index
        %swap3A_1062 = tpu.vector_load %arg15[%swap3A_1060, %swap3A_1061] {strides = array<i32>} : memref<4x80xf32, #tpu.memory_space<vmem>>, vector<16xf32>,
        tpu.vector_store %arg15[%swap3A_1060, %swap3A_1061], %exp3A_1058 {strides = array<i32>} : memref<4x80xf32, #tpu.memory_space<vmem>>, vector<16xf32>,
        %mul3A_1063 = arith.constant 80 : i32
        %mul3A_1064 = arith.muli %add3A_893, %mul3A_1063 : i32
        %dma_wait3A_1065 = arith.constant 2 : i32
        %dma_wait3A_1066 = arith.constant 2 : i32
        %dma_wait3A_1067 = arith.constant 0 : i32
        %dma_wait3A_1068 = arith.constant 0 : i32
        %dma_wait3A_1069 = tpu.memref_slice %arg18[%dma_wait3A_1065, %dma_wait3A_1067, %dma_wait3A_1068] : memref<4x80x128xf32, #tpu.memory_space<vmem>> -> memref<1x80x128xf32, #tpu.memory_space<vmem>>
        %dma_wait3A_1070 = tpu.memref_squeeze %dma_wait3A_1069 : memref<1x80x128xf32, #tpu.memory_space<vmem>> -> memref<80x128xf32, #tpu.memory_space<vmem>>
        %dma_wait3A_1071 = tpu.memref_slice %arg11[%mul3A_1064] : memref<2000xi32, #tpu.memory_space<vmem>> -> memref<80xi32, #tpu.memory_space<vmem>>
        %dma_wait3A_1072 = arith.constant 0 : i32
        %dma_wait3A_1073 = arith.constant 0 : i32
        %dma_wait3A_1074 = tpu.memref_slice %arg7[%dma_wait3A_1072, %dma_wait3A_1073] : memref<10000x128xf32, #tpu.memory_space<hbm>> -> memref<10000x128xf32, #tpu.memory_space<hbm>>
        %dma_wait3A_1075 = tpu.memref_slice %arg23[%dma_wait3A_1066] : memref<4x!tpu.dma_semaphore, #tpu.memory_space<semaphore_mem>> -> memref<1x!tpu.dma_semaphore, #tpu.memory_space<semaphore_mem>>
        %dma_wait3A_1076 = tpu.memref_squeeze %dma_wait3A_1075 : memref<1x!tpu.dma_semaphore, #tpu.memory_space<semaphore_mem>> -> memref<!tpu.dma_semaphore, #tpu.memory_space<semaphore_mem>>
        tpu.wait_indirect_dma semaphore(%dma_wait3A_1076 : memref<!tpu.dma_semaphore, #tpu.memory_space<semaphore_mem>>) src(%dma_wait3A_1074 : memref<10000x128xf32, #tpu.memory_space<hbm>>) dst(%dma_wait3A_1070 : memref<80x128xf32, #tpu.memory_space<vmem>>)
        %scan3A_1077 = arith.constant 0 : i32
        %scan3A_1078 = arith.constant 80 : i32
        %scan3A_1079 = arith.addi %scan3A_1077, %scan3A_1078 : i32
        %scan3A_1080 = arith.constant 4 : i32
        scf.for %scan3A_1354 = %scan3A_1077 to %scan3A_1079 step %scan3A_1080  : i32 {
          %mul3A_1355 = arith.constant 1 : i32
          %mul3A_1356 = arith.muli %scan3A_1354, %mul3A_1355 : i32
          %add3A_1357 = arith.constant 0 : i32
          %add3A_1358 = arith.addi %add3A_1357, %mul3A_1356 : i32
          %broadcast_in_dim3A_1359 = arith.constant 0 : i32
          %broadcast_in_dim3A_1360 = vector.broadcast %broadcast_in_dim3A_1359 : i32 to vector<16xi32>
          %add3A_1361 = vector.broadcast %add3A_1358 : i32 to vector<16xi32>
          %add3A_1362 = arith.addi %broadcast_in_dim3A_1360, %add3A_1361 : vector<16xi32>
          %gather3A = arith.constant 2 : i32
          %gather3A_1363 = arith.constant 0 : i32
          %gather3A_1364 = tpu.memref_slice %arg15[%gather3A, %gather3A_1363] : memref<4x80xf32, #tpu.memory_space<vmem>> -> memref<1x80xf32, #tpu.memory_space<vmem>>
          %gather3A_1365 = tpu.memref_squeeze %gather3A_1364 : memref<1x80xf32, #tpu.memory_space<vmem>> -> memref<80xf32, #tpu.memory_space<vmem>>
          %gather3A_1366 = tpu.vector_load_idx %gather3A_1365[%add3A_1362] : memref<80xf32, #tpu.memory_space<vmem>>[vector<16xi32>], vector<16xf32>,
          %get3A_1367 = arith.constant 2 : i32
          %get3A_1368 = arith.index_cast %get3A_1367 : i32 to index
          %get3A_1369 = arith.index_cast %add3A_1358 : i32 to index
          %get3A_1370 = arith.constant 0 : index
          %get3A_1371 = tpu.vector_load %arg18[%get3A_1368, %get3A_1369, %get3A_1370] {strides = array<i32>} : memref<4x80x128xf32, #tpu.memory_space<vmem>>, vector<16xf32>,
          %mul3A_1372 = arith.mulf %get3A_1371, %gather3A_1366 : vector<16xf32>
          %swap3A_1373 = arith.constant 2 : i32
          %swap3A_1374 = arith.index_cast %swap3A_1373 : i32 to index
          %swap3A_1375 = arith.index_cast %add3A_1358 : i32 to index
          %swap3A_1376 = arith.constant 0 : index
          %swap3A_1377 = tpu.vector_load %arg18[%swap3A_1374, %swap3A_1375, %swap3A_1376] {strides = array<i32>} : memref<4x80x128xf32, #tpu.memory_space<vmem>>, vector<16xf32>,
          tpu.vector_store %arg18[%swap3A_1374, %swap3A_1375, %swap3A_1376], %mul3A_1372 {strides = array<i32>} : memref<4x80x128xf32, #tpu.memory_space<vmem>>, vector<16xf32>,
          %get3A_1378 = arith.constant 2 : i32
          %get3A_1379 = arith.index_cast %get3A_1378 : i32 to index
          %get3A_1380 = arith.index_cast %add3A_1358 : i32 to index
          %get3A_1381 = arith.constant 16 : index
          %get3A_1382 = tpu.vector_load %arg18[%get3A_1379, %get3A_1380, %get3A_1381] {strides = array<i32>} : memref<4x80x128xf32, #tpu.memory_space<vmem>>, vector<16xf32>,
          %mul3A_1383 = arith.mulf %get3A_1382, %gather3A_1366 : vector<16xf32>
          %swap3A_1384 = arith.constant 2 : i32
          %swap3A_1385 = arith.index_cast %swap3A_1384 : i32 to index
          %swap3A_1386 = arith.index_cast %add3A_1358 : i32 to index
          %swap3A_1387 = arith.constant 16 : index
          %swap3A_1388 = tpu.vector_load %arg18[%swap3A_1385, %swap3A_1386, %swap3A_1387] {strides = array<i32>} : memref<4x80x128xf32, #tpu.memory_space<vmem>>, vector<16xf32>,
          tpu.vector_store %arg18[%swap3A_1385, %swap3A_1386, %swap3A_1387], %mul3A_1383 {strides = array<i32>} : memref<4x80x128xf32, #tpu.memory_space<vmem>>, vector<16xf32>,
          %get3A_1389 = arith.constant 2 : i32
          %get3A_1390 = arith.index_cast %get3A_1389 : i32 to index
          %get3A_1391 = arith.index_cast %add3A_1358 : i32 to index
          %get3A_1392 = arith.constant 32 : index
          %get3A_1393 = tpu.vector_load %arg18[%get3A_1390, %get3A_1391, %get3A_1392] {strides = array<i32>} : memref<4x80x128xf32, #tpu.memory_space<vmem>>, vector<16xf32>,
          %mul3A_1394 = arith.mulf %get3A_1393, %gather3A_1366 : vector<16xf32>
          %swap3A_1395 = arith.constant 2 : i32
          %swap3A_1396 = arith.index_cast %swap3A_1395 : i32 to index
          %swap3A_1397 = arith.index_cast %add3A_1358 : i32 to index
          %swap3A_1398 = arith.constant 32 : index
          %swap3A_1399 = tpu.vector_load %arg18[%swap3A_1396, %swap3A_1397, %swap3A_1398] {strides = array<i32>} : memref<4x80x128xf32, #tpu.memory_space<vmem>>, vector<16xf32>,
          tpu.vector_store %arg18[%swap3A_1396, %swap3A_1397, %swap3A_1398], %mul3A_1394 {strides = array<i32>} : memref<4x80x128xf32, #tpu.memory_space<vmem>>, vector<16xf32>,
          %get3A_1400 = arith.constant 2 : i32
          %get3A_1401 = arith.index_cast %get3A_1400 : i32 to index
          %get3A_1402 = arith.index_cast %add3A_1358 : i32 to index
          %get3A_1403 = arith.constant 48 : index
          %get3A_1404 = tpu.vector_load %arg18[%get3A_1401, %get3A_1402, %get3A_1403] {strides = array<i32>} : memref<4x80x128xf32, #tpu.memory_space<vmem>>, vector<16xf32>,
          %mul3A_1405 = arith.mulf %get3A_1404, %gather3A_1366 : vector<16xf32>
          %swap3A_1406 = arith.constant 2 : i32
          %swap3A_1407 = arith.index_cast %swap3A_1406 : i32 to index
          %swap3A_1408 = arith.index_cast %add3A_1358 : i32 to index
          %swap3A_1409 = arith.constant 48 : index
          %swap3A_1410 = tpu.vector_load %arg18[%swap3A_1407, %swap3A_1408, %swap3A_1409] {strides = array<i32>} : memref<4x80x128xf32, #tpu.memory_space<vmem>>, vector<16xf32>,
          tpu.vector_store %arg18[%swap3A_1407, %swap3A_1408, %swap3A_1409], %mul3A_1405 {strides = array<i32>} : memref<4x80x128xf32, #tpu.memory_space<vmem>>, vector<16xf32>,
          %get3A_1411 = arith.constant 2 : i32
          %get3A_1412 = arith.index_cast %get3A_1411 : i32 to index
          %get3A_1413 = arith.index_cast %add3A_1358 : i32 to index
          %get3A_1414 = arith.constant 64 : index
          %get3A_1415 = tpu.vector_load %arg18[%get3A_1412, %get3A_1413, %get3A_1414] {strides = array<i32>} : memref<4x80x128xf32, #tpu.memory_space<vmem>>, vector<16xf32>,
          %mul3A_1416 = arith.mulf %get3A_1415, %gather3A_1366 : vector<16xf32>
          %swap3A_1417 = arith.constant 2 : i32
          %swap3A_1418 = arith.index_cast %swap3A_1417 : i32 to index
          %swap3A_1419 = arith.index_cast %add3A_1358 : i32 to index
          %swap3A_1420 = arith.constant 64 : index
          %swap3A_1421 = tpu.vector_load %arg18[%swap3A_1418, %swap3A_1419, %swap3A_1420] {strides = array<i32>} : memref<4x80x128xf32, #tpu.memory_space<vmem>>, vector<16xf32>,
          tpu.vector_store %arg18[%swap3A_1418, %swap3A_1419, %swap3A_1420], %mul3A_1416 {strides = array<i32>} : memref<4x80x128xf32, #tpu.memory_space<vmem>>, vector<16xf32>,
          %get3A_1422 = arith.constant 2 : i32
          %get3A_1423 = arith.index_cast %get3A_1422 : i32 to index
          %get3A_1424 = arith.index_cast %add3A_1358 : i32 to index
          %get3A_1425 = arith.constant 80 : index
          %get3A_1426 = tpu.vector_load %arg18[%get3A_1423, %get3A_1424, %get3A_1425] {strides = array<i32>} : memref<4x80x128xf32, #tpu.memory_space<vmem>>, vector<16xf32>,
          %mul3A_1427 = arith.mulf %get3A_1426, %gather3A_1366 : vector<16xf32>
          %swap3A_1428 = arith.constant 2 : i32
          %swap3A_1429 = arith.index_cast %swap3A_1428 : i32 to index
          %swap3A_1430 = arith.index_cast %add3A_1358 : i32 to index
          %swap3A_1431 = arith.constant 80 : index
          %swap3A_1432 = tpu.vector_load %arg18[%swap3A_1429, %swap3A_1430, %swap3A_1431] {strides = array<i32>} : memref<4x80x128xf32, #tpu.memory_space<vmem>>, vector<16xf32>,
          tpu.vector_store %arg18[%swap3A_1429, %swap3A_1430, %swap3A_1431], %mul3A_1427 {strides = array<i32>} : memref<4x80x128xf32, #tpu.memory_space<vmem>>, vector<16xf32>,
          %get3A_1433 = arith.constant 2 : i32
          %get3A_1434 = arith.index_cast %get3A_1433 : i32 to index
          %get3A_1435 = arith.index_cast %add3A_1358 : i32 to index
          %get3A_1436 = arith.constant 96 : index
          %get3A_1437 = tpu.vector_load %arg18[%get3A_1434, %get3A_1435, %get3A_1436] {strides = array<i32>} : memref<4x80x128xf32, #tpu.memory_space<vmem>>, vector<16xf32>,
          %mul3A_1438 = arith.mulf %get3A_1437, %gather3A_1366 : vector<16xf32>
          %swap3A_1439 = arith.constant 2 : i32
          %swap3A_1440 = arith.index_cast %swap3A_1439 : i32 to index
          %swap3A_1441 = arith.index_cast %add3A_1358 : i32 to index
          %swap3A_1442 = arith.constant 96 : index
          %swap3A_1443 = tpu.vector_load %arg18[%swap3A_1440, %swap3A_1441, %swap3A_1442] {strides = array<i32>} : memref<4x80x128xf32, #tpu.memory_space<vmem>>, vector<16xf32>,
          tpu.vector_store %arg18[%swap3A_1440, %swap3A_1441, %swap3A_1442], %mul3A_1438 {strides = array<i32>} : memref<4x80x128xf32, #tpu.memory_space<vmem>>, vector<16xf32>,
          %get3A_1444 = arith.constant 2 : i32
          %get3A_1445 = arith.index_cast %get3A_1444 : i32 to index
          %get3A_1446 = arith.index_cast %add3A_1358 : i32 to index
          %get3A_1447 = arith.constant 112 : index
          %get3A_1448 = tpu.vector_load %arg18[%get3A_1445, %get3A_1446, %get3A_1447] {strides = array<i32>} : memref<4x80x128xf32, #tpu.memory_space<vmem>>, vector<16xf32>,
          %mul3A_1449 = arith.mulf %get3A_1448, %gather3A_1366 : vector<16xf32>
          %swap3A_1450 = arith.constant 2 : i32
          %swap3A_1451 = arith.index_cast %swap3A_1450 : i32 to index
          %swap3A_1452 = arith.index_cast %add3A_1358 : i32 to index
          %swap3A_1453 = arith.constant 112 : index
          %swap3A_1454 = tpu.vector_load %arg18[%swap3A_1451, %swap3A_1452, %swap3A_1453] {strides = array<i32>} : memref<4x80x128xf32, #tpu.memory_space<vmem>>, vector<16xf32>,
          tpu.vector_store %arg18[%swap3A_1451, %swap3A_1452, %swap3A_1453], %mul3A_1449 {strides = array<i32>} : memref<4x80x128xf32, #tpu.memory_space<vmem>>, vector<16xf32>,
          %scan3A_1455 = arith.constant 1 : i32
          %scan3A_1456 = arith.addi %scan3A_1354, %scan3A_1455 : i32
          %mul3A_1457 = arith.constant 1 : i32
          %mul3A_1458 = arith.muli %scan3A_1456, %mul3A_1457 : i32
          %add3A_1459 = arith.constant 0 : i32
          %add3A_1460 = arith.addi %add3A_1459, %mul3A_1458 : i32
          %broadcast_in_dim3A_1461 = arith.constant 0 : i32
          %broadcast_in_dim3A_1462 = vector.broadcast %broadcast_in_dim3A_1461 : i32 to vector<16xi32>
          %add3A_1463 = vector.broadcast %add3A_1460 : i32 to vector<16xi32>
          %add3A_1464 = arith.addi %broadcast_in_dim3A_1462, %add3A_1463 : vector<16xi32>
          %gather3A_1465 = arith.constant 2 : i32
          %gather3A_1466 = arith.constant 0 : i32
          %gather3A_1467 = tpu.memref_slice %arg15[%gather3A_1465, %gather3A_1466] : memref<4x80xf32, #tpu.memory_space<vmem>> -> memref<1x80xf32, #tpu.memory_space<vmem>>
          %gather3A_1468 = tpu.memref_squeeze %gather3A_1467 : memref<1x80xf32, #tpu.memory_space<vmem>> -> memref<80xf32, #tpu.memory_space<vmem>>
          %gather3A_1469 = tpu.vector_load_idx %gather3A_1468[%add3A_1464] : memref<80xf32, #tpu.memory_space<vmem>>[vector<16xi32>], vector<16xf32>,
          %get3A_1470 = arith.constant 2 : i32
          %get3A_1471 = arith.index_cast %get3A_1470 : i32 to index
          %get3A_1472 = arith.index_cast %add3A_1460 : i32 to index
          %get3A_1473 = arith.constant 0 : index
          %get3A_1474 = tpu.vector_load %arg18[%get3A_1471, %get3A_1472, %get3A_1473] {strides = array<i32>} : memref<4x80x128xf32, #tpu.memory_space<vmem>>, vector<16xf32>,
          %mul3A_1475 = arith.mulf %get3A_1474, %gather3A_1469 : vector<16xf32>
          %swap3A_1476 = arith.constant 2 : i32
          %swap3A_1477 = arith.index_cast %swap3A_1476 : i32 to index
          %swap3A_1478 = arith.index_cast %add3A_1460 : i32 to index
          %swap3A_1479 = arith.constant 0 : index
          %swap3A_1480 = tpu.vector_load %arg18[%swap3A_1477, %swap3A_1478, %swap3A_1479] {strides = array<i32>} : memref<4x80x128xf32, #tpu.memory_space<vmem>>, vector<16xf32>,
          tpu.vector_store %arg18[%swap3A_1477, %swap3A_1478, %swap3A_1479], %mul3A_1475 {strides = array<i32>} : memref<4x80x128xf32, #tpu.memory_space<vmem>>, vector<16xf32>,
          %get3A_1481 = arith.constant 2 : i32
          %get3A_1482 = arith.index_cast %get3A_1481 : i32 to index
          %get3A_1483 = arith.index_cast %add3A_1460 : i32 to index
          %get3A_1484 = arith.constant 16 : index
          %get3A_1485 = tpu.vector_load %arg18[%get3A_1482, %get3A_1483, %get3A_1484] {strides = array<i32>} : memref<4x80x128xf32, #tpu.memory_space<vmem>>, vector<16xf32>,
          %mul3A_1486 = arith.mulf %get3A_1485, %gather3A_1469 : vector<16xf32>
          %swap3A_1487 = arith.constant 2 : i32
          %swap3A_1488 = arith.index_cast %swap3A_1487 : i32 to index
          %swap3A_1489 = arith.index_cast %add3A_1460 : i32 to index
          %swap3A_1490 = arith.constant 16 : index
          %swap3A_1491 = tpu.vector_load %arg18[%swap3A_1488, %swap3A_1489, %swap3A_1490] {strides = array<i32>} : memref<4x80x128xf32, #tpu.memory_space<vmem>>, vector<16xf32>,
          tpu.vector_store %arg18[%swap3A_1488, %swap3A_1489, %swap3A_1490], %mul3A_1486 {strides = array<i32>} : memref<4x80x128xf32, #tpu.memory_space<vmem>>, vector<16xf32>,
          %get3A_1492 = arith.constant 2 : i32
          %get3A_1493 = arith.index_cast %get3A_1492 : i32 to index
          %get3A_1494 = arith.index_cast %add3A_1460 : i32 to index
          %get3A_1495 = arith.constant 32 : index
          %get3A_1496 = tpu.vector_load %arg18[%get3A_1493, %get3A_1494, %get3A_1495] {strides = array<i32>} : memref<4x80x128xf32, #tpu.memory_space<vmem>>, vector<16xf32>,
          %mul3A_1497 = arith.mulf %get3A_1496, %gather3A_1469 : vector<16xf32>
          %swap3A_1498 = arith.constant 2 : i32
          %swap3A_1499 = arith.index_cast %swap3A_1498 : i32 to index
          %swap3A_1500 = arith.index_cast %add3A_1460 : i32 to index
          %swap3A_1501 = arith.constant 32 : index
          %swap3A_1502 = tpu.vector_load %arg18[%swap3A_1499, %swap3A_1500, %swap3A_1501] {strides = array<i32>} : memref<4x80x128xf32, #tpu.memory_space<vmem>>, vector<16xf32>,
          tpu.vector_store %arg18[%swap3A_1499, %swap3A_1500, %swap3A_1501], %mul3A_1497 {strides = array<i32>} : memref<4x80x128xf32, #tpu.memory_space<vmem>>, vector<16xf32>,
          %get3A_1503 = arith.constant 2 : i32
          %get3A_1504 = arith.index_cast %get3A_1503 : i32 to index
          %get3A_1505 = arith.index_cast %add3A_1460 : i32 to index
          %get3A_1506 = arith.constant 48 : index
          %get3A_1507 = tpu.vector_load %arg18[%get3A_1504, %get3A_1505, %get3A_1506] {strides = array<i32>} : memref<4x80x128xf32, #tpu.memory_space<vmem>>, vector<16xf32>,
          %mul3A_1508 = arith.mulf %get3A_1507, %gather3A_1469 : vector<16xf32>
          %swap3A_1509 = arith.constant 2 : i32
          %swap3A_1510 = arith.index_cast %swap3A_1509 : i32 to index
          %swap3A_1511 = arith.index_cast %add3A_1460 : i32 to index
          %swap3A_1512 = arith.constant 48 : index
          %swap3A_1513 = tpu.vector_load %arg18[%swap3A_1510, %swap3A_1511, %swap3A_1512] {strides = array<i32>} : memref<4x80x128xf32, #tpu.memory_space<vmem>>, vector<16xf32>,
          tpu.vector_store %arg18[%swap3A_1510, %swap3A_1511, %swap3A_1512], %mul3A_1508 {strides = array<i32>} : memref<4x80x128xf32, #tpu.memory_space<vmem>>, vector<16xf32>,
          %get3A_1514 = arith.constant 2 : i32
          %get3A_1515 = arith.index_cast %get3A_1514 : i32 to index
          %get3A_1516 = arith.index_cast %add3A_1460 : i32 to index
          %get3A_1517 = arith.constant 64 : index
          %get3A_1518 = tpu.vector_load %arg18[%get3A_1515, %get3A_1516, %get3A_1517] {strides = array<i32>} : memref<4x80x128xf32, #tpu.memory_space<vmem>>, vector<16xf32>,
          %mul3A_1519 = arith.mulf %get3A_1518, %gather3A_1469 : vector<16xf32>
          %swap3A_1520 = arith.constant 2 : i32
          %swap3A_1521 = arith.index_cast %swap3A_1520 : i32 to index
          %swap3A_1522 = arith.index_cast %add3A_1460 : i32 to index
          %swap3A_1523 = arith.constant 64 : index
          %swap3A_1524 = tpu.vector_load %arg18[%swap3A_1521, %swap3A_1522, %swap3A_1523] {strides = array<i32>} : memref<4x80x128xf32, #tpu.memory_space<vmem>>, vector<16xf32>,
          tpu.vector_store %arg18[%swap3A_1521, %swap3A_1522, %swap3A_1523], %mul3A_1519 {strides = array<i32>} : memref<4x80x128xf32, #tpu.memory_space<vmem>>, vector<16xf32>,
          %get3A_1525 = arith.constant 2 : i32
          %get3A_1526 = arith.index_cast %get3A_1525 : i32 to index
          %get3A_1527 = arith.index_cast %add3A_1460 : i32 to index
          %get3A_1528 = arith.constant 80 : index
          %get3A_1529 = tpu.vector_load %arg18[%get3A_1526, %get3A_1527, %get3A_1528] {strides = array<i32>} : memref<4x80x128xf32, #tpu.memory_space<vmem>>, vector<16xf32>,
          %mul3A_1530 = arith.mulf %get3A_1529, %gather3A_1469 : vector<16xf32>
          %swap3A_1531 = arith.constant 2 : i32
          %swap3A_1532 = arith.index_cast %swap3A_1531 : i32 to index
          %swap3A_1533 = arith.index_cast %add3A_1460 : i32 to index
          %swap3A_1534 = arith.constant 80 : index
          %swap3A_1535 = tpu.vector_load %arg18[%swap3A_1532, %swap3A_1533, %swap3A_1534] {strides = array<i32>} : memref<4x80x128xf32, #tpu.memory_space<vmem>>, vector<16xf32>,
          tpu.vector_store %arg18[%swap3A_1532, %swap3A_1533, %swap3A_1534], %mul3A_1530 {strides = array<i32>} : memref<4x80x128xf32, #tpu.memory_space<vmem>>, vector<16xf32>,
          %get3A_1536 = arith.constant 2 : i32
          %get3A_1537 = arith.index_cast %get3A_1536 : i32 to index
          %get3A_1538 = arith.index_cast %add3A_1460 : i32 to index
          %get3A_1539 = arith.constant 96 : index
          %get3A_1540 = tpu.vector_load %arg18[%get3A_1537, %get3A_1538, %get3A_1539] {strides = array<i32>} : memref<4x80x128xf32, #tpu.memory_space<vmem>>, vector<16xf32>,
          %mul3A_1541 = arith.mulf %get3A_1540, %gather3A_1469 : vector<16xf32>
          %swap3A_1542 = arith.constant 2 : i32
          %swap3A_1543 = arith.index_cast %swap3A_1542 : i32 to index
          %swap3A_1544 = arith.index_cast %add3A_1460 : i32 to index
          %swap3A_1545 = arith.constant 96 : index
          %swap3A_1546 = tpu.vector_load %arg18[%swap3A_1543, %swap3A_1544, %swap3A_1545] {strides = array<i32>} : memref<4x80x128xf32, #tpu.memory_space<vmem>>, vector<16xf32>,
          tpu.vector_store %arg18[%swap3A_1543, %swap3A_1544, %swap3A_1545], %mul3A_1541 {strides = array<i32>} : memref<4x80x128xf32, #tpu.memory_space<vmem>>, vector<16xf32>,
          %get3A_1547 = arith.constant 2 : i32
          %get3A_1548 = arith.index_cast %get3A_1547 : i32 to index
          %get3A_1549 = arith.index_cast %add3A_1460 : i32 to index
          %get3A_1550 = arith.constant 112 : index
          %get3A_1551 = tpu.vector_load %arg18[%get3A_1548, %get3A_1549, %get3A_1550] {strides = array<i32>} : memref<4x80x128xf32, #tpu.memory_space<vmem>>, vector<16xf32>,
          %mul3A_1552 = arith.mulf %get3A_1551, %gather3A_1469 : vector<16xf32>
          %swap3A_1553 = arith.constant 2 : i32
          %swap3A_1554 = arith.index_cast %swap3A_1553 : i32 to index
          %swap3A_1555 = arith.index_cast %add3A_1460 : i32 to index
          %swap3A_1556 = arith.constant 112 : index
          %swap3A_1557 = tpu.vector_load %arg18[%swap3A_1554, %swap3A_1555, %swap3A_1556] {strides = array<i32>} : memref<4x80x128xf32, #tpu.memory_space<vmem>>, vector<16xf32>,
          tpu.vector_store %arg18[%swap3A_1554, %swap3A_1555, %swap3A_1556], %mul3A_1552 {strides = array<i32>} : memref<4x80x128xf32, #tpu.memory_space<vmem>>, vector<16xf32>,
          %scan3A_1558 = arith.constant 2 : i32
          %scan3A_1559 = arith.addi %scan3A_1354, %scan3A_1558 : i32
          %mul3A_1560 = arith.constant 1 : i32
          %mul3A_1561 = arith.muli %scan3A_1559, %mul3A_1560 : i32
          %add3A_1562 = arith.constant 0 : i32
          %add3A_1563 = arith.addi %add3A_1562, %mul3A_1561 : i32
          %broadcast_in_dim3A_1564 = arith.constant 0 : i32
          %broadcast_in_dim3A_1565 = vector.broadcast %broadcast_in_dim3A_1564 : i32 to vector<16xi32>
          %add3A_1566 = vector.broadcast %add3A_1563 : i32 to vector<16xi32>
          %add3A_1567 = arith.addi %broadcast_in_dim3A_1565, %add3A_1566 : vector<16xi32>
          %gather3A_1568 = arith.constant 2 : i32
          %gather3A_1569 = arith.constant 0 : i32
          %gather3A_1570 = tpu.memref_slice %arg15[%gather3A_1568, %gather3A_1569] : memref<4x80xf32, #tpu.memory_space<vmem>> -> memref<1x80xf32, #tpu.memory_space<vmem>>
          %gather3A_1571 = tpu.memref_squeeze %gather3A_1570 : memref<1x80xf32, #tpu.memory_space<vmem>> -> memref<80xf32, #tpu.memory_space<vmem>>
          %gather3A_1572 = tpu.vector_load_idx %gather3A_1571[%add3A_1567] : memref<80xf32, #tpu.memory_space<vmem>>[vector<16xi32>], vector<16xf32>,
          %get3A_1573 = arith.constant 2 : i32
          %get3A_1574 = arith.index_cast %get3A_1573 : i32 to index
          %get3A_1575 = arith.index_cast %add3A_1563 : i32 to index
          %get3A_1576 = arith.constant 0 : index
          %get3A_1577 = tpu.vector_load %arg18[%get3A_1574, %get3A_1575, %get3A_1576] {strides = array<i32>} : memref<4x80x128xf32, #tpu.memory_space<vmem>>, vector<16xf32>,
          %mul3A_1578 = arith.mulf %get3A_1577, %gather3A_1572 : vector<16xf32>
          %swap3A_1579 = arith.constant 2 : i32
          %swap3A_1580 = arith.index_cast %swap3A_1579 : i32 to index
          %swap3A_1581 = arith.index_cast %add3A_1563 : i32 to index
          %swap3A_1582 = arith.constant 0 : index
          %swap3A_1583 = tpu.vector_load %arg18[%swap3A_1580, %swap3A_1581, %swap3A_1582] {strides = array<i32>} : memref<4x80x128xf32, #tpu.memory_space<vmem>>, vector<16xf32>,
          tpu.vector_store %arg18[%swap3A_1580, %swap3A_1581, %swap3A_1582], %mul3A_1578 {strides = array<i32>} : memref<4x80x128xf32, #tpu.memory_space<vmem>>, vector<16xf32>,
          %get3A_1584 = arith.constant 2 : i32
          %get3A_1585 = arith.index_cast %get3A_1584 : i32 to index
          %get3A_1586 = arith.index_cast %add3A_1563 : i32 to index
          %get3A_1587 = arith.constant 16 : index
          %get3A_1588 = tpu.vector_load %arg18[%get3A_1585, %get3A_1586, %get3A_1587] {strides = array<i32>} : memref<4x80x128xf32, #tpu.memory_space<vmem>>, vector<16xf32>,
          %mul3A_1589 = arith.mulf %get3A_1588, %gather3A_1572 : vector<16xf32>
          %swap3A_1590 = arith.constant 2 : i32
          %swap3A_1591 = arith.index_cast %swap3A_1590 : i32 to index
          %swap3A_1592 = arith.index_cast %add3A_1563 : i32 to index
          %swap3A_1593 = arith.constant 16 : index
          %swap3A_1594 = tpu.vector_load %arg18[%swap3A_1591, %swap3A_1592, %swap3A_1593] {strides = array<i32>} : memref<4x80x128xf32, #tpu.memory_space<vmem>>, vector<16xf32>,
          tpu.vector_store %arg18[%swap3A_1591, %swap3A_1592, %swap3A_1593], %mul3A_1589 {strides = array<i32>} : memref<4x80x128xf32, #tpu.memory_space<vmem>>, vector<16xf32>,
          %get3A_1595 = arith.constant 2 : i32
          %get3A_1596 = arith.index_cast %get3A_1595 : i32 to index
          %get3A_1597 = arith.index_cast %add3A_1563 : i32 to index
          %get3A_1598 = arith.constant 32 : index
          %get3A_1599 = tpu.vector_load %arg18[%get3A_1596, %get3A_1597, %get3A_1598] {strides = array<i32>} : memref<4x80x128xf32, #tpu.memory_space<vmem>>, vector<16xf32>,
          %mul3A_1600 = arith.mulf %get3A_1599, %gather3A_1572 : vector<16xf32>
          %swap3A_1601 = arith.constant 2 : i32
          %swap3A_1602 = arith.index_cast %swap3A_1601 : i32 to index
          %swap3A_1603 = arith.index_cast %add3A_1563 : i32 to index
          %swap3A_1604 = arith.constant 32 : index
          %swap3A_1605 = tpu.vector_load %arg18[%swap3A_1602, %swap3A_1603, %swap3A_1604] {strides = array<i32>} : memref<4x80x128xf32, #tpu.memory_space<vmem>>, vector<16xf32>,
          tpu.vector_store %arg18[%swap3A_1602, %swap3A_1603, %swap3A_1604], %mul3A_1600 {strides = array<i32>} : memref<4x80x128xf32, #tpu.memory_space<vmem>>, vector<16xf32>,
          %get3A_1606 = arith.constant 2 : i32
          %get3A_1607 = arith.index_cast %get3A_1606 : i32 to index
          %get3A_1608 = arith.index_cast %add3A_1563 : i32 to index
          %get3A_1609 = arith.constant 48 : index
          %get3A_1610 = tpu.vector_load %arg18[%get3A_1607, %get3A_1608, %get3A_1609] {strides = array<i32>} : memref<4x80x128xf32, #tpu.memory_space<vmem>>, vector<16xf32>,
          %mul3A_1611 = arith.mulf %get3A_1610, %gather3A_1572 : vector<16xf32>
          %swap3A_1612 = arith.constant 2 : i32
          %swap3A_1613 = arith.index_cast %swap3A_1612 : i32 to index
          %swap3A_1614 = arith.index_cast %add3A_1563 : i32 to index
          %swap3A_1615 = arith.constant 48 : index
          %swap3A_1616 = tpu.vector_load %arg18[%swap3A_1613, %swap3A_1614, %swap3A_1615] {strides = array<i32>} : memref<4x80x128xf32, #tpu.memory_space<vmem>>, vector<16xf32>,
          tpu.vector_store %arg18[%swap3A_1613, %swap3A_1614, %swap3A_1615], %mul3A_1611 {strides = array<i32>} : memref<4x80x128xf32, #tpu.memory_space<vmem>>, vector<16xf32>,
          %get3A_1617 = arith.constant 2 : i32
          %get3A_1618 = arith.index_cast %get3A_1617 : i32 to index
          %get3A_1619 = arith.index_cast %add3A_1563 : i32 to index
          %get3A_1620 = arith.constant 64 : index
          %get3A_1621 = tpu.vector_load %arg18[%get3A_1618, %get3A_1619, %get3A_1620] {strides = array<i32>} : memref<4x80x128xf32, #tpu.memory_space<vmem>>, vector<16xf32>,
          %mul3A_1622 = arith.mulf %get3A_1621, %gather3A_1572 : vector<16xf32>
          %swap3A_1623 = arith.constant 2 : i32
          %swap3A_1624 = arith.index_cast %swap3A_1623 : i32 to index
          %swap3A_1625 = arith.index_cast %add3A_1563 : i32 to index
          %swap3A_1626 = arith.constant 64 : index
          %swap3A_1627 = tpu.vector_load %arg18[%swap3A_1624, %swap3A_1625, %swap3A_1626] {strides = array<i32>} : memref<4x80x128xf32, #tpu.memory_space<vmem>>, vector<16xf32>,
          tpu.vector_store %arg18[%swap3A_1624, %swap3A_1625, %swap3A_1626], %mul3A_1622 {strides = array<i32>} : memref<4x80x128xf32, #tpu.memory_space<vmem>>, vector<16xf32>,
          %get3A_1628 = arith.constant 2 : i32
          %get3A_1629 = arith.index_cast %get3A_1628 : i32 to index
          %get3A_1630 = arith.index_cast %add3A_1563 : i32 to index
          %get3A_1631 = arith.constant 80 : index
          %get3A_1632 = tpu.vector_load %arg18[%get3A_1629, %get3A_1630, %get3A_1631] {strides = array<i32>} : memref<4x80x128xf32, #tpu.memory_space<vmem>>, vector<16xf32>,
          %mul3A_1633 = arith.mulf %get3A_1632, %gather3A_1572 : vector<16xf32>
          %swap3A_1634 = arith.constant 2 : i32
          %swap3A_1635 = arith.index_cast %swap3A_1634 : i32 to index
          %swap3A_1636 = arith.index_cast %add3A_1563 : i32 to index
          %swap3A_1637 = arith.constant 80 : index
          %swap3A_1638 = tpu.vector_load %arg18[%swap3A_1635, %swap3A_1636, %swap3A_1637] {strides = array<i32>} : memref<4x80x128xf32, #tpu.memory_space<vmem>>, vector<16xf32>,
          tpu.vector_store %arg18[%swap3A_1635, %swap3A_1636, %swap3A_1637], %mul3A_1633 {strides = array<i32>} : memref<4x80x128xf32, #tpu.memory_space<vmem>>, vector<16xf32>,
          %get3A_1639 = arith.constant 2 : i32
          %get3A_1640 = arith.index_cast %get3A_1639 : i32 to index
          %get3A_1641 = arith.index_cast %add3A_1563 : i32 to index
          %get3A_1642 = arith.constant 96 : index
          %get3A_1643 = tpu.vector_load %arg18[%get3A_1640, %get3A_1641, %get3A_1642] {strides = array<i32>} : memref<4x80x128xf32, #tpu.memory_space<vmem>>, vector<16xf32>,
          %mul3A_1644 = arith.mulf %get3A_1643, %gather3A_1572 : vector<16xf32>
          %swap3A_1645 = arith.constant 2 : i32
          %swap3A_1646 = arith.index_cast %swap3A_1645 : i32 to index
          %swap3A_1647 = arith.index_cast %add3A_1563 : i32 to index
          %swap3A_1648 = arith.constant 96 : index
          %swap3A_1649 = tpu.vector_load %arg18[%swap3A_1646, %swap3A_1647, %swap3A_1648] {strides = array<i32>} : memref<4x80x128xf32, #tpu.memory_space<vmem>>, vector<16xf32>,
          tpu.vector_store %arg18[%swap3A_1646, %swap3A_1647, %swap3A_1648], %mul3A_1644 {strides = array<i32>} : memref<4x80x128xf32, #tpu.memory_space<vmem>>, vector<16xf32>,
          %get3A_1650 = arith.constant 2 : i32
          %get3A_1651 = arith.index_cast %get3A_1650 : i32 to index
          %get3A_1652 = arith.index_cast %add3A_1563 : i32 to index
          %get3A_1653 = arith.constant 112 : index
          %get3A_1654 = tpu.vector_load %arg18[%get3A_1651, %get3A_1652, %get3A_1653] {strides = array<i32>} : memref<4x80x128xf32, #tpu.memory_space<vmem>>, vector<16xf32>,
          %mul3A_1655 = arith.mulf %get3A_1654, %gather3A_1572 : vector<16xf32>
          %swap3A_1656 = arith.constant 2 : i32
          %swap3A_1657 = arith.index_cast %swap3A_1656 : i32 to index
          %swap3A_1658 = arith.index_cast %add3A_1563 : i32 to index
          %swap3A_1659 = arith.constant 112 : index
          %swap3A_1660 = tpu.vector_load %arg18[%swap3A_1657, %swap3A_1658, %swap3A_1659] {strides = array<i32>} : memref<4x80x128xf32, #tpu.memory_space<vmem>>, vector<16xf32>,
          tpu.vector_store %arg18[%swap3A_1657, %swap3A_1658, %swap3A_1659], %mul3A_1655 {strides = array<i32>} : memref<4x80x128xf32, #tpu.memory_space<vmem>>, vector<16xf32>,
          %scan3A_1661 = arith.constant 3 : i32
          %scan3A_1662 = arith.addi %scan3A_1354, %scan3A_1661 : i32
          %mul3A_1663 = arith.constant 1 : i32
          %mul3A_1664 = arith.muli %scan3A_1662, %mul3A_1663 : i32
          %add3A_1665 = arith.constant 0 : i32
          %add3A_1666 = arith.addi %add3A_1665, %mul3A_1664 : i32
          %broadcast_in_dim3A_1667 = arith.constant 0 : i32
          %broadcast_in_dim3A_1668 = vector.broadcast %broadcast_in_dim3A_1667 : i32 to vector<16xi32>
          %add3A_1669 = vector.broadcast %add3A_1666 : i32 to vector<16xi32>
          %add3A_1670 = arith.addi %broadcast_in_dim3A_1668, %add3A_1669 : vector<16xi32>
          %gather3A_1671 = arith.constant 2 : i32
          %gather3A_1672 = arith.constant 0 : i32
          %gather3A_1673 = tpu.memref_slice %arg15[%gather3A_1671, %gather3A_1672] : memref<4x80xf32, #tpu.memory_space<vmem>> -> memref<1x80xf32, #tpu.memory_space<vmem>>
          %gather3A_1674 = tpu.memref_squeeze %gather3A_1673 : memref<1x80xf32, #tpu.memory_space<vmem>> -> memref<80xf32, #tpu.memory_space<vmem>>
          %gather3A_1675 = tpu.vector_load_idx %gather3A_1674[%add3A_1670] : memref<80xf32, #tpu.memory_space<vmem>>[vector<16xi32>], vector<16xf32>,
          %get3A_1676 = arith.constant 2 : i32
          %get3A_1677 = arith.index_cast %get3A_1676 : i32 to index
          %get3A_1678 = arith.index_cast %add3A_1666 : i32 to index
          %get3A_1679 = arith.constant 0 : index
          %get3A_1680 = tpu.vector_load %arg18[%get3A_1677, %get3A_1678, %get3A_1679] {strides = array<i32>} : memref<4x80x128xf32, #tpu.memory_space<vmem>>, vector<16xf32>,
          %mul3A_1681 = arith.mulf %get3A_1680, %gather3A_1675 : vector<16xf32>
          %swap3A_1682 = arith.constant 2 : i32
          %swap3A_1683 = arith.index_cast %swap3A_1682 : i32 to index
          %swap3A_1684 = arith.index_cast %add3A_1666 : i32 to index
          %swap3A_1685 = arith.constant 0 : index
          %swap3A_1686 = tpu.vector_load %arg18[%swap3A_1683, %swap3A_1684, %swap3A_1685] {strides = array<i32>} : memref<4x80x128xf32, #tpu.memory_space<vmem>>, vector<16xf32>,
          tpu.vector_store %arg18[%swap3A_1683, %swap3A_1684, %swap3A_1685], %mul3A_1681 {strides = array<i32>} : memref<4x80x128xf32, #tpu.memory_space<vmem>>, vector<16xf32>,
          %get3A_1687 = arith.constant 2 : i32
          %get3A_1688 = arith.index_cast %get3A_1687 : i32 to index
          %get3A_1689 = arith.index_cast %add3A_1666 : i32 to index
          %get3A_1690 = arith.constant 16 : index
          %get3A_1691 = tpu.vector_load %arg18[%get3A_1688, %get3A_1689, %get3A_1690] {strides = array<i32>} : memref<4x80x128xf32, #tpu.memory_space<vmem>>, vector<16xf32>,
          %mul3A_1692 = arith.mulf %get3A_1691, %gather3A_1675 : vector<16xf32>
          %swap3A_1693 = arith.constant 2 : i32
          %swap3A_1694 = arith.index_cast %swap3A_1693 : i32 to index
          %swap3A_1695 = arith.index_cast %add3A_1666 : i32 to index
          %swap3A_1696 = arith.constant 16 : index
          %swap3A_1697 = tpu.vector_load %arg18[%swap3A_1694, %swap3A_1695, %swap3A_1696] {strides = array<i32>} : memref<4x80x128xf32, #tpu.memory_space<vmem>>, vector<16xf32>,
          tpu.vector_store %arg18[%swap3A_1694, %swap3A_1695, %swap3A_1696], %mul3A_1692 {strides = array<i32>} : memref<4x80x128xf32, #tpu.memory_space<vmem>>, vector<16xf32>,
          %get3A_1698 = arith.constant 2 : i32
          %get3A_1699 = arith.index_cast %get3A_1698 : i32 to index
          %get3A_1700 = arith.index_cast %add3A_1666 : i32 to index
          %get3A_1701 = arith.constant 32 : index
          %get3A_1702 = tpu.vector_load %arg18[%get3A_1699, %get3A_1700, %get3A_1701] {strides = array<i32>} : memref<4x80x128xf32, #tpu.memory_space<vmem>>, vector<16xf32>,
          %mul3A_1703 = arith.mulf %get3A_1702, %gather3A_1675 : vector<16xf32>
          %swap3A_1704 = arith.constant 2 : i32
          %swap3A_1705 = arith.index_cast %swap3A_1704 : i32 to index
          %swap3A_1706 = arith.index_cast %add3A_1666 : i32 to index
          %swap3A_1707 = arith.constant 32 : index
          %swap3A_1708 = tpu.vector_load %arg18[%swap3A_1705, %swap3A_1706, %swap3A_1707] {strides = array<i32>} : memref<4x80x128xf32, #tpu.memory_space<vmem>>, vector<16xf32>,
          tpu.vector_store %arg18[%swap3A_1705, %swap3A_1706, %swap3A_1707], %mul3A_1703 {strides = array<i32>} : memref<4x80x128xf32, #tpu.memory_space<vmem>>, vector<16xf32>,
          %get3A_1709 = arith.constant 2 : i32
          %get3A_1710 = arith.index_cast %get3A_1709 : i32 to index
          %get3A_1711 = arith.index_cast %add3A_1666 : i32 to index
          %get3A_1712 = arith.constant 48 : index
          %get3A_1713 = tpu.vector_load %arg18[%get3A_1710, %get3A_1711, %get3A_1712] {strides = array<i32>} : memref<4x80x128xf32, #tpu.memory_space<vmem>>, vector<16xf32>,
          %mul3A_1714 = arith.mulf %get3A_1713, %gather3A_1675 : vector<16xf32>
          %swap3A_1715 = arith.constant 2 : i32
          %swap3A_1716 = arith.index_cast %swap3A_1715 : i32 to index
          %swap3A_1717 = arith.index_cast %add3A_1666 : i32 to index
          %swap3A_1718 = arith.constant 48 : index
          %swap3A_1719 = tpu.vector_load %arg18[%swap3A_1716, %swap3A_1717, %swap3A_1718] {strides = array<i32>} : memref<4x80x128xf32, #tpu.memory_space<vmem>>, vector<16xf32>,
          tpu.vector_store %arg18[%swap3A_1716, %swap3A_1717, %swap3A_1718], %mul3A_1714 {strides = array<i32>} : memref<4x80x128xf32, #tpu.memory_space<vmem>>, vector<16xf32>,
          %get3A_1720 = arith.constant 2 : i32
          %get3A_1721 = arith.index_cast %get3A_1720 : i32 to index
          %get3A_1722 = arith.index_cast %add3A_1666 : i32 to index
          %get3A_1723 = arith.constant 64 : index
          %get3A_1724 = tpu.vector_load %arg18[%get3A_1721, %get3A_1722, %get3A_1723] {strides = array<i32>} : memref<4x80x128xf32, #tpu.memory_space<vmem>>, vector<16xf32>,
          %mul3A_1725 = arith.mulf %get3A_1724, %gather3A_1675 : vector<16xf32>
          %swap3A_1726 = arith.constant 2 : i32
          %swap3A_1727 = arith.index_cast %swap3A_1726 : i32 to index
          %swap3A_1728 = arith.index_cast %add3A_1666 : i32 to index
          %swap3A_1729 = arith.constant 64 : index
          %swap3A_1730 = tpu.vector_load %arg18[%swap3A_1727, %swap3A_1728, %swap3A_1729] {strides = array<i32>} : memref<4x80x128xf32, #tpu.memory_space<vmem>>, vector<16xf32>,
          tpu.vector_store %arg18[%swap3A_1727, %swap3A_1728, %swap3A_1729], %mul3A_1725 {strides = array<i32>} : memref<4x80x128xf32, #tpu.memory_space<vmem>>, vector<16xf32>,
          %get3A_1731 = arith.constant 2 : i32
          %get3A_1732 = arith.index_cast %get3A_1731 : i32 to index
          %get3A_1733 = arith.index_cast %add3A_1666 : i32 to index
          %get3A_1734 = arith.constant 80 : index
          %get3A_1735 = tpu.vector_load %arg18[%get3A_1732, %get3A_1733, %get3A_1734] {strides = array<i32>} : memref<4x80x128xf32, #tpu.memory_space<vmem>>, vector<16xf32>,
          %mul3A_1736 = arith.mulf %get3A_1735, %gather3A_1675 : vector<16xf32>
          %swap3A_1737 = arith.constant 2 : i32
          %swap3A_1738 = arith.index_cast %swap3A_1737 : i32 to index
          %swap3A_1739 = arith.index_cast %add3A_1666 : i32 to index
          %swap3A_1740 = arith.constant 80 : index
          %swap3A_1741 = tpu.vector_load %arg18[%swap3A_1738, %swap3A_1739, %swap3A_1740] {strides = array<i32>} : memref<4x80x128xf32, #tpu.memory_space<vmem>>, vector<16xf32>,
          tpu.vector_store %arg18[%swap3A_1738, %swap3A_1739, %swap3A_1740], %mul3A_1736 {strides = array<i32>} : memref<4x80x128xf32, #tpu.memory_space<vmem>>, vector<16xf32>,
          %get3A_1742 = arith.constant 2 : i32
          %get3A_1743 = arith.index_cast %get3A_1742 : i32 to index
          %get3A_1744 = arith.index_cast %add3A_1666 : i32 to index
          %get3A_1745 = arith.constant 96 : index
          %get3A_1746 = tpu.vector_load %arg18[%get3A_1743, %get3A_1744, %get3A_1745] {strides = array<i32>} : memref<4x80x128xf32, #tpu.memory_space<vmem>>, vector<16xf32>,
          %mul3A_1747 = arith.mulf %get3A_1746, %gather3A_1675 : vector<16xf32>
          %swap3A_1748 = arith.constant 2 : i32
          %swap3A_1749 = arith.index_cast %swap3A_1748 : i32 to index
          %swap3A_1750 = arith.index_cast %add3A_1666 : i32 to index
          %swap3A_1751 = arith.constant 96 : index
          %swap3A_1752 = tpu.vector_load %arg18[%swap3A_1749, %swap3A_1750, %swap3A_1751] {strides = array<i32>} : memref<4x80x128xf32, #tpu.memory_space<vmem>>, vector<16xf32>,
          tpu.vector_store %arg18[%swap3A_1749, %swap3A_1750, %swap3A_1751], %mul3A_1747 {strides = array<i32>} : memref<4x80x128xf32, #tpu.memory_space<vmem>>, vector<16xf32>,
          %get3A_1753 = arith.constant 2 : i32
          %get3A_1754 = arith.index_cast %get3A_1753 : i32 to index
          %get3A_1755 = arith.index_cast %add3A_1666 : i32 to index
          %get3A_1756 = arith.constant 112 : index
          %get3A_1757 = tpu.vector_load %arg18[%get3A_1754, %get3A_1755, %get3A_1756] {strides = array<i32>} : memref<4x80x128xf32, #tpu.memory_space<vmem>>, vector<16xf32>,
          %mul3A_1758 = arith.mulf %get3A_1757, %gather3A_1675 : vector<16xf32>
          %swap3A_1759 = arith.constant 2 : i32
          %swap3A_1760 = arith.index_cast %swap3A_1759 : i32 to index
          %swap3A_1761 = arith.index_cast %add3A_1666 : i32 to index
          %swap3A_1762 = arith.constant 112 : index
          %swap3A_1763 = tpu.vector_load %arg18[%swap3A_1760, %swap3A_1761, %swap3A_1762] {strides = array<i32>} : memref<4x80x128xf32, #tpu.memory_space<vmem>>, vector<16xf32>,
          tpu.vector_store %arg18[%swap3A_1760, %swap3A_1761, %swap3A_1762], %mul3A_1758 {strides = array<i32>} : memref<4x80x128xf32, #tpu.memory_space<vmem>>, vector<16xf32>,
        }
        %scan3A_1081 = arith.constant 80 : i32
        %dma_start3A_1082 = arith.constant 2 : i32
        %dma_start3A_1083 = arith.constant 2 : i32
        %dma_start3A_1084 = arith.constant 2 : i32
        %dma_start3A_1085 = arith.constant 0 : i32
        %dma_start3A_1086 = arith.constant 0 : i32
        %dma_start3A_1087 = tpu.memref_slice %arg18[%dma_start3A_1082, %dma_start3A_1085, %dma_start3A_1086] : memref<4x80x128xf32, #tpu.memory_space<vmem>> -> memref<1x80x128xf32, #tpu.memory_space<vmem>>
        %dma_start3A_1088 = tpu.memref_squeeze %dma_start3A_1087 : memref<1x80x128xf32, #tpu.memory_space<vmem>> -> memref<80x128xf32, #tpu.memory_space<vmem>>
        %dma_start3A_1089 = arith.constant 0 : i32
        %dma_start3A_1090 = tpu.memref_slice %arg14[%dma_start3A_1083, %dma_start3A_1089] : memref<4x80xi32, #tpu.memory_space<vmem>> -> memref<1x80xi32, #tpu.memory_space<vmem>>
        %dma_start3A_1091 = tpu.memref_squeeze %dma_start3A_1090 : memref<1x80xi32, #tpu.memory_space<vmem>> -> memref<80xi32, #tpu.memory_space<vmem>>
        %dma_start3A_1092 = arith.constant 0 : i32
        %dma_start3A_1093 = arith.constant 0 : i32
        %dma_start3A_1094 = tpu.memref_slice %arg19[%dma_start3A_1092, %dma_start3A_1093] : memref<10000x128xf32, #tpu.memory_space<vmem_shared>> -> memref<10000x128xf32, #tpu.memory_space<vmem_shared>>
        %dma_start3A_1095 = tpu.memref_slice %arg26[%dma_start3A_1084] : memref<4x!tpu.dma_semaphore, #tpu.memory_space<semaphore_mem>> -> memref<1x!tpu.dma_semaphore, #tpu.memory_space<semaphore_mem>>
        %dma_start3A_1096 = tpu.memref_squeeze %dma_start3A_1095 : memref<1x!tpu.dma_semaphore, #tpu.memory_space<semaphore_mem>> -> memref<!tpu.dma_semaphore, #tpu.memory_space<semaphore_mem>>
        tpu.enqueue_indirect_dma source(%dma_start3A_1088 : memref<80x128xf32, #tpu.memory_space<vmem>>) target(%dma_start3A_1094 : memref<10000x128xf32, #tpu.memory_space<vmem_shared>>) offsets(%dma_start3A_1091 : memref<80xi32, #tpu.memory_space<vmem>>) semaphore(%dma_start3A_1096 : memref<!tpu.dma_semaphore, #tpu.memory_space<semaphore_mem>>) {add = true}
        %dma_start3A_1097 = arith.constant 2 : i32
        %dma_start3A_1098 = arith.constant 2 : i32
        %dma_start3A_1099 = arith.constant 2 : i32
        %dma_start3A_1100 = arith.constant 0 : i32
        %dma_start3A_1101 = tpu.memref_slice %arg15[%dma_start3A_1097, %dma_start3A_1100] : memref<4x80xf32, #tpu.memory_space<vmem>> -> memref<1x80xf32, #tpu.memory_space<vmem>>
        %dma_start3A_1102 = tpu.memref_squeeze %dma_start3A_1101 : memref<1x80xf32, #tpu.memory_space<vmem>> -> memref<80xf32, #tpu.memory_space<vmem>>
        %dma_start3A_1103 = arith.constant 0 : i32
        %dma_start3A_1104 = tpu.memref_slice %arg14[%dma_start3A_1098, %dma_start3A_1103] : memref<4x80xi32, #tpu.memory_space<vmem>> -> memref<1x80xi32, #tpu.memory_space<vmem>>
        %dma_start3A_1105 = tpu.memref_squeeze %dma_start3A_1104 : memref<1x80xi32, #tpu.memory_space<vmem>> -> memref<80xi32, #tpu.memory_space<vmem>>
        %dma_start3A_1106 = arith.constant 0 : i32
        %dma_start3A_1107 = tpu.memref_slice %arg20[%dma_start3A_1106] : memref<10000xf32, #tpu.memory_space<vmem_shared>> -> memref<10000xf32, #tpu.memory_space<vmem_shared>>
        %dma_start3A_1108 = tpu.memref_slice %arg27[%dma_start3A_1099] : memref<4x!tpu.dma_semaphore, #tpu.memory_space<semaphore_mem>> -> memref<1x!tpu.dma_semaphore, #tpu.memory_space<semaphore_mem>>
        %dma_start3A_1109 = tpu.memref_squeeze %dma_start3A_1108 : memref<1x!tpu.dma_semaphore, #tpu.memory_space<semaphore_mem>> -> memref<!tpu.dma_semaphore, #tpu.memory_space<semaphore_mem>>
        tpu.enqueue_indirect_dma source(%dma_start3A_1102 : memref<80xf32, #tpu.memory_space<vmem>>) target(%dma_start3A_1107 : memref<10000xf32, #tpu.memory_space<vmem_shared>>) offsets(%dma_start3A_1105 : memref<80xi32, #tpu.memory_space<vmem>>) semaphore(%dma_start3A_1109 : memref<!tpu.dma_semaphore, #tpu.memory_space<semaphore_mem>>) {add = true}
        %ge3A_1110 = arith.constant 2 : i32
        %ge3A_1111 = arith.cmpi sge, %add3A_893, %ge3A_1110 : i32
        %convert_element_type3A_1112 = arith.extui %ge3A_1111 : i1 to i32
        %cond3A_1113 = arith.constant 0 : i32
        %cond3A_1114 = arith.cmpi ne, %convert_element_type3A_1112, %cond3A_1113 : i32
        scf.if %cond3A_1114 {
          %sub3A_1354 = arith.constant 2 : i32
          %sub3A_1355 = arith.subi %add3A_893, %sub3A_1354 : i32
          %dma_wait3A_1356 = arith.constant 0 : i32
          %dma_wait3A_1357 = arith.constant 0 : i32
          %dma_wait3A_1358 = arith.constant 0 : i32
          %dma_wait3A_1359 = arith.constant 0 : i32
          %dma_wait3A_1360 = arith.constant 0 : i32
          %dma_wait3A_1361 = tpu.memref_slice %arg18[%dma_wait3A_1356, %dma_wait3A_1359, %dma_wait3A_1360] : memref<4x80x128xf32, #tpu.memory_space<vmem>> -> memref<1x80x128xf32, #tpu.memory_space<vmem>>
          %dma_wait3A_1362 = tpu.memref_squeeze %dma_wait3A_1361 : memref<1x80x128xf32, #tpu.memory_space<vmem>> -> memref<80x128xf32, #tpu.memory_space<vmem>>
          %dma_wait3A_1363 = arith.constant 0 : i32
          %dma_wait3A_1364 = tpu.memref_slice %arg14[%dma_wait3A_1357, %dma_wait3A_1363] : memref<4x80xi32, #tpu.memory_space<vmem>> -> memref<1x80xi32, #tpu.memory_space<vmem>>
          %dma_wait3A_1365 = tpu.memref_squeeze %dma_wait3A_1364 : memref<1x80xi32, #tpu.memory_space<vmem>> -> memref<80xi32, #tpu.memory_space<vmem>>
          %dma_wait3A_1366 = arith.constant 0 : i32
          %dma_wait3A_1367 = arith.constant 0 : i32
          %dma_wait3A_1368 = tpu.memref_slice %arg19[%dma_wait3A_1366, %dma_wait3A_1367] : memref<10000x128xf32, #tpu.memory_space<vmem_shared>> -> memref<10000x128xf32, #tpu.memory_space<vmem_shared>>
          %dma_wait3A_1369 = tpu.memref_slice %arg26[%dma_wait3A_1358] : memref<4x!tpu.dma_semaphore, #tpu.memory_space<semaphore_mem>> -> memref<1x!tpu.dma_semaphore, #tpu.memory_space<semaphore_mem>>
          %dma_wait3A_1370 = tpu.memref_squeeze %dma_wait3A_1369 : memref<1x!tpu.dma_semaphore, #tpu.memory_space<semaphore_mem>> -> memref<!tpu.dma_semaphore, #tpu.memory_space<semaphore_mem>>
          tpu.wait_indirect_dma semaphore(%dma_wait3A_1370 : memref<!tpu.dma_semaphore, #tpu.memory_space<semaphore_mem>>) src(%dma_wait3A_1362 : memref<80x128xf32, #tpu.memory_space<vmem>>) dst(%dma_wait3A_1368 : memref<10000x128xf32, #tpu.memory_space<vmem_shared>>)
          %dma_wait3A_1371 = arith.constant 0 : i32
          %dma_wait3A_1372 = arith.constant 0 : i32
          %dma_wait3A_1373 = arith.constant 0 : i32
          %dma_wait3A_1374 = arith.constant 0 : i32
          %dma_wait3A_1375 = tpu.memref_slice %arg15[%dma_wait3A_1371, %dma_wait3A_1374] : memref<4x80xf32, #tpu.memory_space<vmem>> -> memref<1x80xf32, #tpu.memory_space<vmem>>
          %dma_wait3A_1376 = tpu.memref_squeeze %dma_wait3A_1375 : memref<1x80xf32, #tpu.memory_space<vmem>> -> memref<80xf32, #tpu.memory_space<vmem>>
          %dma_wait3A_1377 = arith.constant 0 : i32
          %dma_wait3A_1378 = tpu.memref_slice %arg14[%dma_wait3A_1372, %dma_wait3A_1377] : memref<4x80xi32, #tpu.memory_space<vmem>> -> memref<1x80xi32, #tpu.memory_space<vmem>>
          %dma_wait3A_1379 = tpu.memref_squeeze %dma_wait3A_1378 : memref<1x80xi32, #tpu.memory_space<vmem>> -> memref<80xi32, #tpu.memory_space<vmem>>
          %dma_wait3A_1380 = arith.constant 0 : i32
          %dma_wait3A_1381 = tpu.memref_slice %arg20[%dma_wait3A_1380] : memref<10000xf32, #tpu.memory_space<vmem_shared>> -> memref<10000xf32, #tpu.memory_space<vmem_shared>>
          %dma_wait3A_1382 = tpu.memref_slice %arg27[%dma_wait3A_1373] : memref<4x!tpu.dma_semaphore, #tpu.memory_space<semaphore_mem>> -> memref<1x!tpu.dma_semaphore, #tpu.memory_space<semaphore_mem>>
          %dma_wait3A_1383 = tpu.memref_squeeze %dma_wait3A_1382 : memref<1x!tpu.dma_semaphore, #tpu.memory_space<semaphore_mem>> -> memref<!tpu.dma_semaphore, #tpu.memory_space<semaphore_mem>>
          tpu.wait_indirect_dma semaphore(%dma_wait3A_1383 : memref<!tpu.dma_semaphore, #tpu.memory_space<semaphore_mem>>) src(%dma_wait3A_1376 : memref<80xf32, #tpu.memory_space<vmem>>) dst(%dma_wait3A_1381 : memref<10000xf32, #tpu.memory_space<vmem_shared>>)
        } else {
        }
        %add3A_1115 = arith.constant 2 : i32
        %add3A_1116 = arith.addi %add3A_893, %add3A_1115 : i32
        %lt3A_1117 = arith.constant 25 : i32
        %lt3A_1118 = arith.cmpi slt, %add3A_1116, %lt3A_1117 : i32
        %convert_element_type3A_1119 = arith.extui %lt3A_1118 : i1 to i32
        %cond3A_1120 = arith.constant 0 : i32
        %cond3A_1121 = arith.cmpi ne, %convert_element_type3A_1119, %cond3A_1120 : i32
        scf.if %cond3A_1121 {
          %add3A_1354 = arith.constant 2 : i32
          %add3A_1355 = arith.addi %add3A_893, %add3A_1354 : i32
          %mul3A_1356 = arith.constant 80 : i32
          %mul3A_1357 = arith.muli %add3A_1355, %mul3A_1356 : i32
          %dma_start3A_1358 = arith.constant 0 : i32
          %dma_start3A_1359 = arith.constant 0 : i32
          %dma_start3A_1360 = arith.constant 0 : i32
          %dma_start3A_1361 = arith.constant 0 : i32
          %dma_start3A_1362 = tpu.memref_slice %arg18[%dma_start3A_1358, %dma_start3A_1360, %dma_start3A_1361] : memref<4x80x128xf32, #tpu.memory_space<vmem>> -> memref<1x80x128xf32, #tpu.memory_space<vmem>>
          %dma_start3A_1363 = tpu.memref_squeeze %dma_start3A_1362 : memref<1x80x128xf32, #tpu.memory_space<vmem>> -> memref<80x128xf32, #tpu.memory_space<vmem>>
          %dma_start3A_1364 = tpu.memref_slice %arg11[%mul3A_1357] : memref<2000xi32, #tpu.memory_space<vmem>> -> memref<80xi32, #tpu.memory_space<vmem>>
          %dma_start3A_1365 = arith.constant 0 : i32
          %dma_start3A_1366 = arith.constant 0 : i32
          %dma_start3A_1367 = tpu.memref_slice %arg7[%dma_start3A_1365, %dma_start3A_1366] : memref<10000x128xf32, #tpu.memory_space<hbm>> -> memref<10000x128xf32, #tpu.memory_space<hbm>>
          %dma_start3A_1368 = tpu.memref_slice %arg23[%dma_start3A_1359] : memref<4x!tpu.dma_semaphore, #tpu.memory_space<semaphore_mem>> -> memref<1x!tpu.dma_semaphore, #tpu.memory_space<semaphore_mem>>
          %dma_start3A_1369 = tpu.memref_squeeze %dma_start3A_1368 : memref<1x!tpu.dma_semaphore, #tpu.memory_space<semaphore_mem>> -> memref<!tpu.dma_semaphore, #tpu.memory_space<semaphore_mem>>
          tpu.enqueue_indirect_dma source(%dma_start3A_1367 : memref<10000x128xf32, #tpu.memory_space<hbm>>) target(%dma_start3A_1363 : memref<80x128xf32, #tpu.memory_space<vmem>>) offsets(%dma_start3A_1364 : memref<80xi32, #tpu.memory_space<vmem>>) semaphore(%dma_start3A_1369 : memref<!tpu.dma_semaphore, #tpu.memory_space<semaphore_mem>>)
          %mul3A_1370 = arith.constant 80 : i32
          %mul3A_1371 = arith.muli %add3A_1355, %mul3A_1370 : i32
          %dma_start3A_1372 = arith.constant 0 : i32
          %dma_start3A_1373 = arith.constant 0 : i32
          %dma_start3A_1374 = arith.constant 0 : i32
          %dma_start3A_1375 = tpu.memref_slice %arg16[%dma_start3A_1372, %dma_start3A_1374] : memref<4x80xf32, #tpu.memory_space<vmem>> -> memref<1x80xf32, #tpu.memory_space<vmem>>
          %dma_start3A_1376 = tpu.memref_squeeze %dma_start3A_1375 : memref<1x80xf32, #tpu.memory_space<vmem>> -> memref<80xf32, #tpu.memory_space<vmem>>
          %dma_start3A_1377 = tpu.memref_slice %arg11[%mul3A_1371] : memref<2000xi32, #tpu.memory_space<vmem>> -> memref<80xi32, #tpu.memory_space<vmem>>
          %dma_start3A_1378 = arith.constant 0 : i32
          %dma_start3A_1379 = tpu.memref_slice %arg21[%dma_start3A_1378] : memref<10000xf32, #tpu.memory_space<vmem_shared>> -> memref<10000xf32, #tpu.memory_space<vmem_shared>>
          %dma_start3A_1380 = tpu.memref_slice %arg24[%dma_start3A_1373] : memref<4x!tpu.dma_semaphore, #tpu.memory_space<semaphore_mem>> -> memref<1x!tpu.dma_semaphore, #tpu.memory_space<semaphore_mem>>
          %dma_start3A_1381 = tpu.memref_squeeze %dma_start3A_1380 : memref<1x!tpu.dma_semaphore, #tpu.memory_space<semaphore_mem>> -> memref<!tpu.dma_semaphore, #tpu.memory_space<semaphore_mem>>
          tpu.enqueue_indirect_dma source(%dma_start3A_1379 : memref<10000xf32, #tpu.memory_space<vmem_shared>>) target(%dma_start3A_1376 : memref<80xf32, #tpu.memory_space<vmem>>) offsets(%dma_start3A_1377 : memref<80xi32, #tpu.memory_space<vmem>>) semaphore(%dma_start3A_1381 : memref<!tpu.dma_semaphore, #tpu.memory_space<semaphore_mem>>)
          %mul3A_1382 = arith.constant 80 : i32
          %mul3A_1383 = arith.muli %add3A_1355, %mul3A_1382 : i32
          %dma_start3A_1384 = arith.constant 0 : i32
          %dma_start3A_1385 = arith.constant 0 : i32
          %dma_start3A_1386 = arith.constant 0 : i32
          %dma_start3A_1387 = tpu.memref_slice %arg17[%dma_start3A_1384, %dma_start3A_1386] : memref<4x80xf32, #tpu.memory_space<vmem>> -> memref<1x80xf32, #tpu.memory_space<vmem>>
          %dma_start3A_1388 = tpu.memref_squeeze %dma_start3A_1387 : memref<1x80xf32, #tpu.memory_space<vmem>> -> memref<80xf32, #tpu.memory_space<vmem>>
          %dma_start3A_1389 = tpu.memref_slice %arg12[%mul3A_1383] : memref<2000xi32, #tpu.memory_space<vmem>> -> memref<80xi32, #tpu.memory_space<vmem>>
          %dma_start3A_1390 = arith.constant 0 : i32
          %dma_start3A_1391 = tpu.memref_slice %arg22[%dma_start3A_1390] : memref<10000xf32, #tpu.memory_space<vmem_shared>> -> memref<10000xf32, #tpu.memory_space<vmem_shared>>
          %dma_start3A_1392 = tpu.memref_slice %arg25[%dma_start3A_1385] : memref<4x!tpu.dma_semaphore, #tpu.memory_space<semaphore_mem>> -> memref<1x!tpu.dma_semaphore, #tpu.memory_space<semaphore_mem>>
          %dma_start3A_1393 = tpu.memref_squeeze %dma_start3A_1392 : memref<1x!tpu.dma_semaphore, #tpu.memory_space<semaphore_mem>> -> memref<!tpu.dma_semaphore, #tpu.memory_space<semaphore_mem>>
          tpu.enqueue_indirect_dma source(%dma_start3A_1391 : memref<10000xf32, #tpu.memory_space<vmem_shared>>) target(%dma_start3A_1388 : memref<80xf32, #tpu.memory_space<vmem>>) offsets(%dma_start3A_1389 : memref<80xi32, #tpu.memory_space<vmem>>) semaphore(%dma_start3A_1393 : memref<!tpu.dma_semaphore, #tpu.memory_space<semaphore_mem>>)
        } else {
        }
        %mul3A_1122 = arith.constant 4 : i32
        %mul3A_1123 = arith.muli %mul3A_1122, %add3A_425 : i32
        %add3A_1124 = arith.constant 3 : i32
        %add3A_1125 = arith.addi %mul3A_1123, %add3A_1124 : i32
        %mul3A_1126 = arith.constant 80 : i32
        %mul3A_1127 = arith.muli %add3A_1125, %mul3A_1126 : i32
        %dma_wait3A_1128 = arith.constant 3 : i32
        %dma_wait3A_1129 = arith.constant 3 : i32
        %dma_wait3A_1130 = arith.constant 0 : i32
        %dma_wait3A_1131 = tpu.memref_slice %arg16[%dma_wait3A_1128, %dma_wait3A_1130] : memref<4x80xf32, #tpu.memory_space<vmem>> -> memref<1x80xf32, #tpu.memory_space<vmem>>
        %dma_wait3A_1132 = tpu.memref_squeeze %dma_wait3A_1131 : memref<1x80xf32, #tpu.memory_space<vmem>> -> memref<80xf32, #tpu.memory_space<vmem>>
        %dma_wait3A_1133 = tpu.memref_slice %arg11[%mul3A_1127] : memref<2000xi32, #tpu.memory_space<vmem>> -> memref<80xi32, #tpu.memory_space<vmem>>
        %dma_wait3A_1134 = arith.constant 0 : i32
        %dma_wait3A_1135 = tpu.memref_slice %arg21[%dma_wait3A_1134] : memref<10000xf32, #tpu.memory_space<vmem_shared>> -> memref<10000xf32, #tpu.memory_space<vmem_shared>>
        %dma_wait3A_1136 = tpu.memref_slice %arg24[%dma_wait3A_1129] : memref<4x!tpu.dma_semaphore, #tpu.memory_space<semaphore_mem>> -> memref<1x!tpu.dma_semaphore, #tpu.memory_space<semaphore_mem>>
        %dma_wait3A_1137 = tpu.memref_squeeze %dma_wait3A_1136 : memref<1x!tpu.dma_semaphore, #tpu.memory_space<semaphore_mem>> -> memref<!tpu.dma_semaphore, #tpu.memory_space<semaphore_mem>>
        tpu.wait_indirect_dma semaphore(%dma_wait3A_1137 : memref<!tpu.dma_semaphore, #tpu.memory_space<semaphore_mem>>) src(%dma_wait3A_1135 : memref<10000xf32, #tpu.memory_space<vmem_shared>>) dst(%dma_wait3A_1132 : memref<80xf32, #tpu.memory_space<vmem>>)
        %mul3A_1138 = arith.constant 80 : i32
        %mul3A_1139 = arith.muli %add3A_1125, %mul3A_1138 : i32
        %dma_wait3A_1140 = arith.constant 3 : i32
        %dma_wait3A_1141 = arith.constant 3 : i32
        %dma_wait3A_1142 = arith.constant 0 : i32
        %dma_wait3A_1143 = tpu.memref_slice %arg17[%dma_wait3A_1140, %dma_wait3A_1142] : memref<4x80xf32, #tpu.memory_space<vmem>> -> memref<1x80xf32, #tpu.memory_space<vmem>>
        %dma_wait3A_1144 = tpu.memref_squeeze %dma_wait3A_1143 : memref<1x80xf32, #tpu.memory_space<vmem>> -> memref<80xf32, #tpu.memory_space<vmem>>
        %dma_wait3A_1145 = tpu.memref_slice %arg12[%mul3A_1139] : memref<2000xi32, #tpu.memory_space<vmem>> -> memref<80xi32, #tpu.memory_space<vmem>>
        %dma_wait3A_1146 = arith.constant 0 : i32
        %dma_wait3A_1147 = tpu.memref_slice %arg22[%dma_wait3A_1146] : memref<10000xf32, #tpu.memory_space<vmem_shared>> -> memref<10000xf32, #tpu.memory_space<vmem_shared>>
        %dma_wait3A_1148 = tpu.memref_slice %arg25[%dma_wait3A_1141] : memref<4x!tpu.dma_semaphore, #tpu.memory_space<semaphore_mem>> -> memref<1x!tpu.dma_semaphore, #tpu.memory_space<semaphore_mem>>
        %dma_wait3A_1149 = tpu.memref_squeeze %dma_wait3A_1148 : memref<1x!tpu.dma_semaphore, #tpu.memory_space<semaphore_mem>> -> memref<!tpu.dma_semaphore, #tpu.memory_space<semaphore_mem>>
        tpu.wait_indirect_dma semaphore(%dma_wait3A_1149 : memref<!tpu.dma_semaphore, #tpu.memory_space<semaphore_mem>>) src(%dma_wait3A_1147 : memref<10000xf32, #tpu.memory_space<vmem_shared>>) dst(%dma_wait3A_1144 : memref<80xf32, #tpu.memory_space<vmem>>)
        %mul3A_1150 = arith.constant 80 : i32
        %mul3A_1151 = arith.muli %add3A_1125, %mul3A_1150 : i32
        %add3A_1152 = arith.constant 0 : i32
        %add3A_1153 = arith.addi %mul3A_1151, %add3A_1152 : i32
        %get3A_1154 = arith.index_cast %add3A_1153 : i32 to index
        %get3A_1155 = tpu.vector_load %arg12[%get3A_1154] {strides = array<i32>} : memref<2000xi32, #tpu.memory_space<vmem>>, vector<16xi32>,
        %swap3A_1156 = arith.constant 3 : i32
        %swap3A_1157 = arith.index_cast %swap3A_1156 : i32 to index
        %swap3A_1158 = arith.constant 0 : index
        %swap3A_1159 = tpu.vector_load %arg14[%swap3A_1157, %swap3A_1158] {strides = array<i32>} : memref<4x80xi32, #tpu.memory_space<vmem>>, vector<16xi32>,
        tpu.vector_store %arg14[%swap3A_1157, %swap3A_1158], %get3A_1155 {strides = array<i32>} : memref<4x80xi32, #tpu.memory_space<vmem>>, vector<16xi32>,
        %get3A_1160 = arith.constant 3 : i32
        %get3A_1161 = arith.index_cast %get3A_1160 : i32 to index
        %get3A_1162 = arith.constant 0 : index
        %get3A_1163 = tpu.vector_load %arg16[%get3A_1161, %get3A_1162] {strides = array<i32>} : memref<4x80xf32, #tpu.memory_space<vmem>>, vector<16xf32>,
        %get3A_1164 = arith.constant 3 : i32
        %get3A_1165 = arith.index_cast %get3A_1164 : i32 to index
        %get3A_1166 = arith.constant 0 : index
        %get3A_1167 = tpu.vector_load %arg17[%get3A_1165, %get3A_1166] {strides = array<i32>} : memref<4x80xf32, #tpu.memory_space<vmem>>, vector<16xf32>,
        %add3A_1168 = arith.addf %get3A_1163, %get3A_1167 : vector<16xf32>
        %mul3A_1169 = arith.constant 2.000000e-01 : f32
        %mul3A_1170 = vector.broadcast %mul3A_1169 : f32 to vector<16xf32>
        %mul3A_1171 = arith.mulf %mul3A_1170, %add3A_1168 : vector<16xf32>
        %max3A_1172 = arith.maximumf %add3A_1168, %mul3A_1171 : vector<16xf32>
        %sub3A_1173 = arith.subf %max3A_1172, %get3A_1 : vector<16xf32>
        %exp3A_1174 = math.exp %sub3A_1173 : vector<16xf32>
        %swap3A_1175 = arith.constant 3 : i32
        %swap3A_1176 = arith.index_cast %swap3A_1175 : i32 to index
        %swap3A_1177 = arith.constant 0 : index
        %swap3A_1178 = tpu.vector_load %arg15[%swap3A_1176, %swap3A_1177] {strides = array<i32>} : memref<4x80xf32, #tpu.memory_space<vmem>>, vector<16xf32>,
        tpu.vector_store %arg15[%swap3A_1176, %swap3A_1177], %exp3A_1174 {strides = array<i32>} : memref<4x80xf32, #tpu.memory_space<vmem>>, vector<16xf32>,
        %mul3A_1179 = arith.constant 80 : i32
        %mul3A_1180 = arith.muli %add3A_1125, %mul3A_1179 : i32
        %add3A_1181 = arith.constant 16 : i32
        %add3A_1182 = arith.addi %mul3A_1180, %add3A_1181 : i32
        %get3A_1183 = arith.index_cast %add3A_1182 : i32 to index
        %get3A_1184 = tpu.vector_load %arg12[%get3A_1183] {strides = array<i32>} : memref<2000xi32, #tpu.memory_space<vmem>>, vector<16xi32>,
        %swap3A_1185 = arith.constant 3 : i32
        %swap3A_1186 = arith.index_cast %swap3A_1185 : i32 to index
        %swap3A_1187 = arith.constant 16 : index
        %swap3A_1188 = tpu.vector_load %arg14[%swap3A_1186, %swap3A_1187] {strides = array<i32>} : memref<4x80xi32, #tpu.memory_space<vmem>>, vector<16xi32>,
        tpu.vector_store %arg14[%swap3A_1186, %swap3A_1187], %get3A_1184 {strides = array<i32>} : memref<4x80xi32, #tpu.memory_space<vmem>>, vector<16xi32>,
        %get3A_1189 = arith.constant 3 : i32
        %get3A_1190 = arith.index_cast %get3A_1189 : i32 to index
        %get3A_1191 = arith.constant 16 : index
        %get3A_1192 = tpu.vector_load %arg16[%get3A_1190, %get3A_1191] {strides = array<i32>} : memref<4x80xf32, #tpu.memory_space<vmem>>, vector<16xf32>,
        %get3A_1193 = arith.constant 3 : i32
        %get3A_1194 = arith.index_cast %get3A_1193 : i32 to index
        %get3A_1195 = arith.constant 16 : index
        %get3A_1196 = tpu.vector_load %arg17[%get3A_1194, %get3A_1195] {strides = array<i32>} : memref<4x80xf32, #tpu.memory_space<vmem>>, vector<16xf32>,
        %add3A_1197 = arith.addf %get3A_1192, %get3A_1196 : vector<16xf32>
        %mul3A_1198 = arith.constant 2.000000e-01 : f32
        %mul3A_1199 = vector.broadcast %mul3A_1198 : f32 to vector<16xf32>
        %mul3A_1200 = arith.mulf %mul3A_1199, %add3A_1197 : vector<16xf32>
        %max3A_1201 = arith.maximumf %add3A_1197, %mul3A_1200 : vector<16xf32>
        %sub3A_1202 = arith.subf %max3A_1201, %get3A_1 : vector<16xf32>
        %exp3A_1203 = math.exp %sub3A_1202 : vector<16xf32>
        %swap3A_1204 = arith.constant 3 : i32
        %swap3A_1205 = arith.index_cast %swap3A_1204 : i32 to index
        %swap3A_1206 = arith.constant 16 : index
        %swap3A_1207 = tpu.vector_load %arg15[%swap3A_1205, %swap3A_1206] {strides = array<i32>} : memref<4x80xf32, #tpu.memory_space<vmem>>, vector<16xf32>,
        tpu.vector_store %arg15[%swap3A_1205, %swap3A_1206], %exp3A_1203 {strides = array<i32>} : memref<4x80xf32, #tpu.memory_space<vmem>>, vector<16xf32>,
        %mul3A_1208 = arith.constant 80 : i32
        %mul3A_1209 = arith.muli %add3A_1125, %mul3A_1208 : i32
        %add3A_1210 = arith.constant 32 : i32
        %add3A_1211 = arith.addi %mul3A_1209, %add3A_1210 : i32
        %get3A_1212 = arith.index_cast %add3A_1211 : i32 to index
        %get3A_1213 = tpu.vector_load %arg12[%get3A_1212] {strides = array<i32>} : memref<2000xi32, #tpu.memory_space<vmem>>, vector<16xi32>,
        %swap3A_1214 = arith.constant 3 : i32
        %swap3A_1215 = arith.index_cast %swap3A_1214 : i32 to index
        %swap3A_1216 = arith.constant 32 : index
        %swap3A_1217 = tpu.vector_load %arg14[%swap3A_1215, %swap3A_1216] {strides = array<i32>} : memref<4x80xi32, #tpu.memory_space<vmem>>, vector<16xi32>,
        tpu.vector_store %arg14[%swap3A_1215, %swap3A_1216], %get3A_1213 {strides = array<i32>} : memref<4x80xi32, #tpu.memory_space<vmem>>, vector<16xi32>,
        %get3A_1218 = arith.constant 3 : i32
        %get3A_1219 = arith.index_cast %get3A_1218 : i32 to index
        %get3A_1220 = arith.constant 32 : index
        %get3A_1221 = tpu.vector_load %arg16[%get3A_1219, %get3A_1220] {strides = array<i32>} : memref<4x80xf32, #tpu.memory_space<vmem>>, vector<16xf32>,
        %get3A_1222 = arith.constant 3 : i32
        %get3A_1223 = arith.index_cast %get3A_1222 : i32 to index
        %get3A_1224 = arith.constant 32 : index
        %get3A_1225 = tpu.vector_load %arg17[%get3A_1223, %get3A_1224] {strides = array<i32>} : memref<4x80xf32, #tpu.memory_space<vmem>>, vector<16xf32>,
        %add3A_1226 = arith.addf %get3A_1221, %get3A_1225 : vector<16xf32>
        %mul3A_1227 = arith.constant 2.000000e-01 : f32
        %mul3A_1228 = vector.broadcast %mul3A_1227 : f32 to vector<16xf32>
        %mul3A_1229 = arith.mulf %mul3A_1228, %add3A_1226 : vector<16xf32>
        %max3A_1230 = arith.maximumf %add3A_1226, %mul3A_1229 : vector<16xf32>
        %sub3A_1231 = arith.subf %max3A_1230, %get3A_1 : vector<16xf32>
        %exp3A_1232 = math.exp %sub3A_1231 : vector<16xf32>
        %swap3A_1233 = arith.constant 3 : i32
        %swap3A_1234 = arith.index_cast %swap3A_1233 : i32 to index
        %swap3A_1235 = arith.constant 32 : index
        %swap3A_1236 = tpu.vector_load %arg15[%swap3A_1234, %swap3A_1235] {strides = array<i32>} : memref<4x80xf32, #tpu.memory_space<vmem>>, vector<16xf32>,
        tpu.vector_store %arg15[%swap3A_1234, %swap3A_1235], %exp3A_1232 {strides = array<i32>} : memref<4x80xf32, #tpu.memory_space<vmem>>, vector<16xf32>,
        %mul3A_1237 = arith.constant 80 : i32
        %mul3A_1238 = arith.muli %add3A_1125, %mul3A_1237 : i32
        %add3A_1239 = arith.constant 48 : i32
        %add3A_1240 = arith.addi %mul3A_1238, %add3A_1239 : i32
        %get3A_1241 = arith.index_cast %add3A_1240 : i32 to index
        %get3A_1242 = tpu.vector_load %arg12[%get3A_1241] {strides = array<i32>} : memref<2000xi32, #tpu.memory_space<vmem>>, vector<16xi32>,
        %swap3A_1243 = arith.constant 3 : i32
        %swap3A_1244 = arith.index_cast %swap3A_1243 : i32 to index
        %swap3A_1245 = arith.constant 48 : index
        %swap3A_1246 = tpu.vector_load %arg14[%swap3A_1244, %swap3A_1245] {strides = array<i32>} : memref<4x80xi32, #tpu.memory_space<vmem>>, vector<16xi32>,
        tpu.vector_store %arg14[%swap3A_1244, %swap3A_1245], %get3A_1242 {strides = array<i32>} : memref<4x80xi32, #tpu.memory_space<vmem>>, vector<16xi32>,
        %get3A_1247 = arith.constant 3 : i32
        %get3A_1248 = arith.index_cast %get3A_1247 : i32 to index
        %get3A_1249 = arith.constant 48 : index
        %get3A_1250 = tpu.vector_load %arg16[%get3A_1248, %get3A_1249] {strides = array<i32>} : memref<4x80xf32, #tpu.memory_space<vmem>>, vector<16xf32>,
        %get3A_1251 = arith.constant 3 : i32
        %get3A_1252 = arith.index_cast %get3A_1251 : i32 to index
        %get3A_1253 = arith.constant 48 : index
        %get3A_1254 = tpu.vector_load %arg17[%get3A_1252, %get3A_1253] {strides = array<i32>} : memref<4x80xf32, #tpu.memory_space<vmem>>, vector<16xf32>,
        %add3A_1255 = arith.addf %get3A_1250, %get3A_1254 : vector<16xf32>
        %mul3A_1256 = arith.constant 2.000000e-01 : f32
        %mul3A_1257 = vector.broadcast %mul3A_1256 : f32 to vector<16xf32>
        %mul3A_1258 = arith.mulf %mul3A_1257, %add3A_1255 : vector<16xf32>
        %max3A_1259 = arith.maximumf %add3A_1255, %mul3A_1258 : vector<16xf32>
        %sub3A_1260 = arith.subf %max3A_1259, %get3A_1 : vector<16xf32>
        %exp3A_1261 = math.exp %sub3A_1260 : vector<16xf32>
        %swap3A_1262 = arith.constant 3 : i32
        %swap3A_1263 = arith.index_cast %swap3A_1262 : i32 to index
        %swap3A_1264 = arith.constant 48 : index
        %swap3A_1265 = tpu.vector_load %arg15[%swap3A_1263, %swap3A_1264] {strides = array<i32>} : memref<4x80xf32, #tpu.memory_space<vmem>>, vector<16xf32>,
        tpu.vector_store %arg15[%swap3A_1263, %swap3A_1264], %exp3A_1261 {strides = array<i32>} : memref<4x80xf32, #tpu.memory_space<vmem>>, vector<16xf32>,
        %mul3A_1266 = arith.constant 80 : i32
        %mul3A_1267 = arith.muli %add3A_1125, %mul3A_1266 : i32
        %add3A_1268 = arith.constant 64 : i32
        %add3A_1269 = arith.addi %mul3A_1267, %add3A_1268 : i32
        %get3A_1270 = arith.index_cast %add3A_1269 : i32 to index
        %get3A_1271 = tpu.vector_load %arg12[%get3A_1270] {strides = array<i32>} : memref<2000xi32, #tpu.memory_space<vmem>>, vector<16xi32>,
        %swap3A_1272 = arith.constant 3 : i32
        %swap3A_1273 = arith.index_cast %swap3A_1272 : i32 to index
        %swap3A_1274 = arith.constant 64 : index
        %swap3A_1275 = tpu.vector_load %arg14[%swap3A_1273, %swap3A_1274] {strides = array<i32>} : memref<4x80xi32, #tpu.memory_space<vmem>>, vector<16xi32>,
        tpu.vector_store %arg14[%swap3A_1273, %swap3A_1274], %get3A_1271 {strides = array<i32>} : memref<4x80xi32, #tpu.memory_space<vmem>>, vector<16xi32>,
        %get3A_1276 = arith.constant 3 : i32
        %get3A_1277 = arith.index_cast %get3A_1276 : i32 to index
        %get3A_1278 = arith.constant 64 : index
        %get3A_1279 = tpu.vector_load %arg16[%get3A_1277, %get3A_1278] {strides = array<i32>} : memref<4x80xf32, #tpu.memory_space<vmem>>, vector<16xf32>,
        %get3A_1280 = arith.constant 3 : i32
        %get3A_1281 = arith.index_cast %get3A_1280 : i32 to index
        %get3A_1282 = arith.constant 64 : index
        %get3A_1283 = tpu.vector_load %arg17[%get3A_1281, %get3A_1282] {strides = array<i32>} : memref<4x80xf32, #tpu.memory_space<vmem>>, vector<16xf32>,
        %add3A_1284 = arith.addf %get3A_1279, %get3A_1283 : vector<16xf32>
        %mul3A_1285 = arith.constant 2.000000e-01 : f32
        %mul3A_1286 = vector.broadcast %mul3A_1285 : f32 to vector<16xf32>
        %mul3A_1287 = arith.mulf %mul3A_1286, %add3A_1284 : vector<16xf32>
        %max3A_1288 = arith.maximumf %add3A_1284, %mul3A_1287 : vector<16xf32>
        %sub3A_1289 = arith.subf %max3A_1288, %get3A_1 : vector<16xf32>
        %exp3A_1290 = math.exp %sub3A_1289 : vector<16xf32>
        %swap3A_1291 = arith.constant 3 : i32
        %swap3A_1292 = arith.index_cast %swap3A_1291 : i32 to index
        %swap3A_1293 = arith.constant 64 : index
        %swap3A_1294 = tpu.vector_load %arg15[%swap3A_1292, %swap3A_1293] {strides = array<i32>} : memref<4x80xf32, #tpu.memory_space<vmem>>, vector<16xf32>,
        tpu.vector_store %arg15[%swap3A_1292, %swap3A_1293], %exp3A_1290 {strides = array<i32>} : memref<4x80xf32, #tpu.memory_space<vmem>>, vector<16xf32>,
        %mul3A_1295 = arith.constant 80 : i32
        %mul3A_1296 = arith.muli %add3A_1125, %mul3A_1295 : i32
        %dma_wait3A_1297 = arith.constant 3 : i32
        %dma_wait3A_1298 = arith.constant 3 : i32
        %dma_wait3A_1299 = arith.constant 0 : i32
        %dma_wait3A_1300 = arith.constant 0 : i32
        %dma_wait3A_1301 = tpu.memref_slice %arg18[%dma_wait3A_1297, %dma_wait3A_1299, %dma_wait3A_1300] : memref<4x80x128xf32, #tpu.memory_space<vmem>> -> memref<1x80x128xf32, #tpu.memory_space<vmem>>
        %dma_wait3A_1302 = tpu.memref_squeeze %dma_wait3A_1301 : memref<1x80x128xf32, #tpu.memory_space<vmem>> -> memref<80x128xf32, #tpu.memory_space<vmem>>
        %dma_wait3A_1303 = tpu.memref_slice %arg11[%mul3A_1296] : memref<2000xi32, #tpu.memory_space<vmem>> -> memref<80xi32, #tpu.memory_space<vmem>>
        %dma_wait3A_1304 = arith.constant 0 : i32
        %dma_wait3A_1305 = arith.constant 0 : i32
        %dma_wait3A_1306 = tpu.memref_slice %arg7[%dma_wait3A_1304, %dma_wait3A_1305] : memref<10000x128xf32, #tpu.memory_space<hbm>> -> memref<10000x128xf32, #tpu.memory_space<hbm>>
        %dma_wait3A_1307 = tpu.memref_slice %arg23[%dma_wait3A_1298] : memref<4x!tpu.dma_semaphore, #tpu.memory_space<semaphore_mem>> -> memref<1x!tpu.dma_semaphore, #tpu.memory_space<semaphore_mem>>
        %dma_wait3A_1308 = tpu.memref_squeeze %dma_wait3A_1307 : memref<1x!tpu.dma_semaphore, #tpu.memory_space<semaphore_mem>> -> memref<!tpu.dma_semaphore, #tpu.memory_space<semaphore_mem>>
        tpu.wait_indirect_dma semaphore(%dma_wait3A_1308 : memref<!tpu.dma_semaphore, #tpu.memory_space<semaphore_mem>>) src(%dma_wait3A_1306 : memref<10000x128xf32, #tpu.memory_space<hbm>>) dst(%dma_wait3A_1302 : memref<80x128xf32, #tpu.memory_space<vmem>>)
        %scan3A_1309 = arith.constant 0 : i32
        %scan3A_1310 = arith.constant 80 : i32
        %scan3A_1311 = arith.addi %scan3A_1309, %scan3A_1310 : i32
        %scan3A_1312 = arith.constant 4 : i32
        scf.for %scan3A_1354 = %scan3A_1309 to %scan3A_1311 step %scan3A_1312  : i32 {
          %mul3A_1355 = arith.constant 1 : i32
          %mul3A_1356 = arith.muli %scan3A_1354, %mul3A_1355 : i32
          %add3A_1357 = arith.constant 0 : i32
          %add3A_1358 = arith.addi %add3A_1357, %mul3A_1356 : i32
          %broadcast_in_dim3A_1359 = arith.constant 0 : i32
          %broadcast_in_dim3A_1360 = vector.broadcast %broadcast_in_dim3A_1359 : i32 to vector<16xi32>
          %add3A_1361 = vector.broadcast %add3A_1358 : i32 to vector<16xi32>
          %add3A_1362 = arith.addi %broadcast_in_dim3A_1360, %add3A_1361 : vector<16xi32>
          %gather3A = arith.constant 3 : i32
          %gather3A_1363 = arith.constant 0 : i32
          %gather3A_1364 = tpu.memref_slice %arg15[%gather3A, %gather3A_1363] : memref<4x80xf32, #tpu.memory_space<vmem>> -> memref<1x80xf32, #tpu.memory_space<vmem>>
          %gather3A_1365 = tpu.memref_squeeze %gather3A_1364 : memref<1x80xf32, #tpu.memory_space<vmem>> -> memref<80xf32, #tpu.memory_space<vmem>>
          %gather3A_1366 = tpu.vector_load_idx %gather3A_1365[%add3A_1362] : memref<80xf32, #tpu.memory_space<vmem>>[vector<16xi32>], vector<16xf32>,
          %get3A_1367 = arith.constant 3 : i32
          %get3A_1368 = arith.index_cast %get3A_1367 : i32 to index
          %get3A_1369 = arith.index_cast %add3A_1358 : i32 to index
          %get3A_1370 = arith.constant 0 : index
          %get3A_1371 = tpu.vector_load %arg18[%get3A_1368, %get3A_1369, %get3A_1370] {strides = array<i32>} : memref<4x80x128xf32, #tpu.memory_space<vmem>>, vector<16xf32>,
          %mul3A_1372 = arith.mulf %get3A_1371, %gather3A_1366 : vector<16xf32>
          %swap3A_1373 = arith.constant 3 : i32
          %swap3A_1374 = arith.index_cast %swap3A_1373 : i32 to index
          %swap3A_1375 = arith.index_cast %add3A_1358 : i32 to index
          %swap3A_1376 = arith.constant 0 : index
          %swap3A_1377 = tpu.vector_load %arg18[%swap3A_1374, %swap3A_1375, %swap3A_1376] {strides = array<i32>} : memref<4x80x128xf32, #tpu.memory_space<vmem>>, vector<16xf32>,
          tpu.vector_store %arg18[%swap3A_1374, %swap3A_1375, %swap3A_1376], %mul3A_1372 {strides = array<i32>} : memref<4x80x128xf32, #tpu.memory_space<vmem>>, vector<16xf32>,
          %get3A_1378 = arith.constant 3 : i32
          %get3A_1379 = arith.index_cast %get3A_1378 : i32 to index
          %get3A_1380 = arith.index_cast %add3A_1358 : i32 to index
          %get3A_1381 = arith.constant 16 : index
          %get3A_1382 = tpu.vector_load %arg18[%get3A_1379, %get3A_1380, %get3A_1381] {strides = array<i32>} : memref<4x80x128xf32, #tpu.memory_space<vmem>>, vector<16xf32>,
          %mul3A_1383 = arith.mulf %get3A_1382, %gather3A_1366 : vector<16xf32>
          %swap3A_1384 = arith.constant 3 : i32
          %swap3A_1385 = arith.index_cast %swap3A_1384 : i32 to index
          %swap3A_1386 = arith.index_cast %add3A_1358 : i32 to index
          %swap3A_1387 = arith.constant 16 : index
          %swap3A_1388 = tpu.vector_load %arg18[%swap3A_1385, %swap3A_1386, %swap3A_1387] {strides = array<i32>} : memref<4x80x128xf32, #tpu.memory_space<vmem>>, vector<16xf32>,
          tpu.vector_store %arg18[%swap3A_1385, %swap3A_1386, %swap3A_1387], %mul3A_1383 {strides = array<i32>} : memref<4x80x128xf32, #tpu.memory_space<vmem>>, vector<16xf32>,
          %get3A_1389 = arith.constant 3 : i32
          %get3A_1390 = arith.index_cast %get3A_1389 : i32 to index
          %get3A_1391 = arith.index_cast %add3A_1358 : i32 to index
          %get3A_1392 = arith.constant 32 : index
          %get3A_1393 = tpu.vector_load %arg18[%get3A_1390, %get3A_1391, %get3A_1392] {strides = array<i32>} : memref<4x80x128xf32, #tpu.memory_space<vmem>>, vector<16xf32>,
          %mul3A_1394 = arith.mulf %get3A_1393, %gather3A_1366 : vector<16xf32>
          %swap3A_1395 = arith.constant 3 : i32
          %swap3A_1396 = arith.index_cast %swap3A_1395 : i32 to index
          %swap3A_1397 = arith.index_cast %add3A_1358 : i32 to index
          %swap3A_1398 = arith.constant 32 : index
          %swap3A_1399 = tpu.vector_load %arg18[%swap3A_1396, %swap3A_1397, %swap3A_1398] {strides = array<i32>} : memref<4x80x128xf32, #tpu.memory_space<vmem>>, vector<16xf32>,
          tpu.vector_store %arg18[%swap3A_1396, %swap3A_1397, %swap3A_1398], %mul3A_1394 {strides = array<i32>} : memref<4x80x128xf32, #tpu.memory_space<vmem>>, vector<16xf32>,
          %get3A_1400 = arith.constant 3 : i32
          %get3A_1401 = arith.index_cast %get3A_1400 : i32 to index
          %get3A_1402 = arith.index_cast %add3A_1358 : i32 to index
          %get3A_1403 = arith.constant 48 : index
          %get3A_1404 = tpu.vector_load %arg18[%get3A_1401, %get3A_1402, %get3A_1403] {strides = array<i32>} : memref<4x80x128xf32, #tpu.memory_space<vmem>>, vector<16xf32>,
          %mul3A_1405 = arith.mulf %get3A_1404, %gather3A_1366 : vector<16xf32>
          %swap3A_1406 = arith.constant 3 : i32
          %swap3A_1407 = arith.index_cast %swap3A_1406 : i32 to index
          %swap3A_1408 = arith.index_cast %add3A_1358 : i32 to index
          %swap3A_1409 = arith.constant 48 : index
          %swap3A_1410 = tpu.vector_load %arg18[%swap3A_1407, %swap3A_1408, %swap3A_1409] {strides = array<i32>} : memref<4x80x128xf32, #tpu.memory_space<vmem>>, vector<16xf32>,
          tpu.vector_store %arg18[%swap3A_1407, %swap3A_1408, %swap3A_1409], %mul3A_1405 {strides = array<i32>} : memref<4x80x128xf32, #tpu.memory_space<vmem>>, vector<16xf32>,
          %get3A_1411 = arith.constant 3 : i32
          %get3A_1412 = arith.index_cast %get3A_1411 : i32 to index
          %get3A_1413 = arith.index_cast %add3A_1358 : i32 to index
          %get3A_1414 = arith.constant 64 : index
          %get3A_1415 = tpu.vector_load %arg18[%get3A_1412, %get3A_1413, %get3A_1414] {strides = array<i32>} : memref<4x80x128xf32, #tpu.memory_space<vmem>>, vector<16xf32>,
          %mul3A_1416 = arith.mulf %get3A_1415, %gather3A_1366 : vector<16xf32>
          %swap3A_1417 = arith.constant 3 : i32
          %swap3A_1418 = arith.index_cast %swap3A_1417 : i32 to index
          %swap3A_1419 = arith.index_cast %add3A_1358 : i32 to index
          %swap3A_1420 = arith.constant 64 : index
          %swap3A_1421 = tpu.vector_load %arg18[%swap3A_1418, %swap3A_1419, %swap3A_1420] {strides = array<i32>} : memref<4x80x128xf32, #tpu.memory_space<vmem>>, vector<16xf32>,
          tpu.vector_store %arg18[%swap3A_1418, %swap3A_1419, %swap3A_1420], %mul3A_1416 {strides = array<i32>} : memref<4x80x128xf32, #tpu.memory_space<vmem>>, vector<16xf32>,
          %get3A_1422 = arith.constant 3 : i32
          %get3A_1423 = arith.index_cast %get3A_1422 : i32 to index
          %get3A_1424 = arith.index_cast %add3A_1358 : i32 to index
          %get3A_1425 = arith.constant 80 : index
          %get3A_1426 = tpu.vector_load %arg18[%get3A_1423, %get3A_1424, %get3A_1425] {strides = array<i32>} : memref<4x80x128xf32, #tpu.memory_space<vmem>>, vector<16xf32>,
          %mul3A_1427 = arith.mulf %get3A_1426, %gather3A_1366 : vector<16xf32>
          %swap3A_1428 = arith.constant 3 : i32
          %swap3A_1429 = arith.index_cast %swap3A_1428 : i32 to index
          %swap3A_1430 = arith.index_cast %add3A_1358 : i32 to index
          %swap3A_1431 = arith.constant 80 : index
          %swap3A_1432 = tpu.vector_load %arg18[%swap3A_1429, %swap3A_1430, %swap3A_1431] {strides = array<i32>} : memref<4x80x128xf32, #tpu.memory_space<vmem>>, vector<16xf32>,
          tpu.vector_store %arg18[%swap3A_1429, %swap3A_1430, %swap3A_1431], %mul3A_1427 {strides = array<i32>} : memref<4x80x128xf32, #tpu.memory_space<vmem>>, vector<16xf32>,
          %get3A_1433 = arith.constant 3 : i32
          %get3A_1434 = arith.index_cast %get3A_1433 : i32 to index
          %get3A_1435 = arith.index_cast %add3A_1358 : i32 to index
          %get3A_1436 = arith.constant 96 : index
          %get3A_1437 = tpu.vector_load %arg18[%get3A_1434, %get3A_1435, %get3A_1436] {strides = array<i32>} : memref<4x80x128xf32, #tpu.memory_space<vmem>>, vector<16xf32>,
          %mul3A_1438 = arith.mulf %get3A_1437, %gather3A_1366 : vector<16xf32>
          %swap3A_1439 = arith.constant 3 : i32
          %swap3A_1440 = arith.index_cast %swap3A_1439 : i32 to index
          %swap3A_1441 = arith.index_cast %add3A_1358 : i32 to index
          %swap3A_1442 = arith.constant 96 : index
          %swap3A_1443 = tpu.vector_load %arg18[%swap3A_1440, %swap3A_1441, %swap3A_1442] {strides = array<i32>} : memref<4x80x128xf32, #tpu.memory_space<vmem>>, vector<16xf32>,
          tpu.vector_store %arg18[%swap3A_1440, %swap3A_1441, %swap3A_1442], %mul3A_1438 {strides = array<i32>} : memref<4x80x128xf32, #tpu.memory_space<vmem>>, vector<16xf32>,
          %get3A_1444 = arith.constant 3 : i32
          %get3A_1445 = arith.index_cast %get3A_1444 : i32 to index
          %get3A_1446 = arith.index_cast %add3A_1358 : i32 to index
          %get3A_1447 = arith.constant 112 : index
          %get3A_1448 = tpu.vector_load %arg18[%get3A_1445, %get3A_1446, %get3A_1447] {strides = array<i32>} : memref<4x80x128xf32, #tpu.memory_space<vmem>>, vector<16xf32>,
          %mul3A_1449 = arith.mulf %get3A_1448, %gather3A_1366 : vector<16xf32>
          %swap3A_1450 = arith.constant 3 : i32
          %swap3A_1451 = arith.index_cast %swap3A_1450 : i32 to index
          %swap3A_1452 = arith.index_cast %add3A_1358 : i32 to index
          %swap3A_1453 = arith.constant 112 : index
          %swap3A_1454 = tpu.vector_load %arg18[%swap3A_1451, %swap3A_1452, %swap3A_1453] {strides = array<i32>} : memref<4x80x128xf32, #tpu.memory_space<vmem>>, vector<16xf32>,
          tpu.vector_store %arg18[%swap3A_1451, %swap3A_1452, %swap3A_1453], %mul3A_1449 {strides = array<i32>} : memref<4x80x128xf32, #tpu.memory_space<vmem>>, vector<16xf32>,
          %scan3A_1455 = arith.constant 1 : i32
          %scan3A_1456 = arith.addi %scan3A_1354, %scan3A_1455 : i32
          %mul3A_1457 = arith.constant 1 : i32
          %mul3A_1458 = arith.muli %scan3A_1456, %mul3A_1457 : i32
          %add3A_1459 = arith.constant 0 : i32
          %add3A_1460 = arith.addi %add3A_1459, %mul3A_1458 : i32
          %broadcast_in_dim3A_1461 = arith.constant 0 : i32
          %broadcast_in_dim3A_1462 = vector.broadcast %broadcast_in_dim3A_1461 : i32 to vector<16xi32>
          %add3A_1463 = vector.broadcast %add3A_1460 : i32 to vector<16xi32>
          %add3A_1464 = arith.addi %broadcast_in_dim3A_1462, %add3A_1463 : vector<16xi32>
          %gather3A_1465 = arith.constant 3 : i32
          %gather3A_1466 = arith.constant 0 : i32
          %gather3A_1467 = tpu.memref_slice %arg15[%gather3A_1465, %gather3A_1466] : memref<4x80xf32, #tpu.memory_space<vmem>> -> memref<1x80xf32, #tpu.memory_space<vmem>>
          %gather3A_1468 = tpu.memref_squeeze %gather3A_1467 : memref<1x80xf32, #tpu.memory_space<vmem>> -> memref<80xf32, #tpu.memory_space<vmem>>
          %gather3A_1469 = tpu.vector_load_idx %gather3A_1468[%add3A_1464] : memref<80xf32, #tpu.memory_space<vmem>>[vector<16xi32>], vector<16xf32>,
          %get3A_1470 = arith.constant 3 : i32
          %get3A_1471 = arith.index_cast %get3A_1470 : i32 to index
          %get3A_1472 = arith.index_cast %add3A_1460 : i32 to index
          %get3A_1473 = arith.constant 0 : index
          %get3A_1474 = tpu.vector_load %arg18[%get3A_1471, %get3A_1472, %get3A_1473] {strides = array<i32>} : memref<4x80x128xf32, #tpu.memory_space<vmem>>, vector<16xf32>,
          %mul3A_1475 = arith.mulf %get3A_1474, %gather3A_1469 : vector<16xf32>
          %swap3A_1476 = arith.constant 3 : i32
          %swap3A_1477 = arith.index_cast %swap3A_1476 : i32 to index
          %swap3A_1478 = arith.index_cast %add3A_1460 : i32 to index
          %swap3A_1479 = arith.constant 0 : index
          %swap3A_1480 = tpu.vector_load %arg18[%swap3A_1477, %swap3A_1478, %swap3A_1479] {strides = array<i32>} : memref<4x80x128xf32, #tpu.memory_space<vmem>>, vector<16xf32>,
          tpu.vector_store %arg18[%swap3A_1477, %swap3A_1478, %swap3A_1479], %mul3A_1475 {strides = array<i32>} : memref<4x80x128xf32, #tpu.memory_space<vmem>>, vector<16xf32>,
          %get3A_1481 = arith.constant 3 : i32
          %get3A_1482 = arith.index_cast %get3A_1481 : i32 to index
          %get3A_1483 = arith.index_cast %add3A_1460 : i32 to index
          %get3A_1484 = arith.constant 16 : index
          %get3A_1485 = tpu.vector_load %arg18[%get3A_1482, %get3A_1483, %get3A_1484] {strides = array<i32>} : memref<4x80x128xf32, #tpu.memory_space<vmem>>, vector<16xf32>,
          %mul3A_1486 = arith.mulf %get3A_1485, %gather3A_1469 : vector<16xf32>
          %swap3A_1487 = arith.constant 3 : i32
          %swap3A_1488 = arith.index_cast %swap3A_1487 : i32 to index
          %swap3A_1489 = arith.index_cast %add3A_1460 : i32 to index
          %swap3A_1490 = arith.constant 16 : index
          %swap3A_1491 = tpu.vector_load %arg18[%swap3A_1488, %swap3A_1489, %swap3A_1490] {strides = array<i32>} : memref<4x80x128xf32, #tpu.memory_space<vmem>>, vector<16xf32>,
          tpu.vector_store %arg18[%swap3A_1488, %swap3A_1489, %swap3A_1490], %mul3A_1486 {strides = array<i32>} : memref<4x80x128xf32, #tpu.memory_space<vmem>>, vector<16xf32>,
          %get3A_1492 = arith.constant 3 : i32
          %get3A_1493 = arith.index_cast %get3A_1492 : i32 to index
          %get3A_1494 = arith.index_cast %add3A_1460 : i32 to index
          %get3A_1495 = arith.constant 32 : index
          %get3A_1496 = tpu.vector_load %arg18[%get3A_1493, %get3A_1494, %get3A_1495] {strides = array<i32>} : memref<4x80x128xf32, #tpu.memory_space<vmem>>, vector<16xf32>,
          %mul3A_1497 = arith.mulf %get3A_1496, %gather3A_1469 : vector<16xf32>
          %swap3A_1498 = arith.constant 3 : i32
          %swap3A_1499 = arith.index_cast %swap3A_1498 : i32 to index
          %swap3A_1500 = arith.index_cast %add3A_1460 : i32 to index
          %swap3A_1501 = arith.constant 32 : index
          %swap3A_1502 = tpu.vector_load %arg18[%swap3A_1499, %swap3A_1500, %swap3A_1501] {strides = array<i32>} : memref<4x80x128xf32, #tpu.memory_space<vmem>>, vector<16xf32>,
          tpu.vector_store %arg18[%swap3A_1499, %swap3A_1500, %swap3A_1501], %mul3A_1497 {strides = array<i32>} : memref<4x80x128xf32, #tpu.memory_space<vmem>>, vector<16xf32>,
          %get3A_1503 = arith.constant 3 : i32
          %get3A_1504 = arith.index_cast %get3A_1503 : i32 to index
          %get3A_1505 = arith.index_cast %add3A_1460 : i32 to index
          %get3A_1506 = arith.constant 48 : index
          %get3A_1507 = tpu.vector_load %arg18[%get3A_1504, %get3A_1505, %get3A_1506] {strides = array<i32>} : memref<4x80x128xf32, #tpu.memory_space<vmem>>, vector<16xf32>,
          %mul3A_1508 = arith.mulf %get3A_1507, %gather3A_1469 : vector<16xf32>
          %swap3A_1509 = arith.constant 3 : i32
          %swap3A_1510 = arith.index_cast %swap3A_1509 : i32 to index
          %swap3A_1511 = arith.index_cast %add3A_1460 : i32 to index
          %swap3A_1512 = arith.constant 48 : index
          %swap3A_1513 = tpu.vector_load %arg18[%swap3A_1510, %swap3A_1511, %swap3A_1512] {strides = array<i32>} : memref<4x80x128xf32, #tpu.memory_space<vmem>>, vector<16xf32>,
          tpu.vector_store %arg18[%swap3A_1510, %swap3A_1511, %swap3A_1512], %mul3A_1508 {strides = array<i32>} : memref<4x80x128xf32, #tpu.memory_space<vmem>>, vector<16xf32>,
          %get3A_1514 = arith.constant 3 : i32
          %get3A_1515 = arith.index_cast %get3A_1514 : i32 to index
          %get3A_1516 = arith.index_cast %add3A_1460 : i32 to index
          %get3A_1517 = arith.constant 64 : index
          %get3A_1518 = tpu.vector_load %arg18[%get3A_1515, %get3A_1516, %get3A_1517] {strides = array<i32>} : memref<4x80x128xf32, #tpu.memory_space<vmem>>, vector<16xf32>,
          %mul3A_1519 = arith.mulf %get3A_1518, %gather3A_1469 : vector<16xf32>
          %swap3A_1520 = arith.constant 3 : i32
          %swap3A_1521 = arith.index_cast %swap3A_1520 : i32 to index
          %swap3A_1522 = arith.index_cast %add3A_1460 : i32 to index
          %swap3A_1523 = arith.constant 64 : index
          %swap3A_1524 = tpu.vector_load %arg18[%swap3A_1521, %swap3A_1522, %swap3A_1523] {strides = array<i32>} : memref<4x80x128xf32, #tpu.memory_space<vmem>>, vector<16xf32>,
          tpu.vector_store %arg18[%swap3A_1521, %swap3A_1522, %swap3A_1523], %mul3A_1519 {strides = array<i32>} : memref<4x80x128xf32, #tpu.memory_space<vmem>>, vector<16xf32>,
          %get3A_1525 = arith.constant 3 : i32
          %get3A_1526 = arith.index_cast %get3A_1525 : i32 to index
          %get3A_1527 = arith.index_cast %add3A_1460 : i32 to index
          %get3A_1528 = arith.constant 80 : index
          %get3A_1529 = tpu.vector_load %arg18[%get3A_1526, %get3A_1527, %get3A_1528] {strides = array<i32>} : memref<4x80x128xf32, #tpu.memory_space<vmem>>, vector<16xf32>,
          %mul3A_1530 = arith.mulf %get3A_1529, %gather3A_1469 : vector<16xf32>
          %swap3A_1531 = arith.constant 3 : i32
          %swap3A_1532 = arith.index_cast %swap3A_1531 : i32 to index
          %swap3A_1533 = arith.index_cast %add3A_1460 : i32 to index
          %swap3A_1534 = arith.constant 80 : index
          %swap3A_1535 = tpu.vector_load %arg18[%swap3A_1532, %swap3A_1533, %swap3A_1534] {strides = array<i32>} : memref<4x80x128xf32, #tpu.memory_space<vmem>>, vector<16xf32>,
          tpu.vector_store %arg18[%swap3A_1532, %swap3A_1533, %swap3A_1534], %mul3A_1530 {strides = array<i32>} : memref<4x80x128xf32, #tpu.memory_space<vmem>>, vector<16xf32>,
          %get3A_1536 = arith.constant 3 : i32
          %get3A_1537 = arith.index_cast %get3A_1536 : i32 to index
          %get3A_1538 = arith.index_cast %add3A_1460 : i32 to index
          %get3A_1539 = arith.constant 96 : index
          %get3A_1540 = tpu.vector_load %arg18[%get3A_1537, %get3A_1538, %get3A_1539] {strides = array<i32>} : memref<4x80x128xf32, #tpu.memory_space<vmem>>, vector<16xf32>,
          %mul3A_1541 = arith.mulf %get3A_1540, %gather3A_1469 : vector<16xf32>
          %swap3A_1542 = arith.constant 3 : i32
          %swap3A_1543 = arith.index_cast %swap3A_1542 : i32 to index
          %swap3A_1544 = arith.index_cast %add3A_1460 : i32 to index
          %swap3A_1545 = arith.constant 96 : index
          %swap3A_1546 = tpu.vector_load %arg18[%swap3A_1543, %swap3A_1544, %swap3A_1545] {strides = array<i32>} : memref<4x80x128xf32, #tpu.memory_space<vmem>>, vector<16xf32>,
          tpu.vector_store %arg18[%swap3A_1543, %swap3A_1544, %swap3A_1545], %mul3A_1541 {strides = array<i32>} : memref<4x80x128xf32, #tpu.memory_space<vmem>>, vector<16xf32>,
          %get3A_1547 = arith.constant 3 : i32
          %get3A_1548 = arith.index_cast %get3A_1547 : i32 to index
          %get3A_1549 = arith.index_cast %add3A_1460 : i32 to index
          %get3A_1550 = arith.constant 112 : index
          %get3A_1551 = tpu.vector_load %arg18[%get3A_1548, %get3A_1549, %get3A_1550] {strides = array<i32>} : memref<4x80x128xf32, #tpu.memory_space<vmem>>, vector<16xf32>,
          %mul3A_1552 = arith.mulf %get3A_1551, %gather3A_1469 : vector<16xf32>
          %swap3A_1553 = arith.constant 3 : i32
          %swap3A_1554 = arith.index_cast %swap3A_1553 : i32 to index
          %swap3A_1555 = arith.index_cast %add3A_1460 : i32 to index
          %swap3A_1556 = arith.constant 112 : index
          %swap3A_1557 = tpu.vector_load %arg18[%swap3A_1554, %swap3A_1555, %swap3A_1556] {strides = array<i32>} : memref<4x80x128xf32, #tpu.memory_space<vmem>>, vector<16xf32>,
          tpu.vector_store %arg18[%swap3A_1554, %swap3A_1555, %swap3A_1556], %mul3A_1552 {strides = array<i32>} : memref<4x80x128xf32, #tpu.memory_space<vmem>>, vector<16xf32>,
          %scan3A_1558 = arith.constant 2 : i32
          %scan3A_1559 = arith.addi %scan3A_1354, %scan3A_1558 : i32
          %mul3A_1560 = arith.constant 1 : i32
          %mul3A_1561 = arith.muli %scan3A_1559, %mul3A_1560 : i32
          %add3A_1562 = arith.constant 0 : i32
          %add3A_1563 = arith.addi %add3A_1562, %mul3A_1561 : i32
          %broadcast_in_dim3A_1564 = arith.constant 0 : i32
          %broadcast_in_dim3A_1565 = vector.broadcast %broadcast_in_dim3A_1564 : i32 to vector<16xi32>
          %add3A_1566 = vector.broadcast %add3A_1563 : i32 to vector<16xi32>
          %add3A_1567 = arith.addi %broadcast_in_dim3A_1565, %add3A_1566 : vector<16xi32>
          %gather3A_1568 = arith.constant 3 : i32
          %gather3A_1569 = arith.constant 0 : i32
          %gather3A_1570 = tpu.memref_slice %arg15[%gather3A_1568, %gather3A_1569] : memref<4x80xf32, #tpu.memory_space<vmem>> -> memref<1x80xf32, #tpu.memory_space<vmem>>
          %gather3A_1571 = tpu.memref_squeeze %gather3A_1570 : memref<1x80xf32, #tpu.memory_space<vmem>> -> memref<80xf32, #tpu.memory_space<vmem>>
          %gather3A_1572 = tpu.vector_load_idx %gather3A_1571[%add3A_1567] : memref<80xf32, #tpu.memory_space<vmem>>[vector<16xi32>], vector<16xf32>,
          %get3A_1573 = arith.constant 3 : i32
          %get3A_1574 = arith.index_cast %get3A_1573 : i32 to index
          %get3A_1575 = arith.index_cast %add3A_1563 : i32 to index
          %get3A_1576 = arith.constant 0 : index
          %get3A_1577 = tpu.vector_load %arg18[%get3A_1574, %get3A_1575, %get3A_1576] {strides = array<i32>} : memref<4x80x128xf32, #tpu.memory_space<vmem>>, vector<16xf32>,
          %mul3A_1578 = arith.mulf %get3A_1577, %gather3A_1572 : vector<16xf32>
          %swap3A_1579 = arith.constant 3 : i32
          %swap3A_1580 = arith.index_cast %swap3A_1579 : i32 to index
          %swap3A_1581 = arith.index_cast %add3A_1563 : i32 to index
          %swap3A_1582 = arith.constant 0 : index
          %swap3A_1583 = tpu.vector_load %arg18[%swap3A_1580, %swap3A_1581, %swap3A_1582] {strides = array<i32>} : memref<4x80x128xf32, #tpu.memory_space<vmem>>, vector<16xf32>,
          tpu.vector_store %arg18[%swap3A_1580, %swap3A_1581, %swap3A_1582], %mul3A_1578 {strides = array<i32>} : memref<4x80x128xf32, #tpu.memory_space<vmem>>, vector<16xf32>,
          %get3A_1584 = arith.constant 3 : i32
          %get3A_1585 = arith.index_cast %get3A_1584 : i32 to index
          %get3A_1586 = arith.index_cast %add3A_1563 : i32 to index
          %get3A_1587 = arith.constant 16 : index
          %get3A_1588 = tpu.vector_load %arg18[%get3A_1585, %get3A_1586, %get3A_1587] {strides = array<i32>} : memref<4x80x128xf32, #tpu.memory_space<vmem>>, vector<16xf32>,
          %mul3A_1589 = arith.mulf %get3A_1588, %gather3A_1572 : vector<16xf32>
          %swap3A_1590 = arith.constant 3 : i32
          %swap3A_1591 = arith.index_cast %swap3A_1590 : i32 to index
          %swap3A_1592 = arith.index_cast %add3A_1563 : i32 to index
          %swap3A_1593 = arith.constant 16 : index
          %swap3A_1594 = tpu.vector_load %arg18[%swap3A_1591, %swap3A_1592, %swap3A_1593] {strides = array<i32>} : memref<4x80x128xf32, #tpu.memory_space<vmem>>, vector<16xf32>,
          tpu.vector_store %arg18[%swap3A_1591, %swap3A_1592, %swap3A_1593], %mul3A_1589 {strides = array<i32>} : memref<4x80x128xf32, #tpu.memory_space<vmem>>, vector<16xf32>,
          %get3A_1595 = arith.constant 3 : i32
          %get3A_1596 = arith.index_cast %get3A_1595 : i32 to index
          %get3A_1597 = arith.index_cast %add3A_1563 : i32 to index
          %get3A_1598 = arith.constant 32 : index
          %get3A_1599 = tpu.vector_load %arg18[%get3A_1596, %get3A_1597, %get3A_1598] {strides = array<i32>} : memref<4x80x128xf32, #tpu.memory_space<vmem>>, vector<16xf32>,
          %mul3A_1600 = arith.mulf %get3A_1599, %gather3A_1572 : vector<16xf32>
          %swap3A_1601 = arith.constant 3 : i32
          %swap3A_1602 = arith.index_cast %swap3A_1601 : i32 to index
          %swap3A_1603 = arith.index_cast %add3A_1563 : i32 to index
          %swap3A_1604 = arith.constant 32 : index
          %swap3A_1605 = tpu.vector_load %arg18[%swap3A_1602, %swap3A_1603, %swap3A_1604] {strides = array<i32>} : memref<4x80x128xf32, #tpu.memory_space<vmem>>, vector<16xf32>,
          tpu.vector_store %arg18[%swap3A_1602, %swap3A_1603, %swap3A_1604], %mul3A_1600 {strides = array<i32>} : memref<4x80x128xf32, #tpu.memory_space<vmem>>, vector<16xf32>,
          %get3A_1606 = arith.constant 3 : i32
          %get3A_1607 = arith.index_cast %get3A_1606 : i32 to index
          %get3A_1608 = arith.index_cast %add3A_1563 : i32 to index
          %get3A_1609 = arith.constant 48 : index
          %get3A_1610 = tpu.vector_load %arg18[%get3A_1607, %get3A_1608, %get3A_1609] {strides = array<i32>} : memref<4x80x128xf32, #tpu.memory_space<vmem>>, vector<16xf32>,
          %mul3A_1611 = arith.mulf %get3A_1610, %gather3A_1572 : vector<16xf32>
          %swap3A_1612 = arith.constant 3 : i32
          %swap3A_1613 = arith.index_cast %swap3A_1612 : i32 to index
          %swap3A_1614 = arith.index_cast %add3A_1563 : i32 to index
          %swap3A_1615 = arith.constant 48 : index
          %swap3A_1616 = tpu.vector_load %arg18[%swap3A_1613, %swap3A_1614, %swap3A_1615] {strides = array<i32>} : memref<4x80x128xf32, #tpu.memory_space<vmem>>, vector<16xf32>,
          tpu.vector_store %arg18[%swap3A_1613, %swap3A_1614, %swap3A_1615], %mul3A_1611 {strides = array<i32>} : memref<4x80x128xf32, #tpu.memory_space<vmem>>, vector<16xf32>,
          %get3A_1617 = arith.constant 3 : i32
          %get3A_1618 = arith.index_cast %get3A_1617 : i32 to index
          %get3A_1619 = arith.index_cast %add3A_1563 : i32 to index
          %get3A_1620 = arith.constant 64 : index
          %get3A_1621 = tpu.vector_load %arg18[%get3A_1618, %get3A_1619, %get3A_1620] {strides = array<i32>} : memref<4x80x128xf32, #tpu.memory_space<vmem>>, vector<16xf32>,
          %mul3A_1622 = arith.mulf %get3A_1621, %gather3A_1572 : vector<16xf32>
          %swap3A_1623 = arith.constant 3 : i32
          %swap3A_1624 = arith.index_cast %swap3A_1623 : i32 to index
          %swap3A_1625 = arith.index_cast %add3A_1563 : i32 to index
          %swap3A_1626 = arith.constant 64 : index
          %swap3A_1627 = tpu.vector_load %arg18[%swap3A_1624, %swap3A_1625, %swap3A_1626] {strides = array<i32>} : memref<4x80x128xf32, #tpu.memory_space<vmem>>, vector<16xf32>,
          tpu.vector_store %arg18[%swap3A_1624, %swap3A_1625, %swap3A_1626], %mul3A_1622 {strides = array<i32>} : memref<4x80x128xf32, #tpu.memory_space<vmem>>, vector<16xf32>,
          %get3A_1628 = arith.constant 3 : i32
          %get3A_1629 = arith.index_cast %get3A_1628 : i32 to index
          %get3A_1630 = arith.index_cast %add3A_1563 : i32 to index
          %get3A_1631 = arith.constant 80 : index
          %get3A_1632 = tpu.vector_load %arg18[%get3A_1629, %get3A_1630, %get3A_1631] {strides = array<i32>} : memref<4x80x128xf32, #tpu.memory_space<vmem>>, vector<16xf32>,
          %mul3A_1633 = arith.mulf %get3A_1632, %gather3A_1572 : vector<16xf32>
          %swap3A_1634 = arith.constant 3 : i32
          %swap3A_1635 = arith.index_cast %swap3A_1634 : i32 to index
          %swap3A_1636 = arith.index_cast %add3A_1563 : i32 to index
          %swap3A_1637 = arith.constant 80 : index
          %swap3A_1638 = tpu.vector_load %arg18[%swap3A_1635, %swap3A_1636, %swap3A_1637] {strides = array<i32>} : memref<4x80x128xf32, #tpu.memory_space<vmem>>, vector<16xf32>,
          tpu.vector_store %arg18[%swap3A_1635, %swap3A_1636, %swap3A_1637], %mul3A_1633 {strides = array<i32>} : memref<4x80x128xf32, #tpu.memory_space<vmem>>, vector<16xf32>,
          %get3A_1639 = arith.constant 3 : i32
          %get3A_1640 = arith.index_cast %get3A_1639 : i32 to index
          %get3A_1641 = arith.index_cast %add3A_1563 : i32 to index
          %get3A_1642 = arith.constant 96 : index
          %get3A_1643 = tpu.vector_load %arg18[%get3A_1640, %get3A_1641, %get3A_1642] {strides = array<i32>} : memref<4x80x128xf32, #tpu.memory_space<vmem>>, vector<16xf32>,
          %mul3A_1644 = arith.mulf %get3A_1643, %gather3A_1572 : vector<16xf32>
          %swap3A_1645 = arith.constant 3 : i32
          %swap3A_1646 = arith.index_cast %swap3A_1645 : i32 to index
          %swap3A_1647 = arith.index_cast %add3A_1563 : i32 to index
          %swap3A_1648 = arith.constant 96 : index
          %swap3A_1649 = tpu.vector_load %arg18[%swap3A_1646, %swap3A_1647, %swap3A_1648] {strides = array<i32>} : memref<4x80x128xf32, #tpu.memory_space<vmem>>, vector<16xf32>,
          tpu.vector_store %arg18[%swap3A_1646, %swap3A_1647, %swap3A_1648], %mul3A_1644 {strides = array<i32>} : memref<4x80x128xf32, #tpu.memory_space<vmem>>, vector<16xf32>,
          %get3A_1650 = arith.constant 3 : i32
          %get3A_1651 = arith.index_cast %get3A_1650 : i32 to index
          %get3A_1652 = arith.index_cast %add3A_1563 : i32 to index
          %get3A_1653 = arith.constant 112 : index
          %get3A_1654 = tpu.vector_load %arg18[%get3A_1651, %get3A_1652, %get3A_1653] {strides = array<i32>} : memref<4x80x128xf32, #tpu.memory_space<vmem>>, vector<16xf32>,
          %mul3A_1655 = arith.mulf %get3A_1654, %gather3A_1572 : vector<16xf32>
          %swap3A_1656 = arith.constant 3 : i32
          %swap3A_1657 = arith.index_cast %swap3A_1656 : i32 to index
          %swap3A_1658 = arith.index_cast %add3A_1563 : i32 to index
          %swap3A_1659 = arith.constant 112 : index
          %swap3A_1660 = tpu.vector_load %arg18[%swap3A_1657, %swap3A_1658, %swap3A_1659] {strides = array<i32>} : memref<4x80x128xf32, #tpu.memory_space<vmem>>, vector<16xf32>,
          tpu.vector_store %arg18[%swap3A_1657, %swap3A_1658, %swap3A_1659], %mul3A_1655 {strides = array<i32>} : memref<4x80x128xf32, #tpu.memory_space<vmem>>, vector<16xf32>,
          %scan3A_1661 = arith.constant 3 : i32
          %scan3A_1662 = arith.addi %scan3A_1354, %scan3A_1661 : i32
          %mul3A_1663 = arith.constant 1 : i32
          %mul3A_1664 = arith.muli %scan3A_1662, %mul3A_1663 : i32
          %add3A_1665 = arith.constant 0 : i32
          %add3A_1666 = arith.addi %add3A_1665, %mul3A_1664 : i32
          %broadcast_in_dim3A_1667 = arith.constant 0 : i32
          %broadcast_in_dim3A_1668 = vector.broadcast %broadcast_in_dim3A_1667 : i32 to vector<16xi32>
          %add3A_1669 = vector.broadcast %add3A_1666 : i32 to vector<16xi32>
          %add3A_1670 = arith.addi %broadcast_in_dim3A_1668, %add3A_1669 : vector<16xi32>
          %gather3A_1671 = arith.constant 3 : i32
          %gather3A_1672 = arith.constant 0 : i32
          %gather3A_1673 = tpu.memref_slice %arg15[%gather3A_1671, %gather3A_1672] : memref<4x80xf32, #tpu.memory_space<vmem>> -> memref<1x80xf32, #tpu.memory_space<vmem>>
          %gather3A_1674 = tpu.memref_squeeze %gather3A_1673 : memref<1x80xf32, #tpu.memory_space<vmem>> -> memref<80xf32, #tpu.memory_space<vmem>>
          %gather3A_1675 = tpu.vector_load_idx %gather3A_1674[%add3A_1670] : memref<80xf32, #tpu.memory_space<vmem>>[vector<16xi32>], vector<16xf32>,
          %get3A_1676 = arith.constant 3 : i32
          %get3A_1677 = arith.index_cast %get3A_1676 : i32 to index
          %get3A_1678 = arith.index_cast %add3A_1666 : i32 to index
          %get3A_1679 = arith.constant 0 : index
          %get3A_1680 = tpu.vector_load %arg18[%get3A_1677, %get3A_1678, %get3A_1679] {strides = array<i32>} : memref<4x80x128xf32, #tpu.memory_space<vmem>>, vector<16xf32>,
          %mul3A_1681 = arith.mulf %get3A_1680, %gather3A_1675 : vector<16xf32>
          %swap3A_1682 = arith.constant 3 : i32
          %swap3A_1683 = arith.index_cast %swap3A_1682 : i32 to index
          %swap3A_1684 = arith.index_cast %add3A_1666 : i32 to index
          %swap3A_1685 = arith.constant 0 : index
          %swap3A_1686 = tpu.vector_load %arg18[%swap3A_1683, %swap3A_1684, %swap3A_1685] {strides = array<i32>} : memref<4x80x128xf32, #tpu.memory_space<vmem>>, vector<16xf32>,
          tpu.vector_store %arg18[%swap3A_1683, %swap3A_1684, %swap3A_1685], %mul3A_1681 {strides = array<i32>} : memref<4x80x128xf32, #tpu.memory_space<vmem>>, vector<16xf32>,
          %get3A_1687 = arith.constant 3 : i32
          %get3A_1688 = arith.index_cast %get3A_1687 : i32 to index
          %get3A_1689 = arith.index_cast %add3A_1666 : i32 to index
          %get3A_1690 = arith.constant 16 : index
          %get3A_1691 = tpu.vector_load %arg18[%get3A_1688, %get3A_1689, %get3A_1690] {strides = array<i32>} : memref<4x80x128xf32, #tpu.memory_space<vmem>>, vector<16xf32>,
          %mul3A_1692 = arith.mulf %get3A_1691, %gather3A_1675 : vector<16xf32>
          %swap3A_1693 = arith.constant 3 : i32
          %swap3A_1694 = arith.index_cast %swap3A_1693 : i32 to index
          %swap3A_1695 = arith.index_cast %add3A_1666 : i32 to index
          %swap3A_1696 = arith.constant 16 : index
          %swap3A_1697 = tpu.vector_load %arg18[%swap3A_1694, %swap3A_1695, %swap3A_1696] {strides = array<i32>} : memref<4x80x128xf32, #tpu.memory_space<vmem>>, vector<16xf32>,
          tpu.vector_store %arg18[%swap3A_1694, %swap3A_1695, %swap3A_1696], %mul3A_1692 {strides = array<i32>} : memref<4x80x128xf32, #tpu.memory_space<vmem>>, vector<16xf32>,
          %get3A_1698 = arith.constant 3 : i32
          %get3A_1699 = arith.index_cast %get3A_1698 : i32 to index
          %get3A_1700 = arith.index_cast %add3A_1666 : i32 to index
          %get3A_1701 = arith.constant 32 : index
          %get3A_1702 = tpu.vector_load %arg18[%get3A_1699, %get3A_1700, %get3A_1701] {strides = array<i32>} : memref<4x80x128xf32, #tpu.memory_space<vmem>>, vector<16xf32>,
          %mul3A_1703 = arith.mulf %get3A_1702, %gather3A_1675 : vector<16xf32>
          %swap3A_1704 = arith.constant 3 : i32
          %swap3A_1705 = arith.index_cast %swap3A_1704 : i32 to index
          %swap3A_1706 = arith.index_cast %add3A_1666 : i32 to index
          %swap3A_1707 = arith.constant 32 : index
          %swap3A_1708 = tpu.vector_load %arg18[%swap3A_1705, %swap3A_1706, %swap3A_1707] {strides = array<i32>} : memref<4x80x128xf32, #tpu.memory_space<vmem>>, vector<16xf32>,
          tpu.vector_store %arg18[%swap3A_1705, %swap3A_1706, %swap3A_1707], %mul3A_1703 {strides = array<i32>} : memref<4x80x128xf32, #tpu.memory_space<vmem>>, vector<16xf32>,
          %get3A_1709 = arith.constant 3 : i32
          %get3A_1710 = arith.index_cast %get3A_1709 : i32 to index
          %get3A_1711 = arith.index_cast %add3A_1666 : i32 to index
          %get3A_1712 = arith.constant 48 : index
          %get3A_1713 = tpu.vector_load %arg18[%get3A_1710, %get3A_1711, %get3A_1712] {strides = array<i32>} : memref<4x80x128xf32, #tpu.memory_space<vmem>>, vector<16xf32>,
          %mul3A_1714 = arith.mulf %get3A_1713, %gather3A_1675 : vector<16xf32>
          %swap3A_1715 = arith.constant 3 : i32
          %swap3A_1716 = arith.index_cast %swap3A_1715 : i32 to index
          %swap3A_1717 = arith.index_cast %add3A_1666 : i32 to index
          %swap3A_1718 = arith.constant 48 : index
          %swap3A_1719 = tpu.vector_load %arg18[%swap3A_1716, %swap3A_1717, %swap3A_1718] {strides = array<i32>} : memref<4x80x128xf32, #tpu.memory_space<vmem>>, vector<16xf32>,
          tpu.vector_store %arg18[%swap3A_1716, %swap3A_1717, %swap3A_1718], %mul3A_1714 {strides = array<i32>} : memref<4x80x128xf32, #tpu.memory_space<vmem>>, vector<16xf32>,
          %get3A_1720 = arith.constant 3 : i32
          %get3A_1721 = arith.index_cast %get3A_1720 : i32 to index
          %get3A_1722 = arith.index_cast %add3A_1666 : i32 to index
          %get3A_1723 = arith.constant 64 : index
          %get3A_1724 = tpu.vector_load %arg18[%get3A_1721, %get3A_1722, %get3A_1723] {strides = array<i32>} : memref<4x80x128xf32, #tpu.memory_space<vmem>>, vector<16xf32>,
          %mul3A_1725 = arith.mulf %get3A_1724, %gather3A_1675 : vector<16xf32>
          %swap3A_1726 = arith.constant 3 : i32
          %swap3A_1727 = arith.index_cast %swap3A_1726 : i32 to index
          %swap3A_1728 = arith.index_cast %add3A_1666 : i32 to index
          %swap3A_1729 = arith.constant 64 : index
          %swap3A_1730 = tpu.vector_load %arg18[%swap3A_1727, %swap3A_1728, %swap3A_1729] {strides = array<i32>} : memref<4x80x128xf32, #tpu.memory_space<vmem>>, vector<16xf32>,
          tpu.vector_store %arg18[%swap3A_1727, %swap3A_1728, %swap3A_1729], %mul3A_1725 {strides = array<i32>} : memref<4x80x128xf32, #tpu.memory_space<vmem>>, vector<16xf32>,
          %get3A_1731 = arith.constant 3 : i32
          %get3A_1732 = arith.index_cast %get3A_1731 : i32 to index
          %get3A_1733 = arith.index_cast %add3A_1666 : i32 to index
          %get3A_1734 = arith.constant 80 : index
          %get3A_1735 = tpu.vector_load %arg18[%get3A_1732, %get3A_1733, %get3A_1734] {strides = array<i32>} : memref<4x80x128xf32, #tpu.memory_space<vmem>>, vector<16xf32>,
          %mul3A_1736 = arith.mulf %get3A_1735, %gather3A_1675 : vector<16xf32>
          %swap3A_1737 = arith.constant 3 : i32
          %swap3A_1738 = arith.index_cast %swap3A_1737 : i32 to index
          %swap3A_1739 = arith.index_cast %add3A_1666 : i32 to index
          %swap3A_1740 = arith.constant 80 : index
          %swap3A_1741 = tpu.vector_load %arg18[%swap3A_1738, %swap3A_1739, %swap3A_1740] {strides = array<i32>} : memref<4x80x128xf32, #tpu.memory_space<vmem>>, vector<16xf32>,
          tpu.vector_store %arg18[%swap3A_1738, %swap3A_1739, %swap3A_1740], %mul3A_1736 {strides = array<i32>} : memref<4x80x128xf32, #tpu.memory_space<vmem>>, vector<16xf32>,
          %get3A_1742 = arith.constant 3 : i32
          %get3A_1743 = arith.index_cast %get3A_1742 : i32 to index
          %get3A_1744 = arith.index_cast %add3A_1666 : i32 to index
          %get3A_1745 = arith.constant 96 : index
          %get3A_1746 = tpu.vector_load %arg18[%get3A_1743, %get3A_1744, %get3A_1745] {strides = array<i32>} : memref<4x80x128xf32, #tpu.memory_space<vmem>>, vector<16xf32>,
          %mul3A_1747 = arith.mulf %get3A_1746, %gather3A_1675 : vector<16xf32>
          %swap3A_1748 = arith.constant 3 : i32
          %swap3A_1749 = arith.index_cast %swap3A_1748 : i32 to index
          %swap3A_1750 = arith.index_cast %add3A_1666 : i32 to index
          %swap3A_1751 = arith.constant 96 : index
          %swap3A_1752 = tpu.vector_load %arg18[%swap3A_1749, %swap3A_1750, %swap3A_1751] {strides = array<i32>} : memref<4x80x128xf32, #tpu.memory_space<vmem>>, vector<16xf32>,
          tpu.vector_store %arg18[%swap3A_1749, %swap3A_1750, %swap3A_1751], %mul3A_1747 {strides = array<i32>} : memref<4x80x128xf32, #tpu.memory_space<vmem>>, vector<16xf32>,
          %get3A_1753 = arith.constant 3 : i32
          %get3A_1754 = arith.index_cast %get3A_1753 : i32 to index
          %get3A_1755 = arith.index_cast %add3A_1666 : i32 to index
          %get3A_1756 = arith.constant 112 : index
          %get3A_1757 = tpu.vector_load %arg18[%get3A_1754, %get3A_1755, %get3A_1756] {strides = array<i32>} : memref<4x80x128xf32, #tpu.memory_space<vmem>>, vector<16xf32>,
          %mul3A_1758 = arith.mulf %get3A_1757, %gather3A_1675 : vector<16xf32>
          %swap3A_1759 = arith.constant 3 : i32
          %swap3A_1760 = arith.index_cast %swap3A_1759 : i32 to index
          %swap3A_1761 = arith.index_cast %add3A_1666 : i32 to index
          %swap3A_1762 = arith.constant 112 : index
          %swap3A_1763 = tpu.vector_load %arg18[%swap3A_1760, %swap3A_1761, %swap3A_1762] {strides = array<i32>} : memref<4x80x128xf32, #tpu.memory_space<vmem>>, vector<16xf32>,
          tpu.vector_store %arg18[%swap3A_1760, %swap3A_1761, %swap3A_1762], %mul3A_1758 {strides = array<i32>} : memref<4x80x128xf32, #tpu.memory_space<vmem>>, vector<16xf32>,
        }
        %scan3A_1313 = arith.constant 80 : i32
        %dma_start3A_1314 = arith.constant 3 : i32
        %dma_start3A_1315 = arith.constant 3 : i32
        %dma_start3A_1316 = arith.constant 3 : i32
        %dma_start3A_1317 = arith.constant 0 : i32
        %dma_start3A_1318 = arith.constant 0 : i32
        %dma_start3A_1319 = tpu.memref_slice %arg18[%dma_start3A_1314, %dma_start3A_1317, %dma_start3A_1318] : memref<4x80x128xf32, #tpu.memory_space<vmem>> -> memref<1x80x128xf32, #tpu.memory_space<vmem>>
        %dma_start3A_1320 = tpu.memref_squeeze %dma_start3A_1319 : memref<1x80x128xf32, #tpu.memory_space<vmem>> -> memref<80x128xf32, #tpu.memory_space<vmem>>
        %dma_start3A_1321 = arith.constant 0 : i32
        %dma_start3A_1322 = tpu.memref_slice %arg14[%dma_start3A_1315, %dma_start3A_1321] : memref<4x80xi32, #tpu.memory_space<vmem>> -> memref<1x80xi32, #tpu.memory_space<vmem>>
        %dma_start3A_1323 = tpu.memref_squeeze %dma_start3A_1322 : memref<1x80xi32, #tpu.memory_space<vmem>> -> memref<80xi32, #tpu.memory_space<vmem>>
        %dma_start3A_1324 = arith.constant 0 : i32
        %dma_start3A_1325 = arith.constant 0 : i32
        %dma_start3A_1326 = tpu.memref_slice %arg19[%dma_start3A_1324, %dma_start3A_1325] : memref<10000x128xf32, #tpu.memory_space<vmem_shared>> -> memref<10000x128xf32, #tpu.memory_space<vmem_shared>>
        %dma_start3A_1327 = tpu.memref_slice %arg26[%dma_start3A_1316] : memref<4x!tpu.dma_semaphore, #tpu.memory_space<semaphore_mem>> -> memref<1x!tpu.dma_semaphore, #tpu.memory_space<semaphore_mem>>
        %dma_start3A_1328 = tpu.memref_squeeze %dma_start3A_1327 : memref<1x!tpu.dma_semaphore, #tpu.memory_space<semaphore_mem>> -> memref<!tpu.dma_semaphore, #tpu.memory_space<semaphore_mem>>
        tpu.enqueue_indirect_dma source(%dma_start3A_1320 : memref<80x128xf32, #tpu.memory_space<vmem>>) target(%dma_start3A_1326 : memref<10000x128xf32, #tpu.memory_space<vmem_shared>>) offsets(%dma_start3A_1323 : memref<80xi32, #tpu.memory_space<vmem>>) semaphore(%dma_start3A_1328 : memref<!tpu.dma_semaphore, #tpu.memory_space<semaphore_mem>>) {add = true}
        %dma_start3A_1329 = arith.constant 3 : i32
        %dma_start3A_1330 = arith.constant 3 : i32
        %dma_start3A_1331 = arith.constant 3 : i32
        %dma_start3A_1332 = arith.constant 0 : i32
        %dma_start3A_1333 = tpu.memref_slice %arg15[%dma_start3A_1329, %dma_start3A_1332] : memref<4x80xf32, #tpu.memory_space<vmem>> -> memref<1x80xf32, #tpu.memory_space<vmem>>
        %dma_start3A_1334 = tpu.memref_squeeze %dma_start3A_1333 : memref<1x80xf32, #tpu.memory_space<vmem>> -> memref<80xf32, #tpu.memory_space<vmem>>
        %dma_start3A_1335 = arith.constant 0 : i32
        %dma_start3A_1336 = tpu.memref_slice %arg14[%dma_start3A_1330, %dma_start3A_1335] : memref<4x80xi32, #tpu.memory_space<vmem>> -> memref<1x80xi32, #tpu.memory_space<vmem>>
        %dma_start3A_1337 = tpu.memref_squeeze %dma_start3A_1336 : memref<1x80xi32, #tpu.memory_space<vmem>> -> memref<80xi32, #tpu.memory_space<vmem>>
        %dma_start3A_1338 = arith.constant 0 : i32
        %dma_start3A_1339 = tpu.memref_slice %arg20[%dma_start3A_1338] : memref<10000xf32, #tpu.memory_space<vmem_shared>> -> memref<10000xf32, #tpu.memory_space<vmem_shared>>
        %dma_start3A_1340 = tpu.memref_slice %arg27[%dma_start3A_1331] : memref<4x!tpu.dma_semaphore, #tpu.memory_space<semaphore_mem>> -> memref<1x!tpu.dma_semaphore, #tpu.memory_space<semaphore_mem>>
        %dma_start3A_1341 = tpu.memref_squeeze %dma_start3A_1340 : memref<1x!tpu.dma_semaphore, #tpu.memory_space<semaphore_mem>> -> memref<!tpu.dma_semaphore, #tpu.memory_space<semaphore_mem>>
        tpu.enqueue_indirect_dma source(%dma_start3A_1334 : memref<80xf32, #tpu.memory_space<vmem>>) target(%dma_start3A_1339 : memref<10000xf32, #tpu.memory_space<vmem_shared>>) offsets(%dma_start3A_1337 : memref<80xi32, #tpu.memory_space<vmem>>) semaphore(%dma_start3A_1341 : memref<!tpu.dma_semaphore, #tpu.memory_space<semaphore_mem>>) {add = true}
        %ge3A_1342 = arith.constant 2 : i32
        %ge3A_1343 = arith.cmpi sge, %add3A_1125, %ge3A_1342 : i32
        %convert_element_type3A_1344 = arith.extui %ge3A_1343 : i1 to i32
        %cond3A_1345 = arith.constant 0 : i32
        %cond3A_1346 = arith.cmpi ne, %convert_element_type3A_1344, %cond3A_1345 : i32
        scf.if %cond3A_1346 {
          %sub3A_1354 = arith.constant 2 : i32
          %sub3A_1355 = arith.subi %add3A_1125, %sub3A_1354 : i32
          %dma_wait3A_1356 = arith.constant 1 : i32
          %dma_wait3A_1357 = arith.constant 1 : i32
          %dma_wait3A_1358 = arith.constant 1 : i32
          %dma_wait3A_1359 = arith.constant 0 : i32
          %dma_wait3A_1360 = arith.constant 0 : i32
          %dma_wait3A_1361 = tpu.memref_slice %arg18[%dma_wait3A_1356, %dma_wait3A_1359, %dma_wait3A_1360] : memref<4x80x128xf32, #tpu.memory_space<vmem>> -> memref<1x80x128xf32, #tpu.memory_space<vmem>>
          %dma_wait3A_1362 = tpu.memref_squeeze %dma_wait3A_1361 : memref<1x80x128xf32, #tpu.memory_space<vmem>> -> memref<80x128xf32, #tpu.memory_space<vmem>>
          %dma_wait3A_1363 = arith.constant 0 : i32
          %dma_wait3A_1364 = tpu.memref_slice %arg14[%dma_wait3A_1357, %dma_wait3A_1363] : memref<4x80xi32, #tpu.memory_space<vmem>> -> memref<1x80xi32, #tpu.memory_space<vmem>>
          %dma_wait3A_1365 = tpu.memref_squeeze %dma_wait3A_1364 : memref<1x80xi32, #tpu.memory_space<vmem>> -> memref<80xi32, #tpu.memory_space<vmem>>
          %dma_wait3A_1366 = arith.constant 0 : i32
          %dma_wait3A_1367 = arith.constant 0 : i32
          %dma_wait3A_1368 = tpu.memref_slice %arg19[%dma_wait3A_1366, %dma_wait3A_1367] : memref<10000x128xf32, #tpu.memory_space<vmem_shared>> -> memref<10000x128xf32, #tpu.memory_space<vmem_shared>>
          %dma_wait3A_1369 = tpu.memref_slice %arg26[%dma_wait3A_1358] : memref<4x!tpu.dma_semaphore, #tpu.memory_space<semaphore_mem>> -> memref<1x!tpu.dma_semaphore, #tpu.memory_space<semaphore_mem>>
          %dma_wait3A_1370 = tpu.memref_squeeze %dma_wait3A_1369 : memref<1x!tpu.dma_semaphore, #tpu.memory_space<semaphore_mem>> -> memref<!tpu.dma_semaphore, #tpu.memory_space<semaphore_mem>>
          tpu.wait_indirect_dma semaphore(%dma_wait3A_1370 : memref<!tpu.dma_semaphore, #tpu.memory_space<semaphore_mem>>) src(%dma_wait3A_1362 : memref<80x128xf32, #tpu.memory_space<vmem>>) dst(%dma_wait3A_1368 : memref<10000x128xf32, #tpu.memory_space<vmem_shared>>)
          %dma_wait3A_1371 = arith.constant 1 : i32
          %dma_wait3A_1372 = arith.constant 1 : i32
          %dma_wait3A_1373 = arith.constant 1 : i32
          %dma_wait3A_1374 = arith.constant 0 : i32
          %dma_wait3A_1375 = tpu.memref_slice %arg15[%dma_wait3A_1371, %dma_wait3A_1374] : memref<4x80xf32, #tpu.memory_space<vmem>> -> memref<1x80xf32, #tpu.memory_space<vmem>>
          %dma_wait3A_1376 = tpu.memref_squeeze %dma_wait3A_1375 : memref<1x80xf32, #tpu.memory_space<vmem>> -> memref<80xf32, #tpu.memory_space<vmem>>
          %dma_wait3A_1377 = arith.constant 0 : i32
          %dma_wait3A_1378 = tpu.memref_slice %arg14[%dma_wait3A_1372, %dma_wait3A_1377] : memref<4x80xi32, #tpu.memory_space<vmem>> -> memref<1x80xi32, #tpu.memory_space<vmem>>
          %dma_wait3A_1379 = tpu.memref_squeeze %dma_wait3A_1378 : memref<1x80xi32, #tpu.memory_space<vmem>> -> memref<80xi32, #tpu.memory_space<vmem>>
          %dma_wait3A_1380 = arith.constant 0 : i32
          %dma_wait3A_1381 = tpu.memref_slice %arg20[%dma_wait3A_1380] : memref<10000xf32, #tpu.memory_space<vmem_shared>> -> memref<10000xf32, #tpu.memory_space<vmem_shared>>
          %dma_wait3A_1382 = tpu.memref_slice %arg27[%dma_wait3A_1373] : memref<4x!tpu.dma_semaphore, #tpu.memory_space<semaphore_mem>> -> memref<1x!tpu.dma_semaphore, #tpu.memory_space<semaphore_mem>>
          %dma_wait3A_1383 = tpu.memref_squeeze %dma_wait3A_1382 : memref<1x!tpu.dma_semaphore, #tpu.memory_space<semaphore_mem>> -> memref<!tpu.dma_semaphore, #tpu.memory_space<semaphore_mem>>
          tpu.wait_indirect_dma semaphore(%dma_wait3A_1383 : memref<!tpu.dma_semaphore, #tpu.memory_space<semaphore_mem>>) src(%dma_wait3A_1376 : memref<80xf32, #tpu.memory_space<vmem>>) dst(%dma_wait3A_1381 : memref<10000xf32, #tpu.memory_space<vmem_shared>>)
        } else {
        }
        %add3A_1347 = arith.constant 2 : i32
        %add3A_1348 = arith.addi %add3A_1125, %add3A_1347 : i32
        %lt3A_1349 = arith.constant 25 : i32
        %lt3A_1350 = arith.cmpi slt, %add3A_1348, %lt3A_1349 : i32
        %convert_element_type3A_1351 = arith.extui %lt3A_1350 : i1 to i32
        %cond3A_1352 = arith.constant 0 : i32
        %cond3A_1353 = arith.cmpi ne, %convert_element_type3A_1351, %cond3A_1352 : i32
        scf.if %cond3A_1353 {
          %add3A_1354 = arith.constant 2 : i32
          %add3A_1355 = arith.addi %add3A_1125, %add3A_1354 : i32
          %mul3A_1356 = arith.constant 80 : i32
          %mul3A_1357 = arith.muli %add3A_1355, %mul3A_1356 : i32
          %dma_start3A_1358 = arith.constant 1 : i32
          %dma_start3A_1359 = arith.constant 1 : i32
          %dma_start3A_1360 = arith.constant 0 : i32
          %dma_start3A_1361 = arith.constant 0 : i32
          %dma_start3A_1362 = tpu.memref_slice %arg18[%dma_start3A_1358, %dma_start3A_1360, %dma_start3A_1361] : memref<4x80x128xf32, #tpu.memory_space<vmem>> -> memref<1x80x128xf32, #tpu.memory_space<vmem>>
          %dma_start3A_1363 = tpu.memref_squeeze %dma_start3A_1362 : memref<1x80x128xf32, #tpu.memory_space<vmem>> -> memref<80x128xf32, #tpu.memory_space<vmem>>
          %dma_start3A_1364 = tpu.memref_slice %arg11[%mul3A_1357] : memref<2000xi32, #tpu.memory_space<vmem>> -> memref<80xi32, #tpu.memory_space<vmem>>
          %dma_start3A_1365 = arith.constant 0 : i32
          %dma_start3A_1366 = arith.constant 0 : i32
          %dma_start3A_1367 = tpu.memref_slice %arg7[%dma_start3A_1365, %dma_start3A_1366] : memref<10000x128xf32, #tpu.memory_space<hbm>> -> memref<10000x128xf32, #tpu.memory_space<hbm>>
          %dma_start3A_1368 = tpu.memref_slice %arg23[%dma_start3A_1359] : memref<4x!tpu.dma_semaphore, #tpu.memory_space<semaphore_mem>> -> memref<1x!tpu.dma_semaphore, #tpu.memory_space<semaphore_mem>>
          %dma_start3A_1369 = tpu.memref_squeeze %dma_start3A_1368 : memref<1x!tpu.dma_semaphore, #tpu.memory_space<semaphore_mem>> -> memref<!tpu.dma_semaphore, #tpu.memory_space<semaphore_mem>>
          tpu.enqueue_indirect_dma source(%dma_start3A_1367 : memref<10000x128xf32, #tpu.memory_space<hbm>>) target(%dma_start3A_1363 : memref<80x128xf32, #tpu.memory_space<vmem>>) offsets(%dma_start3A_1364 : memref<80xi32, #tpu.memory_space<vmem>>) semaphore(%dma_start3A_1369 : memref<!tpu.dma_semaphore, #tpu.memory_space<semaphore_mem>>)
          %mul3A_1370 = arith.constant 80 : i32
          %mul3A_1371 = arith.muli %add3A_1355, %mul3A_1370 : i32
          %dma_start3A_1372 = arith.constant 1 : i32
          %dma_start3A_1373 = arith.constant 1 : i32
          %dma_start3A_1374 = arith.constant 0 : i32
          %dma_start3A_1375 = tpu.memref_slice %arg16[%dma_start3A_1372, %dma_start3A_1374] : memref<4x80xf32, #tpu.memory_space<vmem>> -> memref<1x80xf32, #tpu.memory_space<vmem>>
          %dma_start3A_1376 = tpu.memref_squeeze %dma_start3A_1375 : memref<1x80xf32, #tpu.memory_space<vmem>> -> memref<80xf32, #tpu.memory_space<vmem>>
          %dma_start3A_1377 = tpu.memref_slice %arg11[%mul3A_1371] : memref<2000xi32, #tpu.memory_space<vmem>> -> memref<80xi32, #tpu.memory_space<vmem>>
          %dma_start3A_1378 = arith.constant 0 : i32
          %dma_start3A_1379 = tpu.memref_slice %arg21[%dma_start3A_1378] : memref<10000xf32, #tpu.memory_space<vmem_shared>> -> memref<10000xf32, #tpu.memory_space<vmem_shared>>
          %dma_start3A_1380 = tpu.memref_slice %arg24[%dma_start3A_1373] : memref<4x!tpu.dma_semaphore, #tpu.memory_space<semaphore_mem>> -> memref<1x!tpu.dma_semaphore, #tpu.memory_space<semaphore_mem>>
          %dma_start3A_1381 = tpu.memref_squeeze %dma_start3A_1380 : memref<1x!tpu.dma_semaphore, #tpu.memory_space<semaphore_mem>> -> memref<!tpu.dma_semaphore, #tpu.memory_space<semaphore_mem>>
          tpu.enqueue_indirect_dma source(%dma_start3A_1379 : memref<10000xf32, #tpu.memory_space<vmem_shared>>) target(%dma_start3A_1376 : memref<80xf32, #tpu.memory_space<vmem>>) offsets(%dma_start3A_1377 : memref<80xi32, #tpu.memory_space<vmem>>) semaphore(%dma_start3A_1381 : memref<!tpu.dma_semaphore, #tpu.memory_space<semaphore_mem>>)
          %mul3A_1382 = arith.constant 80 : i32
          %mul3A_1383 = arith.muli %add3A_1355, %mul3A_1382 : i32
          %dma_start3A_1384 = arith.constant 1 : i32
          %dma_start3A_1385 = arith.constant 1 : i32
          %dma_start3A_1386 = arith.constant 0 : i32
          %dma_start3A_1387 = tpu.memref_slice %arg17[%dma_start3A_1384, %dma_start3A_1386] : memref<4x80xf32, #tpu.memory_space<vmem>> -> memref<1x80xf32, #tpu.memory_space<vmem>>
          %dma_start3A_1388 = tpu.memref_squeeze %dma_start3A_1387 : memref<1x80xf32, #tpu.memory_space<vmem>> -> memref<80xf32, #tpu.memory_space<vmem>>
          %dma_start3A_1389 = tpu.memref_slice %arg12[%mul3A_1383] : memref<2000xi32, #tpu.memory_space<vmem>> -> memref<80xi32, #tpu.memory_space<vmem>>
          %dma_start3A_1390 = arith.constant 0 : i32
          %dma_start3A_1391 = tpu.memref_slice %arg22[%dma_start3A_1390] : memref<10000xf32, #tpu.memory_space<vmem_shared>> -> memref<10000xf32, #tpu.memory_space<vmem_shared>>
          %dma_start3A_1392 = tpu.memref_slice %arg25[%dma_start3A_1385] : memref<4x!tpu.dma_semaphore, #tpu.memory_space<semaphore_mem>> -> memref<1x!tpu.dma_semaphore, #tpu.memory_space<semaphore_mem>>
          %dma_start3A_1393 = tpu.memref_squeeze %dma_start3A_1392 : memref<1x!tpu.dma_semaphore, #tpu.memory_space<semaphore_mem>> -> memref<!tpu.dma_semaphore, #tpu.memory_space<semaphore_mem>>
          tpu.enqueue_indirect_dma source(%dma_start3A_1391 : memref<10000xf32, #tpu.memory_space<vmem_shared>>) target(%dma_start3A_1388 : memref<80xf32, #tpu.memory_space<vmem>>) offsets(%dma_start3A_1389 : memref<80xi32, #tpu.memory_space<vmem>>) semaphore(%dma_start3A_1393 : memref<!tpu.dma_semaphore, #tpu.memory_space<semaphore_mem>>)
        } else {
        }
      }
      %scan3A_128 = arith.constant 6 : i32
      %dma_wait3A = arith.constant 0 : i32
      %dma_wait3A_129 = arith.constant 0 : i32
      %dma_wait3A_130 = arith.constant 0 : i32
      %dma_wait3A_131 = tpu.memref_slice %arg16[%dma_wait3A, %dma_wait3A_130] : memref<4x80xf32, #tpu.memory_space<vmem>> -> memref<1x80xf32, #tpu.memory_space<vmem>>
      %dma_wait3A_132 = tpu.memref_squeeze %dma_wait3A_131 : memref<1x80xf32, #tpu.memory_space<vmem>> -> memref<80xf32, #tpu.memory_space<vmem>>
      %dma_wait3A_133 = arith.constant 1920 : i32
      %dma_wait3A_134 = tpu.memref_slice %arg11[%dma_wait3A_133] : memref<2000xi32, #tpu.memory_space<vmem>> -> memref<80xi32, #tpu.memory_space<vmem>>
      %dma_wait3A_135 = arith.constant 0 : i32
      %dma_wait3A_136 = tpu.memref_slice %arg21[%dma_wait3A_135] : memref<10000xf32, #tpu.memory_space<vmem_shared>> -> memref<10000xf32, #tpu.memory_space<vmem_shared>>
      %dma_wait3A_137 = tpu.memref_slice %arg24[%dma_wait3A_129] : memref<4x!tpu.dma_semaphore, #tpu.memory_space<semaphore_mem>> -> memref<1x!tpu.dma_semaphore, #tpu.memory_space<semaphore_mem>>
      %dma_wait3A_138 = tpu.memref_squeeze %dma_wait3A_137 : memref<1x!tpu.dma_semaphore, #tpu.memory_space<semaphore_mem>> -> memref<!tpu.dma_semaphore, #tpu.memory_space<semaphore_mem>>
      tpu.wait_indirect_dma semaphore(%dma_wait3A_138 : memref<!tpu.dma_semaphore, #tpu.memory_space<semaphore_mem>>) src(%dma_wait3A_136 : memref<10000xf32, #tpu.memory_space<vmem_shared>>) dst(%dma_wait3A_132 : memref<80xf32, #tpu.memory_space<vmem>>)
      %dma_wait3A_139 = arith.constant 0 : i32
      %dma_wait3A_140 = arith.constant 0 : i32
      %dma_wait3A_141 = arith.constant 0 : i32
      %dma_wait3A_142 = tpu.memref_slice %arg17[%dma_wait3A_139, %dma_wait3A_141] : memref<4x80xf32, #tpu.memory_space<vmem>> -> memref<1x80xf32, #tpu.memory_space<vmem>>
      %dma_wait3A_143 = tpu.memref_squeeze %dma_wait3A_142 : memref<1x80xf32, #tpu.memory_space<vmem>> -> memref<80xf32, #tpu.memory_space<vmem>>
      %dma_wait3A_144 = arith.constant 1920 : i32
      %dma_wait3A_145 = tpu.memref_slice %arg12[%dma_wait3A_144] : memref<2000xi32, #tpu.memory_space<vmem>> -> memref<80xi32, #tpu.memory_space<vmem>>
      %dma_wait3A_146 = arith.constant 0 : i32
      %dma_wait3A_147 = tpu.memref_slice %arg22[%dma_wait3A_146] : memref<10000xf32, #tpu.memory_space<vmem_shared>> -> memref<10000xf32, #tpu.memory_space<vmem_shared>>
      %dma_wait3A_148 = tpu.memref_slice %arg25[%dma_wait3A_140] : memref<4x!tpu.dma_semaphore, #tpu.memory_space<semaphore_mem>> -> memref<1x!tpu.dma_semaphore, #tpu.memory_space<semaphore_mem>>
      %dma_wait3A_149 = tpu.memref_squeeze %dma_wait3A_148 : memref<1x!tpu.dma_semaphore, #tpu.memory_space<semaphore_mem>> -> memref<!tpu.dma_semaphore, #tpu.memory_space<semaphore_mem>>
      tpu.wait_indirect_dma semaphore(%dma_wait3A_149 : memref<!tpu.dma_semaphore, #tpu.memory_space<semaphore_mem>>) src(%dma_wait3A_147 : memref<10000xf32, #tpu.memory_space<vmem_shared>>) dst(%dma_wait3A_143 : memref<80xf32, #tpu.memory_space<vmem>>)
      %get3A_150 = arith.constant 1920 : index
      %get3A_151 = tpu.vector_load %arg12[%get3A_150] {strides = array<i32>} : memref<2000xi32, #tpu.memory_space<vmem>>, vector<16xi32>,
      %swap3A_152 = arith.constant 0 : i32
      %swap3A_153 = arith.index_cast %swap3A_152 : i32 to index
      %swap3A_154 = arith.constant 0 : index
      %swap3A_155 = tpu.vector_load %arg14[%swap3A_153, %swap3A_154] {strides = array<i32>} : memref<4x80xi32, #tpu.memory_space<vmem>>, vector<16xi32>,
      tpu.vector_store %arg14[%swap3A_153, %swap3A_154], %get3A_151 {strides = array<i32>} : memref<4x80xi32, #tpu.memory_space<vmem>>, vector<16xi32>,
      %get3A_156 = arith.constant 0 : i32
      %get3A_157 = arith.index_cast %get3A_156 : i32 to index
      %get3A_158 = arith.constant 0 : index
      %get3A_159 = tpu.vector_load %arg16[%get3A_157, %get3A_158] {strides = array<i32>} : memref<4x80xf32, #tpu.memory_space<vmem>>, vector<16xf32>,
      %get3A_160 = arith.constant 0 : i32
      %get3A_161 = arith.index_cast %get3A_160 : i32 to index
      %get3A_162 = arith.constant 0 : index
      %get3A_163 = tpu.vector_load %arg17[%get3A_161, %get3A_162] {strides = array<i32>} : memref<4x80xf32, #tpu.memory_space<vmem>>, vector<16xf32>,
      %add3A_164 = arith.addf %get3A_159, %get3A_163 : vector<16xf32>
      %mul3A_165 = arith.constant 2.000000e-01 : f32
      %mul3A_166 = vector.broadcast %mul3A_165 : f32 to vector<16xf32>
      %mul3A_167 = arith.mulf %mul3A_166, %add3A_164 : vector<16xf32>
      %max3A = arith.maximumf %add3A_164, %mul3A_167 : vector<16xf32>
      %sub3A = arith.subf %max3A, %get3A_1 : vector<16xf32>
      %exp3A = math.exp %sub3A : vector<16xf32>
      %swap3A_168 = arith.constant 0 : i32
      %swap3A_169 = arith.index_cast %swap3A_168 : i32 to index
      %swap3A_170 = arith.constant 0 : index
      %swap3A_171 = tpu.vector_load %arg15[%swap3A_169, %swap3A_170] {strides = array<i32>} : memref<4x80xf32, #tpu.memory_space<vmem>>, vector<16xf32>,
      tpu.vector_store %arg15[%swap3A_169, %swap3A_170], %exp3A {strides = array<i32>} : memref<4x80xf32, #tpu.memory_space<vmem>>, vector<16xf32>,
      %get3A_172 = arith.constant 1936 : index
      %get3A_173 = tpu.vector_load %arg12[%get3A_172] {strides = array<i32>} : memref<2000xi32, #tpu.memory_space<vmem>>, vector<16xi32>,
      %swap3A_174 = arith.constant 0 : i32
      %swap3A_175 = arith.index_cast %swap3A_174 : i32 to index
      %swap3A_176 = arith.constant 16 : index
      %swap3A_177 = tpu.vector_load %arg14[%swap3A_175, %swap3A_176] {strides = array<i32>} : memref<4x80xi32, #tpu.memory_space<vmem>>, vector<16xi32>,
      tpu.vector_store %arg14[%swap3A_175, %swap3A_176], %get3A_173 {strides = array<i32>} : memref<4x80xi32, #tpu.memory_space<vmem>>, vector<16xi32>,
      %get3A_178 = arith.constant 0 : i32
      %get3A_179 = arith.index_cast %get3A_178 : i32 to index
      %get3A_180 = arith.constant 16 : index
      %get3A_181 = tpu.vector_load %arg16[%get3A_179, %get3A_180] {strides = array<i32>} : memref<4x80xf32, #tpu.memory_space<vmem>>, vector<16xf32>,
      %get3A_182 = arith.constant 0 : i32
      %get3A_183 = arith.index_cast %get3A_182 : i32 to index
      %get3A_184 = arith.constant 16 : index
      %get3A_185 = tpu.vector_load %arg17[%get3A_183, %get3A_184] {strides = array<i32>} : memref<4x80xf32, #tpu.memory_space<vmem>>, vector<16xf32>,
      %add3A_186 = arith.addf %get3A_181, %get3A_185 : vector<16xf32>
      %mul3A_187 = arith.constant 2.000000e-01 : f32
      %mul3A_188 = vector.broadcast %mul3A_187 : f32 to vector<16xf32>
      %mul3A_189 = arith.mulf %mul3A_188, %add3A_186 : vector<16xf32>
      %max3A_190 = arith.maximumf %add3A_186, %mul3A_189 : vector<16xf32>
      %sub3A_191 = arith.subf %max3A_190, %get3A_1 : vector<16xf32>
      %exp3A_192 = math.exp %sub3A_191 : vector<16xf32>
      %swap3A_193 = arith.constant 0 : i32
      %swap3A_194 = arith.index_cast %swap3A_193 : i32 to index
      %swap3A_195 = arith.constant 16 : index
      %swap3A_196 = tpu.vector_load %arg15[%swap3A_194, %swap3A_195] {strides = array<i32>} : memref<4x80xf32, #tpu.memory_space<vmem>>, vector<16xf32>,
      tpu.vector_store %arg15[%swap3A_194, %swap3A_195], %exp3A_192 {strides = array<i32>} : memref<4x80xf32, #tpu.memory_space<vmem>>, vector<16xf32>,
      %get3A_197 = arith.constant 1952 : index
      %get3A_198 = tpu.vector_load %arg12[%get3A_197] {strides = array<i32>} : memref<2000xi32, #tpu.memory_space<vmem>>, vector<16xi32>,
      %swap3A_199 = arith.constant 0 : i32
      %swap3A_200 = arith.index_cast %swap3A_199 : i32 to index
      %swap3A_201 = arith.constant 32 : index
      %swap3A_202 = tpu.vector_load %arg14[%swap3A_200, %swap3A_201] {strides = array<i32>} : memref<4x80xi32, #tpu.memory_space<vmem>>, vector<16xi32>,
      tpu.vector_store %arg14[%swap3A_200, %swap3A_201], %get3A_198 {strides = array<i32>} : memref<4x80xi32, #tpu.memory_space<vmem>>, vector<16xi32>,
      %get3A_203 = arith.constant 0 : i32
      %get3A_204 = arith.index_cast %get3A_203 : i32 to index
      %get3A_205 = arith.constant 32 : index
      %get3A_206 = tpu.vector_load %arg16[%get3A_204, %get3A_205] {strides = array<i32>} : memref<4x80xf32, #tpu.memory_space<vmem>>, vector<16xf32>,
      %get3A_207 = arith.constant 0 : i32
      %get3A_208 = arith.index_cast %get3A_207 : i32 to index
      %get3A_209 = arith.constant 32 : index
      %get3A_210 = tpu.vector_load %arg17[%get3A_208, %get3A_209] {strides = array<i32>} : memref<4x80xf32, #tpu.memory_space<vmem>>, vector<16xf32>,
      %add3A_211 = arith.addf %get3A_206, %get3A_210 : vector<16xf32>
      %mul3A_212 = arith.constant 2.000000e-01 : f32
      %mul3A_213 = vector.broadcast %mul3A_212 : f32 to vector<16xf32>
      %mul3A_214 = arith.mulf %mul3A_213, %add3A_211 : vector<16xf32>
      %max3A_215 = arith.maximumf %add3A_211, %mul3A_214 : vector<16xf32>
      %sub3A_216 = arith.subf %max3A_215, %get3A_1 : vector<16xf32>
      %exp3A_217 = math.exp %sub3A_216 : vector<16xf32>
      %swap3A_218 = arith.constant 0 : i32
      %swap3A_219 = arith.index_cast %swap3A_218 : i32 to index
      %swap3A_220 = arith.constant 32 : index
      %swap3A_221 = tpu.vector_load %arg15[%swap3A_219, %swap3A_220] {strides = array<i32>} : memref<4x80xf32, #tpu.memory_space<vmem>>, vector<16xf32>,
      tpu.vector_store %arg15[%swap3A_219, %swap3A_220], %exp3A_217 {strides = array<i32>} : memref<4x80xf32, #tpu.memory_space<vmem>>, vector<16xf32>,
      %get3A_222 = arith.constant 1968 : index
      %get3A_223 = tpu.vector_load %arg12[%get3A_222] {strides = array<i32>} : memref<2000xi32, #tpu.memory_space<vmem>>, vector<16xi32>,
      %swap3A_224 = arith.constant 0 : i32
      %swap3A_225 = arith.index_cast %swap3A_224 : i32 to index
      %swap3A_226 = arith.constant 48 : index
      %swap3A_227 = tpu.vector_load %arg14[%swap3A_225, %swap3A_226] {strides = array<i32>} : memref<4x80xi32, #tpu.memory_space<vmem>>, vector<16xi32>,
      tpu.vector_store %arg14[%swap3A_225, %swap3A_226], %get3A_223 {strides = array<i32>} : memref<4x80xi32, #tpu.memory_space<vmem>>, vector<16xi32>,
      %get3A_228 = arith.constant 0 : i32
      %get3A_229 = arith.index_cast %get3A_228 : i32 to index
      %get3A_230 = arith.constant 48 : index
      %get3A_231 = tpu.vector_load %arg16[%get3A_229, %get3A_230] {strides = array<i32>} : memref<4x80xf32, #tpu.memory_space<vmem>>, vector<16xf32>,
      %get3A_232 = arith.constant 0 : i32
      %get3A_233 = arith.index_cast %get3A_232 : i32 to index
      %get3A_234 = arith.constant 48 : index
      %get3A_235 = tpu.vector_load %arg17[%get3A_233, %get3A_234] {strides = array<i32>} : memref<4x80xf32, #tpu.memory_space<vmem>>, vector<16xf32>,
      %add3A_236 = arith.addf %get3A_231, %get3A_235 : vector<16xf32>
      %mul3A_237 = arith.constant 2.000000e-01 : f32
      %mul3A_238 = vector.broadcast %mul3A_237 : f32 to vector<16xf32>
      %mul3A_239 = arith.mulf %mul3A_238, %add3A_236 : vector<16xf32>
      %max3A_240 = arith.maximumf %add3A_236, %mul3A_239 : vector<16xf32>
      %sub3A_241 = arith.subf %max3A_240, %get3A_1 : vector<16xf32>
      %exp3A_242 = math.exp %sub3A_241 : vector<16xf32>
      %swap3A_243 = arith.constant 0 : i32
      %swap3A_244 = arith.index_cast %swap3A_243 : i32 to index
      %swap3A_245 = arith.constant 48 : index
      %swap3A_246 = tpu.vector_load %arg15[%swap3A_244, %swap3A_245] {strides = array<i32>} : memref<4x80xf32, #tpu.memory_space<vmem>>, vector<16xf32>,
      tpu.vector_store %arg15[%swap3A_244, %swap3A_245], %exp3A_242 {strides = array<i32>} : memref<4x80xf32, #tpu.memory_space<vmem>>, vector<16xf32>,
      %get3A_247 = arith.constant 1984 : index
      %get3A_248 = tpu.vector_load %arg12[%get3A_247] {strides = array<i32>} : memref<2000xi32, #tpu.memory_space<vmem>>, vector<16xi32>,
      %swap3A_249 = arith.constant 0 : i32
      %swap3A_250 = arith.index_cast %swap3A_249 : i32 to index
      %swap3A_251 = arith.constant 64 : index
      %swap3A_252 = tpu.vector_load %arg14[%swap3A_250, %swap3A_251] {strides = array<i32>} : memref<4x80xi32, #tpu.memory_space<vmem>>, vector<16xi32>,
      tpu.vector_store %arg14[%swap3A_250, %swap3A_251], %get3A_248 {strides = array<i32>} : memref<4x80xi32, #tpu.memory_space<vmem>>, vector<16xi32>,
      %get3A_253 = arith.constant 0 : i32
      %get3A_254 = arith.index_cast %get3A_253 : i32 to index
      %get3A_255 = arith.constant 64 : index
      %get3A_256 = tpu.vector_load %arg16[%get3A_254, %get3A_255] {strides = array<i32>} : memref<4x80xf32, #tpu.memory_space<vmem>>, vector<16xf32>,
      %get3A_257 = arith.constant 0 : i32
      %get3A_258 = arith.index_cast %get3A_257 : i32 to index
      %get3A_259 = arith.constant 64 : index
      %get3A_260 = tpu.vector_load %arg17[%get3A_258, %get3A_259] {strides = array<i32>} : memref<4x80xf32, #tpu.memory_space<vmem>>, vector<16xf32>,
      %add3A_261 = arith.addf %get3A_256, %get3A_260 : vector<16xf32>
      %mul3A_262 = arith.constant 2.000000e-01 : f32
      %mul3A_263 = vector.broadcast %mul3A_262 : f32 to vector<16xf32>
      %mul3A_264 = arith.mulf %mul3A_263, %add3A_261 : vector<16xf32>
      %max3A_265 = arith.maximumf %add3A_261, %mul3A_264 : vector<16xf32>
      %sub3A_266 = arith.subf %max3A_265, %get3A_1 : vector<16xf32>
      %exp3A_267 = math.exp %sub3A_266 : vector<16xf32>
      %swap3A_268 = arith.constant 0 : i32
      %swap3A_269 = arith.index_cast %swap3A_268 : i32 to index
      %swap3A_270 = arith.constant 64 : index
      %swap3A_271 = tpu.vector_load %arg15[%swap3A_269, %swap3A_270] {strides = array<i32>} : memref<4x80xf32, #tpu.memory_space<vmem>>, vector<16xf32>,
      tpu.vector_store %arg15[%swap3A_269, %swap3A_270], %exp3A_267 {strides = array<i32>} : memref<4x80xf32, #tpu.memory_space<vmem>>, vector<16xf32>,
      %dma_wait3A_272 = arith.constant 0 : i32
      %dma_wait3A_273 = arith.constant 0 : i32
      %dma_wait3A_274 = arith.constant 0 : i32
      %dma_wait3A_275 = arith.constant 0 : i32
      %dma_wait3A_276 = tpu.memref_slice %arg18[%dma_wait3A_272, %dma_wait3A_274, %dma_wait3A_275] : memref<4x80x128xf32, #tpu.memory_space<vmem>> -> memref<1x80x128xf32, #tpu.memory_space<vmem>>
      %dma_wait3A_277 = tpu.memref_squeeze %dma_wait3A_276 : memref<1x80x128xf32, #tpu.memory_space<vmem>> -> memref<80x128xf32, #tpu.memory_space<vmem>>
      %dma_wait3A_278 = arith.constant 1920 : i32
      %dma_wait3A_279 = tpu.memref_slice %arg11[%dma_wait3A_278] : memref<2000xi32, #tpu.memory_space<vmem>> -> memref<80xi32, #tpu.memory_space<vmem>>
      %dma_wait3A_280 = arith.constant 0 : i32
      %dma_wait3A_281 = arith.constant 0 : i32
      %dma_wait3A_282 = tpu.memref_slice %arg7[%dma_wait3A_280, %dma_wait3A_281] : memref<10000x128xf32, #tpu.memory_space<hbm>> -> memref<10000x128xf32, #tpu.memory_space<hbm>>
      %dma_wait3A_283 = tpu.memref_slice %arg23[%dma_wait3A_273] : memref<4x!tpu.dma_semaphore, #tpu.memory_space<semaphore_mem>> -> memref<1x!tpu.dma_semaphore, #tpu.memory_space<semaphore_mem>>
      %dma_wait3A_284 = tpu.memref_squeeze %dma_wait3A_283 : memref<1x!tpu.dma_semaphore, #tpu.memory_space<semaphore_mem>> -> memref<!tpu.dma_semaphore, #tpu.memory_space<semaphore_mem>>
      tpu.wait_indirect_dma semaphore(%dma_wait3A_284 : memref<!tpu.dma_semaphore, #tpu.memory_space<semaphore_mem>>) src(%dma_wait3A_282 : memref<10000x128xf32, #tpu.memory_space<hbm>>) dst(%dma_wait3A_277 : memref<80x128xf32, #tpu.memory_space<vmem>>)
      %scan3A_285 = arith.constant 0 : i32
      %scan3A_286 = arith.constant 80 : i32
      %scan3A_287 = arith.addi %scan3A_285, %scan3A_286 : i32
      %scan3A_288 = arith.constant 4 : i32
      scf.for %scan3A_421 = %scan3A_285 to %scan3A_287 step %scan3A_288  : i32 {
        %mul3A_422 = arith.constant 1 : i32
        %mul3A_423 = arith.muli %scan3A_421, %mul3A_422 : i32
        %add3A_424 = arith.constant 0 : i32
        %add3A_425 = arith.addi %add3A_424, %mul3A_423 : i32
        %broadcast_in_dim3A_426 = arith.constant 0 : i32
        %broadcast_in_dim3A_427 = vector.broadcast %broadcast_in_dim3A_426 : i32 to vector<16xi32>
        %add3A_428 = vector.broadcast %add3A_425 : i32 to vector<16xi32>
        %add3A_429 = arith.addi %broadcast_in_dim3A_427, %add3A_428 : vector<16xi32>
        %gather3A = arith.constant 0 : i32
        %gather3A_430 = arith.constant 0 : i32
        %gather3A_431 = tpu.memref_slice %arg15[%gather3A, %gather3A_430] : memref<4x80xf32, #tpu.memory_space<vmem>> -> memref<1x80xf32, #tpu.memory_space<vmem>>
        %gather3A_432 = tpu.memref_squeeze %gather3A_431 : memref<1x80xf32, #tpu.memory_space<vmem>> -> memref<80xf32, #tpu.memory_space<vmem>>
        %gather3A_433 = tpu.vector_load_idx %gather3A_432[%add3A_429] : memref<80xf32, #tpu.memory_space<vmem>>[vector<16xi32>], vector<16xf32>,
        %get3A_434 = arith.constant 0 : i32
        %get3A_435 = arith.index_cast %get3A_434 : i32 to index
        %get3A_436 = arith.index_cast %add3A_425 : i32 to index
        %get3A_437 = arith.constant 0 : index
        %get3A_438 = tpu.vector_load %arg18[%get3A_435, %get3A_436, %get3A_437] {strides = array<i32>} : memref<4x80x128xf32, #tpu.memory_space<vmem>>, vector<16xf32>,
        %mul3A_439 = arith.mulf %get3A_438, %gather3A_433 : vector<16xf32>
        %swap3A_440 = arith.constant 0 : i32
        %swap3A_441 = arith.index_cast %swap3A_440 : i32 to index
        %swap3A_442 = arith.index_cast %add3A_425 : i32 to index
        %swap3A_443 = arith.constant 0 : index
        %swap3A_444 = tpu.vector_load %arg18[%swap3A_441, %swap3A_442, %swap3A_443] {strides = array<i32>} : memref<4x80x128xf32, #tpu.memory_space<vmem>>, vector<16xf32>,
        tpu.vector_store %arg18[%swap3A_441, %swap3A_442, %swap3A_443], %mul3A_439 {strides = array<i32>} : memref<4x80x128xf32, #tpu.memory_space<vmem>>, vector<16xf32>,
        %get3A_445 = arith.constant 0 : i32
        %get3A_446 = arith.index_cast %get3A_445 : i32 to index
        %get3A_447 = arith.index_cast %add3A_425 : i32 to index
        %get3A_448 = arith.constant 16 : index
        %get3A_449 = tpu.vector_load %arg18[%get3A_446, %get3A_447, %get3A_448] {strides = array<i32>} : memref<4x80x128xf32, #tpu.memory_space<vmem>>, vector<16xf32>,
        %mul3A_450 = arith.mulf %get3A_449, %gather3A_433 : vector<16xf32>
        %swap3A_451 = arith.constant 0 : i32
        %swap3A_452 = arith.index_cast %swap3A_451 : i32 to index
        %swap3A_453 = arith.index_cast %add3A_425 : i32 to index
        %swap3A_454 = arith.constant 16 : index
        %swap3A_455 = tpu.vector_load %arg18[%swap3A_452, %swap3A_453, %swap3A_454] {strides = array<i32>} : memref<4x80x128xf32, #tpu.memory_space<vmem>>, vector<16xf32>,
        tpu.vector_store %arg18[%swap3A_452, %swap3A_453, %swap3A_454], %mul3A_450 {strides = array<i32>} : memref<4x80x128xf32, #tpu.memory_space<vmem>>, vector<16xf32>,
        %get3A_456 = arith.constant 0 : i32
        %get3A_457 = arith.index_cast %get3A_456 : i32 to index
        %get3A_458 = arith.index_cast %add3A_425 : i32 to index
        %get3A_459 = arith.constant 32 : index
        %get3A_460 = tpu.vector_load %arg18[%get3A_457, %get3A_458, %get3A_459] {strides = array<i32>} : memref<4x80x128xf32, #tpu.memory_space<vmem>>, vector<16xf32>,
        %mul3A_461 = arith.mulf %get3A_460, %gather3A_433 : vector<16xf32>
        %swap3A_462 = arith.constant 0 : i32
        %swap3A_463 = arith.index_cast %swap3A_462 : i32 to index
        %swap3A_464 = arith.index_cast %add3A_425 : i32 to index
        %swap3A_465 = arith.constant 32 : index
        %swap3A_466 = tpu.vector_load %arg18[%swap3A_463, %swap3A_464, %swap3A_465] {strides = array<i32>} : memref<4x80x128xf32, #tpu.memory_space<vmem>>, vector<16xf32>,
        tpu.vector_store %arg18[%swap3A_463, %swap3A_464, %swap3A_465], %mul3A_461 {strides = array<i32>} : memref<4x80x128xf32, #tpu.memory_space<vmem>>, vector<16xf32>,
        %get3A_467 = arith.constant 0 : i32
        %get3A_468 = arith.index_cast %get3A_467 : i32 to index
        %get3A_469 = arith.index_cast %add3A_425 : i32 to index
        %get3A_470 = arith.constant 48 : index
        %get3A_471 = tpu.vector_load %arg18[%get3A_468, %get3A_469, %get3A_470] {strides = array<i32>} : memref<4x80x128xf32, #tpu.memory_space<vmem>>, vector<16xf32>,
        %mul3A_472 = arith.mulf %get3A_471, %gather3A_433 : vector<16xf32>
        %swap3A_473 = arith.constant 0 : i32
        %swap3A_474 = arith.index_cast %swap3A_473 : i32 to index
        %swap3A_475 = arith.index_cast %add3A_425 : i32 to index
        %swap3A_476 = arith.constant 48 : index
        %swap3A_477 = tpu.vector_load %arg18[%swap3A_474, %swap3A_475, %swap3A_476] {strides = array<i32>} : memref<4x80x128xf32, #tpu.memory_space<vmem>>, vector<16xf32>,
        tpu.vector_store %arg18[%swap3A_474, %swap3A_475, %swap3A_476], %mul3A_472 {strides = array<i32>} : memref<4x80x128xf32, #tpu.memory_space<vmem>>, vector<16xf32>,
        %get3A_478 = arith.constant 0 : i32
        %get3A_479 = arith.index_cast %get3A_478 : i32 to index
        %get3A_480 = arith.index_cast %add3A_425 : i32 to index
        %get3A_481 = arith.constant 64 : index
        %get3A_482 = tpu.vector_load %arg18[%get3A_479, %get3A_480, %get3A_481] {strides = array<i32>} : memref<4x80x128xf32, #tpu.memory_space<vmem>>, vector<16xf32>,
        %mul3A_483 = arith.mulf %get3A_482, %gather3A_433 : vector<16xf32>
        %swap3A_484 = arith.constant 0 : i32
        %swap3A_485 = arith.index_cast %swap3A_484 : i32 to index
        %swap3A_486 = arith.index_cast %add3A_425 : i32 to index
        %swap3A_487 = arith.constant 64 : index
        %swap3A_488 = tpu.vector_load %arg18[%swap3A_485, %swap3A_486, %swap3A_487] {strides = array<i32>} : memref<4x80x128xf32, #tpu.memory_space<vmem>>, vector<16xf32>,
        tpu.vector_store %arg18[%swap3A_485, %swap3A_486, %swap3A_487], %mul3A_483 {strides = array<i32>} : memref<4x80x128xf32, #tpu.memory_space<vmem>>, vector<16xf32>,
        %get3A_489 = arith.constant 0 : i32
        %get3A_490 = arith.index_cast %get3A_489 : i32 to index
        %get3A_491 = arith.index_cast %add3A_425 : i32 to index
        %get3A_492 = arith.constant 80 : index
        %get3A_493 = tpu.vector_load %arg18[%get3A_490, %get3A_491, %get3A_492] {strides = array<i32>} : memref<4x80x128xf32, #tpu.memory_space<vmem>>, vector<16xf32>,
        %mul3A_494 = arith.mulf %get3A_493, %gather3A_433 : vector<16xf32>
        %swap3A_495 = arith.constant 0 : i32
        %swap3A_496 = arith.index_cast %swap3A_495 : i32 to index
        %swap3A_497 = arith.index_cast %add3A_425 : i32 to index
        %swap3A_498 = arith.constant 80 : index
        %swap3A_499 = tpu.vector_load %arg18[%swap3A_496, %swap3A_497, %swap3A_498] {strides = array<i32>} : memref<4x80x128xf32, #tpu.memory_space<vmem>>, vector<16xf32>,
        tpu.vector_store %arg18[%swap3A_496, %swap3A_497, %swap3A_498], %mul3A_494 {strides = array<i32>} : memref<4x80x128xf32, #tpu.memory_space<vmem>>, vector<16xf32>,
        %get3A_500 = arith.constant 0 : i32
        %get3A_501 = arith.index_cast %get3A_500 : i32 to index
        %get3A_502 = arith.index_cast %add3A_425 : i32 to index
        %get3A_503 = arith.constant 96 : index
        %get3A_504 = tpu.vector_load %arg18[%get3A_501, %get3A_502, %get3A_503] {strides = array<i32>} : memref<4x80x128xf32, #tpu.memory_space<vmem>>, vector<16xf32>,
        %mul3A_505 = arith.mulf %get3A_504, %gather3A_433 : vector<16xf32>
        %swap3A_506 = arith.constant 0 : i32
        %swap3A_507 = arith.index_cast %swap3A_506 : i32 to index
        %swap3A_508 = arith.index_cast %add3A_425 : i32 to index
        %swap3A_509 = arith.constant 96 : index
        %swap3A_510 = tpu.vector_load %arg18[%swap3A_507, %swap3A_508, %swap3A_509] {strides = array<i32>} : memref<4x80x128xf32, #tpu.memory_space<vmem>>, vector<16xf32>,
        tpu.vector_store %arg18[%swap3A_507, %swap3A_508, %swap3A_509], %mul3A_505 {strides = array<i32>} : memref<4x80x128xf32, #tpu.memory_space<vmem>>, vector<16xf32>,
        %get3A_511 = arith.constant 0 : i32
        %get3A_512 = arith.index_cast %get3A_511 : i32 to index
        %get3A_513 = arith.index_cast %add3A_425 : i32 to index
        %get3A_514 = arith.constant 112 : index
        %get3A_515 = tpu.vector_load %arg18[%get3A_512, %get3A_513, %get3A_514] {strides = array<i32>} : memref<4x80x128xf32, #tpu.memory_space<vmem>>, vector<16xf32>,
        %mul3A_516 = arith.mulf %get3A_515, %gather3A_433 : vector<16xf32>
        %swap3A_517 = arith.constant 0 : i32
        %swap3A_518 = arith.index_cast %swap3A_517 : i32 to index
        %swap3A_519 = arith.index_cast %add3A_425 : i32 to index
        %swap3A_520 = arith.constant 112 : index
        %swap3A_521 = tpu.vector_load %arg18[%swap3A_518, %swap3A_519, %swap3A_520] {strides = array<i32>} : memref<4x80x128xf32, #tpu.memory_space<vmem>>, vector<16xf32>,
        tpu.vector_store %arg18[%swap3A_518, %swap3A_519, %swap3A_520], %mul3A_516 {strides = array<i32>} : memref<4x80x128xf32, #tpu.memory_space<vmem>>, vector<16xf32>,
        %scan3A_522 = arith.constant 1 : i32
        %scan3A_523 = arith.addi %scan3A_421, %scan3A_522 : i32
        %mul3A_524 = arith.constant 1 : i32
        %mul3A_525 = arith.muli %scan3A_523, %mul3A_524 : i32
        %add3A_526 = arith.constant 0 : i32
        %add3A_527 = arith.addi %add3A_526, %mul3A_525 : i32
        %broadcast_in_dim3A_528 = arith.constant 0 : i32
        %broadcast_in_dim3A_529 = vector.broadcast %broadcast_in_dim3A_528 : i32 to vector<16xi32>
        %add3A_530 = vector.broadcast %add3A_527 : i32 to vector<16xi32>
        %add3A_531 = arith.addi %broadcast_in_dim3A_529, %add3A_530 : vector<16xi32>
        %gather3A_532 = arith.constant 0 : i32
        %gather3A_533 = arith.constant 0 : i32
        %gather3A_534 = tpu.memref_slice %arg15[%gather3A_532, %gather3A_533] : memref<4x80xf32, #tpu.memory_space<vmem>> -> memref<1x80xf32, #tpu.memory_space<vmem>>
        %gather3A_535 = tpu.memref_squeeze %gather3A_534 : memref<1x80xf32, #tpu.memory_space<vmem>> -> memref<80xf32, #tpu.memory_space<vmem>>
        %gather3A_536 = tpu.vector_load_idx %gather3A_535[%add3A_531] : memref<80xf32, #tpu.memory_space<vmem>>[vector<16xi32>], vector<16xf32>,
        %get3A_537 = arith.constant 0 : i32
        %get3A_538 = arith.index_cast %get3A_537 : i32 to index
        %get3A_539 = arith.index_cast %add3A_527 : i32 to index
        %get3A_540 = arith.constant 0 : index
        %get3A_541 = tpu.vector_load %arg18[%get3A_538, %get3A_539, %get3A_540] {strides = array<i32>} : memref<4x80x128xf32, #tpu.memory_space<vmem>>, vector<16xf32>,
        %mul3A_542 = arith.mulf %get3A_541, %gather3A_536 : vector<16xf32>
        %swap3A_543 = arith.constant 0 : i32
        %swap3A_544 = arith.index_cast %swap3A_543 : i32 to index
        %swap3A_545 = arith.index_cast %add3A_527 : i32 to index
        %swap3A_546 = arith.constant 0 : index
        %swap3A_547 = tpu.vector_load %arg18[%swap3A_544, %swap3A_545, %swap3A_546] {strides = array<i32>} : memref<4x80x128xf32, #tpu.memory_space<vmem>>, vector<16xf32>,
        tpu.vector_store %arg18[%swap3A_544, %swap3A_545, %swap3A_546], %mul3A_542 {strides = array<i32>} : memref<4x80x128xf32, #tpu.memory_space<vmem>>, vector<16xf32>,
        %get3A_548 = arith.constant 0 : i32
        %get3A_549 = arith.index_cast %get3A_548 : i32 to index
        %get3A_550 = arith.index_cast %add3A_527 : i32 to index
        %get3A_551 = arith.constant 16 : index
        %get3A_552 = tpu.vector_load %arg18[%get3A_549, %get3A_550, %get3A_551] {strides = array<i32>} : memref<4x80x128xf32, #tpu.memory_space<vmem>>, vector<16xf32>,
        %mul3A_553 = arith.mulf %get3A_552, %gather3A_536 : vector<16xf32>
        %swap3A_554 = arith.constant 0 : i32
        %swap3A_555 = arith.index_cast %swap3A_554 : i32 to index
        %swap3A_556 = arith.index_cast %add3A_527 : i32 to index
        %swap3A_557 = arith.constant 16 : index
        %swap3A_558 = tpu.vector_load %arg18[%swap3A_555, %swap3A_556, %swap3A_557] {strides = array<i32>} : memref<4x80x128xf32, #tpu.memory_space<vmem>>, vector<16xf32>,
        tpu.vector_store %arg18[%swap3A_555, %swap3A_556, %swap3A_557], %mul3A_553 {strides = array<i32>} : memref<4x80x128xf32, #tpu.memory_space<vmem>>, vector<16xf32>,
        %get3A_559 = arith.constant 0 : i32
        %get3A_560 = arith.index_cast %get3A_559 : i32 to index
        %get3A_561 = arith.index_cast %add3A_527 : i32 to index
        %get3A_562 = arith.constant 32 : index
        %get3A_563 = tpu.vector_load %arg18[%get3A_560, %get3A_561, %get3A_562] {strides = array<i32>} : memref<4x80x128xf32, #tpu.memory_space<vmem>>, vector<16xf32>,
        %mul3A_564 = arith.mulf %get3A_563, %gather3A_536 : vector<16xf32>
        %swap3A_565 = arith.constant 0 : i32
        %swap3A_566 = arith.index_cast %swap3A_565 : i32 to index
        %swap3A_567 = arith.index_cast %add3A_527 : i32 to index
        %swap3A_568 = arith.constant 32 : index
        %swap3A_569 = tpu.vector_load %arg18[%swap3A_566, %swap3A_567, %swap3A_568] {strides = array<i32>} : memref<4x80x128xf32, #tpu.memory_space<vmem>>, vector<16xf32>,
        tpu.vector_store %arg18[%swap3A_566, %swap3A_567, %swap3A_568], %mul3A_564 {strides = array<i32>} : memref<4x80x128xf32, #tpu.memory_space<vmem>>, vector<16xf32>,
        %get3A_570 = arith.constant 0 : i32
        %get3A_571 = arith.index_cast %get3A_570 : i32 to index
        %get3A_572 = arith.index_cast %add3A_527 : i32 to index
        %get3A_573 = arith.constant 48 : index
        %get3A_574 = tpu.vector_load %arg18[%get3A_571, %get3A_572, %get3A_573] {strides = array<i32>} : memref<4x80x128xf32, #tpu.memory_space<vmem>>, vector<16xf32>,
        %mul3A_575 = arith.mulf %get3A_574, %gather3A_536 : vector<16xf32>
        %swap3A_576 = arith.constant 0 : i32
        %swap3A_577 = arith.index_cast %swap3A_576 : i32 to index
        %swap3A_578 = arith.index_cast %add3A_527 : i32 to index
        %swap3A_579 = arith.constant 48 : index
        %swap3A_580 = tpu.vector_load %arg18[%swap3A_577, %swap3A_578, %swap3A_579] {strides = array<i32>} : memref<4x80x128xf32, #tpu.memory_space<vmem>>, vector<16xf32>,
        tpu.vector_store %arg18[%swap3A_577, %swap3A_578, %swap3A_579], %mul3A_575 {strides = array<i32>} : memref<4x80x128xf32, #tpu.memory_space<vmem>>, vector<16xf32>,
        %get3A_581 = arith.constant 0 : i32
        %get3A_582 = arith.index_cast %get3A_581 : i32 to index
        %get3A_583 = arith.index_cast %add3A_527 : i32 to index
        %get3A_584 = arith.constant 64 : index
        %get3A_585 = tpu.vector_load %arg18[%get3A_582, %get3A_583, %get3A_584] {strides = array<i32>} : memref<4x80x128xf32, #tpu.memory_space<vmem>>, vector<16xf32>,
        %mul3A_586 = arith.mulf %get3A_585, %gather3A_536 : vector<16xf32>
        %swap3A_587 = arith.constant 0 : i32
        %swap3A_588 = arith.index_cast %swap3A_587 : i32 to index
        %swap3A_589 = arith.index_cast %add3A_527 : i32 to index
        %swap3A_590 = arith.constant 64 : index
        %swap3A_591 = tpu.vector_load %arg18[%swap3A_588, %swap3A_589, %swap3A_590] {strides = array<i32>} : memref<4x80x128xf32, #tpu.memory_space<vmem>>, vector<16xf32>,
        tpu.vector_store %arg18[%swap3A_588, %swap3A_589, %swap3A_590], %mul3A_586 {strides = array<i32>} : memref<4x80x128xf32, #tpu.memory_space<vmem>>, vector<16xf32>,
        %get3A_592 = arith.constant 0 : i32
        %get3A_593 = arith.index_cast %get3A_592 : i32 to index
        %get3A_594 = arith.index_cast %add3A_527 : i32 to index
        %get3A_595 = arith.constant 80 : index
        %get3A_596 = tpu.vector_load %arg18[%get3A_593, %get3A_594, %get3A_595] {strides = array<i32>} : memref<4x80x128xf32, #tpu.memory_space<vmem>>, vector<16xf32>,
        %mul3A_597 = arith.mulf %get3A_596, %gather3A_536 : vector<16xf32>
        %swap3A_598 = arith.constant 0 : i32
        %swap3A_599 = arith.index_cast %swap3A_598 : i32 to index
        %swap3A_600 = arith.index_cast %add3A_527 : i32 to index
        %swap3A_601 = arith.constant 80 : index
        %swap3A_602 = tpu.vector_load %arg18[%swap3A_599, %swap3A_600, %swap3A_601] {strides = array<i32>} : memref<4x80x128xf32, #tpu.memory_space<vmem>>, vector<16xf32>,
        tpu.vector_store %arg18[%swap3A_599, %swap3A_600, %swap3A_601], %mul3A_597 {strides = array<i32>} : memref<4x80x128xf32, #tpu.memory_space<vmem>>, vector<16xf32>,
        %get3A_603 = arith.constant 0 : i32
        %get3A_604 = arith.index_cast %get3A_603 : i32 to index
        %get3A_605 = arith.index_cast %add3A_527 : i32 to index
        %get3A_606 = arith.constant 96 : index
        %get3A_607 = tpu.vector_load %arg18[%get3A_604, %get3A_605, %get3A_606] {strides = array<i32>} : memref<4x80x128xf32, #tpu.memory_space<vmem>>, vector<16xf32>,
        %mul3A_608 = arith.mulf %get3A_607, %gather3A_536 : vector<16xf32>
        %swap3A_609 = arith.constant 0 : i32
        %swap3A_610 = arith.index_cast %swap3A_609 : i32 to index
        %swap3A_611 = arith.index_cast %add3A_527 : i32 to index
        %swap3A_612 = arith.constant 96 : index
        %swap3A_613 = tpu.vector_load %arg18[%swap3A_610, %swap3A_611, %swap3A_612] {strides = array<i32>} : memref<4x80x128xf32, #tpu.memory_space<vmem>>, vector<16xf32>,
        tpu.vector_store %arg18[%swap3A_610, %swap3A_611, %swap3A_612], %mul3A_608 {strides = array<i32>} : memref<4x80x128xf32, #tpu.memory_space<vmem>>, vector<16xf32>,
        %get3A_614 = arith.constant 0 : i32
        %get3A_615 = arith.index_cast %get3A_614 : i32 to index
        %get3A_616 = arith.index_cast %add3A_527 : i32 to index
        %get3A_617 = arith.constant 112 : index
        %get3A_618 = tpu.vector_load %arg18[%get3A_615, %get3A_616, %get3A_617] {strides = array<i32>} : memref<4x80x128xf32, #tpu.memory_space<vmem>>, vector<16xf32>,
        %mul3A_619 = arith.mulf %get3A_618, %gather3A_536 : vector<16xf32>
        %swap3A_620 = arith.constant 0 : i32
        %swap3A_621 = arith.index_cast %swap3A_620 : i32 to index
        %swap3A_622 = arith.index_cast %add3A_527 : i32 to index
        %swap3A_623 = arith.constant 112 : index
        %swap3A_624 = tpu.vector_load %arg18[%swap3A_621, %swap3A_622, %swap3A_623] {strides = array<i32>} : memref<4x80x128xf32, #tpu.memory_space<vmem>>, vector<16xf32>,
        tpu.vector_store %arg18[%swap3A_621, %swap3A_622, %swap3A_623], %mul3A_619 {strides = array<i32>} : memref<4x80x128xf32, #tpu.memory_space<vmem>>, vector<16xf32>,
        %scan3A_625 = arith.constant 2 : i32
        %scan3A_626 = arith.addi %scan3A_421, %scan3A_625 : i32
        %mul3A_627 = arith.constant 1 : i32
        %mul3A_628 = arith.muli %scan3A_626, %mul3A_627 : i32
        %add3A_629 = arith.constant 0 : i32
        %add3A_630 = arith.addi %add3A_629, %mul3A_628 : i32
        %broadcast_in_dim3A_631 = arith.constant 0 : i32
        %broadcast_in_dim3A_632 = vector.broadcast %broadcast_in_dim3A_631 : i32 to vector<16xi32>
        %add3A_633 = vector.broadcast %add3A_630 : i32 to vector<16xi32>
        %add3A_634 = arith.addi %broadcast_in_dim3A_632, %add3A_633 : vector<16xi32>
        %gather3A_635 = arith.constant 0 : i32
        %gather3A_636 = arith.constant 0 : i32
        %gather3A_637 = tpu.memref_slice %arg15[%gather3A_635, %gather3A_636] : memref<4x80xf32, #tpu.memory_space<vmem>> -> memref<1x80xf32, #tpu.memory_space<vmem>>
        %gather3A_638 = tpu.memref_squeeze %gather3A_637 : memref<1x80xf32, #tpu.memory_space<vmem>> -> memref<80xf32, #tpu.memory_space<vmem>>
        %gather3A_639 = tpu.vector_load_idx %gather3A_638[%add3A_634] : memref<80xf32, #tpu.memory_space<vmem>>[vector<16xi32>], vector<16xf32>,
        %get3A_640 = arith.constant 0 : i32
        %get3A_641 = arith.index_cast %get3A_640 : i32 to index
        %get3A_642 = arith.index_cast %add3A_630 : i32 to index
        %get3A_643 = arith.constant 0 : index
        %get3A_644 = tpu.vector_load %arg18[%get3A_641, %get3A_642, %get3A_643] {strides = array<i32>} : memref<4x80x128xf32, #tpu.memory_space<vmem>>, vector<16xf32>,
        %mul3A_645 = arith.mulf %get3A_644, %gather3A_639 : vector<16xf32>
        %swap3A_646 = arith.constant 0 : i32
        %swap3A_647 = arith.index_cast %swap3A_646 : i32 to index
        %swap3A_648 = arith.index_cast %add3A_630 : i32 to index
        %swap3A_649 = arith.constant 0 : index
        %swap3A_650 = tpu.vector_load %arg18[%swap3A_647, %swap3A_648, %swap3A_649] {strides = array<i32>} : memref<4x80x128xf32, #tpu.memory_space<vmem>>, vector<16xf32>,
        tpu.vector_store %arg18[%swap3A_647, %swap3A_648, %swap3A_649], %mul3A_645 {strides = array<i32>} : memref<4x80x128xf32, #tpu.memory_space<vmem>>, vector<16xf32>,
        %get3A_651 = arith.constant 0 : i32
        %get3A_652 = arith.index_cast %get3A_651 : i32 to index
        %get3A_653 = arith.index_cast %add3A_630 : i32 to index
        %get3A_654 = arith.constant 16 : index
        %get3A_655 = tpu.vector_load %arg18[%get3A_652, %get3A_653, %get3A_654] {strides = array<i32>} : memref<4x80x128xf32, #tpu.memory_space<vmem>>, vector<16xf32>,
        %mul3A_656 = arith.mulf %get3A_655, %gather3A_639 : vector<16xf32>
        %swap3A_657 = arith.constant 0 : i32
        %swap3A_658 = arith.index_cast %swap3A_657 : i32 to index
        %swap3A_659 = arith.index_cast %add3A_630 : i32 to index
        %swap3A_660 = arith.constant 16 : index
        %swap3A_661 = tpu.vector_load %arg18[%swap3A_658, %swap3A_659, %swap3A_660] {strides = array<i32>} : memref<4x80x128xf32, #tpu.memory_space<vmem>>, vector<16xf32>,
        tpu.vector_store %arg18[%swap3A_658, %swap3A_659, %swap3A_660], %mul3A_656 {strides = array<i32>} : memref<4x80x128xf32, #tpu.memory_space<vmem>>, vector<16xf32>,
        %get3A_662 = arith.constant 0 : i32
        %get3A_663 = arith.index_cast %get3A_662 : i32 to index
        %get3A_664 = arith.index_cast %add3A_630 : i32 to index
        %get3A_665 = arith.constant 32 : index
        %get3A_666 = tpu.vector_load %arg18[%get3A_663, %get3A_664, %get3A_665] {strides = array<i32>} : memref<4x80x128xf32, #tpu.memory_space<vmem>>, vector<16xf32>,
        %mul3A_667 = arith.mulf %get3A_666, %gather3A_639 : vector<16xf32>
        %swap3A_668 = arith.constant 0 : i32
        %swap3A_669 = arith.index_cast %swap3A_668 : i32 to index
        %swap3A_670 = arith.index_cast %add3A_630 : i32 to index
        %swap3A_671 = arith.constant 32 : index
        %swap3A_672 = tpu.vector_load %arg18[%swap3A_669, %swap3A_670, %swap3A_671] {strides = array<i32>} : memref<4x80x128xf32, #tpu.memory_space<vmem>>, vector<16xf32>,
        tpu.vector_store %arg18[%swap3A_669, %swap3A_670, %swap3A_671], %mul3A_667 {strides = array<i32>} : memref<4x80x128xf32, #tpu.memory_space<vmem>>, vector<16xf32>,
        %get3A_673 = arith.constant 0 : i32
        %get3A_674 = arith.index_cast %get3A_673 : i32 to index
        %get3A_675 = arith.index_cast %add3A_630 : i32 to index
        %get3A_676 = arith.constant 48 : index
        %get3A_677 = tpu.vector_load %arg18[%get3A_674, %get3A_675, %get3A_676] {strides = array<i32>} : memref<4x80x128xf32, #tpu.memory_space<vmem>>, vector<16xf32>,
        %mul3A_678 = arith.mulf %get3A_677, %gather3A_639 : vector<16xf32>
        %swap3A_679 = arith.constant 0 : i32
        %swap3A_680 = arith.index_cast %swap3A_679 : i32 to index
        %swap3A_681 = arith.index_cast %add3A_630 : i32 to index
        %swap3A_682 = arith.constant 48 : index
        %swap3A_683 = tpu.vector_load %arg18[%swap3A_680, %swap3A_681, %swap3A_682] {strides = array<i32>} : memref<4x80x128xf32, #tpu.memory_space<vmem>>, vector<16xf32>,
        tpu.vector_store %arg18[%swap3A_680, %swap3A_681, %swap3A_682], %mul3A_678 {strides = array<i32>} : memref<4x80x128xf32, #tpu.memory_space<vmem>>, vector<16xf32>,
        %get3A_684 = arith.constant 0 : i32
        %get3A_685 = arith.index_cast %get3A_684 : i32 to index
        %get3A_686 = arith.index_cast %add3A_630 : i32 to index
        %get3A_687 = arith.constant 64 : index
        %get3A_688 = tpu.vector_load %arg18[%get3A_685, %get3A_686, %get3A_687] {strides = array<i32>} : memref<4x80x128xf32, #tpu.memory_space<vmem>>, vector<16xf32>,
        %mul3A_689 = arith.mulf %get3A_688, %gather3A_639 : vector<16xf32>
        %swap3A_690 = arith.constant 0 : i32
        %swap3A_691 = arith.index_cast %swap3A_690 : i32 to index
        %swap3A_692 = arith.index_cast %add3A_630 : i32 to index
        %swap3A_693 = arith.constant 64 : index
        %swap3A_694 = tpu.vector_load %arg18[%swap3A_691, %swap3A_692, %swap3A_693] {strides = array<i32>} : memref<4x80x128xf32, #tpu.memory_space<vmem>>, vector<16xf32>,
        tpu.vector_store %arg18[%swap3A_691, %swap3A_692, %swap3A_693], %mul3A_689 {strides = array<i32>} : memref<4x80x128xf32, #tpu.memory_space<vmem>>, vector<16xf32>,
        %get3A_695 = arith.constant 0 : i32
        %get3A_696 = arith.index_cast %get3A_695 : i32 to index
        %get3A_697 = arith.index_cast %add3A_630 : i32 to index
        %get3A_698 = arith.constant 80 : index
        %get3A_699 = tpu.vector_load %arg18[%get3A_696, %get3A_697, %get3A_698] {strides = array<i32>} : memref<4x80x128xf32, #tpu.memory_space<vmem>>, vector<16xf32>,
        %mul3A_700 = arith.mulf %get3A_699, %gather3A_639 : vector<16xf32>
        %swap3A_701 = arith.constant 0 : i32
        %swap3A_702 = arith.index_cast %swap3A_701 : i32 to index
        %swap3A_703 = arith.index_cast %add3A_630 : i32 to index
        %swap3A_704 = arith.constant 80 : index
        %swap3A_705 = tpu.vector_load %arg18[%swap3A_702, %swap3A_703, %swap3A_704] {strides = array<i32>} : memref<4x80x128xf32, #tpu.memory_space<vmem>>, vector<16xf32>,
        tpu.vector_store %arg18[%swap3A_702, %swap3A_703, %swap3A_704], %mul3A_700 {strides = array<i32>} : memref<4x80x128xf32, #tpu.memory_space<vmem>>, vector<16xf32>,
        %get3A_706 = arith.constant 0 : i32
        %get3A_707 = arith.index_cast %get3A_706 : i32 to index
        %get3A_708 = arith.index_cast %add3A_630 : i32 to index
        %get3A_709 = arith.constant 96 : index
        %get3A_710 = tpu.vector_load %arg18[%get3A_707, %get3A_708, %get3A_709] {strides = array<i32>} : memref<4x80x128xf32, #tpu.memory_space<vmem>>, vector<16xf32>,
        %mul3A_711 = arith.mulf %get3A_710, %gather3A_639 : vector<16xf32>
        %swap3A_712 = arith.constant 0 : i32
        %swap3A_713 = arith.index_cast %swap3A_712 : i32 to index
        %swap3A_714 = arith.index_cast %add3A_630 : i32 to index
        %swap3A_715 = arith.constant 96 : index
        %swap3A_716 = tpu.vector_load %arg18[%swap3A_713, %swap3A_714, %swap3A_715] {strides = array<i32>} : memref<4x80x128xf32, #tpu.memory_space<vmem>>, vector<16xf32>,
        tpu.vector_store %arg18[%swap3A_713, %swap3A_714, %swap3A_715], %mul3A_711 {strides = array<i32>} : memref<4x80x128xf32, #tpu.memory_space<vmem>>, vector<16xf32>,
        %get3A_717 = arith.constant 0 : i32
        %get3A_718 = arith.index_cast %get3A_717 : i32 to index
        %get3A_719 = arith.index_cast %add3A_630 : i32 to index
        %get3A_720 = arith.constant 112 : index
        %get3A_721 = tpu.vector_load %arg18[%get3A_718, %get3A_719, %get3A_720] {strides = array<i32>} : memref<4x80x128xf32, #tpu.memory_space<vmem>>, vector<16xf32>,
        %mul3A_722 = arith.mulf %get3A_721, %gather3A_639 : vector<16xf32>
        %swap3A_723 = arith.constant 0 : i32
        %swap3A_724 = arith.index_cast %swap3A_723 : i32 to index
        %swap3A_725 = arith.index_cast %add3A_630 : i32 to index
        %swap3A_726 = arith.constant 112 : index
        %swap3A_727 = tpu.vector_load %arg18[%swap3A_724, %swap3A_725, %swap3A_726] {strides = array<i32>} : memref<4x80x128xf32, #tpu.memory_space<vmem>>, vector<16xf32>,
        tpu.vector_store %arg18[%swap3A_724, %swap3A_725, %swap3A_726], %mul3A_722 {strides = array<i32>} : memref<4x80x128xf32, #tpu.memory_space<vmem>>, vector<16xf32>,
        %scan3A_728 = arith.constant 3 : i32
        %scan3A_729 = arith.addi %scan3A_421, %scan3A_728 : i32
        %mul3A_730 = arith.constant 1 : i32
        %mul3A_731 = arith.muli %scan3A_729, %mul3A_730 : i32
        %add3A_732 = arith.constant 0 : i32
        %add3A_733 = arith.addi %add3A_732, %mul3A_731 : i32
        %broadcast_in_dim3A_734 = arith.constant 0 : i32
        %broadcast_in_dim3A_735 = vector.broadcast %broadcast_in_dim3A_734 : i32 to vector<16xi32>
        %add3A_736 = vector.broadcast %add3A_733 : i32 to vector<16xi32>
        %add3A_737 = arith.addi %broadcast_in_dim3A_735, %add3A_736 : vector<16xi32>
        %gather3A_738 = arith.constant 0 : i32
        %gather3A_739 = arith.constant 0 : i32
        %gather3A_740 = tpu.memref_slice %arg15[%gather3A_738, %gather3A_739] : memref<4x80xf32, #tpu.memory_space<vmem>> -> memref<1x80xf32, #tpu.memory_space<vmem>>
        %gather3A_741 = tpu.memref_squeeze %gather3A_740 : memref<1x80xf32, #tpu.memory_space<vmem>> -> memref<80xf32, #tpu.memory_space<vmem>>
        %gather3A_742 = tpu.vector_load_idx %gather3A_741[%add3A_737] : memref<80xf32, #tpu.memory_space<vmem>>[vector<16xi32>], vector<16xf32>,
        %get3A_743 = arith.constant 0 : i32
        %get3A_744 = arith.index_cast %get3A_743 : i32 to index
        %get3A_745 = arith.index_cast %add3A_733 : i32 to index
        %get3A_746 = arith.constant 0 : index
        %get3A_747 = tpu.vector_load %arg18[%get3A_744, %get3A_745, %get3A_746] {strides = array<i32>} : memref<4x80x128xf32, #tpu.memory_space<vmem>>, vector<16xf32>,
        %mul3A_748 = arith.mulf %get3A_747, %gather3A_742 : vector<16xf32>
        %swap3A_749 = arith.constant 0 : i32
        %swap3A_750 = arith.index_cast %swap3A_749 : i32 to index
        %swap3A_751 = arith.index_cast %add3A_733 : i32 to index
        %swap3A_752 = arith.constant 0 : index
        %swap3A_753 = tpu.vector_load %arg18[%swap3A_750, %swap3A_751, %swap3A_752] {strides = array<i32>} : memref<4x80x128xf32, #tpu.memory_space<vmem>>, vector<16xf32>,
        tpu.vector_store %arg18[%swap3A_750, %swap3A_751, %swap3A_752], %mul3A_748 {strides = array<i32>} : memref<4x80x128xf32, #tpu.memory_space<vmem>>, vector<16xf32>,
        %get3A_754 = arith.constant 0 : i32
        %get3A_755 = arith.index_cast %get3A_754 : i32 to index
        %get3A_756 = arith.index_cast %add3A_733 : i32 to index
        %get3A_757 = arith.constant 16 : index
        %get3A_758 = tpu.vector_load %arg18[%get3A_755, %get3A_756, %get3A_757] {strides = array<i32>} : memref<4x80x128xf32, #tpu.memory_space<vmem>>, vector<16xf32>,
        %mul3A_759 = arith.mulf %get3A_758, %gather3A_742 : vector<16xf32>
        %swap3A_760 = arith.constant 0 : i32
        %swap3A_761 = arith.index_cast %swap3A_760 : i32 to index
        %swap3A_762 = arith.index_cast %add3A_733 : i32 to index
        %swap3A_763 = arith.constant 16 : index
        %swap3A_764 = tpu.vector_load %arg18[%swap3A_761, %swap3A_762, %swap3A_763] {strides = array<i32>} : memref<4x80x128xf32, #tpu.memory_space<vmem>>, vector<16xf32>,
        tpu.vector_store %arg18[%swap3A_761, %swap3A_762, %swap3A_763], %mul3A_759 {strides = array<i32>} : memref<4x80x128xf32, #tpu.memory_space<vmem>>, vector<16xf32>,
        %get3A_765 = arith.constant 0 : i32
        %get3A_766 = arith.index_cast %get3A_765 : i32 to index
        %get3A_767 = arith.index_cast %add3A_733 : i32 to index
        %get3A_768 = arith.constant 32 : index
        %get3A_769 = tpu.vector_load %arg18[%get3A_766, %get3A_767, %get3A_768] {strides = array<i32>} : memref<4x80x128xf32, #tpu.memory_space<vmem>>, vector<16xf32>,
        %mul3A_770 = arith.mulf %get3A_769, %gather3A_742 : vector<16xf32>
        %swap3A_771 = arith.constant 0 : i32
        %swap3A_772 = arith.index_cast %swap3A_771 : i32 to index
        %swap3A_773 = arith.index_cast %add3A_733 : i32 to index
        %swap3A_774 = arith.constant 32 : index
        %swap3A_775 = tpu.vector_load %arg18[%swap3A_772, %swap3A_773, %swap3A_774] {strides = array<i32>} : memref<4x80x128xf32, #tpu.memory_space<vmem>>, vector<16xf32>,
        tpu.vector_store %arg18[%swap3A_772, %swap3A_773, %swap3A_774], %mul3A_770 {strides = array<i32>} : memref<4x80x128xf32, #tpu.memory_space<vmem>>, vector<16xf32>,
        %get3A_776 = arith.constant 0 : i32
        %get3A_777 = arith.index_cast %get3A_776 : i32 to index
        %get3A_778 = arith.index_cast %add3A_733 : i32 to index
        %get3A_779 = arith.constant 48 : index
        %get3A_780 = tpu.vector_load %arg18[%get3A_777, %get3A_778, %get3A_779] {strides = array<i32>} : memref<4x80x128xf32, #tpu.memory_space<vmem>>, vector<16xf32>,
        %mul3A_781 = arith.mulf %get3A_780, %gather3A_742 : vector<16xf32>
        %swap3A_782 = arith.constant 0 : i32
        %swap3A_783 = arith.index_cast %swap3A_782 : i32 to index
        %swap3A_784 = arith.index_cast %add3A_733 : i32 to index
        %swap3A_785 = arith.constant 48 : index
        %swap3A_786 = tpu.vector_load %arg18[%swap3A_783, %swap3A_784, %swap3A_785] {strides = array<i32>} : memref<4x80x128xf32, #tpu.memory_space<vmem>>, vector<16xf32>,
        tpu.vector_store %arg18[%swap3A_783, %swap3A_784, %swap3A_785], %mul3A_781 {strides = array<i32>} : memref<4x80x128xf32, #tpu.memory_space<vmem>>, vector<16xf32>,
        %get3A_787 = arith.constant 0 : i32
        %get3A_788 = arith.index_cast %get3A_787 : i32 to index
        %get3A_789 = arith.index_cast %add3A_733 : i32 to index
        %get3A_790 = arith.constant 64 : index
        %get3A_791 = tpu.vector_load %arg18[%get3A_788, %get3A_789, %get3A_790] {strides = array<i32>} : memref<4x80x128xf32, #tpu.memory_space<vmem>>, vector<16xf32>,
        %mul3A_792 = arith.mulf %get3A_791, %gather3A_742 : vector<16xf32>
        %swap3A_793 = arith.constant 0 : i32
        %swap3A_794 = arith.index_cast %swap3A_793 : i32 to index
        %swap3A_795 = arith.index_cast %add3A_733 : i32 to index
        %swap3A_796 = arith.constant 64 : index
        %swap3A_797 = tpu.vector_load %arg18[%swap3A_794, %swap3A_795, %swap3A_796] {strides = array<i32>} : memref<4x80x128xf32, #tpu.memory_space<vmem>>, vector<16xf32>,
        tpu.vector_store %arg18[%swap3A_794, %swap3A_795, %swap3A_796], %mul3A_792 {strides = array<i32>} : memref<4x80x128xf32, #tpu.memory_space<vmem>>, vector<16xf32>,
        %get3A_798 = arith.constant 0 : i32
        %get3A_799 = arith.index_cast %get3A_798 : i32 to index
        %get3A_800 = arith.index_cast %add3A_733 : i32 to index
        %get3A_801 = arith.constant 80 : index
        %get3A_802 = tpu.vector_load %arg18[%get3A_799, %get3A_800, %get3A_801] {strides = array<i32>} : memref<4x80x128xf32, #tpu.memory_space<vmem>>, vector<16xf32>,
        %mul3A_803 = arith.mulf %get3A_802, %gather3A_742 : vector<16xf32>
        %swap3A_804 = arith.constant 0 : i32
        %swap3A_805 = arith.index_cast %swap3A_804 : i32 to index
        %swap3A_806 = arith.index_cast %add3A_733 : i32 to index
        %swap3A_807 = arith.constant 80 : index
        %swap3A_808 = tpu.vector_load %arg18[%swap3A_805, %swap3A_806, %swap3A_807] {strides = array<i32>} : memref<4x80x128xf32, #tpu.memory_space<vmem>>, vector<16xf32>,
        tpu.vector_store %arg18[%swap3A_805, %swap3A_806, %swap3A_807], %mul3A_803 {strides = array<i32>} : memref<4x80x128xf32, #tpu.memory_space<vmem>>, vector<16xf32>,
        %get3A_809 = arith.constant 0 : i32
        %get3A_810 = arith.index_cast %get3A_809 : i32 to index
        %get3A_811 = arith.index_cast %add3A_733 : i32 to index
        %get3A_812 = arith.constant 96 : index
        %get3A_813 = tpu.vector_load %arg18[%get3A_810, %get3A_811, %get3A_812] {strides = array<i32>} : memref<4x80x128xf32, #tpu.memory_space<vmem>>, vector<16xf32>,
        %mul3A_814 = arith.mulf %get3A_813, %gather3A_742 : vector<16xf32>
        %swap3A_815 = arith.constant 0 : i32
        %swap3A_816 = arith.index_cast %swap3A_815 : i32 to index
        %swap3A_817 = arith.index_cast %add3A_733 : i32 to index
        %swap3A_818 = arith.constant 96 : index
        %swap3A_819 = tpu.vector_load %arg18[%swap3A_816, %swap3A_817, %swap3A_818] {strides = array<i32>} : memref<4x80x128xf32, #tpu.memory_space<vmem>>, vector<16xf32>,
        tpu.vector_store %arg18[%swap3A_816, %swap3A_817, %swap3A_818], %mul3A_814 {strides = array<i32>} : memref<4x80x128xf32, #tpu.memory_space<vmem>>, vector<16xf32>,
        %get3A_820 = arith.constant 0 : i32
        %get3A_821 = arith.index_cast %get3A_820 : i32 to index
        %get3A_822 = arith.index_cast %add3A_733 : i32 to index
        %get3A_823 = arith.constant 112 : index
        %get3A_824 = tpu.vector_load %arg18[%get3A_821, %get3A_822, %get3A_823] {strides = array<i32>} : memref<4x80x128xf32, #tpu.memory_space<vmem>>, vector<16xf32>,
        %mul3A_825 = arith.mulf %get3A_824, %gather3A_742 : vector<16xf32>
        %swap3A_826 = arith.constant 0 : i32
        %swap3A_827 = arith.index_cast %swap3A_826 : i32 to index
        %swap3A_828 = arith.index_cast %add3A_733 : i32 to index
        %swap3A_829 = arith.constant 112 : index
        %swap3A_830 = tpu.vector_load %arg18[%swap3A_827, %swap3A_828, %swap3A_829] {strides = array<i32>} : memref<4x80x128xf32, #tpu.memory_space<vmem>>, vector<16xf32>,
        tpu.vector_store %arg18[%swap3A_827, %swap3A_828, %swap3A_829], %mul3A_825 {strides = array<i32>} : memref<4x80x128xf32, #tpu.memory_space<vmem>>, vector<16xf32>,
      }
      %scan3A_289 = arith.constant 80 : i32
      %dma_start3A_290 = arith.constant 0 : i32
      %dma_start3A_291 = arith.constant 0 : i32
      %dma_start3A_292 = arith.constant 0 : i32
      %dma_start3A_293 = arith.constant 0 : i32
      %dma_start3A_294 = arith.constant 0 : i32
      %dma_start3A_295 = tpu.memref_slice %arg18[%dma_start3A_290, %dma_start3A_293, %dma_start3A_294] : memref<4x80x128xf32, #tpu.memory_space<vmem>> -> memref<1x80x128xf32, #tpu.memory_space<vmem>>
      %dma_start3A_296 = tpu.memref_squeeze %dma_start3A_295 : memref<1x80x128xf32, #tpu.memory_space<vmem>> -> memref<80x128xf32, #tpu.memory_space<vmem>>
      %dma_start3A_297 = arith.constant 0 : i32
      %dma_start3A_298 = tpu.memref_slice %arg14[%dma_start3A_291, %dma_start3A_297] : memref<4x80xi32, #tpu.memory_space<vmem>> -> memref<1x80xi32, #tpu.memory_space<vmem>>
      %dma_start3A_299 = tpu.memref_squeeze %dma_start3A_298 : memref<1x80xi32, #tpu.memory_space<vmem>> -> memref<80xi32, #tpu.memory_space<vmem>>
      %dma_start3A_300 = arith.constant 0 : i32
      %dma_start3A_301 = arith.constant 0 : i32
      %dma_start3A_302 = tpu.memref_slice %arg19[%dma_start3A_300, %dma_start3A_301] : memref<10000x128xf32, #tpu.memory_space<vmem_shared>> -> memref<10000x128xf32, #tpu.memory_space<vmem_shared>>
      %dma_start3A_303 = tpu.memref_slice %arg26[%dma_start3A_292] : memref<4x!tpu.dma_semaphore, #tpu.memory_space<semaphore_mem>> -> memref<1x!tpu.dma_semaphore, #tpu.memory_space<semaphore_mem>>
      %dma_start3A_304 = tpu.memref_squeeze %dma_start3A_303 : memref<1x!tpu.dma_semaphore, #tpu.memory_space<semaphore_mem>> -> memref<!tpu.dma_semaphore, #tpu.memory_space<semaphore_mem>>
      tpu.enqueue_indirect_dma source(%dma_start3A_296 : memref<80x128xf32, #tpu.memory_space<vmem>>) target(%dma_start3A_302 : memref<10000x128xf32, #tpu.memory_space<vmem_shared>>) offsets(%dma_start3A_299 : memref<80xi32, #tpu.memory_space<vmem>>) semaphore(%dma_start3A_304 : memref<!tpu.dma_semaphore, #tpu.memory_space<semaphore_mem>>) {add = true}
      %dma_start3A_305 = arith.constant 0 : i32
      %dma_start3A_306 = arith.constant 0 : i32
      %dma_start3A_307 = arith.constant 0 : i32
      %dma_start3A_308 = arith.constant 0 : i32
      %dma_start3A_309 = tpu.memref_slice %arg15[%dma_start3A_305, %dma_start3A_308] : memref<4x80xf32, #tpu.memory_space<vmem>> -> memref<1x80xf32, #tpu.memory_space<vmem>>
      %dma_start3A_310 = tpu.memref_squeeze %dma_start3A_309 : memref<1x80xf32, #tpu.memory_space<vmem>> -> memref<80xf32, #tpu.memory_space<vmem>>
      %dma_start3A_311 = arith.constant 0 : i32
      %dma_start3A_312 = tpu.memref_slice %arg14[%dma_start3A_306, %dma_start3A_311] : memref<4x80xi32, #tpu.memory_space<vmem>> -> memref<1x80xi32, #tpu.memory_space<vmem>>
      %dma_start3A_313 = tpu.memref_squeeze %dma_start3A_312 : memref<1x80xi32, #tpu.memory_space<vmem>> -> memref<80xi32, #tpu.memory_space<vmem>>
      %dma_start3A_314 = arith.constant 0 : i32
      %dma_start3A_315 = tpu.memref_slice %arg20[%dma_start3A_314] : memref<10000xf32, #tpu.memory_space<vmem_shared>> -> memref<10000xf32, #tpu.memory_space<vmem_shared>>
      %dma_start3A_316 = tpu.memref_slice %arg27[%dma_start3A_307] : memref<4x!tpu.dma_semaphore, #tpu.memory_space<semaphore_mem>> -> memref<1x!tpu.dma_semaphore, #tpu.memory_space<semaphore_mem>>
      %dma_start3A_317 = tpu.memref_squeeze %dma_start3A_316 : memref<1x!tpu.dma_semaphore, #tpu.memory_space<semaphore_mem>> -> memref<!tpu.dma_semaphore, #tpu.memory_space<semaphore_mem>>
      tpu.enqueue_indirect_dma source(%dma_start3A_310 : memref<80xf32, #tpu.memory_space<vmem>>) target(%dma_start3A_315 : memref<10000xf32, #tpu.memory_space<vmem_shared>>) offsets(%dma_start3A_313 : memref<80xi32, #tpu.memory_space<vmem>>) semaphore(%dma_start3A_317 : memref<!tpu.dma_semaphore, #tpu.memory_space<semaphore_mem>>) {add = true}
      %dma_wait3A_318 = arith.constant 2 : i32
      %dma_wait3A_319 = arith.constant 2 : i32
      %dma_wait3A_320 = arith.constant 2 : i32
      %dma_wait3A_321 = arith.constant 0 : i32
      %dma_wait3A_322 = arith.constant 0 : i32
      %dma_wait3A_323 = tpu.memref_slice %arg18[%dma_wait3A_318, %dma_wait3A_321, %dma_wait3A_322] : memref<4x80x128xf32, #tpu.memory_space<vmem>> -> memref<1x80x128xf32, #tpu.memory_space<vmem>>
      %dma_wait3A_324 = tpu.memref_squeeze %dma_wait3A_323 : memref<1x80x128xf32, #tpu.memory_space<vmem>> -> memref<80x128xf32, #tpu.memory_space<vmem>>
      %dma_wait3A_325 = arith.constant 0 : i32
      %dma_wait3A_326 = tpu.memref_slice %arg14[%dma_wait3A_319, %dma_wait3A_325] : memref<4x80xi32, #tpu.memory_space<vmem>> -> memref<1x80xi32, #tpu.memory_space<vmem>>
      %dma_wait3A_327 = tpu.memref_squeeze %dma_wait3A_326 : memref<1x80xi32, #tpu.memory_space<vmem>> -> memref<80xi32, #tpu.memory_space<vmem>>
      %dma_wait3A_328 = arith.constant 0 : i32
      %dma_wait3A_329 = arith.constant 0 : i32
      %dma_wait3A_330 = tpu.memref_slice %arg19[%dma_wait3A_328, %dma_wait3A_329] : memref<10000x128xf32, #tpu.memory_space<vmem_shared>> -> memref<10000x128xf32, #tpu.memory_space<vmem_shared>>
      %dma_wait3A_331 = tpu.memref_slice %arg26[%dma_wait3A_320] : memref<4x!tpu.dma_semaphore, #tpu.memory_space<semaphore_mem>> -> memref<1x!tpu.dma_semaphore, #tpu.memory_space<semaphore_mem>>
      %dma_wait3A_332 = tpu.memref_squeeze %dma_wait3A_331 : memref<1x!tpu.dma_semaphore, #tpu.memory_space<semaphore_mem>> -> memref<!tpu.dma_semaphore, #tpu.memory_space<semaphore_mem>>
      tpu.wait_indirect_dma semaphore(%dma_wait3A_332 : memref<!tpu.dma_semaphore, #tpu.memory_space<semaphore_mem>>) src(%dma_wait3A_324 : memref<80x128xf32, #tpu.memory_space<vmem>>) dst(%dma_wait3A_330 : memref<10000x128xf32, #tpu.memory_space<vmem_shared>>)
      %dma_wait3A_333 = arith.constant 2 : i32
      %dma_wait3A_334 = arith.constant 2 : i32
      %dma_wait3A_335 = arith.constant 2 : i32
      %dma_wait3A_336 = arith.constant 0 : i32
      %dma_wait3A_337 = tpu.memref_slice %arg15[%dma_wait3A_333, %dma_wait3A_336] : memref<4x80xf32, #tpu.memory_space<vmem>> -> memref<1x80xf32, #tpu.memory_space<vmem>>
      %dma_wait3A_338 = tpu.memref_squeeze %dma_wait3A_337 : memref<1x80xf32, #tpu.memory_space<vmem>> -> memref<80xf32, #tpu.memory_space<vmem>>
      %dma_wait3A_339 = arith.constant 0 : i32
      %dma_wait3A_340 = tpu.memref_slice %arg14[%dma_wait3A_334, %dma_wait3A_339] : memref<4x80xi32, #tpu.memory_space<vmem>> -> memref<1x80xi32, #tpu.memory_space<vmem>>
      %dma_wait3A_341 = tpu.memref_squeeze %dma_wait3A_340 : memref<1x80xi32, #tpu.memory_space<vmem>> -> memref<80xi32, #tpu.memory_space<vmem>>
      %dma_wait3A_342 = arith.constant 0 : i32
      %dma_wait3A_343 = tpu.memref_slice %arg20[%dma_wait3A_342] : memref<10000xf32, #tpu.memory_space<vmem_shared>> -> memref<10000xf32, #tpu.memory_space<vmem_shared>>
      %dma_wait3A_344 = tpu.memref_slice %arg27[%dma_wait3A_335] : memref<4x!tpu.dma_semaphore, #tpu.memory_space<semaphore_mem>> -> memref<1x!tpu.dma_semaphore, #tpu.memory_space<semaphore_mem>>
      %dma_wait3A_345 = tpu.memref_squeeze %dma_wait3A_344 : memref<1x!tpu.dma_semaphore, #tpu.memory_space<semaphore_mem>> -> memref<!tpu.dma_semaphore, #tpu.memory_space<semaphore_mem>>
      tpu.wait_indirect_dma semaphore(%dma_wait3A_345 : memref<!tpu.dma_semaphore, #tpu.memory_space<semaphore_mem>>) src(%dma_wait3A_338 : memref<80xf32, #tpu.memory_space<vmem>>) dst(%dma_wait3A_343 : memref<10000xf32, #tpu.memory_space<vmem_shared>>)
      %add3A_346 = arith.constant 1 : i32
      %add3A_347 = arith.addi %add3A_54, %add3A_346 : i32
      %mul3A_348 = arith.constant 2000 : i32
      %mul3A_349 = arith.muli %add3A_347, %mul3A_348 : i32
      %add3A_350 = arith.addi %mul3A_38, %mul3A_349 : i32
      %add3A_351 = arith.constant 1 : i32
      %add3A_352 = arith.addi %add3A_54, %add3A_351 : i32
      %lt3A_353 = arith.constant 5 : i32
      %lt3A_354 = arith.cmpi slt, %add3A_352, %lt3A_353 : i32
      %convert_element_type3A_355 = arith.extui %lt3A_354 : i1 to i32
      %cond3A_356 = arith.constant 0 : i32
      %cond3A_357 = arith.cmpi ne, %convert_element_type3A_355, %cond3A_356 : i32
      scf.if %cond3A_357 {
        %dma_start3A_421 = tpu.memref_slice %arg2[%add3A_350] : memref<320000xi32, #tpu.memory_space<hbm>> -> memref<2000xi32, #tpu.memory_space<hbm>>
        %dma_start3A_422 = tpu.memref_slice %arg2[%add3A_350] : memref<320000xi32, #tpu.memory_space<hbm>> -> memref<2000xi32, #tpu.memory_space<hbm>>
        tpu.enqueue_dma source(%dma_start3A_422 : memref<2000xi32, #tpu.memory_space<hbm>>) target(%arg11 : memref<2000xi32, #tpu.memory_space<vmem>>) target_semaphore(%arg28 : memref<!tpu.dma_semaphore, #tpu.memory_space<semaphore_mem>>)
        %dma_start3A_423 = tpu.memref_slice %arg3[%add3A_350] : memref<320000xi32, #tpu.memory_space<hbm>> -> memref<2000xi32, #tpu.memory_space<hbm>>
        %dma_start3A_424 = tpu.memref_slice %arg3[%add3A_350] : memref<320000xi32, #tpu.memory_space<hbm>> -> memref<2000xi32, #tpu.memory_space<hbm>>
        tpu.enqueue_dma source(%dma_start3A_424 : memref<2000xi32, #tpu.memory_space<hbm>>) target(%arg12 : memref<2000xi32, #tpu.memory_space<vmem>>) target_semaphore(%arg29 : memref<!tpu.dma_semaphore, #tpu.memory_space<semaphore_mem>>)
      } else {
      }
      %dma_wait3A_358 = arith.constant 3 : i32
      %dma_wait3A_359 = arith.constant 3 : i32
      %dma_wait3A_360 = arith.constant 3 : i32
      %dma_wait3A_361 = arith.constant 0 : i32
      %dma_wait3A_362 = arith.constant 0 : i32
      %dma_wait3A_363 = tpu.memref_slice %arg18[%dma_wait3A_358, %dma_wait3A_361, %dma_wait3A_362] : memref<4x80x128xf32, #tpu.memory_space<vmem>> -> memref<1x80x128xf32, #tpu.memory_space<vmem>>
      %dma_wait3A_364 = tpu.memref_squeeze %dma_wait3A_363 : memref<1x80x128xf32, #tpu.memory_space<vmem>> -> memref<80x128xf32, #tpu.memory_space<vmem>>
      %dma_wait3A_365 = arith.constant 0 : i32
      %dma_wait3A_366 = tpu.memref_slice %arg14[%dma_wait3A_359, %dma_wait3A_365] : memref<4x80xi32, #tpu.memory_space<vmem>> -> memref<1x80xi32, #tpu.memory_space<vmem>>
      %dma_wait3A_367 = tpu.memref_squeeze %dma_wait3A_366 : memref<1x80xi32, #tpu.memory_space<vmem>> -> memref<80xi32, #tpu.memory_space<vmem>>
      %dma_wait3A_368 = arith.constant 0 : i32
      %dma_wait3A_369 = arith.constant 0 : i32
      %dma_wait3A_370 = tpu.memref_slice %arg19[%dma_wait3A_368, %dma_wait3A_369] : memref<10000x128xf32, #tpu.memory_space<vmem_shared>> -> memref<10000x128xf32, #tpu.memory_space<vmem_shared>>
      %dma_wait3A_371 = tpu.memref_slice %arg26[%dma_wait3A_360] : memref<4x!tpu.dma_semaphore, #tpu.memory_space<semaphore_mem>> -> memref<1x!tpu.dma_semaphore, #tpu.memory_space<semaphore_mem>>
      %dma_wait3A_372 = tpu.memref_squeeze %dma_wait3A_371 : memref<1x!tpu.dma_semaphore, #tpu.memory_space<semaphore_mem>> -> memref<!tpu.dma_semaphore, #tpu.memory_space<semaphore_mem>>
      tpu.wait_indirect_dma semaphore(%dma_wait3A_372 : memref<!tpu.dma_semaphore, #tpu.memory_space<semaphore_mem>>) src(%dma_wait3A_364 : memref<80x128xf32, #tpu.memory_space<vmem>>) dst(%dma_wait3A_370 : memref<10000x128xf32, #tpu.memory_space<vmem_shared>>)
      %dma_wait3A_373 = arith.constant 3 : i32
      %dma_wait3A_374 = arith.constant 3 : i32
      %dma_wait3A_375 = arith.constant 3 : i32
      %dma_wait3A_376 = arith.constant 0 : i32
      %dma_wait3A_377 = tpu.memref_slice %arg15[%dma_wait3A_373, %dma_wait3A_376] : memref<4x80xf32, #tpu.memory_space<vmem>> -> memref<1x80xf32, #tpu.memory_space<vmem>>
      %dma_wait3A_378 = tpu.memref_squeeze %dma_wait3A_377 : memref<1x80xf32, #tpu.memory_space<vmem>> -> memref<80xf32, #tpu.memory_space<vmem>>
      %dma_wait3A_379 = arith.constant 0 : i32
      %dma_wait3A_380 = tpu.memref_slice %arg14[%dma_wait3A_374, %dma_wait3A_379] : memref<4x80xi32, #tpu.memory_space<vmem>> -> memref<1x80xi32, #tpu.memory_space<vmem>>
      %dma_wait3A_381 = tpu.memref_squeeze %dma_wait3A_380 : memref<1x80xi32, #tpu.memory_space<vmem>> -> memref<80xi32, #tpu.memory_space<vmem>>
      %dma_wait3A_382 = arith.constant 0 : i32
      %dma_wait3A_383 = tpu.memref_slice %arg20[%dma_wait3A_382] : memref<10000xf32, #tpu.memory_space<vmem_shared>> -> memref<10000xf32, #tpu.memory_space<vmem_shared>>
      %dma_wait3A_384 = tpu.memref_slice %arg27[%dma_wait3A_375] : memref<4x!tpu.dma_semaphore, #tpu.memory_space<semaphore_mem>> -> memref<1x!tpu.dma_semaphore, #tpu.memory_space<semaphore_mem>>
      %dma_wait3A_385 = tpu.memref_squeeze %dma_wait3A_384 : memref<1x!tpu.dma_semaphore, #tpu.memory_space<semaphore_mem>> -> memref<!tpu.dma_semaphore, #tpu.memory_space<semaphore_mem>>
      tpu.wait_indirect_dma semaphore(%dma_wait3A_385 : memref<!tpu.dma_semaphore, #tpu.memory_space<semaphore_mem>>) src(%dma_wait3A_378 : memref<80xf32, #tpu.memory_space<vmem>>) dst(%dma_wait3A_383 : memref<10000xf32, #tpu.memory_space<vmem_shared>>)
      %dma_wait3A_386 = arith.constant 0 : i32
      %dma_wait3A_387 = arith.constant 0 : i32
      %dma_wait3A_388 = arith.constant 0 : i32
      %dma_wait3A_389 = arith.constant 0 : i32
      %dma_wait3A_390 = arith.constant 0 : i32
      %dma_wait3A_391 = tpu.memref_slice %arg18[%dma_wait3A_386, %dma_wait3A_389, %dma_wait3A_390] : memref<4x80x128xf32, #tpu.memory_space<vmem>> -> memref<1x80x128xf32, #tpu.memory_space<vmem>>
      %dma_wait3A_392 = tpu.memref_squeeze %dma_wait3A_391 : memref<1x80x128xf32, #tpu.memory_space<vmem>> -> memref<80x128xf32, #tpu.memory_space<vmem>>
      %dma_wait3A_393 = arith.constant 0 : i32
      %dma_wait3A_394 = tpu.memref_slice %arg14[%dma_wait3A_387, %dma_wait3A_393] : memref<4x80xi32, #tpu.memory_space<vmem>> -> memref<1x80xi32, #tpu.memory_space<vmem>>
      %dma_wait3A_395 = tpu.memref_squeeze %dma_wait3A_394 : memref<1x80xi32, #tpu.memory_space<vmem>> -> memref<80xi32, #tpu.memory_space<vmem>>
      %dma_wait3A_396 = arith.constant 0 : i32
      %dma_wait3A_397 = arith.constant 0 : i32
      %dma_wait3A_398 = tpu.memref_slice %arg19[%dma_wait3A_396, %dma_wait3A_397] : memref<10000x128xf32, #tpu.memory_space<vmem_shared>> -> memref<10000x128xf32, #tpu.memory_space<vmem_shared>>
      %dma_wait3A_399 = tpu.memref_slice %arg26[%dma_wait3A_388] : memref<4x!tpu.dma_semaphore, #tpu.memory_space<semaphore_mem>> -> memref<1x!tpu.dma_semaphore, #tpu.memory_space<semaphore_mem>>
      %dma_wait3A_400 = tpu.memref_squeeze %dma_wait3A_399 : memref<1x!tpu.dma_semaphore, #tpu.memory_space<semaphore_mem>> -> memref<!tpu.dma_semaphore, #tpu.memory_space<semaphore_mem>>
      tpu.wait_indirect_dma semaphore(%dma_wait3A_400 : memref<!tpu.dma_semaphore, #tpu.memory_space<semaphore_mem>>) src(%dma_wait3A_392 : memref<80x128xf32, #tpu.memory_space<vmem>>) dst(%dma_wait3A_398 : memref<10000x128xf32, #tpu.memory_space<vmem_shared>>)
      %dma_wait3A_401 = arith.constant 0 : i32
      %dma_wait3A_402 = arith.constant 0 : i32
      %dma_wait3A_403 = arith.constant 0 : i32
      %dma_wait3A_404 = arith.constant 0 : i32
      %dma_wait3A_405 = tpu.memref_slice %arg15[%dma_wait3A_401, %dma_wait3A_404] : memref<4x80xf32, #tpu.memory_space<vmem>> -> memref<1x80xf32, #tpu.memory_space<vmem>>
      %dma_wait3A_406 = tpu.memref_squeeze %dma_wait3A_405 : memref<1x80xf32, #tpu.memory_space<vmem>> -> memref<80xf32, #tpu.memory_space<vmem>>
      %dma_wait3A_407 = arith.constant 0 : i32
      %dma_wait3A_408 = tpu.memref_slice %arg14[%dma_wait3A_402, %dma_wait3A_407] : memref<4x80xi32, #tpu.memory_space<vmem>> -> memref<1x80xi32, #tpu.memory_space<vmem>>
      %dma_wait3A_409 = tpu.memref_squeeze %dma_wait3A_408 : memref<1x80xi32, #tpu.memory_space<vmem>> -> memref<80xi32, #tpu.memory_space<vmem>>
      %dma_wait3A_410 = arith.constant 0 : i32
      %dma_wait3A_411 = tpu.memref_slice %arg20[%dma_wait3A_410] : memref<10000xf32, #tpu.memory_space<vmem_shared>> -> memref<10000xf32, #tpu.memory_space<vmem_shared>>
      %dma_wait3A_412 = tpu.memref_slice %arg27[%dma_wait3A_403] : memref<4x!tpu.dma_semaphore, #tpu.memory_space<semaphore_mem>> -> memref<1x!tpu.dma_semaphore, #tpu.memory_space<semaphore_mem>>
      %dma_wait3A_413 = tpu.memref_squeeze %dma_wait3A_412 : memref<1x!tpu.dma_semaphore, #tpu.memory_space<semaphore_mem>> -> memref<!tpu.dma_semaphore, #tpu.memory_space<semaphore_mem>>
      tpu.wait_indirect_dma semaphore(%dma_wait3A_413 : memref<!tpu.dma_semaphore, #tpu.memory_space<semaphore_mem>>) src(%dma_wait3A_406 : memref<80xf32, #tpu.memory_space<vmem>>) dst(%dma_wait3A_411 : memref<10000xf32, #tpu.memory_space<vmem_shared>>)
      %add3A_414 = arith.constant 1 : i32
      %add3A_415 = arith.addi %add3A_54, %add3A_414 : i32
      %lt3A_416 = arith.constant 5 : i32
      %lt3A_417 = arith.cmpi slt, %add3A_415, %lt3A_416 : i32
      %convert_element_type3A_418 = arith.extui %lt3A_417 : i1 to i32
      %cond3A_419 = arith.constant 0 : i32
      %cond3A_420 = arith.cmpi ne, %convert_element_type3A_418, %cond3A_419 : i32
      scf.if %cond3A_420 {
        %dma_wait3A_421 = tpu.memref_slice %arg2[%add3A_350] : memref<320000xi32, #tpu.memory_space<hbm>> -> memref<2000xi32, #tpu.memory_space<hbm>>
        %dma_wait3A_422 = tpu.memref_slice %arg2[%add3A_350] : memref<320000xi32, #tpu.memory_space<hbm>> -> memref<2000xi32, #tpu.memory_space<hbm>>
        tpu.wait_dma2 semaphore(%arg28 : memref<!tpu.dma_semaphore, #tpu.memory_space<semaphore_mem>>) src(%dma_wait3A_422 : memref<2000xi32, #tpu.memory_space<hbm>>) dst(%arg11 : memref<2000xi32, #tpu.memory_space<vmem>>)
        %dma_wait3A_423 = tpu.memref_slice %arg3[%add3A_350] : memref<320000xi32, #tpu.memory_space<hbm>> -> memref<2000xi32, #tpu.memory_space<hbm>>
        %dma_wait3A_424 = tpu.memref_slice %arg3[%add3A_350] : memref<320000xi32, #tpu.memory_space<hbm>> -> memref<2000xi32, #tpu.memory_space<hbm>>
        tpu.wait_dma2 semaphore(%arg29 : memref<!tpu.dma_semaphore, #tpu.memory_space<semaphore_mem>>) src(%dma_wait3A_424 : memref<2000xi32, #tpu.memory_space<hbm>>) dst(%arg12 : memref<2000xi32, #tpu.memory_space<vmem>>)
      } else {
      }
    }
    %scan3A_43 = arith.constant 5 : i32
    %barrier3A_44 = arith.constant 0 : index
    tpu.barrier barrier_id(%barrier3A_44)
    %scan3A_45 = arith.constant 0 : i32
    %scan3A_46 = arith.constant 8 : i32
    %scan3A_47 = arith.addi %scan3A_45, %scan3A_46 : i32
    %scan3A_48 = arith.constant 1 : i32
    scf.for %scan3A_50 = %scan3A_45 to %scan3A_47 step %scan3A_48  : i32 {
      %mul3A_51 = arith.constant 1 : i32
      %mul3A_52 = arith.muli %scan3A_50, %mul3A_51 : i32
      %add3A_53 = arith.constant 0 : i32
      %add3A_54 = arith.addi %add3A_53, %mul3A_52 : i32
      %mul3A_55 = arith.constant 16 : i32
      %mul3A_56 = arith.muli %add3A_54, %mul3A_55 : i32
      %add3A_57 = arith.addi %arg1, %mul3A_56 : i32
      %lt3A_58 = arith.constant 125 : i32
      %lt3A_59 = arith.cmpi slt, %add3A_57, %lt3A_58 : i32
      %convert_element_type3A_60 = arith.extui %lt3A_59 : i1 to i32
      %cond3A_61 = arith.constant 0 : i32
      %cond3A_62 = arith.cmpi ne, %convert_element_type3A_60, %cond3A_61 : i32
      scf.if %cond3A_62 {
        %mul3A_63 = arith.constant 80 : i32
        %mul3A_64 = arith.muli %add3A_57, %mul3A_63 : i32
        %run_scoped3A = arith.constant 0 : i32
        "tpu.region"() ({
          %run_scoped3A_77 = tpu.sem_alloc : memref<!tpu.dma_semaphore, #tpu.memory_space<semaphore_mem>>
          %dma_start3A = arith.constant 0 : i32
          %dma_start3A_78 = arith.constant 0 : i32
          %dma_start3A_79 = tpu.memref_slice %arg18[%run_scoped3A, %dma_start3A, %dma_start3A_78] : memref<4x80x128xf32, #tpu.memory_space<vmem>> -> memref<1x80x128xf32, #tpu.memory_space<vmem>>
          %dma_start3A_80 = tpu.memref_squeeze %dma_start3A_79 : memref<1x80x128xf32, #tpu.memory_space<vmem>> -> memref<80x128xf32, #tpu.memory_space<vmem>>
          %dma_start3A_81 = arith.constant 0 : i32
          %dma_start3A_82 = tpu.memref_slice %arg19[%mul3A_64, %dma_start3A_81] : memref<10000x128xf32, #tpu.memory_space<vmem_shared>> -> memref<80x128xf32, #tpu.memory_space<vmem_shared>>
          %dma_start3A_83 = arith.constant 0 : i32
          %dma_start3A_84 = arith.constant 0 : i32
          %dma_start3A_85 = tpu.memref_slice %arg18[%run_scoped3A, %dma_start3A_83, %dma_start3A_84] : memref<4x80x128xf32, #tpu.memory_space<vmem>> -> memref<1x80x128xf32, #tpu.memory_space<vmem>>
          %dma_start3A_86 = tpu.memref_squeeze %dma_start3A_85 : memref<1x80x128xf32, #tpu.memory_space<vmem>> -> memref<80x128xf32, #tpu.memory_space<vmem>>
          %dma_start3A_87 = arith.constant 0 : i32
          %dma_start3A_88 = tpu.memref_slice %arg19[%mul3A_64, %dma_start3A_87] : memref<10000x128xf32, #tpu.memory_space<vmem_shared>> -> memref<80x128xf32, #tpu.memory_space<vmem_shared>>
          tpu.enqueue_dma source(%dma_start3A_88 : memref<80x128xf32, #tpu.memory_space<vmem_shared>>) target(%dma_start3A_86 : memref<80x128xf32, #tpu.memory_space<vmem>>) target_semaphore(%run_scoped3A_77 : memref<!tpu.dma_semaphore, #tpu.memory_space<semaphore_mem>>)
          %dma_wait3A = arith.constant 0 : i32
          %dma_wait3A_89 = arith.constant 0 : i32
          %dma_wait3A_90 = tpu.memref_slice %arg18[%run_scoped3A, %dma_wait3A, %dma_wait3A_89] : memref<4x80x128xf32, #tpu.memory_space<vmem>> -> memref<1x80x128xf32, #tpu.memory_space<vmem>>
          %dma_wait3A_91 = tpu.memref_squeeze %dma_wait3A_90 : memref<1x80x128xf32, #tpu.memory_space<vmem>> -> memref<80x128xf32, #tpu.memory_space<vmem>>
          %dma_wait3A_92 = arith.constant 0 : i32
          %dma_wait3A_93 = tpu.memref_slice %arg19[%mul3A_64, %dma_wait3A_92] : memref<10000x128xf32, #tpu.memory_space<vmem_shared>> -> memref<80x128xf32, #tpu.memory_space<vmem_shared>>
          %dma_wait3A_94 = arith.constant 0 : i32
          %dma_wait3A_95 = arith.constant 0 : i32
          %dma_wait3A_96 = tpu.memref_slice %arg18[%run_scoped3A, %dma_wait3A_94, %dma_wait3A_95] : memref<4x80x128xf32, #tpu.memory_space<vmem>> -> memref<1x80x128xf32, #tpu.memory_space<vmem>>
          %dma_wait3A_97 = tpu.memref_squeeze %dma_wait3A_96 : memref<1x80x128xf32, #tpu.memory_space<vmem>> -> memref<80x128xf32, #tpu.memory_space<vmem>>
          %dma_wait3A_98 = arith.constant 0 : i32
          %dma_wait3A_99 = tpu.memref_slice %arg19[%mul3A_64, %dma_wait3A_98] : memref<10000x128xf32, #tpu.memory_space<vmem_shared>> -> memref<80x128xf32, #tpu.memory_space<vmem_shared>>
          tpu.wait_dma2 semaphore(%run_scoped3A_77 : memref<!tpu.dma_semaphore, #tpu.memory_space<semaphore_mem>>) src(%dma_wait3A_99 : memref<80x128xf32, #tpu.memory_space<vmem_shared>>) dst(%dma_wait3A_97 : memref<80x128xf32, #tpu.memory_space<vmem>>)
          tpu.yield
        }) : () -> ()
        %mul3A_65 = arith.constant 80 : i32
        %mul3A_66 = arith.muli %add3A_57, %mul3A_65 : i32
        %run_scoped3A_67 = arith.constant 0 : i32
        "tpu.region"() ({
          %run_scoped3A_77 = tpu.sem_alloc : memref<!tpu.dma_semaphore, #tpu.memory_space<semaphore_mem>>
          %dma_start3A = arith.constant 0 : i32
          %dma_start3A_78 = arith.constant 0 : i32
          %dma_start3A_79 = tpu.memref_slice %arg18[%run_scoped3A_67, %dma_start3A, %dma_start3A_78] : memref<4x80x128xf32, #tpu.memory_space<vmem>> -> memref<1x80x128xf32, #tpu.memory_space<vmem>>
          %dma_start3A_80 = tpu.memref_squeeze %dma_start3A_79 : memref<1x80x128xf32, #tpu.memory_space<vmem>> -> memref<80x128xf32, #tpu.memory_space<vmem>>
          %dma_start3A_81 = arith.constant 0 : i32
          %dma_start3A_82 = tpu.memref_slice %arg8[%arg0, %mul3A_66, %dma_start3A_81] : memref<2x10000x128xf32, #tpu.memory_space<hbm>> -> memref<1x80x128xf32, #tpu.memory_space<hbm>>
          %dma_start3A_83 = tpu.memref_squeeze %dma_start3A_82 : memref<1x80x128xf32, #tpu.memory_space<hbm>> -> memref<80x128xf32, #tpu.memory_space<hbm>>
          %dma_start3A_84 = arith.constant 0 : i32
          %dma_start3A_85 = tpu.memref_slice %arg8[%arg0, %mul3A_66, %dma_start3A_84] : memref<2x10000x128xf32, #tpu.memory_space<hbm>> -> memref<1x80x128xf32, #tpu.memory_space<hbm>>
          %dma_start3A_86 = tpu.memref_squeeze %dma_start3A_85 : memref<1x80x128xf32, #tpu.memory_space<hbm>> -> memref<80x128xf32, #tpu.memory_space<hbm>>
          %dma_start3A_87 = arith.constant 0 : i32
          %dma_start3A_88 = arith.constant 0 : i32
          %dma_start3A_89 = tpu.memref_slice %arg18[%run_scoped3A_67, %dma_start3A_87, %dma_start3A_88] : memref<4x80x128xf32, #tpu.memory_space<vmem>> -> memref<1x80x128xf32, #tpu.memory_space<vmem>>
          %dma_start3A_90 = tpu.memref_squeeze %dma_start3A_89 : memref<1x80x128xf32, #tpu.memory_space<vmem>> -> memref<80x128xf32, #tpu.memory_space<vmem>>
          tpu.enqueue_dma source(%dma_start3A_90 : memref<80x128xf32, #tpu.memory_space<vmem>>) target(%dma_start3A_86 : memref<80x128xf32, #tpu.memory_space<hbm>>) target_semaphore(%run_scoped3A_77 : memref<!tpu.dma_semaphore, #tpu.memory_space<semaphore_mem>>)
          %dma_wait3A = arith.constant 0 : i32
          %dma_wait3A_91 = arith.constant 0 : i32
          %dma_wait3A_92 = tpu.memref_slice %arg18[%run_scoped3A_67, %dma_wait3A, %dma_wait3A_91] : memref<4x80x128xf32, #tpu.memory_space<vmem>> -> memref<1x80x128xf32, #tpu.memory_space<vmem>>
          %dma_wait3A_93 = tpu.memref_squeeze %dma_wait3A_92 : memref<1x80x128xf32, #tpu.memory_space<vmem>> -> memref<80x128xf32, #tpu.memory_space<vmem>>
          %dma_wait3A_94 = arith.constant 0 : i32
          %dma_wait3A_95 = tpu.memref_slice %arg8[%arg0, %mul3A_66, %dma_wait3A_94] : memref<2x10000x128xf32, #tpu.memory_space<hbm>> -> memref<1x80x128xf32, #tpu.memory_space<hbm>>
          %dma_wait3A_96 = tpu.memref_squeeze %dma_wait3A_95 : memref<1x80x128xf32, #tpu.memory_space<hbm>> -> memref<80x128xf32, #tpu.memory_space<hbm>>
          %dma_wait3A_97 = arith.constant 0 : i32
          %dma_wait3A_98 = tpu.memref_slice %arg8[%arg0, %mul3A_66, %dma_wait3A_97] : memref<2x10000x128xf32, #tpu.memory_space<hbm>> -> memref<1x80x128xf32, #tpu.memory_space<hbm>>
          %dma_wait3A_99 = tpu.memref_squeeze %dma_wait3A_98 : memref<1x80x128xf32, #tpu.memory_space<hbm>> -> memref<80x128xf32, #tpu.memory_space<hbm>>
          %dma_wait3A_100 = arith.constant 0 : i32
          %dma_wait3A_101 = arith.constant 0 : i32
          %dma_wait3A_102 = tpu.memref_slice %arg18[%run_scoped3A_67, %dma_wait3A_100, %dma_wait3A_101] : memref<4x80x128xf32, #tpu.memory_space<vmem>> -> memref<1x80x128xf32, #tpu.memory_space<vmem>>
          %dma_wait3A_103 = tpu.memref_squeeze %dma_wait3A_102 : memref<1x80x128xf32, #tpu.memory_space<vmem>> -> memref<80x128xf32, #tpu.memory_space<vmem>>
          tpu.wait_dma2 semaphore(%run_scoped3A_77 : memref<!tpu.dma_semaphore, #tpu.memory_space<semaphore_mem>>) src(%dma_wait3A_103 : memref<80x128xf32, #tpu.memory_space<vmem>>) dst(%dma_wait3A_99 : memref<80x128xf32, #tpu.memory_space<hbm>>)
          tpu.yield
        }) : () -> ()
        %mul3A_68 = arith.constant 80 : i32
        %mul3A_69 = arith.muli %add3A_57, %mul3A_68 : i32
        %run_scoped3A_70 = arith.constant 0 : i32
        "tpu.region"() ({
          %run_scoped3A_77 = tpu.sem_alloc : memref<!tpu.dma_semaphore, #tpu.memory_space<semaphore_mem>>
          %dma_start3A = arith.constant 0 : i32
          %dma_start3A_78 = tpu.memref_slice %arg15[%run_scoped3A_70, %dma_start3A] : memref<4x80xf32, #tpu.memory_space<vmem>> -> memref<1x80xf32, #tpu.memory_space<vmem>>
          %dma_start3A_79 = tpu.memref_squeeze %dma_start3A_78 : memref<1x80xf32, #tpu.memory_space<vmem>> -> memref<80xf32, #tpu.memory_space<vmem>>
          %dma_start3A_80 = tpu.memref_slice %arg20[%mul3A_69] : memref<10000xf32, #tpu.memory_space<vmem_shared>> -> memref<80xf32, #tpu.memory_space<vmem_shared>>
          %dma_start3A_81 = arith.constant 0 : i32
          %dma_start3A_82 = tpu.memref_slice %arg15[%run_scoped3A_70, %dma_start3A_81] : memref<4x80xf32, #tpu.memory_space<vmem>> -> memref<1x80xf32, #tpu.memory_space<vmem>>
          %dma_start3A_83 = tpu.memref_squeeze %dma_start3A_82 : memref<1x80xf32, #tpu.memory_space<vmem>> -> memref<80xf32, #tpu.memory_space<vmem>>
          %dma_start3A_84 = tpu.memref_slice %arg20[%mul3A_69] : memref<10000xf32, #tpu.memory_space<vmem_shared>> -> memref<80xf32, #tpu.memory_space<vmem_shared>>
          tpu.enqueue_dma source(%dma_start3A_84 : memref<80xf32, #tpu.memory_space<vmem_shared>>) target(%dma_start3A_83 : memref<80xf32, #tpu.memory_space<vmem>>) target_semaphore(%run_scoped3A_77 : memref<!tpu.dma_semaphore, #tpu.memory_space<semaphore_mem>>)
          %dma_wait3A = arith.constant 0 : i32
          %dma_wait3A_85 = tpu.memref_slice %arg15[%run_scoped3A_70, %dma_wait3A] : memref<4x80xf32, #tpu.memory_space<vmem>> -> memref<1x80xf32, #tpu.memory_space<vmem>>
          %dma_wait3A_86 = tpu.memref_squeeze %dma_wait3A_85 : memref<1x80xf32, #tpu.memory_space<vmem>> -> memref<80xf32, #tpu.memory_space<vmem>>
          %dma_wait3A_87 = tpu.memref_slice %arg20[%mul3A_69] : memref<10000xf32, #tpu.memory_space<vmem_shared>> -> memref<80xf32, #tpu.memory_space<vmem_shared>>
          %dma_wait3A_88 = arith.constant 0 : i32
          %dma_wait3A_89 = tpu.memref_slice %arg15[%run_scoped3A_70, %dma_wait3A_88] : memref<4x80xf32, #tpu.memory_space<vmem>> -> memref<1x80xf32, #tpu.memory_space<vmem>>
          %dma_wait3A_90 = tpu.memref_squeeze %dma_wait3A_89 : memref<1x80xf32, #tpu.memory_space<vmem>> -> memref<80xf32, #tpu.memory_space<vmem>>
          %dma_wait3A_91 = tpu.memref_slice %arg20[%mul3A_69] : memref<10000xf32, #tpu.memory_space<vmem_shared>> -> memref<80xf32, #tpu.memory_space<vmem_shared>>
          tpu.wait_dma2 semaphore(%run_scoped3A_77 : memref<!tpu.dma_semaphore, #tpu.memory_space<semaphore_mem>>) src(%dma_wait3A_91 : memref<80xf32, #tpu.memory_space<vmem_shared>>) dst(%dma_wait3A_90 : memref<80xf32, #tpu.memory_space<vmem>>)
          tpu.yield
        }) : () -> ()
        %mul3A_71 = arith.constant 10000 : i32
        %mul3A_72 = arith.muli %arg0, %mul3A_71 : i32
        %mul3A_73 = arith.constant 80 : i32
        %mul3A_74 = arith.muli %add3A_57, %mul3A_73 : i32
        %add3A_75 = arith.addi %mul3A_72, %mul3A_74 : i32
        %run_scoped3A_76 = arith.constant 0 : i32
        "tpu.region"() ({
          %run_scoped3A_77 = tpu.sem_alloc : memref<!tpu.dma_semaphore, #tpu.memory_space<semaphore_mem>>
          %dma_start3A = arith.constant 0 : i32
          %dma_start3A_78 = tpu.memref_slice %arg15[%run_scoped3A_76, %dma_start3A] : memref<4x80xf32, #tpu.memory_space<vmem>> -> memref<1x80xf32, #tpu.memory_space<vmem>>
          %dma_start3A_79 = tpu.memref_squeeze %dma_start3A_78 : memref<1x80xf32, #tpu.memory_space<vmem>> -> memref<80xf32, #tpu.memory_space<vmem>>
          %dma_start3A_80 = tpu.memref_slice %arg9[%add3A_75] : memref<20000xf32, #tpu.memory_space<hbm>> -> memref<80xf32, #tpu.memory_space<hbm>>
          %dma_start3A_81 = tpu.memref_slice %arg9[%add3A_75] : memref<20000xf32, #tpu.memory_space<hbm>> -> memref<80xf32, #tpu.memory_space<hbm>>
          %dma_start3A_82 = arith.constant 0 : i32
          %dma_start3A_83 = tpu.memref_slice %arg15[%run_scoped3A_76, %dma_start3A_82] : memref<4x80xf32, #tpu.memory_space<vmem>> -> memref<1x80xf32, #tpu.memory_space<vmem>>
          %dma_start3A_84 = tpu.memref_squeeze %dma_start3A_83 : memref<1x80xf32, #tpu.memory_space<vmem>> -> memref<80xf32, #tpu.memory_space<vmem>>
          tpu.enqueue_dma source(%dma_start3A_84 : memref<80xf32, #tpu.memory_space<vmem>>) target(%dma_start3A_81 : memref<80xf32, #tpu.memory_space<hbm>>) target_semaphore(%run_scoped3A_77 : memref<!tpu.dma_semaphore, #tpu.memory_space<semaphore_mem>>)
          %dma_wait3A = arith.constant 0 : i32
          %dma_wait3A_85 = tpu.memref_slice %arg15[%run_scoped3A_76, %dma_wait3A] : memref<4x80xf32, #tpu.memory_space<vmem>> -> memref<1x80xf32, #tpu.memory_space<vmem>>
          %dma_wait3A_86 = tpu.memref_squeeze %dma_wait3A_85 : memref<1x80xf32, #tpu.memory_space<vmem>> -> memref<80xf32, #tpu.memory_space<vmem>>
          %dma_wait3A_87 = tpu.memref_slice %arg9[%add3A_75] : memref<20000xf32, #tpu.memory_space<hbm>> -> memref<80xf32, #tpu.memory_space<hbm>>
          %dma_wait3A_88 = tpu.memref_slice %arg9[%add3A_75] : memref<20000xf32, #tpu.memory_space<hbm>> -> memref<80xf32, #tpu.memory_space<hbm>>
          %dma_wait3A_89 = arith.constant 0 : i32
          %dma_wait3A_90 = tpu.memref_slice %arg15[%run_scoped3A_76, %dma_wait3A_89] : memref<4x80xf32, #tpu.memory_space<vmem>> -> memref<1x80xf32, #tpu.memory_space<vmem>>
          %dma_wait3A_91 = tpu.memref_squeeze %dma_wait3A_90 : memref<1x80xf32, #tpu.memory_space<vmem>> -> memref<80xf32, #tpu.memory_space<vmem>>
          tpu.wait_dma2 semaphore(%run_scoped3A_77 : memref<!tpu.dma_semaphore, #tpu.memory_space<semaphore_mem>>) src(%dma_wait3A_91 : memref<80xf32, #tpu.memory_space<vmem>>) dst(%dma_wait3A_88 : memref<80xf32, #tpu.memory_space<hbm>>)
          tpu.yield
        }) : () -> ()
      } else {
      }
    }
    %scan3A_49 = arith.constant 8 : i32
    return
  }
}

module attributes {stable_mosaic.version = 14 : i64} {
  func.func @_prep_body(%arg0: memref<10000x128xf32, #tpu.memory_space<vmem>>, %arg1: memref<10000x128xf32, #tpu.memory_space<vmem>>, %arg2: memref<10000x1xi32, #tpu.memory_space<vmem>>, %arg3: memref<128x128xf32, #tpu.memory_space<vmem>>, %arg4: memref<128x128xf32, #tpu.memory_space<vmem>>, %arg5: memref<8x128xf32, #tpu.memory_space<vmem>>, %arg6: memref<10000x128xf32, #tpu.memory_space<vmem>>, %arg7: memref<8x10000xf32, #tpu.memory_space<vmem>>, %arg8: memref<8x128xf32, #tpu.memory_space<vmem>>) attributes {dimension_semantics = [], scalar_prefetch = 0 : i64, scratch_operands = 0 : i64, tpu.core_type = #tpu.core_type<tc>} {
    %get3A = arith.constant 0 : index
    %get3A_0 = arith.constant 0 : index
    %get3A_1 = vector.load %arg0[%get3A, %get3A_0] : memref<10000x128xf32, #tpu.memory_space<vmem>>, vector<10000x128xf32>
    %get3A_2 = arith.constant 0 : index
    %get3A_3 = arith.constant 0 : index
    %get3A_4 = vector.load %arg3[%get3A_2, %get3A_3] : memref<128x128xf32, #tpu.memory_space<vmem>>, vector<128x128xf32>
    %dot_general3A = arith.constant dense<0.000000e+00> : vector<10000x128xf32>
    %dot_general3A_5 = tpu.matmul %get3A_1, %get3A_4, %dot_general3A {dimension_numbers = #tpu.dot_dimension_numbers<[1], [0], [0], [1], [0, 0, 1, 1], [], []>, transpose_lhs_hint = false} : vector<10000x128xf32>, vector<128x128xf32>, vector<10000x128xf32> -> vector<10000x128xf32>
    %get3A_6 = arith.constant 0 : index
    %get3A_7 = arith.constant 0 : index
    %get3A_8 = vector.load %arg1[%get3A_6, %get3A_7] : memref<10000x128xf32, #tpu.memory_space<vmem>>, vector<10000x128xf32>
    %get3A_9 = arith.constant 0 : index
    %get3A_10 = arith.constant 0 : index
    %get3A_11 = vector.load %arg4[%get3A_9, %get3A_10] : memref<128x128xf32, #tpu.memory_space<vmem>>, vector<128x128xf32>
    %dot_general3A_12 = arith.constant dense<0.000000e+00> : vector<10000x128xf32>
    %dot_general3A_13 = tpu.matmul %get3A_8, %get3A_11, %dot_general3A_12 {dimension_numbers = #tpu.dot_dimension_numbers<[1], [0], [0], [1], [0, 0, 1, 1], [], []>, transpose_lhs_hint = false} : vector<10000x128xf32>, vector<128x128xf32>, vector<10000x128xf32> -> vector<10000x128xf32>
    %get3A_14 = arith.constant 0 : index
    %get3A_15 = arith.constant 0 : index
    %get3A_16 = vector.load %arg2[%get3A_14, %get3A_15] : memref<10000x1xi32, #tpu.memory_space<vmem>>, vector<10000x1xi32>
    %eq3A = arith.constant 1 : i32
    %eq3A_17 = vector.broadcast %eq3A : i32 to vector<10000x1xi32>
    %eq3A_18 = arith.cmpi eq, %get3A_16, %eq3A_17 : vector<10000x1xi32>
    %broadcast_in_dim3A = vector.shape_cast %eq3A_18 : vector<10000x1xi1> to vector<10000x1xi1>
    %broadcast_in_dim3A_19 = vector.broadcast %broadcast_in_dim3A : vector<10000x1xi1> to vector<10000x128xi1>
    %select_n3A = arith.select %broadcast_in_dim3A_19, %dot_general3A_5, %dot_general3A_13 : vector<10000x128xi1>, vector<10000x128xf32>
    %swap3A = arith.constant 0 : index
    %swap3A_20 = arith.constant 0 : index
    %swap3A_21 = vector.load %arg6[%swap3A, %swap3A_20] : memref<10000x128xf32, #tpu.memory_space<vmem>>, vector<10000x128xf32>
    tpu.vector_store %arg6[%swap3A, %swap3A_20], %select_n3A {strides = array<i32>} : memref<10000x128xf32, #tpu.memory_space<vmem>>, vector<10000x128xf32>,
    %get3A_22 = arith.constant 0 : index
    %get3A_23 = arith.constant 0 : index
    %get3A_24 = vector.load %arg5[%get3A_22, %get3A_23] : memref<8x128xf32, #tpu.memory_space<vmem>>, vector<8x128xf32>
    %dot_general3A_25 = arith.constant dense<0.000000e+00> : vector<8x10000xf32>
    %dot_general3A_26 = tpu.matmul %get3A_24, %select_n3A, %dot_general3A_25 {dimension_numbers = #tpu.dot_dimension_numbers<[1], [1], [0], [0], [0, 0, 1, 0], [], []>, transpose_lhs_hint = false} : vector<8x128xf32>, vector<10000x128xf32>, vector<8x10000xf32> -> vector<8x10000xf32>
    %swap3A_27 = arith.constant 0 : index
    %swap3A_28 = arith.constant 0 : index
    %swap3A_29 = vector.load %arg7[%swap3A_27, %swap3A_28] : memref<8x10000xf32, #tpu.memory_space<vmem>>, vector<8x10000xf32>
    tpu.vector_store %arg7[%swap3A_27, %swap3A_28], %dot_general3A_26 {strides = array<i32>} : memref<8x10000xf32, #tpu.memory_space<vmem>>, vector<8x10000xf32>,
    %slice3A = vector.extract_strided_slice %dot_general3A_26 {offsets = [0, 0], sizes = [1, 10000], strides = [1, 1]} : vector<8x10000xf32> to vector<1x10000xf32>
    %squeeze3A = vector.shape_cast %slice3A : vector<1x10000xf32> to vector<10000xf32>
    %reduce_max3A = vector.shape_cast %squeeze3A : vector<10000xf32> to vector<1x10000xf32>
    %reduce_max3A_30 = arith.constant dense<0xFF800000> : vector<1xf32>
    %reduce_max3A_31 = vector.multi_reduction <maximumf>, %reduce_max3A, %reduce_max3A_30 [1] : vector<1x10000xf32> to vector<1xf32>
    %reduce_max3A_32 = vector.shape_cast %reduce_max3A_31 : vector<1xf32> to vector<1x1xf32>
    %reduce_max3A_33 = vector.extract %reduce_max3A_32[0, 0] : f32 from vector<1x1xf32>
    %slice3A_34 = vector.extract_strided_slice %dot_general3A_26 {offsets = [1, 0], sizes = [1, 10000], strides = [1, 1]} : vector<8x10000xf32> to vector<1x10000xf32>
    %squeeze3A_35 = vector.shape_cast %slice3A_34 : vector<1x10000xf32> to vector<10000xf32>
    %reduce_max3A_36 = vector.shape_cast %squeeze3A_35 : vector<10000xf32> to vector<1x10000xf32>
    %reduce_max3A_37 = arith.constant dense<0xFF800000> : vector<1xf32>
    %reduce_max3A_38 = vector.multi_reduction <maximumf>, %reduce_max3A_36, %reduce_max3A_37 [1] : vector<1x10000xf32> to vector<1xf32>
    %reduce_max3A_39 = vector.shape_cast %reduce_max3A_38 : vector<1xf32> to vector<1x1xf32>
    %reduce_max3A_40 = vector.extract %reduce_max3A_39[0, 0] : f32 from vector<1x1xf32>
    %add3A = arith.addf %reduce_max3A_33, %reduce_max3A_40 : f32
    %broadcast_in_dim3A_41 = vector.broadcast %add3A : f32 to vector<8x128xf32>
    %swap3A_42 = arith.constant 0 : index
    %swap3A_43 = arith.constant 0 : index
    %swap3A_44 = vector.load %arg8[%swap3A_42, %swap3A_43] : memref<8x128xf32, #tpu.memory_space<vmem>>, vector<8x128xf32>
    tpu.vector_store %arg8[%swap3A_42, %swap3A_43], %broadcast_in_dim3A_41 {strides = array<i32>} : memref<8x128xf32, #tpu.memory_space<vmem>>, vector<8x128xf32>,
    return
  }
}

module attributes {stable_mosaic.version = 14 : i64} {
  func.func @_combine_body(%arg0: i32, %arg1: memref<1x1000x128xf32, #tpu.memory_space<vmem>>, %arg2: memref<1x1000x128xf32, #tpu.memory_space<vmem>>, %arg3: memref<1000x1xf32, #tpu.memory_space<vmem>>, %arg4: memref<1000x1xf32, #tpu.memory_space<vmem>>, %arg5: memref<1000x128xf32, #tpu.memory_space<vmem>>) attributes {dimension_semantics = [#tpu.dimension_semantics<arbitrary>], iteration_bounds = array<i64: 10>, scalar_prefetch = 0 : i64, scratch_operands = 0 : i64, tpu.core_type = #tpu.core_type<tc>, window_params = [{transform_indices = @transform_0, window_bounds = array<i64: 1, 1000, 128>}, {transform_indices = @transform_1, window_bounds = array<i64: 1, 1000, 128>}, {transform_indices = @transform_2, window_bounds = array<i64: 1000, 1>}, {transform_indices = @transform_3, window_bounds = array<i64: 1000, 1>}, {transform_indices = @transform_4, window_bounds = array<i64: 1000, 128>}]} {
    %get3A = arith.constant 0 : index
    %get3A_0 = arith.constant 0 : index
    %get3A_1 = arith.constant 0 : index
    %get3A_2 = vector.load %arg1[%get3A, %get3A_0, %get3A_1] : memref<1x1000x128xf32, #tpu.memory_space<vmem>>, vector<1x1000x128xf32>
    %get3A_3 = vector.shape_cast %get3A_2 : vector<1x1000x128xf32> to vector<1000x128xf32>
    %get3A_4 = arith.constant 0 : index
    %get3A_5 = arith.constant 0 : index
    %get3A_6 = arith.constant 0 : index
    %get3A_7 = vector.load %arg2[%get3A_4, %get3A_5, %get3A_6] : memref<1x1000x128xf32, #tpu.memory_space<vmem>>, vector<1x1000x128xf32>
    %get3A_8 = vector.shape_cast %get3A_7 : vector<1x1000x128xf32> to vector<1000x128xf32>
    %add3A = arith.addf %get3A_3, %get3A_8 : vector<1000x128xf32>
    %get3A_9 = arith.constant 0 : index
    %get3A_10 = arith.constant 0 : index
    %get3A_11 = vector.load %arg3[%get3A_9, %get3A_10] : memref<1000x1xf32, #tpu.memory_space<vmem>>, vector<1000x1xf32>
    %get3A_12 = arith.constant 0 : index
    %get3A_13 = arith.constant 0 : index
    %get3A_14 = vector.load %arg4[%get3A_12, %get3A_13] : memref<1000x1xf32, #tpu.memory_space<vmem>>, vector<1000x1xf32>
    %add3A_15 = arith.addf %get3A_11, %get3A_14 : vector<1000x1xf32>
    %add3A_16 = arith.constant 1.000000e-16 : f32
    %add3A_17 = vector.broadcast %add3A_16 : f32 to vector<1000x1xf32>
    %add3A_18 = arith.addf %add3A_15, %add3A_17 : vector<1000x1xf32>
    %div3A = vector.broadcast %add3A_18 : vector<1000x1xf32> to vector<1000x128xf32>
    %div3A_19 = arith.divf %add3A, %div3A : vector<1000x128xf32>
    %gt3A = arith.constant 0.000000e+00 : f32
    %gt3A_20 = vector.broadcast %gt3A : f32 to vector<1000x128xf32>
    %gt3A_21 = arith.cmpf ogt, %div3A_19, %gt3A_20 : vector<1000x128xf32>
    %exp3A = math.exp %div3A_19 : vector<1000x128xf32>
    %sub3A = arith.constant 1.000000e+00 : f32
    %sub3A_22 = vector.broadcast %sub3A : f32 to vector<1000x128xf32>
    %sub3A_23 = arith.subf %exp3A, %sub3A_22 : vector<1000x128xf32>
    %select_n3A = arith.select %gt3A_21, %div3A_19, %sub3A_23 : vector<1000x128xi1>, vector<1000x128xf32>
    %swap3A = arith.constant 0 : index
    %swap3A_24 = arith.constant 0 : index
    %swap3A_25 = vector.load %arg5[%swap3A, %swap3A_24] : memref<1000x128xf32, #tpu.memory_space<vmem>>, vector<1000x128xf32>
    tpu.vector_store %arg5[%swap3A, %swap3A_24], %select_n3A {strides = array<i32>} : memref<1000x128xf32, #tpu.memory_space<vmem>>, vector<1000x128xf32>,
    return
  }
  func.func @transform_0(%arg0: i32) -> (i32, i32, i32) {
    %c0_i32 = arith.constant 0 : i32
    %c0_i32_0 = arith.constant 0 : i32
    %c0_i32_1 = arith.constant 0 : i32
    return %c0_i32, %arg0, %c0_i32_0 : i32, i32, i32
  }
  func.func @transform_1(%arg0: i32) -> (i32, i32, i32) {
    %c1_i32 = arith.constant 1 : i32
    %c0_i32 = arith.constant 0 : i32
    %c0_i32_0 = arith.constant 0 : i32
    return %c1_i32, %arg0, %c0_i32 : i32, i32, i32
  }
  func.func @transform_2(%arg0: i32) -> (i32, i32) {
    %c0_i32 = arith.constant 0 : i32
    %c0_i32_0 = arith.constant 0 : i32
    return %arg0, %c0_i32 : i32, i32
  }
  func.func @transform_3(%arg0: i32) -> (i32, i32) {
    %add3A = arith.constant 10 : i32
    %add3A_0 = arith.addi %arg0, %add3A : i32
    %c0_i32 = arith.constant 0 : i32
    %c0_i32_1 = arith.constant 0 : i32
    return %add3A_0, %c0_i32 : i32, i32
  }
  func.func @transform_4(%arg0: i32) -> (i32, i32) {
    %c0_i32 = arith.constant 0 : i32
    %c0_i32_0 = arith.constant 0 : i32
    return %arg0, %c0_i32 : i32, i32
  }
}

</mosaic_0001>

<sc_bundles>
// kernel: _run.5.cloned.1.call-start
scs
__scs_entry_jumppad:
0x0: {  	(pc) =	sbr.rel $0x88, $3  }
0x1: {  	(tag) =	ssettag $0x0;
	lr =	simm.s32 $0x1  }
0x2: {  	[smem:$0x3F9A] =	sst lr;
	_ =	strace $0xD0000000  }
0x3: {  	_ = 	snop  }
0x4: {  	_ = 	snop  }
0x5: {  	_ = 	snop  }
0x6: {  	_ = 	snop  }
0x7: {  	_ = 	snop  }
__scs_overlays_trampoline_lowered:
0x8: {  	[smem:$0x3FA9] =	sst s0  }
0x9: {  	[smem:$0x3FAA] =	sst s1  }
0xa: {  	[smem:$0x3FAB] =	sst s2  }
0xb: {  	[smem:$0x3FAC] =	sst s3  }
0xc: {  	[smem:$0x3FAD] =	sst s4  }
0xd: {  	[smem:$0x3FAE] =	sst s5  }
0xe: {  	[smem:$0x3FAF] =	sst s6  }
0xf: {  	[smem:$0x3FB0] =	sst s7  }
0x10: {  	[smem:$0x3FB1] =	sst s8  }
0x11: {  	[smem:$0x3FB2] =	sst s9;
	s0 =	simm.s32 @!p0 $0x0  }
0x12: {  	s1 =	sld [smem:$0x3F98];
	s0 =	simm.s32 @p0 $0x1  }
0x13: {  	[smem:$0x3FB3] =	sst s0;
	s0 =	simm.s32 @!p1 $0x0  }
0x14: {  	s2 =	sld [smem:$0x3F97];
	s0 =	simm.s32 @p1 $0x1  }
0x15: {  	[smem:$0x3FB4] =	sst s0;
	s0 =	simm.s32 @!p2 $0x0  }
0x16: {  	s3 =	sld [smem:$0x3FDB];
	s0 =	simm.s32 @p2 $0x1  }
0x17: {  	s4 =	simm.s32 $0x1BF5;
	[smem:$0x3FB6] =	sst s0  }
0x18: {  	s0 =	sld [smem:$0x3F99];
	_ =	swait.ge [sflag:s4], $0x0  }
0x19: {  	s7 =	sld [smem:$0x3F9A]  }
0x1a: {  	s8 =	sadd.s32 $0xFFFFE003, lr  }
0x1b: {  	s9 =	sadd.s32 $0xFFFFFEF7, lr;
	s5 =	simm.s32 $0xFFFFFFFF;
	p2 =	slt.u32 s8, $0xFFFFF086  }
0x1c: {  	p1 =	slt.u32 s9, $0xF7A;
	s5 =	simm.s32 @!p2 $0x0  }
0x1d: {  	s5 =	simm.s32 @p1 $0x1;
	p0 =	seq.s32 s7, s2  }
0x1e: {  	s7 =	smul.u32 @!p0 $0xF7A, s2;
	p2 =	seq.s32 @!p0 s5, $0x0  }
0x1f: {  	s9 =	smul.u32 $0xF7A, s1;
	s8 =	simm.s32 @!p0 $0x1BF5;
	p2 =	por !p2, p0  }
0x20: {  	[sflag:s8] =	ssyncset.s32 @!p0 $0xFFFFF086;
	s6 =	sadd.s32 @!p0 s3, s7;
	s7 =	simm.s32 @!p0 $0x108  }
0x21: {  	s3 =	sadd.s32 s3, s9;
	s6 =	sadd.s32 @!p0 $0x88, s6;
	s7 =	simm.s32 @p2 $0x1082  }
0x22: {  	[simem:s7], [sflag:s8] =	dma.local @!p0 [hbm:s6], $0xF7A  }
0x23: {  	s9 =	sor.u32 $0xD0000000, s2;
	s6 =	simm.s32 $0x108;
	_ =	swait.ge @!p0 [sflag:s8], $0x0  }
0x24: {  	s3 =	sadd.s32 $0x88, s3;
	s6 =	simm.s32 @!p1 $0x1082;
	[sflag:s4] =	ssyncset.s32 $0xFFFFF086  }
0x25: {  	[simem:s6], [sflag:s4] =	dma.local [hbm:s3], $0xF7A  }
0x26: {  	[smem:$0x3F9A] =	sst s1;
	(tag) =	ssettag s2;
	_ =	strace s9  }
0x27: {  	s1 =	sld [smem:$0x3FAA]  }
0x28: {  	s2 =	sld [smem:$0x3FAB]  }
0x29: {  	s4 =	sld [smem:$0x3FAD]  }
0x2a: {  	p0 =	seq.s32 s5, $0x0;
	s5 =	sld [smem:$0x3FAE]  }
0x2b: {  	s6 =	sld [smem:$0x3FAF]  }
0x2c: {  	s7 =	sld [smem:$0x3FB0]  }
0x2d: {  	s3 =	simm.s32 $0x108;
	s8 =	sld [smem:$0x3FB1]  }
0x2e: {  	s3 =	simm.s32 @!p0 $0x1082;
	s9 =	sld [smem:$0x3FB2]  }
0x2f: {  	lr =	sadd.s32 s0, s3;
	s0 =	sld [smem:$0x3FA9]  }
0x30: {  	s3 =	sld [smem:$0x3FAC]  }
0x31: {  	[smem:$0x3FB5] =	sst s10  }
0x32: {  	s10 =	sld [smem:$0x3FB3];
	_ =	sdelay $0x3  }
0x33: {  	p0 =	seq.s32 s10, $0x1;
	s10 =	sld [smem:$0x3FB5];
	_ =	sdelay $0x3  }
0x34: {  	[smem:$0x3FB5] =	sst s10  }
0x35: {  	s10 =	sld [smem:$0x3FB4];
	_ =	sdelay $0x3  }
0x36: {  	p1 =	seq.s32 s10, $0x1;
	s10 =	sld [smem:$0x3FB5];
	_ =	sdelay $0x3  }
0x37: {  	[smem:$0x3FB5] =	sst s10  }
0x38: {  	s10 =	sld [smem:$0x3FB6]  }
0x39: {  	_ = 	snop;
	(pc) =	sbr.ind lr, $3  }
0x3a: {  	_ = 	snop  }
0x3b: {  	_ = 	snop  }
0x3c: {  	p2 =	seq.s32 s10, $0x1;
	s10 =	sld [smem:$0x3FB5]  }
0x3d: {  	_ =	shalt  }
0x3e: {  	_ =	shalt  }
0x3f: {  	_ =	shalt  }
0x40: {  	_ =	shalt  }
0x41: {  	_ =	shalt  }
0x42: {  	_ =	shalt  }
0x43: {  	_ =	shalt  }
0x44: {  	_ =	shalt  }
0x45: {  	_ =	shalt  }
0x46: {  	_ =	shalt  }
0x47: {  	_ =	shalt  }
0x48: {  	_ =	shalt  }
0x49: {  	_ =	shalt  }
0x4a: {  	_ =	shalt  }
0x4b: {  	_ =	shalt  }
0x4c: {  	_ =	shalt  }
0x4d: {  	_ =	shalt  }
0x4e: {  	_ =	shalt  }
0x4f: {  	_ =	shalt  }
0x50: {  	_ =	shalt  }
0x51: {  	_ =	shalt  }
0x52: {  	_ =	shalt  }
0x53: {  	_ =	shalt  }
0x54: {  	_ =	shalt  }
0x55: {  	_ =	shalt  }
0x56: {  	_ =	shalt  }
0x57: {  	_ =	shalt  }
0x58: {  	_ =	shalt  }
0x59: {  	_ =	shalt  }
0x5a: {  	_ =	shalt  }
0x5b: {  	_ =	shalt  }
0x5c: {  	_ =	shalt  }
0x5d: {  	_ =	shalt  }
0x5e: {  	_ =	shalt  }
0x5f: {  	_ =	shalt  }
0x60: {  	_ =	shalt  }
0x61: {  	_ =	shalt  }
0x62: {  	_ =	shalt  }
0x63: {  	_ =	shalt  }
0x64: {  	_ =	shalt  }
0x65: {  	_ =	shalt  }
0x66: {  	_ =	shalt  }
0x67: {  	_ =	shalt  }
0x68: {  	_ =	shalt  }
0x69: {  	_ =	shalt  }
0x6a: {  	_ =	shalt  }
0x6b: {  	_ =	shalt  }
0x6c: {  	_ =	shalt  }
0x6d: {  	_ =	shalt  }
0x6e: {  	_ =	shalt  }
0x6f: {  	_ =	shalt  }
0x70: {  	_ =	shalt  }
0x71: {  	_ =	shalt  }
0x72: {  	_ =	shalt  }
0x73: {  	_ =	shalt  }
0x74: {  	_ =	shalt  }
0x75: {  	_ =	shalt  }
0x76: {  	_ =	shalt  }
0x77: {  	_ =	shalt  }
0x78: {  	_ =	shalt  }
0x79: {  	_ =	shalt  }
0x7a: {  	_ =	shalt  }
0x7b: {  	_ =	shalt  }
0x7c: {  	_ =	shalt  }
0x7d: {  	_ =	shalt  }
0x7e: {  	_ =	shalt  }
0x7f: {  	_ =	shalt  }
0x80: {  	_ =	shalt  }
0x81: {  	_ =	shalt  }
0x82: {  	_ =	shalt  }
0x83: {  	_ =	shalt  }
0x84: {  	_ =	shalt  }
0x85: {  	_ =	shalt  }
0x86: {  	_ =	shalt  }
0x87: {  	_ =	shalt  }
.Lfunc_end0:
.L_simem_size_0:
called_computation_lowered:
.L_overlay_start_0:
0x88: {  	s2 =	sld [smem:$0x3FD9]  }
0x89: {  	s3 =	sld [smem:$0x3FFE];
	_ =	sdelay $0x1  }
0x8a: {  	s1 =	srdreg.scid  }
0x8b: {  	s0 =	sand.u32 $0x1, s1  }
0x8c: {  	s17 =	sshll.u32 s0, $0xA;
	s2 =	sadd.s32 s3, s2  }
0x8d: {  	s2 =	sadd.s32 s2, s17  }
0x8e: {  	[smem:$0x3FC1] =	sst s2  }
0x8f: {  	_ = 	snop  }
0x90: {  	s2 =	sld [smem:$0x3FD0];
	(tm) =	ssettm $0x1  }
0x91: {  	s18 =	sld [smem:$0x3FFB];
	_ =	sdelay $0x3  }
0x92: {  	_ =	strace s18  }
0x93: {  	s3 =	sld [smem:$0x3FFC];
	_ =	sdelay $0x3  }
0x94: {  	_ =	strace s3  }
0x95: {  	s3 =	sld [smem:$0x3FFD];
	_ =	sdelay $0x3  }
0x96: {  	_ =	strace s3  }
0x97: {  	_ =	strace $0x8FFFFFFF  }
0x98: {  	s19 =	sld [smem:$0x3FDB];
	_ =	sdelay $0x1  }
0x99: {  	s4 =	simm.s32 $_scs_section_size  }
0x9a: {  	s5 =	simm.s32 $_size__tile_overlayer_lowered;
	s6 =	simm.s32 $_tile_overlayer_lowered  }
0x9b: {  	s22 =	simm.s32 $0x1BFF;
	s21 =	sshll.u32 s6, $0x1;
	s3 =	sadd.s32 s4, s19  }
0x9c: {  	s7 =	simm.s32 $0x0;
	s20 =	sshll.u32 s5, $0x1;
	s5 =	sadd.s32 s21, s3  }
0x9d: {  	[timem:s7], [sflag:s22] =	dma.local [hbm:s5], s20  }
0x9e: {  	_ =	swait.ge [sflag:s22], s20  }
0x9f: {  	s4 =	ssub.s32 $0x0, s20;
	[sflag:s22] =	ssyncset.done $0x0  }
0xa0: {  	[sflag:s22] =	ssyncadd.s32 s4;
	_ =	sdelay $0x1  }
0xa1: {  	s23 =	simm.s32 $0x1B8B  }
0xa2: {  	_ =	swait.ge [sflag:s23], $0x1  }
0xa3: {  	[sflag:s23] =	ssyncset.done $0x0  }
0xa4: {  	s25 =	simm.s32 $0x1B8E;
	s24 =	sld [smem:$0x3FFE];
	[sflag:s23] =	ssyncadd.s32 $0xFFFFFFFF  }
0xa5: {  	s26 =	simm.s32 $execute0_lowered;
	[smem:$0x3FD2] =	sst s25  }
0xa6: {  	s5 =	sshll.u32 s26, $0x1;
	_ =	strace $0x80000046;
	[dreg:$0x1] =	wrdreg $0xFFFFFFFF  }
0xa7: {  	s28 =	simm.s32 $_size_execute0_lowered;
	s3 =	sadd.s32 s3, s5;
	[dreg:$0x0] =	wrdreg $0x0  }
0xa8: {  	s5 =	sshll.u32 s28, $0x1;
	[dreg:$0x2] =	wrdreg s3  }
0xa9: {  	[dreg:$0x3] =	wrdreg s5  }
0xaa: {  	[dreg:$0x4] =	wrdreg $0xC0  }
0xab: {  	_ =	task [dreg:s7], $0x5FFFF  }
0xac: {  	[dreg:$0x1] =	wrdreg $0xFFFFFFFF  }
0xad: {  	[dreg:$0x0] =	wrdreg $0x60  }
0xae: {  	[dreg:$0x2] =	wrdreg s24  }
0xaf: {  	[dreg:$0x3] =	wrdreg s2  }
0xb0: {  	[dreg:$0x4] =	wrdreg $0xBC800  }
0xb1: {  	[dreg:$0x5] =	wrdreg $0x1F7780  }
0xb2: {  	[dreg:$0x6] =	wrdreg $0x1F9F00  }
0xb3: {  	[dreg:$0x7] =	wrdreg $0x1F5000  }
0xb4: {  	[dreg:$0x8] =	wrdreg $0x9  }
0xb5: {  	_ =	task.clear_ibuf [dreg:s7], $0x9FFFF;
	_ =	strace $0x90000046  }
0xb6: {  	s29 =	simm.s32 $0x9;
	_ =	strace $0x80000048  }
0xb7: {  	_ =	swait.ge [sflag:s29], $0x1  }
0xb8: {  	[sflag:s29] =	ssyncadd.s32 $0xFFFFFFFF  }
0xb9: {  	_ =	strace $0x90000048  }
0xba: {  	_ =	sfence  }
0xbb: {  	s30 =	sld [smem:$0x0];
	_ =	sdelay $0x2  }
0xbc: {  	s31 =	sshll.u32 s1, $0xD;
	s1 =	sshrl.u32 s1, $0x2  }
0xbd: {  	s3 =	sand.u32 $0x4000, s31;
	s1 =	sadd.s32 s1, s30  }
0xbe: {  	s0 =	sor.u32 s3, s0;
	s1 =	sshll.u32 s1, $0x11  }
0xbf: {  	s0 =	sor.u32 s1, s0  }
0xc0: {  	s0 =	sadd.s32 $0x8F2B, s0  }
0xc1: {  	[sflag:s0] =	ssyncadd.remote.s32 $0x1  }
0xc2: {  	_ =	sfence.sel $0xFFFF  }
0xc3: {  	[dreg:$0x0] =	wrdreg $0xFFFFFFFF;
	(pc) =	sbr.abs _section_cstart, $3  }
0xc4: {  	[dreg:$0x1] =	wrdreg $0xFFFFFFFF  }
0xc5: {  	_ =	task.clear_ibuf [dreg:s7], $0x2FFFF;
	_ =	strace $0x9FFFFFFF  }
0xc6: {  	(tm) =	ssettm $0x7FFFFFFF  }
0xc7: {  	_ =	shalt  }
tec
execute0_lowered:
.L_overlay_start_1:
0x0: {  	(tag) =	ssettag $0x1  }
0x1: {  	s4 =	rddreg [dreg:$0x0]  }
0x2: {  	s1 =	rddreg [dreg:$0x1]  }
0x3: {  	s2 =	rddreg [dreg:$0x2]  }
0x4: {  	s3 =	rddreg [dreg:$0x3]  }
0x5: {  	s5 =	rddreg [dreg:$0x4]  }
0x6: {  	s6 =	rddreg [dreg:$0x5];
	s7 =	simm.s32 $0x0;
	s15 =	stileid.u32  }
0x7: {  	s0 =	srdreg.scid;
	s29 =	simm.s32 $0x1780;
	s23 =	smul.u32 $0x3E8, s15  }
0x8: {  	[smem:$0x7FF] =	sst s7;
	s8 =	sand.u32 $0x1, s0;
	s10 =	smul.u32 $0x2800, s15  }
0x9: {  	s16 =	sadd.s32 $0xA400, s4;
	s17 =	sadd.s32 $0x600, s4;
	s13 =	smul.u32 $0x50, s15  }
0xa: {  	s14 =	sadd.s32 $0x14E00, s4;
	s19 =	sor.u32 $0x20, s15;
	p1 =	sgt.u32 s15, $0x9  }
0xb: {  	_ =	strace $0x80000047;
	s0 =	smul.u32 $0x138800, s8;
	[dreg:$0x9] =	wrdreg s14  }
0xc: {  	s24 =	smul.u32 $0x2710, s8;
	s25 =	sshll.u32 s8, $0x4;
	[dreg:$0x7] =	wrdreg s16  }
0xd: {  	s8 =	ssub.s32 $0x2, s8;
	[dreg:$0x8] =	wrdreg s17;
	s14 =	sor.u32 $0x10, s15  }
0xe: {  	s20 =	smul.u32 $0xA000, s19;
	p2 =	slt.u32 @!p1 s15, $0x6;
	s9 =	sshrl.u32 s23, $0x3  }
0xf: {  	s11 =	sadd.s32 $0xFFFFE890, s23;
	s26 =	sor.u32 s15, s25;
	s28 =	sshrl.u32 s8, $0x1  }
0x10: {  	s7 =	sadd.s32 s23, s3;
	s18 =	smul.u32 $0x140, s14;
	s25 =	sor.u32 $0x30, s15  }
0x11: {  	p2 =	por p1, !p2;
	s9 =	sadd.s32 s9, s4;
	s12 =	sshrl.u32 s11, $0x3  }
0x12: {  	s0 =	sadd.s32 s10, s0;
	s10 =	sadd.s32 s13, s24;
	s13 =	smul.u32 $0x2710, s26  }
0x13: {  	s8 =	ssub.s32 s8, s28;
	[dreg:$0xc] =	wrdreg s7;
	s24 =	smul.u32 $0x140, s19  }
0x14: {  	s23 =	sshrl.u32 s20, $0x2;
	s28 =	smul.u32 $0xA000, s25;
	s19 =	sor.u32 $0x60, s15  }
0x15: {  	s12 =	sadd.s32 s12, s4;
	s0 =	sshrl.u32 s0, $0x3;
	s9 =	sadd.s32 $0x14800, s9  }
0x16: {  	s10 =	sshrl.u32 s10, $0x3;
	s8 =	smax.u32 s8, $0x1;
	[dreg:$0xb] =	wrdreg s9  }
0x17: {  	s22 =	sshrl.u32 s18, $0x2;
	s26 =	sadd.s32 s23, s2;
	[dreg:$0xa] =	wrdreg s13  }
0x18: {  	s23 =	smul.u32 $0x140, s19;
	s0 =	sadd.s32 s0, s4;
	[dreg:$0x11] =	wrdreg s8  }
0x19: {  	s4 =	sadd.s32 s10, s4;
	s30 =	sadd.s32 $0x14200, s12;
	[dreg:$0x16] =	wrdreg s26  }
0x1a: {  	s10 =	sadd.s32 s11, s5;
	s12 =	smul.u32 $0xA000, s15;
	[dreg:$0xd] =	wrdreg s30  }
0x1b: {  	s31 =	sshrl.u32 s13, $0x3;
	s13 =	smul.u32 $0x140, s15;
	[dreg:$0xe] =	wrdreg s10  }
0x1c: {  	s11 =	sadd.s32 s16, s31;
	s7 =	sadd.s32 s17, s31;
	s17 =	smul.u32 $0xA000, s14  }
0x1d: {  	s30 =	sshrl.u32 s24, $0x2;
	s31 =	smul.u32 $0x140, s25;
	s14 =	sor.u32 $0x50, s15  }
0x1e: {  	s24 =	sor.u32 $0x70, s15;
	s0 =	sadd.s32 $0x15A00, s0;
	[dreg:$0xf] =	wrdreg s11  }
0x1f: {  	[dreg:$0x10] =	wrdreg s7;
	s16 =	sshrl.u32 s12, $0x2;
	s18 =	smul.u32 $0x140, s14  }
0x20: {  	s7 =	sshrl.u32 s13, $0x2;
	s11 =	sor.u32 $0x40, s15;
	s25 =	smul.u32 $0xA000, s24  }
0x21: {  	p0 =	sgt.u32 s24, $0x7C;
	s10 =	smul.u32 $0x140, s24;
	[smem:$0x7FC] =	sst s0  }
0x22: {  	s0 =	simm.s32 $0x5;
	s15 =	simm.s32 $0x1;
	s24 =	simm.s32 $0x4  }
0x23: {  	s8 =	sadd.s32 s16, s2;
	s9 =	sshrl.u32 s17, $0x2;
	s12 =	smul.u32 $0xA000, s11  }
0x24: {  	s7 =	sadd.s32 s7, s6;
	s13 =	smul.u32 $0x140, s11;
	[dreg:$0x12] =	wrdreg s8  }
0x25: {  	s16 =	smul.u32 $0xA000, s14;
	s14 =	simm.s32 $0x9;
	[dreg:$0x13] =	wrdreg s7  }
0x26: {  	s21 =	sadd.s32 s9, s2;
	s7 =	sadd.s32 s22, s6;
	s8 =	sadd.s32 s30, s6  }
0x27: {  	s9 =	sshrl.u32 s31, $0x2;
	s22 =	sshrl.u32 s18, $0x2;
	[dreg:$0x14] =	wrdreg s21  }
0x28: {  	s30 =	sshrl.u32 s10, $0x2;
	s31 =	sadd.s32 $0x15000, s4;
	[dreg:$0x15] =	wrdreg s7  }
0x29: {  	s10 =	simm.s32 $0x17;
	s18 =	simm.s32 $0x1680;
	[dreg:$0x17] =	wrdreg s8  }
0x2a: {  	s7 =	sshrl.u32 s28, $0x2;
	s8 =	sshrl.u32 s12, $0x2;
	s9 =	sadd.s32 s9, s6  }
0x2b: {  	s17 =	sshrl.u32 s16, $0x2;
	s21 =	smul.u32 $0xA000, s19;
	s28 =	sshrl.u32 s25, $0x2  }
0x2c: {  	[smem:$0x7FD] =	sst s31;
	s19 =	simm.s32 $0xD;
	s25 =	simm.s32 $0x1800  }
0x2d: {  	s12 =	simm.s32 $0xE;
	s7 =	sadd.s32 s7, s2;
	[dreg:$0x19] =	wrdreg s9  }
0x2e: {  	s8 =	sadd.s32 s8, s2;
	s20 =	sadd.s32 s17, s2;
	[dreg:$0x18] =	wrdreg s7  }
0x2f: {  	s9 =	sshrl.u32 s23, $0x2;
	s23 =	simm.s32 $0x50;
	[dreg:$0x1a] =	wrdreg s8  }
0x30: {  	s7 =	sshrl.u32 s13, $0x2;
	[dreg:$0x1c] =	wrdreg s20;
	s8 =	sadd.s32 s22, s6  }
0x31: {  	s26 =	sadd.s32 s9, s6;
	s7 =	sadd.s32 s7, s6;
	[dreg:$0x1d] =	wrdreg s8  }
0x32: {  	s13 =	simm.s32 $0x1700;
	[dreg:$0x1b] =	wrdreg s7;
	s7 =	sshrl.u32 s21, $0x2  }
0x33: {  	s20 =	simm.s32 $0x11;
	[dreg:$0x1f] =	wrdreg s26;
	s7 =	sadd.s32 s7, s2  }
0x34: {  	s22 =	simm.s32 $0x12;
	[dreg:$0x1e] =	wrdreg s7;
	s7 =	sadd.s32 s28, s2  }
0x35: {  	s26 =	simm.s32 $0xC;
	[smem:$0x7FA] =	sst s7;
	s7 =	sadd.s32 s30, s6  }
0x36: {  	v0 =	vimm.f32 $0.0e+00;
	s21 =	simm.s32 $0x1C80;
	[smem:$0x7FB] =	sst s7;
	s7 =	simm.s32 $0x0  }
.LBB2_1:
0x37: {  	[smem:$0x7F9] =	sst s7  }
0x38: {  	s4 =	simm.s32 $0x0;
	s31 =	rddreg [dreg:$0x9]  }
0x39: {  	[tilespmem:s4], [sflag:$0x17] =	stream.linear.gather [hbm4b:s31+s4], $0x80, $0x38;
	[tilespmem:$0x1FC68] =	vst v63  }
0x3a: {  	_ =	swait.ge [sflag:s10], $0x80  }
0x3b: {  	s7 =	simm.s32 @!p1 $0x0;
	[sflag:s10] =	ssyncset.done $0x0  }
0x3c: {  	s9 =	simm.s32 @!p1 $0x1080;
	s4 =	rddreg [dreg:$0xb];
	[sflag:s10] =	ssyncadd.s32 $0xFFFFFF80  }
0x3d: {  	v1 =	vld [tilespmem:$0x0];
	[tilespmem:s9], [sflag:$0x17] =	stream.linear.gather @!p1 [hbm4b:s4+s7], $0x3E8, $0x38  }
0x3e: {  	s7 =	simm.s32 @!p1 $0x17  }
0x3f: {  	_ =	swait.ge @!p1 [sflag:s7], $0x3E8  }
0x40: {  	[sflag:s7] =	ssyncset.done @!p1 $0x0  }
0x41: {  	s4 =	rddreg [dreg:$0xc];
	[sflag:s7] =	ssyncadd.s32 @!p1 $0xFFFFFC18  }
0x42: {  	[spmem:s4] =	stream.linear.scatter @!p1 [tilespmem:s9], [sflag:$0x17], $0x3E8, $0x38;
	[tilespmem:$0x1FC68] =	vst v63  }
0x43: {  	_ =	swait.ge @!p1 [sflag:s7], $0x3E8  }
0x44: {  	s9 =	simm.s32 @p2 $0x1080;
	[sflag:s7] =	ssyncset.done @!p1 $0x0  }
0x45: {  	s8 =	rddreg @p2 [dreg:$0xd];
	[sflag:s7] =	ssyncadd.s32 @!p1 $0xFFFFFC18;
	s7 =	simm.s32 @p2 $0x0  }
0x46: {  	[tilespmem:s9], [sflag:$0x17] =	stream.linear.gather @p2 [hbm4b:s8+s7], $0x3E8, $0x38;
	[tilespmem:$0x1FC68] =	vst v63  }
0x47: {  	_ =	swait.ge @p2 [sflag:s10], $0x3E8  }
0x48: {  	[sflag:s10] =	ssyncset.done @p2 $0x0  }
0x49: {  	s7 =	rddreg @p2 [dreg:$0xe];
	[sflag:s10] =	ssyncadd.s32 @p2 $0xFFFFFC18  }
0x4a: {  	[spmem:s7] =	stream.linear.scatter @p2 [tilespmem:s9], [sflag:$0x17], $0x3E8, $0x38;
	[tilespmem:$0x1FC68] =	vst v63  }
0x4b: {  	_ =	swait.ge @p2 [sflag:s10], $0x3E8  }
0x4c: {  	[sflag:s10] =	ssyncset.done @p2 $0x0  }
0x4d: {  	s7 =	simm.s32 $0x0;
	s9 =	simm.s32 $0x200;
	[sflag:s10] =	ssyncadd.s32 @p2 $0xFFFFFC18  }
.LBB2_2:
0x4e: {  	p3 =	sne.s32 s9, $0x9E00;
	[tilespmem:s7+$0x1CF0] =	vst v0  }
0x4f: {  	[tilespmem:s7+$0x1C80] =	vst v0  }
0x50: {  	[tilespmem:s7+$0x1C90] =	vst v0  }
.Ltmp0:
0x51: {  	[tilespmem:s7+$0x1CA0] =	vst v0;
	(pc) =	sbr.rel @p3 .LBB2_2-.Ltmp0, $4  }
0x52: {  	[tilespmem:s7+$0x1CB0] =	vst v0  }
0x53: {  	[tilespmem:s7+$0x1CC0] =	vst v0  }
0x54: {  	[tilespmem:s7+$0x1CD0] =	vst v0  }
0x55: {  	[tilespmem:s7+$0x1CE0] =	vst v0;
	s7 =	sshra.s32 s9, $0x2;
	s9 =	sadd.s32 $0x200, s9  }
0x56: {  	[tilespmem:s7+$0x1CF0] =	vst v0  }
0x57: {  	[tilespmem:s7+$0x1C80] =	vst v0  }
0x58: {  	[tilespmem:s7+$0x1C90] =	vst v0  }
0x59: {  	[tilespmem:s7+$0x1CA0] =	vst v0  }
0x5a: {  	[tilespmem:s7+$0x1CB0] =	vst v0  }
0x5b: {  	[tilespmem:s7+$0x1CC0] =	vst v0  }
0x5c: {  	[tilespmem:s7+$0x1CD0] =	vst v0  }
0x5d: {  	[tilespmem:s7+$0x1CE0] =	vst v0  }
0x5e: {  	[tilespmem:$0x1680] =	vst v0  }
0x5f: {  	[tilespmem:$0x1690] =	vst v0  }
0x60: {  	[tilespmem:$0x16A0] =	vst v0  }
0x61: {  	[tilespmem:$0x16B0] =	vst v0  }
0x62: {  	s30 =	rddreg [dreg:$0x12];
	s4 =	simm.s32 $0x18;
	[tilespmem:$0x16C0] =	vst v0  }
0x63: {  	[spmem:s30] =	stream.linear.scatter [tilespmem:s21], [sflag:$0x18], $0x2800, $0x38;
	[tilespmem:$0x1FC68] =	vst v63  }
0x64: {  	_ =	swait.ge [sflag:s4], $0x2800  }
0x65: {  	[sflag:s4] =	ssyncset.done $0x0  }
0x66: {  	s31 =	rddreg [dreg:$0x13];
	[sflag:s4] =	ssyncadd.s32 $0xFFFFD800  }
0x67: {  	[spmem:s31] =	stream.linear.scatter [tilespmem:s18], [sflag:$0x17], $0x50, $0x38;
	[tilespmem:$0x1FC68] =	vst v63  }
0x68: {  	_ =	swait.ge [sflag:s10], $0x50  }
0x69: {  	[sflag:s10] =	ssyncset.done $0x0  }
0x6a: {  	s8 =	rddreg [dreg:$0x14];
	[sflag:s10] =	ssyncadd.s32 $0xFFFFFFB0  }
0x6b: {  	[spmem:s8] =	stream.linear.scatter [tilespmem:s21], [sflag:$0x18], $0x2800, $0x38;
	[tilespmem:$0x1FC68] =	vst v63  }
0x6c: {  	_ =	swait.ge [sflag:s4], $0x2800  }
0x6d: {  	[sflag:s4] =	ssyncset.done $0x0  }
0x6e: {  	s9 =	rddreg [dreg:$0x15];
	[sflag:s4] =	ssyncadd.s32 $0xFFFFD800  }
0x6f: {  	[spmem:s9] =	stream.linear.scatter [tilespmem:s18], [sflag:$0x17], $0x50, $0x38;
	[tilespmem:$0x1FC68] =	vst v63  }
0x70: {  	_ =	swait.ge [sflag:s10], $0x50  }
0x71: {  	[sflag:s10] =	ssyncset.done $0x0  }
0x72: {  	s11 =	rddreg [dreg:$0x16];
	[sflag:s10] =	ssyncadd.s32 $0xFFFFFFB0  }
0x73: {  	[spmem:s11] =	stream.linear.scatter [tilespmem:s21], [sflag:$0x18], $0x2800, $0x38;
	[tilespmem:$0x1FC68] =	vst v63  }
0x74: {  	_ =	swait.ge [sflag:s4], $0x2800  }
0x75: {  	[sflag:s4] =	ssyncset.done $0x0  }
0x76: {  	s16 =	rddreg [dreg:$0x17];
	[sflag:s4] =	ssyncadd.s32 $0xFFFFD800  }
0x77: {  	[spmem:s16] =	stream.linear.scatter [tilespmem:s18], [sflag:$0x17], $0x50, $0x38;
	[tilespmem:$0x1FC68] =	vst v63  }
0x78: {  	_ =	swait.ge [sflag:s10], $0x50  }
0x79: {  	[sflag:s10] =	ssyncset.done $0x0  }
0x7a: {  	s17 =	rddreg [dreg:$0x18];
	[sflag:s10] =	ssyncadd.s32 $0xFFFFFFB0  }
0x7b: {  	[spmem:s17] =	stream.linear.scatter [tilespmem:s21], [sflag:$0x18], $0x2800, $0x38;
	[tilespmem:$0x1FC68] =	vst v63  }
0x7c: {  	_ =	swait.ge [sflag:s4], $0x2800  }
0x7d: {  	[sflag:s4] =	ssyncset.done $0x0  }
0x7e: {  	s28 =	rddreg [dreg:$0x19];
	[sflag:s4] =	ssyncadd.s32 $0xFFFFD800  }
0x7f: {  	[spmem:s28] =	stream.linear.scatter [tilespmem:s18], [sflag:$0x17], $0x50, $0x38;
	[tilespmem:$0x1FC68] =	vst v63  }
0x80: {  	_ =	swait.ge [sflag:s10], $0x50  }
0x81: {  	[sflag:s10] =	ssyncset.done $0x0  }
0x82: {  	s30 =	rddreg [dreg:$0x1a];
	[sflag:s10] =	ssyncadd.s32 $0xFFFFFFB0  }
0x83: {  	[spmem:s30] =	stream.linear.scatter [tilespmem:s21], [sflag:$0x18], $0x2800, $0x38;
	[tilespmem:$0x1FC68] =	vst v63  }
0x84: {  	_ =	swait.ge [sflag:s4], $0x2800  }
0x85: {  	[sflag:s4] =	ssyncset.done $0x0  }
0x86: {  	s31 =	rddreg [dreg:$0x1b];
	[sflag:s4] =	ssyncadd.s32 $0xFFFFD800  }
0x87: {  	[spmem:s31] =	stream.linear.scatter [tilespmem:s18], [sflag:$0x17], $0x50, $0x38;
	[tilespmem:$0x1FC68] =	vst v63  }
0x88: {  	_ =	swait.ge [sflag:s10], $0x50  }
0x89: {  	[sflag:s10] =	ssyncset.done $0x0  }
0x8a: {  	s8 =	rddreg [dreg:$0x1c];
	[sflag:s10] =	ssyncadd.s32 $0xFFFFFFB0  }
0x8b: {  	[spmem:s8] =	stream.linear.scatter [tilespmem:s21], [sflag:$0x18], $0x2800, $0x38;
	[tilespmem:$0x1FC68] =	vst v63  }
0x8c: {  	_ =	swait.ge [sflag:s4], $0x2800  }
0x8d: {  	[sflag:s4] =	ssyncset.done $0x0  }
0x8e: {  	s9 =	rddreg [dreg:$0x1d];
	[sflag:s4] =	ssyncadd.s32 $0xFFFFD800  }
0x8f: {  	[spmem:s9] =	stream.linear.scatter [tilespmem:s18], [sflag:$0x17], $0x50, $0x38;
	[tilespmem:$0x1FC68] =	vst v63  }
0x90: {  	_ =	swait.ge [sflag:s10], $0x50  }
0x91: {  	[sflag:s10] =	ssyncset.done $0x0  }
0x92: {  	s11 =	rddreg [dreg:$0x1e];
	[sflag:s10] =	ssyncadd.s32 $0xFFFFFFB0  }
0x93: {  	[spmem:s11] =	stream.linear.scatter [tilespmem:s21], [sflag:$0x18], $0x2800, $0x38;
	[tilespmem:$0x1FC68] =	vst v63  }
0x94: {  	_ =	swait.ge [sflag:s4], $0x2800  }
0x95: {  	[sflag:s4] =	ssyncset.done $0x0  }
0x96: {  	s16 =	rddreg [dreg:$0x1f];
	[sflag:s4] =	ssyncadd.s32 $0xFFFFD800  }
0x97: {  	[spmem:s16] =	stream.linear.scatter [tilespmem:s18], [sflag:$0x17], $0x50, $0x38;
	[tilespmem:$0x1FC68] =	vst v63  }
0x98: {  	_ =	swait.ge [sflag:s10], $0x50  }
0x99: {  	s8 =	sld [smem:$0x7FA]  }
0x9a: {  	[sflag:s10] =	ssyncset.done $0x0  }
0x9b: {  	s7 =	simm.s32 @!p0 $0x1C80;
	[sflag:s10] =	ssyncadd.s32 $0xFFFFFFB0  }
0x9c: {  	[spmem:s8] =	stream.linear.scatter @!p0 [tilespmem:s7], [sflag:$0x18], $0x2800, $0x38;
	[tilespmem:$0x1FC68] =	vst v63  }
0x9d: {  	s7 =	simm.s32 @!p0 $0x18  }
0x9e: {  	_ =	swait.ge @!p0 [sflag:s7], $0x2800  }
0x9f: {  	s8 =	sld [smem:$0x7FB]  }
0xa0: {  	[sflag:s7] =	ssyncset.done @!p0 $0x0  }
0xa1: {  	[sflag:s7] =	ssyncadd.s32 @!p0 $0xFFFFD800;
	s7 =	simm.s32 @!p0 $0x1680  }
0xa2: {  	[spmem:s8] =	stream.linear.scatter @!p0 [tilespmem:s7], [sflag:$0x17], $0x50, $0x38;
	[tilespmem:$0x1FC68] =	vst v63  }
0xa3: {  	s7 =	simm.s32 @!p0 $0x17  }
0xa4: {  	_ =	swait.ge @!p0 [sflag:s7], $0x50  }
0xa5: {  	[sflag:s7] =	ssyncset.done @!p0 $0x0  }
0xa6: {  	[sflag:s7] =	ssyncadd.s32 @!p0 $0xFFFFFFB0  }
0xa7: {  	[bflag:$0x0] =	sbarrier.arrive $0xFFFF  }
0xa8: {  	s28 =	simm.s32 $0x80;
	s11 =	simm.s32 $0x0;
	s17 =	rddreg [dreg:$0xf]  }
0xa9: {  	[tilespmem:s28], [sflag:$0x17] =	stream.linear.gather [hbm4b:s17+s11], $0x7D0, $0x38;
	[tilespmem:$0x1FC68] =	vst v63  }
0xaa: {  	_ =	swait.ge [sflag:s10], $0x7D0  }
0xab: {  	[sflag:s10] =	ssyncset.done $0x0  }
0xac: {  	s31 =	simm.s32 $0x880;
	s30 =	rddreg [dreg:$0x10];
	[sflag:s10] =	ssyncadd.s32 $0xFFFFF830  }
0xad: {  	[tilespmem:s31], [sflag:$0x17] =	stream.linear.gather [hbm4b:s30+s11], $0x7D0, $0x38;
	[tilespmem:$0x1FC68] =	vst v63  }
0xae: {  	_ =	swait.ge [sflag:s10], $0x7D0  }
0xaf: {  	[sflag:s10] =	ssyncset.done $0x0  }
0xb0: {  	[sflag:s10] =	ssyncadd.s32 $0xFFFFF830  }
.LBB2_4:
0xb1: {  	s4 =	simm.s32 $0x80  }
0xb2: {  	[tilespmem:s21], [sflag:$0x1] =	stream.indirect.gather [hbm4b:s1+s23], $0x80, s4, s23, $0xb8;
	[tilespmem:$0x1FC68] =	vst v63  }
0xb3: {  	s7 =	simm.s32 $0x1880  }
0xb4: {  	[tilespmem:s7], [sflag:$0x5] =	stream.indirect.gather [spmem:s3], $0x1, s4, s23, $0xb8;
	[tilespmem:$0x1FC68] =	vst v63  }
0xb5: {  	s9 =	simm.s32 $0x880;
	s10 =	simm.s32 $0x1A80  }
0xb6: {  	[tilespmem:s10], [sflag:$0x9] =	stream.indirect.gather [spmem:s5], $0x1, s9, s23, $0xb8;
	[tilespmem:$0x1FC68] =	vst v63  }
0xb7: {  	s16 =	simm.s32 $0xD0;
	s17 =	simm.s32 $0x4480  }
0xb8: {  	[tilespmem:s17], [sflag:$0x2] =	stream.indirect.gather [hbm4b:s1+s23], $0x80, s16, s23, $0xb8;
	[tilespmem:$0x1FC68] =	vst v63  }
0xb9: {  	s28 =	simm.s32 $0x1900  }
0xba: {  	[tilespmem:s28], [sflag:$0x6] =	stream.indirect.gather [spmem:s3], $0x1, s16, s23, $0xb8;
	[tilespmem:$0x1FC68] =	vst v63  }
0xbb: {  	s30 =	simm.s32 $0x8D0;
	s31 =	simm.s32 $0x1B00;
	s9 =	simm.s32 $0x0  }
0xbc: {  	[tilespmem:s31], [sflag:$0xA] =	stream.indirect.gather [spmem:s5], $0x1, s30, s23, $0xb8;
	[tilespmem:$0x1FC68] =	vst v63  }
.LBB2_5:
0xbd: {  	_ =	swait.ge [sflag:s0], $0x50  }
0xbe: {  	[sflag:s0] =	ssyncset.done $0x0  }
0xbf: {  	[sflag:s0] =	ssyncadd.s32 $0xFFFFFFB0  }
0xc0: {  	_ =	swait.ge [sflag:s14], $0x50  }
0xc1: {  	[sflag:s14] =	ssyncset.done $0x0  }
0xc2: {  	[sflag:s14] =	ssyncadd.s32 $0xFFFFFFB0  }
0xc3: {  	v2 =	vld [tilespmem:$0x1880]  }
0xc4: {  	v3 =	vld [tilespmem:$0x1A80];
	_ =	sdelay $0x4  }
0xc5: {  	v2 =	vadd.f32 v3, v2  }
0xc6: {  	v5 =	vld [tilespmem:$0x1A90]  }
0xc7: {  	v3 =	vld [tilespmem:$0x1890];
	v4 =	vmul.f32 $2.000000030e-01, v2;
	_ =	sdelay $0x1  }
0xc8: {  	v2 =	vmax.f32 v2, v4  }
0xc9: {  	v2 =	vsub.f32 v2, v1;
	_ =	sdelay $0x1  }
0xca: {  	v3 =	vadd.f32 v5, v3;
	v2 =	vmul.f32 $1.442695020e+00, v2  }
0xcb: {  	v4 =	vld [tilespmem:$0x18A0]  }
0xcc: {  	v5 =	vld [tilespmem:$0x1AA0];
	(erf) = vpow2.f32 v2;
	v2 =	vmul.f32 $2.000000030e-01, v3;
	_ =	sdelay $0x1  }
0xcd: {  	s31 =	smul.u32 $0x140, s9;
	v2 =	vmax.f32 v3, v2  }
0xce: {  	v2 =	vsub.f32 v2, v1  }
0xcf: {  	v3 =	vld [tilespmem:s31+$0x880]  }
0xd0: {  	v4 =	vadd.f32 v5, v4;
	v2 =	vmul.f32 $1.442695020e+00, v2  }
0xd1: {  	v6 =	vld [tilespmem:$0x1AB0]  }
0xd2: {  	v5 =	vld [tilespmem:$0x18B0];
	(erf) = vpow2.f32 v2;
	v2 =	vmul.f32 $2.000000030e-01, v4;
	_ =	sdelay $0x1  }
0xd3: {  	[tilespmem:$0x1480] =	vst v3;
	v3 =	vpop (erf);
	v2 =	vmax.f32 v4, v2  }
0xd4: {  	[tilespmem:$0x1680] =	vst v3;
	v2 =	vsub.f32 v2, v1  }
0xd5: {  	v3 =	vld [tilespmem:s31+$0x890]  }
0xd6: {  	v4 =	vadd.f32 v6, v5;
	v2 =	vmul.f32 $1.442695020e+00, v2  }
0xd7: {  	v5 =	vld [tilespmem:$0x18C0]  }
0xd8: {  	v6 =	vld [tilespmem:$0x1AC0];
	(erf) = vpow2.f32 v2;
	v2 =	vmul.f32 $2.000000030e-01, v4;
	_ =	sdelay $0x1  }
0xd9: {  	[tilespmem:$0x1490] =	vst v3;
	v3 =	vpop (erf);
	v2 =	vmax.f32 v4, v2  }
0xda: {  	[tilespmem:$0x1690] =	vst v3;
	v2 =	vsub.f32 v2, v1  }
0xdb: {  	v3 =	vld [tilespmem:s31+$0x8A0]  }
0xdc: {  	v4 =	vadd.f32 v6, v5;
	v2 =	vmul.f32 $1.442695020e+00, v2;
	_ =	sdelay $0x1  }
0xdd: {  	(erf) = vpow2.f32 v2;
	v2 =	vmul.f32 $2.000000030e-01, v4;
	_ =	sdelay $0x1  }
0xde: {  	[tilespmem:$0x14A0] =	vst v3;
	v3 =	vpop (erf);
	v2 =	vmax.f32 v4, v2  }
0xdf: {  	[tilespmem:$0x16A0] =	vst v3;
	v2 =	vsub.f32 v2, v1  }
0xe0: {  	v3 =	vld [tilespmem:s31+$0x8B0]  }
0xe1: {  	v2 =	vmul.f32 $1.442695020e+00, v2;
	_ =	sdelay $0x1  }
0xe2: {  	(erf) = vpow2.f32 v2;
	_ =	sdelay $0x1  }
0xe3: {  	v2 =	vpop (erf);
	[tilespmem:$0x14B0] =	vst v3  }
0xe4: {  	[tilespmem:$0x16B0] =	vst v2  }
0xe5: {  	v2 =	vld [tilespmem:s31+$0x8C0];
	_ =	sdelay $0x1  }
0xe6: {  	s7 =	simm.s32 $0x0  }
0xe7: {  	v3 =	vmov s7  }
0xe8: {  	v3 =	vand.u32 $0xFFFFFFFC, v3  }
0xe9: {  	v3 =	vbroadcast v3, $0x0;
	[tilespmem:$0x14C0] =	vst v2;
	v2 =	vpop (erf)  }
0xea: {  	[tilespmem:$0x16C0] =	vst v2  }
0xeb: {  	_ =	swait.ge [sflag:s15], $0x2800  }
0xec: {  	[sflag:s15] =	ssyncset.done $0x0  }
0xed: {  	s16 =	simm.s32 $0x1D80;
	[sflag:s15] =	ssyncadd.s32 $0xFFFFD800  }
0xee: {  	v2 =	vld [tilespmem:s16+$0xFFFFFF70]  }
0xef: {  	v3 =	vld.idx.msk [tilespmem:v3+s18+$0x0], $0xffff  }
0xf0: {  	v4 =	vld [tilespmem:s16+$0xFFFFFF00]  }
0xf1: {  	v5 =	vld [tilespmem:s16+$0xFFFFFF20]  }
0xf2: {  	v6 =	vld [tilespmem:s16+$0xFFFFFF50]  }
0xf3: {  	v7 =	vld [tilespmem:s16+$0xFFFFFF40]  }
0xf4: {  	v8 =	vld [tilespmem:s16+$0xFFFFFF60];
	v2 =	vmul.f32 v2, v3  }
0xf5: {  	s10 =	simm.s32 $0x1;
	v9 =	vld [tilespmem:s16+$0xFFFFFF30];
	v4 =	vmul.f32 v4, v3  }
0xf6: {  	v10 =	vld [tilespmem:s16+$0xFFFFFF10];
	v5 =	vmul.f32 v5, v3;
	[tilespmem:s16+$0xFFFFFF70] =	vst v2;
	v2 =	vmov s10  }
0xf7: {  	v6 =	vmul.f32 v6, v3;
	[tilespmem:s16+$0xFFFFFF00] =	vst v4;
	v2 =	vand.u32 $0xFFFFFFFD, v2  }
0xf8: {  	v4 =	vmul.f32 v7, v3;
	[tilespmem:s16+$0xFFFFFF20] =	vst v5;
	v2 =	vbroadcast v2, $0x0  }
0xf9: {  	v5 =	vmul.f32 v8, v3;
	[tilespmem:s16+$0xFFFFFF50] =	vst v6  }
0xfa: {  	v6 =	vmul.f32 v9, v3;
	[tilespmem:s16+$0xFFFFFF40] =	vst v4  }
0xfb: {  	v3 =	vmul.f32 v10, v3;
	[tilespmem:s16+$0xFFFFFF60] =	vst v5  }
0xfc: {  	v7 =	vld [tilespmem:s16+$0xFFFFFFC0];
	[tilespmem:s16+$0xFFFFFF30] =	vst v6  }
0xfd: {  	[tilespmem:s16+$0xFFFFFF10] =	vst v3;
	v3 =	vld [tilespmem:s16+$0xFFFFFF90]  }
0xfe: {  	v4 =	vld.idx.msk [tilespmem:v2+s18+$0x0], $0xffff  }
0xff: {  	v2 =	vld [tilespmem:s16+$0xFFFFFFA0]  }
0x100: {  	v5 =	vld [tilespmem:s16+$0xFFFFFF80]  }
0x101: {  	v6 =	vld [tilespmem:s16+$0xFFFFFFB0]  }
0x102: {  	v8 =	vld [tilespmem:s16+$0xFFFFFFD0]  }
0x103: {  	v9 =	vld [tilespmem:s16+$0xFFFFFFF0];
	v3 =	vmul.f32 v3, v4  }
0x104: {  	s30 =	simm.s32 $0x2;
	v2 =	vmul.f32 v2, v4  }
0x105: {  	v10 =	vld [tilespmem:s16+$0xFFFFFFE0];
	v5 =	vmul.f32 v5, v4;
	[tilespmem:s16+$0xFFFFFF90] =	vst v3;
	v3 =	vmov s30  }
0x106: {  	v6 =	vmul.f32 v6, v4;
	[tilespmem:s16+$0xFFFFFFA0] =	vst v2;
	v2 =	vand.u32 $0xFFFFFFFE, v3  }
0x107: {  	[tilespmem:s16+$0xFFFFFF80] =	vst v5;
	v5 =	vmul.f32 v8, v4;
	v8 =	vld [tilespmem:s16+$0x0];
	v11 =	vbroadcast v2, $0x0  }
0x108: {  	[tilespmem:s16+$0xFFFFFFB0] =	vst v6;
	v6 =	vmul.f32 v9, v4;
	v3 =	vmul.f32 v7, v4;
	v7 =	vld [tilespmem:s16+$0x60]  }
0x109: {  	v2 =	vld [tilespmem:s16+$0x20];
	[tilespmem:s16+$0xFFFFFFD0] =	vst v5  }
0x10a: {  	v4 =	vmul.f32 v10, v4;
	[tilespmem:s16+$0xFFFFFFF0] =	vst v6;
	v5 =	vld [tilespmem:s16+$0x40]  }
0x10b: {  	v6 =	vld [tilespmem:s16+$0x10];
	[tilespmem:s16+$0xFFFFFFC0] =	vst v3  }
0x10c: {  	v3 =	vld [tilespmem:s16+$0x30];
	[tilespmem:s16+$0xFFFFFFE0] =	vst v4  }
0x10d: {  	s17 =	simm.s32 $0x1D80;
	s10 =	simm.s32 $0x4;
	v4 =	vld.idx.msk [tilespmem:v11+s18+$0x0], $0xffff  }
.LBB2_6:
0x10e: {  	p3 =	slt.u32 s10, $0x4C  }
0x10f: {  	v9 =	vld [tilespmem:s16+$0x50];
	s17 =	sadd.s32 $0x200, s17;
	s28 =	smov.u32 s10;
	s10 =	sadd.s32 $0x4, s10  }
0x110: {  	v10 =	vld [tilespmem:s16+$0x70];
	_ =	sdelay $0x1  }
0x111: {  	v7 =	vmul.f32 v7, v4;
	v8 =	vmul.f32 v8, v4  }
0x112: {  	v5 =	vmul.f32 v5, v4;
	v6 =	vmul.f32 v6, v4  }
0x113: {  	v2 =	vmul.f32 v2, v4;
	v3 =	vmul.f32 v3, v4;
	[tilespmem:s16+$0x60] =	vst v7  }
0x114: {  	[tilespmem:s16+$0x40] =	vst v5;
	v5 =	vmul.f32 v9, v4;
	v4 =	vmul.f32 v10, v4  }
0x115: {  	s30 =	sadd.s32 $0x3, s7;
	s7 =	smov.u32 s28;
	[tilespmem:s16+$0x20] =	vst v2;
	v7 =	vld [tilespmem:s16+$0x80]  }
0x116: {  	v2 =	vld [tilespmem:s17+$0x20];
	[tilespmem:s16+$0x0] =	vst v8;
	v8 =	vmov s30  }
0x117: {  	[tilespmem:s16+$0x50] =	vst v5;
	v5 =	vld [tilespmem:s16+$0xE0]  }
0x118: {  	[tilespmem:s16+$0x30] =	vst v3;
	v9 =	vld [tilespmem:s16+$0xC0]  }
0x119: {  	v3 =	vld [tilespmem:s17+$0x30];
	[tilespmem:s16+$0x10] =	vst v6  }
0x11a: {  	[tilespmem:s16+$0x70] =	vst v4;
	v4 =	vld [tilespmem:s16+$0xA0]  }
0x11b: {  	v6 =	vld.idx.msk [tilespmem:v8+s18+$0x0], $0xffff  }
0x11c: {  	v8 =	vld [tilespmem:s16+$0x90]  }
0x11d: {  	v10 =	vld [tilespmem:s16+$0xB0]  }
0x11e: {  	v11 =	vld [tilespmem:s16+$0xD0]  }
0x11f: {  	v12 =	vld [tilespmem:s16+$0xF0];
	_ =	sdelay $0x1  }
0x120: {  	v7 =	vmul.f32 v7, v6;
	v8 =	vmul.f32 v8, v6  }
0x121: {  	v4 =	vmul.f32 v4, v6;
	v10 =	vmul.f32 v10, v6  }
0x122: {  	v13 =	vmov s7;
	[tilespmem:s16+$0x80] =	vst v7;
	v7 =	vmul.f32 v9, v6;
	v9 =	vmul.f32 v11, v6  }
0x123: {  	v11 =	vand.u32 $0xFFFFFFFC, v13;
	[tilespmem:s16+$0xA0] =	vst v4;
	v4 =	vmul.f32 v5, v6;
	v5 =	vmul.f32 v12, v6  }
0x124: {  	v6 =	vbroadcast v11, $0x0;
	[tilespmem:s16+$0xC0] =	vst v7  }
0x125: {  	[tilespmem:s16+$0xF0] =	vst v5  }
0x126: {  	v5 =	vld [tilespmem:s17+$0xFFFFFF40];
	[tilespmem:s16+$0xE0] =	vst v4  }
0x127: {  	v4 =	vld [tilespmem:s17+$0xFFFFFF50];
	[tilespmem:s16+$0x90] =	vst v8  }
0x128: {  	v7 =	vld [tilespmem:s17+$0xFFFFFF60];
	[tilespmem:s16+$0xB0] =	vst v10  }
0x129: {  	v8 =	vld [tilespmem:s17+$0xFFFFFF70];
	[tilespmem:s16+$0xD0] =	vst v9;
	s16 =	smov.u32 s17  }
0x12a: {  	v6 =	vld.idx.msk [tilespmem:v6+s18+$0x0], $0xffff  }
0x12b: {  	v9 =	vld [tilespmem:s17+$0xFFFFFF00]  }
0x12c: {  	v10 =	vld [tilespmem:s17+$0xFFFFFF20]  }
0x12d: {  	v11 =	vld [tilespmem:s17+$0xFFFFFF10]  }
0x12e: {  	v12 =	vld [tilespmem:s17+$0xFFFFFF30];
	_ =	sdelay $0x1  }
0x12f: {  	v8 =	vmul.f32 v8, v6;
	v9 =	vmul.f32 v9, v6  }
0x130: {  	s28 =	sadd.s32 $0x1, s7;
	v7 =	vmul.f32 v7, v6;
	v10 =	vmul.f32 v10, v6  }
0x131: {  	v4 =	vmul.f32 v4, v6;
	v11 =	vmul.f32 v11, v6;
	[tilespmem:s17+$0xFFFFFF70] =	vst v8;
	v8 =	vmov s28  }
0x132: {  	v5 =	vmul.f32 v5, v6;
	[tilespmem:s17+$0xFFFFFF00] =	vst v9;
	v9 =	vmul.f32 v12, v6;
	v6 =	vand.u32 $0xFFFFFFFD, v8  }
0x133: {  	[tilespmem:s17+$0xFFFFFF20] =	vst v10;
	v6 =	vbroadcast v6, $0x0  }
0x134: {  	[tilespmem:s17+$0xFFFFFF50] =	vst v4  }
0x135: {  	[tilespmem:s17+$0xFFFFFF40] =	vst v5;
	v4 =	vld [tilespmem:s17+$0xFFFFFFF0]  }
0x136: {  	[tilespmem:s17+$0xFFFFFF60] =	vst v7;
	v5 =	vld [tilespmem:s17+$0xFFFFFFC0]  }
0x137: {  	[tilespmem:s17+$0xFFFFFF30] =	vst v9;
	v7 =	vld [tilespmem:s17+$0xFFFFFFD0]  }
0x138: {  	[tilespmem:s17+$0xFFFFFF10] =	vst v11;
	v8 =	vld [tilespmem:s17+$0xFFFFFF90]  }
0x139: {  	v6 =	vld.idx.msk [tilespmem:v6+s18+$0x0], $0xffff  }
0x13a: {  	v9 =	vld [tilespmem:s17+$0xFFFFFF80]  }
0x13b: {  	v10 =	vld [tilespmem:s17+$0xFFFFFFA0]  }
0x13c: {  	v11 =	vld [tilespmem:s17+$0xFFFFFFB0]  }
0x13d: {  	v12 =	vld [tilespmem:s17+$0xFFFFFFE0];
	_ =	sdelay $0x1  }
0x13e: {  	v8 =	vmul.f32 v8, v6;
	v9 =	vmul.f32 v9, v6  }
0x13f: {  	s28 =	sadd.s32 $0x2, s7;
	v7 =	vmul.f32 v7, v6;
	v10 =	vmul.f32 v10, v6  }
0x140: {  	v5 =	vmul.f32 v5, v6;
	[tilespmem:s17+$0xFFFFFF90] =	vst v8;
	v8 =	vmul.f32 v11, v6;
	v11 =	vmov s28  }
0x141: {  	v4 =	vmul.f32 v4, v6;
	[tilespmem:s17+$0xFFFFFFA0] =	vst v10;
	v10 =	vmul.f32 v12, v6;
	v6 =	vand.u32 $0xFFFFFFFE, v11  }
0x142: {  	[tilespmem:s17+$0xFFFFFF80] =	vst v9;
	v6 =	vbroadcast v6, $0x0  }
0x143: {  	[tilespmem:s17+$0xFFFFFFB0] =	vst v8  }
0x144: {  	[tilespmem:s17+$0xFFFFFFC0] =	vst v5  }
0x145: {  	[tilespmem:s17+$0xFFFFFFD0] =	vst v7  }
.Ltmp1:
0x146: {  	[tilespmem:s17+$0xFFFFFFF0] =	vst v4;
	v5 =	vld [tilespmem:s17+$0x40];
	(pc) =	sbr.rel @p3 .LBB2_6-.Ltmp1, $4  }
0x147: {  	[tilespmem:s17+$0xFFFFFFE0] =	vst v10;
	v7 =	vld [tilespmem:s17+$0x60]  }
0x148: {  	v4 =	vld.idx.msk [tilespmem:v6+s18+$0x0], $0xffff  }
0x149: {  	v8 =	vld [tilespmem:s17+$0x0]  }
0x14a: {  	v6 =	vld [tilespmem:s17+$0x10]  }
0x14b: {  	_ =	sdelay $0x1  }
0x14c: {  	v7 =	vmul.f32 v7, v4  }
0x14d: {  	v9 =	vld [tilespmem:s16+$0x50];
	v5 =	vmul.f32 v5, v4  }
0x14e: {  	v10 =	vld [tilespmem:s16+$0x70];
	v2 =	vmul.f32 v2, v4;
	[tilespmem:s16+$0x60] =	vst v7  }
0x14f: {  	v7 =	vmul.f32 v8, v4;
	[tilespmem:s16+$0x40] =	vst v5  }
0x150: {  	s7 =	sadd.s32 $0x3, s7;
	[tilespmem:s16+$0x20] =	vst v2;
	v2 =	vmul.f32 v3, v4  }
0x151: {  	v6 =	vmul.f32 v6, v4;
	[tilespmem:s16+$0x0] =	vst v7;
	v7 =	vmov s7  }
0x152: {  	v5 =	vmul.f32 v9, v4;
	[tilespmem:s16+$0x30] =	vst v2  }
0x153: {  	v4 =	vmul.f32 v10, v4;
	[tilespmem:s16+$0x10] =	vst v6  }
0x154: {  	[tilespmem:s16+$0x50] =	vst v5  }
0x155: {  	v3 =	vld [tilespmem:s16+$0x80];
	[tilespmem:s16+$0x70] =	vst v4  }
0x156: {  	v2 =	vld.idx.msk [tilespmem:v7+s18+$0x0], $0xffff  }
0x157: {  	v4 =	vld [tilespmem:s16+$0xA0]  }
0x158: {  	v5 =	vld [tilespmem:s16+$0xC0]  }
0x159: {  	v6 =	vld [tilespmem:s16+$0xF0]  }
0x15a: {  	v7 =	vld [tilespmem:s16+$0xE0]  }
0x15b: {  	v8 =	vld [tilespmem:s16+$0x90];
	v3 =	vmul.f32 v3, v2  }
0x15c: {  	v9 =	vld [tilespmem:s16+$0xB0];
	v4 =	vmul.f32 v4, v2  }
0x15d: {  	v10 =	vld [tilespmem:s16+$0xD0];
	[tilespmem:s16+$0x80] =	vst v3;
	v3 =	vmul.f32 v5, v2  }
0x15e: {  	[tilespmem:s16+$0xA0] =	vst v4;
	v4 =	vmul.f32 v6, v2  }
0x15f: {  	v5 =	vmul.f32 v7, v2;
	[tilespmem:s16+$0xC0] =	vst v3  }
0x160: {  	v3 =	vmul.f32 v8, v2;
	[tilespmem:s16+$0xF0] =	vst v4  }
0x161: {  	v4 =	vmul.f32 v9, v2;
	[tilespmem:s16+$0xE0] =	vst v5  }
0x162: {  	v2 =	vmul.f32 v10, v2;
	[tilespmem:s16+$0x90] =	vst v3  }
0x163: {  	[tilespmem:s16+$0xB0] =	vst v4  }
0x164: {  	p3 =	seq.s32 s9, $0x0;
	[tilespmem:s16+$0xD0] =	vst v2;
	s16 =	simm.s32 $0x1480  }
0x165: {  	[spmem:s2] =	stream.indirect.scatter.add.f32 [tilespmem:s21], [sflag:$0xD], $0x80, s16, s23, $0xb8;
	[tilespmem:$0x1FC68] =	vst v63  }
0x166: {  	s7 =	simm.s32 @!p3 $0xF  }
0x167: {  	[spmem:s6] =	stream.indirect.scatter.add.f32 [tilespmem:s18], [sflag:$0x11], $0x1, s16, s23, $0xb8;
	[tilespmem:$0x1FC68] =	vst v63  }
0x168: {  	s16 =	sshll.u32 s9, $0x2;
	_ =	swait.ge @!p3 [sflag:s7], $0x2800  }
0x169: {  	s28 =	sor.u32 @!p3 $0x2, s16;
	[sflag:s7] =	ssyncset.done @!p3 $0x0  }
0x16a: {  	s28 =	simm.s32 @p3 $0x2;
	[sflag:s7] =	ssyncadd.s32 @!p3 $0xFFFFD800;
	s7 =	simm.s32 @!p3 $0x13  }
0x16b: {  	s10 =	smul.u32 $0x50, s28;
	_ =	swait.ge @!p3 [sflag:s7], $0x50  }
0x16c: {  	[sflag:s7] =	ssyncset.done @!p3 $0x0  }
0x16d: {  	s8 =	simm.s32 $0x6C80;
	s17 =	sadd.s32 $0x80, s10;
	[sflag:s7] =	ssyncadd.s32 @!p3 $0xFFFFFFB0  }
0x16e: {  	[tilespmem:s8], [sflag:$0x3] =	stream.indirect.gather [hbm4b:s1+s23], $0x80, s17, s23, $0xb8;
	[tilespmem:$0x1FC68] =	vst v63  }
0x16f: {  	s21 =	simm.s32 $0x1980  }
0x170: {  	[tilespmem:s21], [sflag:$0x7] =	stream.indirect.gather [spmem:s3], $0x1, s17, s23, $0xb8;
	[tilespmem:$0x1FC68] =	vst v63  }
0x171: {  	s8 =	simm.s32 $0x6;
	s17 =	sadd.s32 $0x880, s10;
	s21 =	simm.s32 $0x1B80  }
0x172: {  	[tilespmem:s21], [sflag:$0xB] =	stream.indirect.gather [spmem:s5], $0x1, s17, s23, $0xb8;
	[tilespmem:$0x1FC68] =	vst v63  }
0x173: {  	_ =	swait.ge [sflag:s8], $0x50  }
0x174: {  	[sflag:s8] =	ssyncset.done $0x0  }
0x175: {  	s10 =	simm.s32 $0xA;
	[sflag:s8] =	ssyncadd.s32 $0xFFFFFFB0  }
0x176: {  	_ =	swait.ge [sflag:s10], $0x50  }
0x177: {  	[sflag:s10] =	ssyncset.done $0x0  }
0x178: {  	[sflag:s10] =	ssyncadd.s32 $0xFFFFFFB0  }
0x179: {  	v2 =	vld [tilespmem:$0x1900]  }
0x17a: {  	v3 =	vld [tilespmem:$0x1B00];
	_ =	sdelay $0x4  }
0x17b: {  	v2 =	vadd.f32 v3, v2  }
0x17c: {  	v5 =	vld [tilespmem:$0x1B10]  }
0x17d: {  	v3 =	vld [tilespmem:$0x1910];
	v4 =	vmul.f32 $2.000000030e-01, v2;
	_ =	sdelay $0x1  }
0x17e: {  	v2 =	vmax.f32 v2, v4  }
0x17f: {  	v2 =	vsub.f32 v2, v1;
	_ =	sdelay $0x1  }
0x180: {  	v3 =	vadd.f32 v5, v3;
	v2 =	vmul.f32 $1.442695020e+00, v2  }
0x181: {  	v4 =	vld [tilespmem:$0x1920]  }
0x182: {  	v5 =	vld [tilespmem:$0x1B20];
	(erf) = vpow2.f32 v2;
	v2 =	vmul.f32 $2.000000030e-01, v3;
	_ =	sdelay $0x1  }
0x183: {  	v2 =	vmax.f32 v3, v2  }
0x184: {  	v2 =	vsub.f32 v2, v1  }
0x185: {  	v3 =	vld [tilespmem:s31+$0x8D0]  }
0x186: {  	v4 =	vadd.f32 v5, v4;
	v2 =	vmul.f32 $1.442695020e+00, v2  }
0x187: {  	v6 =	vld [tilespmem:$0x1B30]  }
0x188: {  	v5 =	vld [tilespmem:$0x1930];
	(erf) = vpow2.f32 v2;
	v2 =	vmul.f32 $2.000000030e-01, v4;
	_ =	sdelay $0x1  }
0x189: {  	[tilespmem:$0x1500] =	vst v3;
	v3 =	vpop (erf);
	v2 =	vmax.f32 v4, v2  }
0x18a: {  	[tilespmem:$0x1700] =	vst v3;
	v2 =	vsub.f32 v2, v1  }
0x18b: {  	v3 =	vld [tilespmem:s31+$0x8E0]  }
0x18c: {  	v4 =	vadd.f32 v6, v5;
	v2 =	vmul.f32 $1.442695020e+00, v2  }
0x18d: {  	v5 =	vld [tilespmem:$0x1940]  }
0x18e: {  	v6 =	vld [tilespmem:$0x1B40];
	(erf) = vpow2.f32 v2;
	v2 =	vmul.f32 $2.000000030e-01, v4;
	_ =	sdelay $0x1  }
0x18f: {  	[tilespmem:$0x1510] =	vst v3;
	v3 =	vpop (erf);
	v2 =	vmax.f32 v4, v2  }
0x190: {  	[tilespmem:$0x1710] =	vst v3;
	v2 =	vsub.f32 v2, v1  }
0x191: {  	v3 =	vld [tilespmem:s31+$0x8F0]  }
0x192: {  	v4 =	vadd.f32 v6, v5;
	v2 =	vmul.f32 $1.442695020e+00, v2;
	_ =	sdelay $0x1  }
0x193: {  	(erf) = vpow2.f32 v2;
	v2 =	vmul.f32 $2.000000030e-01, v4;
	_ =	sdelay $0x1  }
0x194: {  	[tilespmem:$0x1520] =	vst v3;
	v3 =	vpop (erf);
	v2 =	vmax.f32 v4, v2  }
0x195: {  	[tilespmem:$0x1720] =	vst v3;
	v2 =	vsub.f32 v2, v1  }
0x196: {  	v3 =	vld [tilespmem:s31+$0x900]  }
0x197: {  	v2 =	vmul.f32 $1.442695020e+00, v2;
	_ =	sdelay $0x1  }
0x198: {  	(erf) = vpow2.f32 v2;
	_ =	sdelay $0x1  }
0x199: {  	v2 =	vpop (erf);
	[tilespmem:$0x1530] =	vst v3  }
0x19a: {  	[tilespmem:$0x1730] =	vst v2  }
0x19b: {  	v2 =	vld [tilespmem:s31+$0x910];
	_ =	sdelay $0x1  }
0x19c: {  	s10 =	simm.s32 $0x0  }
0x19d: {  	v3 =	vmov s10  }
0x19e: {  	v3 =	vand.u32 $0xFFFFFFFC, v3  }
0x19f: {  	v3 =	vbroadcast v3, $0x0;
	[tilespmem:$0x1540] =	vst v2;
	v2 =	vpop (erf)  }
0x1a0: {  	s17 =	simm.s32 $0x2;
	[tilespmem:$0x1740] =	vst v2  }
0x1a1: {  	_ =	swait.ge [sflag:s17], $0x2800  }
0x1a2: {  	[sflag:s17] =	ssyncset.done $0x0  }
0x1a3: {  	s7 =	simm.s32 $0x4670;
	[sflag:s17] =	ssyncadd.s32 $0xFFFFD800  }
0x1a4: {  	v2 =	vld [tilespmem:s7+$0xFFFFFE80]  }
0x1a5: {  	v3 =	vld.idx.msk [tilespmem:v3+s13+$0x0], $0xffff  }
0x1a6: {  	v4 =	vld [tilespmem:s7+$0xFFFFFE10]  }
0x1a7: {  	v5 =	vld [tilespmem:s7+$0xFFFFFE30]  }
0x1a8: {  	v6 =	vld [tilespmem:s7+$0xFFFFFE60]  }
0x1a9: {  	v7 =	vld [tilespmem:s7+$0xFFFFFE50]  }
0x1aa: {  	v8 =	vld [tilespmem:s7+$0xFFFFFE70];
	v2 =	vmul.f32 v2, v3  }
0x1ab: {  	s17 =	simm.s32 $0x1;
	v9 =	vld [tilespmem:s7+$0xFFFFFE40];
	v4 =	vmul.f32 v4, v3  }
0x1ac: {  	v10 =	vld [tilespmem:s7+$0xFFFFFE20];
	v5 =	vmul.f32 v5, v3;
	[tilespmem:s7+$0xFFFFFE80] =	vst v2;
	v2 =	vmov s17  }
0x1ad: {  	v6 =	vmul.f32 v6, v3;
	[tilespmem:s7+$0xFFFFFE10] =	vst v4;
	v2 =	vand.u32 $0xFFFFFFFD, v2  }
0x1ae: {  	v4 =	vmul.f32 v7, v3;
	[tilespmem:s7+$0xFFFFFE30] =	vst v5;
	v2 =	vbroadcast v2, $0x0  }
0x1af: {  	v5 =	vmul.f32 v8, v3;
	[tilespmem:s7+$0xFFFFFE60] =	vst v6  }
0x1b0: {  	v6 =	vmul.f32 v9, v3;
	[tilespmem:s7+$0xFFFFFE50] =	vst v4  }
0x1b1: {  	v3 =	vmul.f32 v10, v3;
	[tilespmem:s7+$0xFFFFFE70] =	vst v5  }
0x1b2: {  	v7 =	vld [tilespmem:s7+$0xFFFFFED0];
	[tilespmem:s7+$0xFFFFFE40] =	vst v6  }
0x1b3: {  	[tilespmem:s7+$0xFFFFFE20] =	vst v3;
	v3 =	vld [tilespmem:s7+$0xFFFFFEA0]  }
0x1b4: {  	v4 =	vld.idx.msk [tilespmem:v2+s13+$0x0], $0xffff  }
0x1b5: {  	v2 =	vld [tilespmem:s7+$0xFFFFFEB0]  }
0x1b6: {  	v5 =	vld [tilespmem:s7+$0xFFFFFE90]  }
0x1b7: {  	v6 =	vld [tilespmem:s7+$0xFFFFFEC0]  }
0x1b8: {  	v8 =	vld [tilespmem:s7+$0xFFFFFEE0]  }
0x1b9: {  	v9 =	vld [tilespmem:s7+$0xFFFFFF00];
	v3 =	vmul.f32 v3, v4  }
0x1ba: {  	s21 =	simm.s32 $0x2;
	v2 =	vmul.f32 v2, v4  }
0x1bb: {  	v10 =	vld [tilespmem:s7+$0xFFFFFEF0];
	v5 =	vmul.f32 v5, v4;
	[tilespmem:s7+$0xFFFFFEA0] =	vst v3;
	v3 =	vmov s21  }
0x1bc: {  	v6 =	vmul.f32 v6, v4;
	[tilespmem:s7+$0xFFFFFEB0] =	vst v2;
	v2 =	vand.u32 $0xFFFFFFFE, v3  }
0x1bd: {  	[tilespmem:s7+$0xFFFFFE90] =	vst v5;
	v5 =	vmul.f32 v8, v4;
	v8 =	vld [tilespmem:s7+$0xFFFFFF10];
	v11 =	vbroadcast v2, $0x0  }
0x1be: {  	[tilespmem:s7+$0xFFFFFEC0] =	vst v6;
	v6 =	vmul.f32 v9, v4;
	v3 =	vmul.f32 v7, v4;
	v7 =	vld [tilespmem:s7+$0xFFFFFF70]  }
0x1bf: {  	v2 =	vld [tilespmem:s7+$0xFFFFFF30];
	[tilespmem:s7+$0xFFFFFEE0] =	vst v5  }
0x1c0: {  	v4 =	vmul.f32 v10, v4;
	[tilespmem:s7+$0xFFFFFF00] =	vst v6;
	v5 =	vld [tilespmem:s7+$0xFFFFFF50]  }
0x1c1: {  	v6 =	vld [tilespmem:s7+$0xFFFFFF20];
	[tilespmem:s7+$0xFFFFFED0] =	vst v3  }
0x1c2: {  	v3 =	vld [tilespmem:s7+$0xFFFFFF40];
	[tilespmem:s7+$0xFFFFFEF0] =	vst v4  }
0x1c3: {  	s4 =	simm.s32 $0x1C80;
	s30 =	simm.s32 $0x4670;
	s17 =	simm.s32 $0x4;
	v4 =	vld.idx.msk [tilespmem:v11+s13+$0x0], $0xffff  }
.LBB2_8:
0x1c4: {  	p4 =	slt.u32 s17, $0x4C  }
0x1c5: {  	v9 =	vld [tilespmem:s7+$0xFFFFFF60];
	s30 =	sadd.s32 $0x200, s30;
	s8 =	smov.u32 s17;
	s17 =	sadd.s32 $0x4, s17  }
0x1c6: {  	v10 =	vld [tilespmem:s7+$0xFFFFFF80];
	_ =	sdelay $0x1  }
0x1c7: {  	v7 =	vmul.f32 v7, v4;
	v8 =	vmul.f32 v8, v4  }
0x1c8: {  	v5 =	vmul.f32 v5, v4;
	v6 =	vmul.f32 v6, v4  }
0x1c9: {  	v2 =	vmul.f32 v2, v4;
	v3 =	vmul.f32 v3, v4;
	[tilespmem:s7+$0xFFFFFF70] =	vst v7  }
0x1ca: {  	[tilespmem:s7+$0xFFFFFF50] =	vst v5;
	v5 =	vmul.f32 v9, v4;
	v4 =	vmul.f32 v10, v4  }
0x1cb: {  	s21 =	sadd.s32 $0x3, s10;
	s10 =	smov.u32 s8;
	[tilespmem:s7+$0xFFFFFF30] =	vst v2;
	v7 =	vld [tilespmem:s7+$0xFFFFFFF0]  }
0x1cc: {  	v2 =	vld [tilespmem:s30+$0xFFFFFF30];
	[tilespmem:s7+$0xFFFFFF10] =	vst v8;
	v8 =	vmov s21  }
0x1cd: {  	[tilespmem:s7+$0xFFFFFF60] =	vst v5;
	v5 =	vld [tilespmem:s7+$0xFFFFFF90]  }
0x1ce: {  	[tilespmem:s7+$0xFFFFFF40] =	vst v3;
	v9 =	vld [tilespmem:s7+$0xFFFFFFD0]  }
0x1cf: {  	v3 =	vld [tilespmem:s30+$0xFFFFFF40];
	[tilespmem:s7+$0xFFFFFF20] =	vst v6  }
0x1d0: {  	[tilespmem:s7+$0xFFFFFF80] =	vst v4;
	v4 =	vld [tilespmem:s7+$0xFFFFFFB0]  }
0x1d1: {  	v6 =	vld.idx.msk [tilespmem:v8+s13+$0x0], $0xffff  }
0x1d2: {  	v8 =	vld [tilespmem:s7+$0xFFFFFFA0]  }
0x1d3: {  	v10 =	vld [tilespmem:s7+$0xFFFFFFC0]  }
0x1d4: {  	v11 =	vld [tilespmem:s7+$0xFFFFFFE0]  }
0x1d5: {  	v12 =	vld [tilespmem:s7+$0x0];
	_ =	sdelay $0x1  }
0x1d6: {  	v5 =	vmul.f32 v5, v6;
	v8 =	vmul.f32 v8, v6  }
0x1d7: {  	v4 =	vmul.f32 v4, v6;
	v10 =	vmul.f32 v10, v6  }
0x1d8: {  	v13 =	vmov s10;
	[tilespmem:s7+$0xFFFFFF90] =	vst v5;
	v5 =	vmul.f32 v9, v6;
	v9 =	vmul.f32 v11, v6  }
0x1d9: {  	v11 =	vand.u32 $0xFFFFFFFC, v13;
	[tilespmem:s7+$0xFFFFFFB0] =	vst v4;
	v4 =	vmul.f32 v7, v6;
	v6 =	vmul.f32 v12, v6  }
0x1da: {  	v7 =	vbroadcast v11, $0x0;
	[tilespmem:s7+$0xFFFFFFD0] =	vst v5  }
0x1db: {  	[tilespmem:s7+$0x0] =	vst v6  }
0x1dc: {  	v5 =	vld [tilespmem:s30+$0xFFFFFE50];
	[tilespmem:s7+$0xFFFFFFF0] =	vst v4  }
0x1dd: {  	v4 =	vld [tilespmem:s30+$0xFFFFFE60];
	[tilespmem:s7+$0xFFFFFFA0] =	vst v8  }
0x1de: {  	v6 =	vld [tilespmem:s30+$0xFFFFFE70];
	[tilespmem:s7+$0xFFFFFFC0] =	vst v10  }
0x1df: {  	v8 =	vld [tilespmem:s30+$0xFFFFFE80];
	[tilespmem:s7+$0xFFFFFFE0] =	vst v9;
	s7 =	smov.u32 s30  }
0x1e0: {  	v7 =	vld.idx.msk [tilespmem:v7+s13+$0x0], $0xffff  }
0x1e1: {  	v9 =	vld [tilespmem:s30+$0xFFFFFE10]  }
0x1e2: {  	v10 =	vld [tilespmem:s30+$0xFFFFFE30]  }
0x1e3: {  	v11 =	vld [tilespmem:s30+$0xFFFFFE20]  }
0x1e4: {  	v12 =	vld [tilespmem:s30+$0xFFFFFE40];
	_ =	sdelay $0x1  }
0x1e5: {  	v8 =	vmul.f32 v8, v7;
	v9 =	vmul.f32 v9, v7  }
0x1e6: {  	s8 =	sadd.s32 $0x1, s10;
	v6 =	vmul.f32 v6, v7;
	v10 =	vmul.f32 v10, v7  }
0x1e7: {  	v4 =	vmul.f32 v4, v7;
	v11 =	vmul.f32 v11, v7;
	[tilespmem:s30+$0xFFFFFE80] =	vst v8;
	v8 =	vmov s8  }
0x1e8: {  	v5 =	vmul.f32 v5, v7;
	[tilespmem:s30+$0xFFFFFE10] =	vst v9;
	v9 =	vmul.f32 v12, v7;
	v7 =	vand.u32 $0xFFFFFFFD, v8  }
0x1e9: {  	[tilespmem:s30+$0xFFFFFE30] =	vst v10;
	v7 =	vbroadcast v7, $0x0  }
0x1ea: {  	[tilespmem:s30+$0xFFFFFE60] =	vst v4  }
0x1eb: {  	[tilespmem:s30+$0xFFFFFE50] =	vst v5;
	v4 =	vld [tilespmem:s30+$0xFFFFFF00]  }
0x1ec: {  	[tilespmem:s30+$0xFFFFFE70] =	vst v6;
	v5 =	vld [tilespmem:s30+$0xFFFFFED0]  }
0x1ed: {  	[tilespmem:s30+$0xFFFFFE40] =	vst v9;
	v6 =	vld [tilespmem:s30+$0xFFFFFEE0]  }
0x1ee: {  	[tilespmem:s30+$0xFFFFFE20] =	vst v11;
	v8 =	vld [tilespmem:s30+$0xFFFFFEA0]  }
0x1ef: {  	v7 =	vld.idx.msk [tilespmem:v7+s13+$0x0], $0xffff  }
0x1f0: {  	v9 =	vld [tilespmem:s30+$0xFFFFFE90]  }
0x1f1: {  	v10 =	vld [tilespmem:s30+$0xFFFFFEB0]  }
0x1f2: {  	v11 =	vld [tilespmem:s30+$0xFFFFFEC0]  }
0x1f3: {  	v12 =	vld [tilespmem:s30+$0xFFFFFEF0];
	_ =	sdelay $0x1  }
0x1f4: {  	v8 =	vmul.f32 v8, v7;
	v9 =	vmul.f32 v9, v7  }
0x1f5: {  	s8 =	sadd.s32 $0x2, s10;
	v6 =	vmul.f32 v6, v7;
	v10 =	vmul.f32 v10, v7  }
0x1f6: {  	v5 =	vmul.f32 v5, v7;
	[tilespmem:s30+$0xFFFFFEA0] =	vst v8;
	v8 =	vmul.f32 v11, v7;
	v11 =	vmov s8  }
0x1f7: {  	v4 =	vmul.f32 v4, v7;
	[tilespmem:s30+$0xFFFFFEB0] =	vst v10;
	v10 =	vmul.f32 v12, v7;
	v7 =	vand.u32 $0xFFFFFFFE, v11  }
0x1f8: {  	[tilespmem:s30+$0xFFFFFE90] =	vst v9;
	v9 =	vbroadcast v7, $0x0  }
0x1f9: {  	[tilespmem:s30+$0xFFFFFEC0] =	vst v8  }
0x1fa: {  	[tilespmem:s30+$0xFFFFFED0] =	vst v5  }
0x1fb: {  	[tilespmem:s30+$0xFFFFFEE0] =	vst v6  }
.Ltmp2:
0x1fc: {  	[tilespmem:s30+$0xFFFFFF00] =	vst v4;
	v5 =	vld [tilespmem:s30+$0xFFFFFF50];
	(pc) =	sbr.rel @p4 .LBB2_8-.Ltmp2, $4  }
0x1fd: {  	[tilespmem:s30+$0xFFFFFEF0] =	vst v10;
	v7 =	vld [tilespmem:s30+$0xFFFFFF70]  }
0x1fe: {  	v4 =	vld.idx.msk [tilespmem:v9+s13+$0x0], $0xffff  }
0x1ff: {  	v8 =	vld [tilespmem:s30+$0xFFFFFF10]  }
0x200: {  	v6 =	vld [tilespmem:s30+$0xFFFFFF20]  }
0x201: {  	_ =	sdelay $0x1  }
0x202: {  	v7 =	vmul.f32 v7, v4  }
0x203: {  	v9 =	vld [tilespmem:s7+$0xFFFFFF60];
	v5 =	vmul.f32 v5, v4  }
0x204: {  	v10 =	vld [tilespmem:s7+$0xFFFFFF80];
	v2 =	vmul.f32 v2, v4;
	[tilespmem:s7+$0xFFFFFF70] =	vst v7  }
0x205: {  	v7 =	vmul.f32 v8, v4;
	[tilespmem:s7+$0xFFFFFF50] =	vst v5  }
0x206: {  	s8 =	sadd.s32 $0x3, s10;
	[tilespmem:s7+$0xFFFFFF30] =	vst v2;
	v2 =	vmul.f32 v3, v4  }
0x207: {  	v3 =	vmov s8;
	v6 =	vmul.f32 v6, v4;
	[tilespmem:s7+$0xFFFFFF10] =	vst v7  }
0x208: {  	v5 =	vmul.f32 v9, v4;
	[tilespmem:s7+$0xFFFFFF40] =	vst v2  }
0x209: {  	v4 =	vmul.f32 v10, v4;
	[tilespmem:s7+$0xFFFFFF20] =	vst v6  }
0x20a: {  	[tilespmem:s7+$0xFFFFFF60] =	vst v5  }
0x20b: {  	v2 =	vld [tilespmem:s7+$0xFFFFFF90];
	[tilespmem:s7+$0xFFFFFF80] =	vst v4  }
0x20c: {  	v3 =	vld.idx.msk [tilespmem:v3+s13+$0x0], $0xffff  }
0x20d: {  	v4 =	vld [tilespmem:s7+$0xFFFFFFB0]  }
0x20e: {  	v5 =	vld [tilespmem:s7+$0xFFFFFFD0]  }
0x20f: {  	v6 =	vld [tilespmem:s7+$0x0]  }
0x210: {  	v7 =	vld [tilespmem:s7+$0xFFFFFFF0]  }
0x211: {  	v8 =	vld [tilespmem:s7+$0xFFFFFFA0];
	v2 =	vmul.f32 v2, v3  }
0x212: {  	v9 =	vld [tilespmem:s7+$0xFFFFFFC0];
	v4 =	vmul.f32 v4, v3  }
0x213: {  	v10 =	vld [tilespmem:s7+$0xFFFFFFE0];
	[tilespmem:s7+$0xFFFFFF90] =	vst v2;
	v2 =	vmul.f32 v5, v3  }
0x214: {  	[tilespmem:s7+$0xFFFFFFB0] =	vst v4;
	v4 =	vmul.f32 v6, v3  }
0x215: {  	v5 =	vmul.f32 v7, v3;
	[tilespmem:s7+$0xFFFFFFD0] =	vst v2  }
0x216: {  	v2 =	vmul.f32 v8, v3;
	[tilespmem:s7+$0x0] =	vst v4  }
0x217: {  	v4 =	vmul.f32 v9, v3;
	[tilespmem:s7+$0xFFFFFFF0] =	vst v5  }
0x218: {  	v3 =	vmul.f32 v10, v3;
	[tilespmem:s7+$0xFFFFFFA0] =	vst v2  }
0x219: {  	[tilespmem:s7+$0xFFFFFFC0] =	vst v4  }
0x21a: {  	s10 =	simm.s32 $0x1500;
	s8 =	simm.s32 $0x4480;
	[tilespmem:s7+$0xFFFFFFE0] =	vst v3  }
0x21b: {  	[spmem:s2] =	stream.indirect.scatter.add.f32 [tilespmem:s8], [sflag:$0xE], $0x80, s10, s23, $0xb8;
	[tilespmem:$0x1FC68] =	vst v63  }
0x21c: {  	s7 =	simm.s32 @!p3 $0x10  }
0x21d: {  	[spmem:s6] =	stream.indirect.scatter.add.f32 [tilespmem:s13], [sflag:$0x12], $0x1, s10, s23, $0xb8;
	[tilespmem:$0x1FC68] =	vst v63  }
0x21e: {  	_ =	swait.ge @!p3 [sflag:s7], $0x2800  }
0x21f: {  	s16 =	sor.u32 @!p3 $0x3, s16;
	[sflag:s7] =	ssyncset.done @!p3 $0x0  }
0x220: {  	s16 =	simm.s32 @p3 $0x3;
	[sflag:s7] =	ssyncadd.s32 @!p3 $0xFFFFD800;
	s7 =	simm.s32 @!p3 $0x14  }
0x221: {  	s8 =	smul.u32 $0x50, s16;
	_ =	swait.ge @!p3 [sflag:s7], $0x50  }
0x222: {  	[sflag:s7] =	ssyncset.done @!p3 $0x0  }
0x223: {  	s21 =	simm.s32 $0x9480;
	s17 =	sadd.s32 $0x80, s8;
	[sflag:s7] =	ssyncadd.s32 @!p3 $0xFFFFFFB0  }
0x224: {  	[tilespmem:s21], [sflag:$0x4] =	stream.indirect.gather [hbm4b:s1+s23], $0x80, s17, s23, $0xb8;
	[tilespmem:$0x1FC68] =	vst v63  }
0x225: {  	s30 =	simm.s32 $0x1A00  }
0x226: {  	[tilespmem:s30], [sflag:$0x8] =	stream.indirect.gather [spmem:s3], $0x1, s17, s23, $0xb8;
	[tilespmem:$0x1FC68] =	vst v63  }
0x227: {  	s21 =	simm.s32 $0x1C00;
	s17 =	sadd.s32 $0x880, s8;
	s30 =	simm.s32 $0x7  }
0x228: {  	[tilespmem:s21], [sflag:$0xC] =	stream.indirect.gather [spmem:s5], $0x1, s17, s23, $0xb8;
	[tilespmem:$0x1FC68] =	vst v63  }
0x229: {  	_ =	swait.ge [sflag:s30], $0x50  }
0x22a: {  	[sflag:s30] =	ssyncset.done $0x0  }
0x22b: {  	s8 =	simm.s32 $0xB;
	[sflag:s30] =	ssyncadd.s32 $0xFFFFFFB0  }
0x22c: {  	_ =	swait.ge [sflag:s8], $0x50  }
0x22d: {  	[sflag:s8] =	ssyncset.done $0x0  }
0x22e: {  	[sflag:s8] =	ssyncadd.s32 $0xFFFFFFB0  }
0x22f: {  	v2 =	vld [tilespmem:$0x1980]  }
0x230: {  	v3 =	vld [tilespmem:$0x1B80];
	_ =	sdelay $0x4  }
0x231: {  	v2 =	vadd.f32 v3, v2  }
0x232: {  	v5 =	vld [tilespmem:$0x1B90]  }
0x233: {  	v3 =	vld [tilespmem:$0x1990];
	v4 =	vmul.f32 $2.000000030e-01, v2;
	_ =	sdelay $0x1  }
0x234: {  	v2 =	vmax.f32 v2, v4  }
0x235: {  	v2 =	vsub.f32 v2, v1;
	_ =	sdelay $0x1  }
0x236: {  	v3 =	vadd.f32 v5, v3;
	v2 =	vmul.f32 $1.442695020e+00, v2  }
0x237: {  	v4 =	vld [tilespmem:$0x19A0]  }
0x238: {  	v5 =	vld [tilespmem:$0x1BA0];
	(erf) = vpow2.f32 v2;
	v2 =	vmul.f32 $2.000000030e-01, v3  }
0x239: {  	s10 =	smul.u32 $0x140, s28  }
0x23a: {  	v2 =	vmax.f32 v3, v2  }
0x23b: {  	s7 =	sshra.s32 s10, $0x2;
	v2 =	vsub.f32 v2, v1  }
0x23c: {  	v3 =	vld [tilespmem:s7+$0x880]  }
0x23d: {  	v4 =	vadd.f32 v5, v4;
	v2 =	vmul.f32 $1.442695020e+00, v2  }
0x23e: {  	v6 =	vld [tilespmem:$0x1BB0]  }
0x23f: {  	v5 =	vld [tilespmem:$0x19B0];
	(erf) = vpow2.f32 v2;
	v2 =	vmul.f32 $2.000000030e-01, v4;
	_ =	sdelay $0x1  }
0x240: {  	[tilespmem:$0x1580] =	vst v3;
	v3 =	vpop (erf);
	v2 =	vmax.f32 v4, v2  }
0x241: {  	[tilespmem:$0x1780] =	vst v3;
	v2 =	vsub.f32 v2, v1  }
0x242: {  	v3 =	vld [tilespmem:s7+$0x890]  }
0x243: {  	v4 =	vadd.f32 v6, v5;
	v2 =	vmul.f32 $1.442695020e+00, v2  }
0x244: {  	v5 =	vld [tilespmem:$0x19C0]  }
0x245: {  	v6 =	vld [tilespmem:$0x1BC0];
	(erf) = vpow2.f32 v2;
	v2 =	vmul.f32 $2.000000030e-01, v4;
	_ =	sdelay $0x1  }
0x246: {  	[tilespmem:$0x1590] =	vst v3;
	v3 =	vpop (erf);
	v2 =	vmax.f32 v4, v2  }
0x247: {  	[tilespmem:$0x1790] =	vst v3;
	v2 =	vsub.f32 v2, v1  }
0x248: {  	v3 =	vld [tilespmem:s7+$0x8A0]  }
0x249: {  	v4 =	vadd.f32 v6, v5;
	v2 =	vmul.f32 $1.442695020e+00, v2;
	_ =	sdelay $0x1  }
0x24a: {  	(erf) = vpow2.f32 v2;
	v2 =	vmul.f32 $2.000000030e-01, v4;
	_ =	sdelay $0x1  }
0x24b: {  	[tilespmem:$0x15A0] =	vst v3;
	v3 =	vpop (erf);
	v2 =	vmax.f32 v4, v2  }
0x24c: {  	[tilespmem:$0x17A0] =	vst v3;
	v2 =	vsub.f32 v2, v1  }
0x24d: {  	v3 =	vld [tilespmem:s7+$0x8B0]  }
0x24e: {  	v2 =	vmul.f32 $1.442695020e+00, v2;
	_ =	sdelay $0x1  }
0x24f: {  	(erf) = vpow2.f32 v2;
	_ =	sdelay $0x1  }
0x250: {  	v2 =	vpop (erf);
	[tilespmem:$0x15B0] =	vst v3  }
0x251: {  	[tilespmem:$0x17B0] =	vst v2  }
0x252: {  	v2 =	vld [tilespmem:s7+$0x8C0];
	_ =	sdelay $0x1  }
0x253: {  	s10 =	simm.s32 $0x0  }
0x254: {  	v3 =	vmov s10  }
0x255: {  	v3 =	vand.u32 $0xFFFFFFFC, v3  }
0x256: {  	v3 =	vbroadcast v3, $0x0;
	[tilespmem:$0x15C0] =	vst v2;
	v2 =	vpop (erf)  }
0x257: {  	s17 =	simm.s32 $0x3;
	[tilespmem:$0x17C0] =	vst v2  }
0x258: {  	_ =	swait.ge [sflag:s17], $0x2800  }
0x259: {  	[sflag:s17] =	ssyncset.done $0x0  }
0x25a: {  	s7 =	simm.s32 $0x6E70;
	[sflag:s17] =	ssyncadd.s32 $0xFFFFD800  }
0x25b: {  	v2 =	vld [tilespmem:s7+$0xFFFFFE80]  }
0x25c: {  	v3 =	vld.idx.msk [tilespmem:v3+s29+$0x0], $0xffff  }
0x25d: {  	v4 =	vld [tilespmem:s7+$0xFFFFFE10]  }
0x25e: {  	v5 =	vld [tilespmem:s7+$0xFFFFFE30]  }
0x25f: {  	v6 =	vld [tilespmem:s7+$0xFFFFFE60]  }
0x260: {  	v7 =	vld [tilespmem:s7+$0xFFFFFE50]  }
0x261: {  	v8 =	vld [tilespmem:s7+$0xFFFFFE70];
	v2 =	vmul.f32 v2, v3  }
0x262: {  	s21 =	simm.s32 $0x1;
	v9 =	vld [tilespmem:s7+$0xFFFFFE40];
	v4 =	vmul.f32 v4, v3  }
0x263: {  	v10 =	vld [tilespmem:s7+$0xFFFFFE20];
	v5 =	vmul.f32 v5, v3;
	[tilespmem:s7+$0xFFFFFE80] =	vst v2;
	v2 =	vmov s21  }
0x264: {  	v6 =	vmul.f32 v6, v3;
	[tilespmem:s7+$0xFFFFFE10] =	vst v4;
	v2 =	vand.u32 $0xFFFFFFFD, v2  }
0x265: {  	v4 =	vmul.f32 v7, v3;
	[tilespmem:s7+$0xFFFFFE30] =	vst v5;
	v2 =	vbroadcast v2, $0x0  }
0x266: {  	v5 =	vmul.f32 v8, v3;
	[tilespmem:s7+$0xFFFFFE60] =	vst v6  }
0x267: {  	v6 =	vmul.f32 v9, v3;
	[tilespmem:s7+$0xFFFFFE50] =	vst v4  }
0x268: {  	v3 =	vmul.f32 v10, v3;
	[tilespmem:s7+$0xFFFFFE70] =	vst v5  }
0x269: {  	v7 =	vld [tilespmem:s7+$0xFFFFFED0];
	[tilespmem:s7+$0xFFFFFE40] =	vst v6  }
0x26a: {  	[tilespmem:s7+$0xFFFFFE20] =	vst v3;
	v3 =	vld [tilespmem:s7+$0xFFFFFEA0]  }
0x26b: {  	v4 =	vld.idx.msk [tilespmem:v2+s29+$0x0], $0xffff  }
0x26c: {  	v2 =	vld [tilespmem:s7+$0xFFFFFEB0]  }
0x26d: {  	v5 =	vld [tilespmem:s7+$0xFFFFFE90]  }
0x26e: {  	v6 =	vld [tilespmem:s7+$0xFFFFFEC0]  }
0x26f: {  	v8 =	vld [tilespmem:s7+$0xFFFFFEE0]  }
0x270: {  	v9 =	vld [tilespmem:s7+$0xFFFFFF00];
	v3 =	vmul.f32 v3, v4  }
0x271: {  	s30 =	simm.s32 $0x2;
	v2 =	vmul.f32 v2, v4  }
0x272: {  	v10 =	vld [tilespmem:s7+$0xFFFFFEF0];
	v5 =	vmul.f32 v5, v4;
	[tilespmem:s7+$0xFFFFFEA0] =	vst v3;
	v3 =	vmov s30  }
0x273: {  	v6 =	vmul.f32 v6, v4;
	[tilespmem:s7+$0xFFFFFEB0] =	vst v2;
	v2 =	vand.u32 $0xFFFFFFFE, v3  }
0x274: {  	[tilespmem:s7+$0xFFFFFE90] =	vst v5;
	v5 =	vmul.f32 v8, v4;
	v8 =	vld [tilespmem:s7+$0xFFFFFF10];
	v11 =	vbroadcast v2, $0x0  }
0x275: {  	[tilespmem:s7+$0xFFFFFEC0] =	vst v6;
	v6 =	vmul.f32 v9, v4;
	v3 =	vmul.f32 v7, v4;
	v7 =	vld [tilespmem:s7+$0xFFFFFF70]  }
0x276: {  	v2 =	vld [tilespmem:s7+$0xFFFFFF30];
	[tilespmem:s7+$0xFFFFFEE0] =	vst v5  }
0x277: {  	v4 =	vmul.f32 v10, v4;
	[tilespmem:s7+$0xFFFFFF00] =	vst v6;
	v5 =	vld [tilespmem:s7+$0xFFFFFF50]  }
0x278: {  	v6 =	vld [tilespmem:s7+$0xFFFFFF20];
	[tilespmem:s7+$0xFFFFFED0] =	vst v3  }
0x279: {  	v3 =	vld [tilespmem:s7+$0xFFFFFF40];
	[tilespmem:s7+$0xFFFFFEF0] =	vst v4  }
0x27a: {  	s28 =	simm.s32 $0x6E70;
	s17 =	simm.s32 $0x4;
	v4 =	vld.idx.msk [tilespmem:v11+s29+$0x0], $0xffff  }
.LBB2_10:
0x27b: {  	p3 =	slt.u32 s17, $0x4C  }
0x27c: {  	v9 =	vld [tilespmem:s7+$0xFFFFFF60];
	s28 =	sadd.s32 $0x200, s28;
	s8 =	smov.u32 s17;
	s17 =	sadd.s32 $0x4, s17  }
0x27d: {  	v10 =	vld [tilespmem:s7+$0xFFFFFF80];
	_ =	sdelay $0x1  }
0x27e: {  	v7 =	vmul.f32 v7, v4;
	v8 =	vmul.f32 v8, v4  }
0x27f: {  	v5 =	vmul.f32 v5, v4;
	v6 =	vmul.f32 v6, v4  }
0x280: {  	v2 =	vmul.f32 v2, v4;
	v3 =	vmul.f32 v3, v4;
	[tilespmem:s7+$0xFFFFFF70] =	vst v7  }
0x281: {  	[tilespmem:s7+$0xFFFFFF50] =	vst v5;
	v5 =	vmul.f32 v9, v4;
	v4 =	vmul.f32 v10, v4  }
0x282: {  	s21 =	sadd.s32 $0x3, s10;
	s10 =	smov.u32 s8;
	[tilespmem:s7+$0xFFFFFF30] =	vst v2;
	v7 =	vld [tilespmem:s7+$0xFFFFFFF0]  }
0x283: {  	v2 =	vld [tilespmem:s28+$0xFFFFFF30];
	[tilespmem:s7+$0xFFFFFF10] =	vst v8;
	v8 =	vmov s21  }
0x284: {  	[tilespmem:s7+$0xFFFFFF60] =	vst v5;
	v5 =	vld [tilespmem:s7+$0xFFFFFF90]  }
0x285: {  	[tilespmem:s7+$0xFFFFFF40] =	vst v3;
	v9 =	vld [tilespmem:s7+$0xFFFFFFD0]  }
0x286: {  	v3 =	vld [tilespmem:s28+$0xFFFFFF40];
	[tilespmem:s7+$0xFFFFFF20] =	vst v6  }
0x287: {  	[tilespmem:s7+$0xFFFFFF80] =	vst v4;
	v4 =	vld [tilespmem:s7+$0xFFFFFFB0]  }
0x288: {  	v6 =	vld.idx.msk [tilespmem:v8+s29+$0x0], $0xffff  }
0x289: {  	v8 =	vld [tilespmem:s7+$0xFFFFFFA0]  }
0x28a: {  	v10 =	vld [tilespmem:s7+$0xFFFFFFC0]  }
0x28b: {  	v11 =	vld [tilespmem:s7+$0xFFFFFFE0]  }
0x28c: {  	v12 =	vld [tilespmem:s7+$0x0];
	_ =	sdelay $0x1  }
0x28d: {  	v5 =	vmul.f32 v5, v6;
	v8 =	vmul.f32 v8, v6  }
0x28e: {  	v4 =	vmul.f32 v4, v6;
	v10 =	vmul.f32 v10, v6  }
0x28f: {  	v13 =	vmov s10;
	[tilespmem:s7+$0xFFFFFF90] =	vst v5;
	v5 =	vmul.f32 v9, v6;
	v9 =	vmul.f32 v11, v6  }
0x290: {  	v11 =	vand.u32 $0xFFFFFFFC, v13;
	[tilespmem:s7+$0xFFFFFFB0] =	vst v4;
	v4 =	vmul.f32 v7, v6;
	v6 =	vmul.f32 v12, v6  }
0x291: {  	v7 =	vbroadcast v11, $0x0;
	[tilespmem:s7+$0xFFFFFFD0] =	vst v5  }
0x292: {  	[tilespmem:s7+$0x0] =	vst v6  }
0x293: {  	v5 =	vld [tilespmem:s28+$0xFFFFFE50];
	[tilespmem:s7+$0xFFFFFFF0] =	vst v4  }
0x294: {  	v4 =	vld [tilespmem:s28+$0xFFFFFE60];
	[tilespmem:s7+$0xFFFFFFA0] =	vst v8  }
0x295: {  	v6 =	vld [tilespmem:s28+$0xFFFFFE70];
	[tilespmem:s7+$0xFFFFFFC0] =	vst v10  }
0x296: {  	v8 =	vld [tilespmem:s28+$0xFFFFFE80];
	[tilespmem:s7+$0xFFFFFFE0] =	vst v9;
	s7 =	smov.u32 s28  }
0x297: {  	v7 =	vld.idx.msk [tilespmem:v7+s29+$0x0], $0xffff  }
0x298: {  	v9 =	vld [tilespmem:s28+$0xFFFFFE10]  }
0x299: {  	v10 =	vld [tilespmem:s28+$0xFFFFFE30]  }
0x29a: {  	v11 =	vld [tilespmem:s28+$0xFFFFFE20]  }
0x29b: {  	v12 =	vld [tilespmem:s28+$0xFFFFFE40];
	_ =	sdelay $0x1  }
0x29c: {  	v8 =	vmul.f32 v8, v7;
	v9 =	vmul.f32 v9, v7  }
0x29d: {  	s8 =	sadd.s32 $0x1, s10;
	v6 =	vmul.f32 v6, v7;
	v10 =	vmul.f32 v10, v7  }
0x29e: {  	v4 =	vmul.f32 v4, v7;
	v11 =	vmul.f32 v11, v7;
	[tilespmem:s28+$0xFFFFFE80] =	vst v8;
	v8 =	vmov s8  }
0x29f: {  	v5 =	vmul.f32 v5, v7;
	[tilespmem:s28+$0xFFFFFE10] =	vst v9;
	v9 =	vmul.f32 v12, v7;
	v7 =	vand.u32 $0xFFFFFFFD, v8  }
0x2a0: {  	[tilespmem:s28+$0xFFFFFE30] =	vst v10;
	v7 =	vbroadcast v7, $0x0  }
0x2a1: {  	[tilespmem:s28+$0xFFFFFE60] =	vst v4  }
0x2a2: {  	[tilespmem:s28+$0xFFFFFE50] =	vst v5;
	v4 =	vld [tilespmem:s28+$0xFFFFFF00]  }
0x2a3: {  	[tilespmem:s28+$0xFFFFFE70] =	vst v6;
	v5 =	vld [tilespmem:s28+$0xFFFFFED0]  }
0x2a4: {  	[tilespmem:s28+$0xFFFFFE40] =	vst v9;
	v6 =	vld [tilespmem:s28+$0xFFFFFEE0]  }
0x2a5: {  	[tilespmem:s28+$0xFFFFFE20] =	vst v11;
	v8 =	vld [tilespmem:s28+$0xFFFFFEA0]  }
0x2a6: {  	v7 =	vld.idx.msk [tilespmem:v7+s29+$0x0], $0xffff  }
0x2a7: {  	v9 =	vld [tilespmem:s28+$0xFFFFFE90]  }
0x2a8: {  	v10 =	vld [tilespmem:s28+$0xFFFFFEB0]  }
0x2a9: {  	v11 =	vld [tilespmem:s28+$0xFFFFFEC0]  }
0x2aa: {  	v12 =	vld [tilespmem:s28+$0xFFFFFEF0];
	_ =	sdelay $0x1  }
0x2ab: {  	v8 =	vmul.f32 v8, v7;
	v9 =	vmul.f32 v9, v7  }
0x2ac: {  	s8 =	sadd.s32 $0x2, s10;
	v6 =	vmul.f32 v6, v7;
	v10 =	vmul.f32 v10, v7  }
0x2ad: {  	v5 =	vmul.f32 v5, v7;
	[tilespmem:s28+$0xFFFFFEA0] =	vst v8;
	v8 =	vmul.f32 v11, v7;
	v11 =	vmov s8  }
0x2ae: {  	v4 =	vmul.f32 v4, v7;
	[tilespmem:s28+$0xFFFFFEB0] =	vst v10;
	v10 =	vmul.f32 v12, v7;
	v7 =	vand.u32 $0xFFFFFFFE, v11  }
0x2af: {  	[tilespmem:s28+$0xFFFFFE90] =	vst v9;
	v9 =	vbroadcast v7, $0x0  }
0x2b0: {  	[tilespmem:s28+$0xFFFFFEC0] =	vst v8  }
0x2b1: {  	[tilespmem:s28+$0xFFFFFED0] =	vst v5  }
0x2b2: {  	[tilespmem:s28+$0xFFFFFEE0] =	vst v6  }
.Ltmp3:
0x2b3: {  	[tilespmem:s28+$0xFFFFFF00] =	vst v4;
	v5 =	vld [tilespmem:s28+$0xFFFFFF50];
	(pc) =	sbr.rel @p3 .LBB2_10-.Ltmp3, $4  }
0x2b4: {  	[tilespmem:s28+$0xFFFFFEF0] =	vst v10;
	v7 =	vld [tilespmem:s28+$0xFFFFFF70]  }
0x2b5: {  	v4 =	vld.idx.msk [tilespmem:v9+s29+$0x0], $0xffff  }
0x2b6: {  	v8 =	vld [tilespmem:s28+$0xFFFFFF10]  }
0x2b7: {  	v6 =	vld [tilespmem:s28+$0xFFFFFF20]  }
0x2b8: {  	_ =	sdelay $0x1  }
0x2b9: {  	v7 =	vmul.f32 v7, v4  }
0x2ba: {  	v9 =	vld [tilespmem:s7+$0xFFFFFF60];
	v5 =	vmul.f32 v5, v4  }
0x2bb: {  	v10 =	vld [tilespmem:s7+$0xFFFFFF80];
	v2 =	vmul.f32 v2, v4;
	[tilespmem:s7+$0xFFFFFF70] =	vst v7  }
0x2bc: {  	v7 =	vmul.f32 v8, v4;
	[tilespmem:s7+$0xFFFFFF50] =	vst v5  }
0x2bd: {  	s8 =	sadd.s32 $0x3, s10;
	[tilespmem:s7+$0xFFFFFF30] =	vst v2;
	v2 =	vmul.f32 v3, v4  }
0x2be: {  	v3 =	vmov s8;
	v6 =	vmul.f32 v6, v4;
	[tilespmem:s7+$0xFFFFFF10] =	vst v7  }
0x2bf: {  	v5 =	vmul.f32 v9, v4;
	[tilespmem:s7+$0xFFFFFF40] =	vst v2  }
0x2c0: {  	v4 =	vmul.f32 v10, v4;
	[tilespmem:s7+$0xFFFFFF20] =	vst v6  }
0x2c1: {  	[tilespmem:s7+$0xFFFFFF60] =	vst v5  }
0x2c2: {  	v2 =	vld [tilespmem:s7+$0xFFFFFF90];
	[tilespmem:s7+$0xFFFFFF80] =	vst v4  }
0x2c3: {  	v3 =	vld.idx.msk [tilespmem:v3+s29+$0x0], $0xffff  }
0x2c4: {  	v4 =	vld [tilespmem:s7+$0xFFFFFFB0]  }
0x2c5: {  	v5 =	vld [tilespmem:s7+$0xFFFFFFD0]  }
0x2c6: {  	v6 =	vld [tilespmem:s7+$0x0]  }
0x2c7: {  	v7 =	vld [tilespmem:s7+$0xFFFFFFF0]  }
0x2c8: {  	v8 =	vld [tilespmem:s7+$0xFFFFFFA0];
	v2 =	vmul.f32 v2, v3  }
0x2c9: {  	v9 =	vld [tilespmem:s7+$0xFFFFFFC0];
	v4 =	vmul.f32 v4, v3  }
0x2ca: {  	v10 =	vld [tilespmem:s7+$0xFFFFFFE0];
	[tilespmem:s7+$0xFFFFFF90] =	vst v2;
	v2 =	vmul.f32 v5, v3  }
0x2cb: {  	[tilespmem:s7+$0xFFFFFFB0] =	vst v4;
	v4 =	vmul.f32 v6, v3  }
0x2cc: {  	v5 =	vmul.f32 v7, v3;
	[tilespmem:s7+$0xFFFFFFD0] =	vst v2  }
0x2cd: {  	v2 =	vmul.f32 v8, v3;
	[tilespmem:s7+$0x0] =	vst v4  }
0x2ce: {  	v4 =	vmul.f32 v9, v3;
	[tilespmem:s7+$0xFFFFFFF0] =	vst v5  }
0x2cf: {  	v3 =	vmul.f32 v10, v3;
	[tilespmem:s7+$0xFFFFFFA0] =	vst v2  }
0x2d0: {  	[tilespmem:s7+$0xFFFFFFC0] =	vst v4  }
0x2d1: {  	s17 =	simm.s32 $0x6C80;
	s21 =	simm.s32 $0x1580;
	[tilespmem:s7+$0xFFFFFFE0] =	vst v3  }
0x2d2: {  	[spmem:s2] =	stream.indirect.scatter.add.f32 [tilespmem:s17], [sflag:$0xF], $0x80, s21, s23, $0xb8;
	[tilespmem:$0x1FC68] =	vst v63  }
0x2d3: {  	_ = 	snop  }
0x2d4: {  	[spmem:s6] =	stream.indirect.scatter.add.f32 [tilespmem:s29], [sflag:$0x13], $0x1, s21, s23, $0xb8;
	[tilespmem:$0x1FC68] =	vst v63  }
0x2d5: {  	_ =	swait.ge [sflag:s19], $0x2800  }
0x2d6: {  	[sflag:s19] =	ssyncset.done $0x0  }
0x2d7: {  	[sflag:s19] =	ssyncadd.s32 $0xFFFFD800  }
0x2d8: {  	_ =	swait.ge [sflag:s20], $0x50  }
0x2d9: {  	[sflag:s20] =	ssyncset.done $0x0  }
0x2da: {  	s28 =	sadd.s32 $0x1C0, s31;
	[sflag:s20] =	ssyncadd.s32 $0xFFFFFFB0  }
0x2db: {  	[tilespmem:s4], [sflag:$0x1] =	stream.indirect.gather [hbm4b:s1+s23], $0x80, s28, s23, $0xb8;
	[tilespmem:$0x1FC68] =	vst v63  }
0x2dc: {  	s30 =	simm.s32 $0x1880  }
0x2dd: {  	[tilespmem:s30], [sflag:$0x5] =	stream.indirect.gather [spmem:s3], $0x1, s28, s23, $0xb8;
	[tilespmem:$0x1FC68] =	vst v63  }
0x2de: {  	s10 =	simm.s32 $0x1A80;
	s8 =	sadd.s32 $0x9C0, s31;
	s17 =	simm.s32 $0x8  }
0x2df: {  	[tilespmem:s10], [sflag:$0x9] =	stream.indirect.gather [spmem:s5], $0x1, s8, s23, $0xb8;
	[tilespmem:$0x1FC68] =	vst v63  }
0x2e0: {  	_ =	swait.ge [sflag:s17], $0x50  }
0x2e1: {  	[sflag:s17] =	ssyncset.done $0x0  }
0x2e2: {  	[sflag:s17] =	ssyncadd.s32 $0xFFFFFFB0  }
0x2e3: {  	_ =	swait.ge [sflag:s26], $0x50  }
0x2e4: {  	[sflag:s26] =	ssyncset.done $0x0  }
0x2e5: {  	[sflag:s26] =	ssyncadd.s32 $0xFFFFFFB0  }
0x2e6: {  	v2 =	vld [tilespmem:$0x1A00]  }
0x2e7: {  	v3 =	vld [tilespmem:$0x1C00];
	_ =	sdelay $0x4  }
0x2e8: {  	v2 =	vadd.f32 v3, v2  }
0x2e9: {  	v5 =	vld [tilespmem:$0x1C10]  }
0x2ea: {  	v3 =	vld [tilespmem:$0x1A10];
	v4 =	vmul.f32 $2.000000030e-01, v2;
	_ =	sdelay $0x1  }
0x2eb: {  	v2 =	vmax.f32 v2, v4  }
0x2ec: {  	v2 =	vsub.f32 v2, v1;
	_ =	sdelay $0x1  }
0x2ed: {  	v3 =	vadd.f32 v5, v3;
	v2 =	vmul.f32 $1.442695020e+00, v2  }
0x2ee: {  	v4 =	vld [tilespmem:$0x1A20]  }
0x2ef: {  	v5 =	vld [tilespmem:$0x1C20];
	(erf) = vpow2.f32 v2;
	v2 =	vmul.f32 $2.000000030e-01, v3  }
0x2f0: {  	s21 =	smul.u32 $0x140, s16  }
0x2f1: {  	v2 =	vmax.f32 v3, v2  }
0x2f2: {  	s7 =	sshra.s32 s21, $0x2;
	v2 =	vsub.f32 v2, v1  }
0x2f3: {  	v3 =	vld [tilespmem:s7+$0x880]  }
0x2f4: {  	v4 =	vadd.f32 v5, v4;
	v2 =	vmul.f32 $1.442695020e+00, v2  }
0x2f5: {  	v6 =	vld [tilespmem:$0x1C30]  }
0x2f6: {  	v5 =	vld [tilespmem:$0x1A30];
	(erf) = vpow2.f32 v2;
	v2 =	vmul.f32 $2.000000030e-01, v4;
	_ =	sdelay $0x1  }
0x2f7: {  	[tilespmem:$0x1600] =	vst v3;
	v3 =	vpop (erf);
	v2 =	vmax.f32 v4, v2  }
0x2f8: {  	[tilespmem:$0x1800] =	vst v3;
	v2 =	vsub.f32 v2, v1  }
0x2f9: {  	v3 =	vld [tilespmem:s7+$0x890]  }
0x2fa: {  	v4 =	vadd.f32 v6, v5;
	v2 =	vmul.f32 $1.442695020e+00, v2  }
0x2fb: {  	v5 =	vld [tilespmem:$0x1A40]  }
0x2fc: {  	v6 =	vld [tilespmem:$0x1C40];
	(erf) = vpow2.f32 v2;
	v2 =	vmul.f32 $2.000000030e-01, v4;
	_ =	sdelay $0x1  }
0x2fd: {  	[tilespmem:$0x1610] =	vst v3;
	v3 =	vpop (erf);
	v2 =	vmax.f32 v4, v2  }
0x2fe: {  	[tilespmem:$0x1810] =	vst v3;
	v2 =	vsub.f32 v2, v1  }
0x2ff: {  	v3 =	vld [tilespmem:s7+$0x8A0]  }
0x300: {  	v4 =	vadd.f32 v6, v5;
	v2 =	vmul.f32 $1.442695020e+00, v2;
	_ =	sdelay $0x1  }
0x301: {  	(erf) = vpow2.f32 v2;
	v2 =	vmul.f32 $2.000000030e-01, v4;
	_ =	sdelay $0x1  }
0x302: {  	[tilespmem:$0x1620] =	vst v3;
	v3 =	vpop (erf);
	v2 =	vmax.f32 v4, v2  }
0x303: {  	[tilespmem:$0x1820] =	vst v3;
	v2 =	vsub.f32 v2, v1  }
0x304: {  	v3 =	vld [tilespmem:s7+$0x8B0]  }
0x305: {  	v2 =	vmul.f32 $1.442695020e+00, v2;
	_ =	sdelay $0x1  }
0x306: {  	(erf) = vpow2.f32 v2;
	_ =	sdelay $0x1  }
0x307: {  	v2 =	vpop (erf);
	[tilespmem:$0x1630] =	vst v3  }
0x308: {  	[tilespmem:$0x1830] =	vst v2  }
0x309: {  	v2 =	vld [tilespmem:s7+$0x8C0];
	_ =	sdelay $0x1  }
0x30a: {  	s10 =	simm.s32 $0x0  }
0x30b: {  	v3 =	vmov s10  }
0x30c: {  	v3 =	vand.u32 $0xFFFFFFFC, v3  }
0x30d: {  	v3 =	vbroadcast v3, $0x0;
	[tilespmem:$0x1640] =	vst v2;
	v2 =	vpop (erf)  }
0x30e: {  	[tilespmem:$0x1840] =	vst v2  }
0x30f: {  	_ =	swait.ge [sflag:s24], $0x2800  }
0x310: {  	[sflag:s24] =	ssyncset.done $0x0  }
0x311: {  	s7 =	simm.s32 $0x9670;
	[sflag:s24] =	ssyncadd.s32 $0xFFFFD800  }
0x312: {  	v2 =	vld [tilespmem:s7+$0xFFFFFE80]  }
0x313: {  	v3 =	vld.idx.msk [tilespmem:v3+s25+$0x0], $0xffff  }
0x314: {  	v4 =	vld [tilespmem:s7+$0xFFFFFE10]  }
0x315: {  	v5 =	vld [tilespmem:s7+$0xFFFFFE30]  }
0x316: {  	v6 =	vld [tilespmem:s7+$0xFFFFFE60]  }
0x317: {  	v7 =	vld [tilespmem:s7+$0xFFFFFE50]  }
0x318: {  	v8 =	vld [tilespmem:s7+$0xFFFFFE70];
	v2 =	vmul.f32 v2, v3  }
0x319: {  	s28 =	simm.s32 $0x1;
	v9 =	vld [tilespmem:s7+$0xFFFFFE40];
	v4 =	vmul.f32 v4, v3  }
0x31a: {  	v10 =	vld [tilespmem:s7+$0xFFFFFE20];
	v5 =	vmul.f32 v5, v3;
	[tilespmem:s7+$0xFFFFFE80] =	vst v2;
	v2 =	vmov s28  }
0x31b: {  	v6 =	vmul.f32 v6, v3;
	[tilespmem:s7+$0xFFFFFE10] =	vst v4;
	v2 =	vand.u32 $0xFFFFFFFD, v2  }
0x31c: {  	v4 =	vmul.f32 v7, v3;
	[tilespmem:s7+$0xFFFFFE30] =	vst v5;
	v2 =	vbroadcast v2, $0x0  }
0x31d: {  	v5 =	vmul.f32 v8, v3;
	[tilespmem:s7+$0xFFFFFE60] =	vst v6  }
0x31e: {  	v6 =	vmul.f32 v9, v3;
	[tilespmem:s7+$0xFFFFFE50] =	vst v4  }
0x31f: {  	v3 =	vmul.f32 v10, v3;
	[tilespmem:s7+$0xFFFFFE70] =	vst v5  }
0x320: {  	v7 =	vld [tilespmem:s7+$0xFFFFFED0];
	[tilespmem:s7+$0xFFFFFE40] =	vst v6  }
0x321: {  	[tilespmem:s7+$0xFFFFFE20] =	vst v3;
	v3 =	vld [tilespmem:s7+$0xFFFFFEA0]  }
0x322: {  	v4 =	vld.idx.msk [tilespmem:v2+s25+$0x0], $0xffff  }
0x323: {  	v2 =	vld [tilespmem:s7+$0xFFFFFEB0]  }
0x324: {  	v5 =	vld [tilespmem:s7+$0xFFFFFE90]  }
0x325: {  	v6 =	vld [tilespmem:s7+$0xFFFFFEC0]  }
0x326: {  	v8 =	vld [tilespmem:s7+$0xFFFFFEE0]  }
0x327: {  	v9 =	vld [tilespmem:s7+$0xFFFFFF00];
	v3 =	vmul.f32 v3, v4  }
0x328: {  	s30 =	simm.s32 $0x2;
	v2 =	vmul.f32 v2, v4  }
0x329: {  	v10 =	vld [tilespmem:s7+$0xFFFFFEF0];
	v5 =	vmul.f32 v5, v4;
	[tilespmem:s7+$0xFFFFFEA0] =	vst v3;
	v3 =	vmov s30  }
0x32a: {  	v6 =	vmul.f32 v6, v4;
	[tilespmem:s7+$0xFFFFFEB0] =	vst v2;
	v2 =	vand.u32 $0xFFFFFFFE, v3  }
0x32b: {  	[tilespmem:s7+$0xFFFFFE90] =	vst v5;
	v5 =	vmul.f32 v8, v4;
	v8 =	vld [tilespmem:s7+$0xFFFFFF10];
	v11 =	vbroadcast v2, $0x0  }
0x32c: {  	[tilespmem:s7+$0xFFFFFEC0] =	vst v6;
	v6 =	vmul.f32 v9, v4;
	v3 =	vmul.f32 v7, v4;
	v7 =	vld [tilespmem:s7+$0xFFFFFF70]  }
0x32d: {  	v2 =	vld [tilespmem:s7+$0xFFFFFF30];
	[tilespmem:s7+$0xFFFFFEE0] =	vst v5  }
0x32e: {  	v4 =	vmul.f32 v10, v4;
	[tilespmem:s7+$0xFFFFFF00] =	vst v6;
	v5 =	vld [tilespmem:s7+$0xFFFFFF50]  }
0x32f: {  	v6 =	vld [tilespmem:s7+$0xFFFFFF20];
	[tilespmem:s7+$0xFFFFFED0] =	vst v3  }
0x330: {  	v3 =	vld [tilespmem:s7+$0xFFFFFF40];
	[tilespmem:s7+$0xFFFFFEF0] =	vst v4  }
0x331: {  	s16 =	simm.s32 $0x4;
	s17 =	simm.s32 $0x9670;
	v4 =	vld.idx.msk [tilespmem:v11+s25+$0x0], $0xffff  }
.LBB2_12:
0x332: {  	p3 =	slt.u32 s16, $0x4C  }
0x333: {  	v9 =	vld [tilespmem:s7+$0xFFFFFF60];
	s17 =	sadd.s32 $0x200, s17;
	s8 =	smov.u32 s16;
	s16 =	sadd.s32 $0x4, s16  }
0x334: {  	v10 =	vld [tilespmem:s7+$0xFFFFFF80];
	_ =	sdelay $0x1  }
0x335: {  	v7 =	vmul.f32 v7, v4;
	v8 =	vmul.f32 v8, v4  }
0x336: {  	v5 =	vmul.f32 v5, v4;
	v6 =	vmul.f32 v6, v4  }
0x337: {  	v2 =	vmul.f32 v2, v4;
	v3 =	vmul.f32 v3, v4;
	[tilespmem:s7+$0xFFFFFF70] =	vst v7  }
0x338: {  	[tilespmem:s7+$0xFFFFFF50] =	vst v5;
	v5 =	vmul.f32 v9, v4;
	v4 =	vmul.f32 v10, v4  }
0x339: {  	s21 =	sadd.s32 $0x3, s10;
	s10 =	smov.u32 s8;
	[tilespmem:s7+$0xFFFFFF30] =	vst v2;
	v7 =	vld [tilespmem:s7+$0xFFFFFFF0]  }
0x33a: {  	v2 =	vld [tilespmem:s17+$0xFFFFFF30];
	[tilespmem:s7+$0xFFFFFF10] =	vst v8;
	v8 =	vmov s21  }
0x33b: {  	[tilespmem:s7+$0xFFFFFF60] =	vst v5;
	v5 =	vld [tilespmem:s7+$0xFFFFFF90]  }
0x33c: {  	[tilespmem:s7+$0xFFFFFF40] =	vst v3;
	v9 =	vld [tilespmem:s7+$0xFFFFFFD0]  }
0x33d: {  	v3 =	vld [tilespmem:s17+$0xFFFFFF40];
	[tilespmem:s7+$0xFFFFFF20] =	vst v6  }
0x33e: {  	[tilespmem:s7+$0xFFFFFF80] =	vst v4;
	v4 =	vld [tilespmem:s7+$0xFFFFFFB0]  }
0x33f: {  	v6 =	vld.idx.msk [tilespmem:v8+s25+$0x0], $0xffff  }
0x340: {  	v8 =	vld [tilespmem:s7+$0xFFFFFFA0]  }
0x341: {  	v10 =	vld [tilespmem:s7+$0xFFFFFFC0]  }
0x342: {  	v11 =	vld [tilespmem:s7+$0xFFFFFFE0]  }
0x343: {  	v12 =	vld [tilespmem:s7+$0x0];
	_ =	sdelay $0x1  }
0x344: {  	v5 =	vmul.f32 v5, v6;
	v8 =	vmul.f32 v8, v6  }
0x345: {  	v4 =	vmul.f32 v4, v6;
	v10 =	vmul.f32 v10, v6  }
0x346: {  	v13 =	vmov s10;
	[tilespmem:s7+$0xFFFFFF90] =	vst v5;
	v5 =	vmul.f32 v9, v6;
	v9 =	vmul.f32 v11, v6  }
0x347: {  	v11 =	vand.u32 $0xFFFFFFFC, v13;
	[tilespmem:s7+$0xFFFFFFB0] =	vst v4;
	v4 =	vmul.f32 v7, v6;
	v6 =	vmul.f32 v12, v6  }
0x348: {  	v7 =	vbroadcast v11, $0x0;
	[tilespmem:s7+$0xFFFFFFD0] =	vst v5  }
0x349: {  	[tilespmem:s7+$0x0] =	vst v6  }
0x34a: {  	v5 =	vld [tilespmem:s17+$0xFFFFFE50];
	[tilespmem:s7+$0xFFFFFFF0] =	vst v4  }
0x34b: {  	v4 =	vld [tilespmem:s17+$0xFFFFFE60];
	[tilespmem:s7+$0xFFFFFFA0] =	vst v8  }
0x34c: {  	v6 =	vld [tilespmem:s17+$0xFFFFFE70];
	[tilespmem:s7+$0xFFFFFFC0] =	vst v10  }
0x34d: {  	v8 =	vld [tilespmem:s17+$0xFFFFFE80];
	[tilespmem:s7+$0xFFFFFFE0] =	vst v9;
	s7 =	smov.u32 s17  }
0x34e: {  	v7 =	vld.idx.msk [tilespmem:v7+s25+$0x0], $0xffff  }
0x34f: {  	v9 =	vld [tilespmem:s17+$0xFFFFFE10]  }
0x350: {  	v10 =	vld [tilespmem:s17+$0xFFFFFE30]  }
0x351: {  	v11 =	vld [tilespmem:s17+$0xFFFFFE20]  }
0x352: {  	v12 =	vld [tilespmem:s17+$0xFFFFFE40];
	_ =	sdelay $0x1  }
0x353: {  	v8 =	vmul.f32 v8, v7;
	v9 =	vmul.f32 v9, v7  }
0x354: {  	s8 =	sadd.s32 $0x1, s10;
	v6 =	vmul.f32 v6, v7;
	v10 =	vmul.f32 v10, v7  }
0x355: {  	v4 =	vmul.f32 v4, v7;
	v11 =	vmul.f32 v11, v7;
	[tilespmem:s17+$0xFFFFFE80] =	vst v8;
	v8 =	vmov s8  }
0x356: {  	v5 =	vmul.f32 v5, v7;
	[tilespmem:s17+$0xFFFFFE10] =	vst v9;
	v9 =	vmul.f32 v12, v7;
	v7 =	vand.u32 $0xFFFFFFFD, v8  }
0x357: {  	[tilespmem:s17+$0xFFFFFE30] =	vst v10;
	v7 =	vbroadcast v7, $0x0  }
0x358: {  	[tilespmem:s17+$0xFFFFFE60] =	vst v4  }
0x359: {  	[tilespmem:s17+$0xFFFFFE50] =	vst v5;
	v4 =	vld [tilespmem:s17+$0xFFFFFF00]  }
0x35a: {  	[tilespmem:s17+$0xFFFFFE70] =	vst v6;
	v5 =	vld [tilespmem:s17+$0xFFFFFED0]  }
0x35b: {  	[tilespmem:s17+$0xFFFFFE40] =	vst v9;
	v6 =	vld [tilespmem:s17+$0xFFFFFEE0]  }
0x35c: {  	[tilespmem:s17+$0xFFFFFE20] =	vst v11;
	v8 =	vld [tilespmem:s17+$0xFFFFFEA0]  }
0x35d: {  	v7 =	vld.idx.msk [tilespmem:v7+s25+$0x0], $0xffff  }
0x35e: {  	v9 =	vld [tilespmem:s17+$0xFFFFFE90]  }
0x35f: {  	v10 =	vld [tilespmem:s17+$0xFFFFFEB0]  }
0x360: {  	v11 =	vld [tilespmem:s17+$0xFFFFFEC0]  }
0x361: {  	v12 =	vld [tilespmem:s17+$0xFFFFFEF0];
	_ =	sdelay $0x1  }
0x362: {  	v8 =	vmul.f32 v8, v7;
	v9 =	vmul.f32 v9, v7  }
0x363: {  	s8 =	sadd.s32 $0x2, s10;
	v6 =	vmul.f32 v6, v7;
	v10 =	vmul.f32 v10, v7  }
0x364: {  	v5 =	vmul.f32 v5, v7;
	[tilespmem:s17+$0xFFFFFEA0] =	vst v8;
	v8 =	vmul.f32 v11, v7;
	v11 =	vmov s8  }
0x365: {  	v4 =	vmul.f32 v4, v7;
	[tilespmem:s17+$0xFFFFFEB0] =	vst v10;
	v10 =	vmul.f32 v12, v7;
	v7 =	vand.u32 $0xFFFFFFFE, v11  }
0x366: {  	[tilespmem:s17+$0xFFFFFE90] =	vst v9;
	v9 =	vbroadcast v7, $0x0  }
0x367: {  	[tilespmem:s17+$0xFFFFFEC0] =	vst v8  }
0x368: {  	[tilespmem:s17+$0xFFFFFED0] =	vst v5  }
0x369: {  	[tilespmem:s17+$0xFFFFFEE0] =	vst v6  }
.Ltmp4:
0x36a: {  	[tilespmem:s17+$0xFFFFFF00] =	vst v4;
	v5 =	vld [tilespmem:s17+$0xFFFFFF50];
	(pc) =	sbr.rel @p3 .LBB2_12-.Ltmp4, $4  }
0x36b: {  	[tilespmem:s17+$0xFFFFFEF0] =	vst v10;
	v7 =	vld [tilespmem:s17+$0xFFFFFF70]  }
0x36c: {  	v4 =	vld.idx.msk [tilespmem:v9+s25+$0x0], $0xffff  }
0x36d: {  	v8 =	vld [tilespmem:s17+$0xFFFFFF10]  }
0x36e: {  	v6 =	vld [tilespmem:s17+$0xFFFFFF20]  }
0x36f: {  	_ =	sdelay $0x1  }
0x370: {  	v7 =	vmul.f32 v7, v4  }
0x371: {  	v9 =	vld [tilespmem:s7+$0xFFFFFF60];
	v5 =	vmul.f32 v5, v4  }
0x372: {  	v10 =	vld [tilespmem:s7+$0xFFFFFF80];
	v2 =	vmul.f32 v2, v4;
	[tilespmem:s7+$0xFFFFFF70] =	vst v7  }
0x373: {  	v51 =	vmul.f32 v8, v4;
	[tilespmem:s7+$0xFFFFFF50] =	vst v5  }
0x374: {  	s8 =	sadd.s32 $0x3, s10;
	[tilespmem:s7+$0xFFFFFF30] =	vst v2;
	v2 =	vmul.f32 v3, v4  }
0x375: {  	v3 =	vmov s8;
	v6 =	vmul.f32 v6, v4;
	[tilespmem:s7+$0xFFFFFF10] =	vst v51  }
0x376: {  	v52 =	vmul.f32 v9, v4;
	[tilespmem:s7+$0xFFFFFF40] =	vst v2  }
0x377: {  	v53 =	vmul.f32 v10, v4;
	[tilespmem:s7+$0xFFFFFF20] =	vst v6  }
0x378: {  	[tilespmem:s7+$0xFFFFFF60] =	vst v52  }
0x379: {  	v2 =	vld [tilespmem:s7+$0xFFFFFF90];
	[tilespmem:s7+$0xFFFFFF80] =	vst v53  }
0x37a: {  	v3 =	vld.idx.msk [tilespmem:v3+s25+$0x0], $0xffff  }
0x37b: {  	v54 =	vld [tilespmem:s7+$0xFFFFFFB0]  }
0x37c: {  	v56 =	vld [tilespmem:s7+$0x0]  }
0x37d: {  	v57 =	vld [tilespmem:s7+$0xFFFFFFF0]  }
0x37e: {  	v55 =	vld [tilespmem:s7+$0xFFFFFFD0]  }
0x37f: {  	v59 =	vld [tilespmem:s7+$0xFFFFFFC0];
	v2 =	vmul.f32 v2, v3  }
0x380: {  	v58 =	vld [tilespmem:s7+$0xFFFFFFA0];
	v4 =	vmul.f32 v54, v3  }
0x381: {  	v60 =	vld [tilespmem:s7+$0xFFFFFFE0];
	v61 =	vmul.f32 v56, v3;
	[tilespmem:s7+$0xFFFFFF90] =	vst v2  }
0x382: {  	v62 =	vmul.f32 v57, v3;
	[tilespmem:s7+$0xFFFFFFB0] =	vst v4  }
0x383: {  	v2 =	vmul.f32 v55, v3;
	[tilespmem:s7+$0x0] =	vst v61  }
0x384: {  	v63 =	vmul.f32 v59, v3;
	[tilespmem:s7+$0xFFFFFFF0] =	vst v62  }
0x385: {  	[tilespmem:s7+$0xFFFFFFD0] =	vst v2;
	v2 =	vmul.f32 v58, v3  }
0x386: {  	[tilespmem:s7+$0xFFFFFFC0] =	vst v63;
	v3 =	vmul.f32 v60, v3  }
0x387: {  	[tilespmem:s7+$0xFFFFFFA0] =	vst v2  }
0x388: {  	s4 =	simm.s32 $0x9480;
	s30 =	simm.s32 $0x1600;
	[tilespmem:s7+$0xFFFFFFE0] =	vst v3  }
0x389: {  	[spmem:s2] =	stream.indirect.scatter.add.f32 [tilespmem:s4], [sflag:$0x10], $0x80, s30, s23, $0xb8;
	[tilespmem:$0x1FC68] =	vst v63  }
0x38a: {  	_ = 	snop  }
0x38b: {  	[spmem:s6] =	stream.indirect.scatter.add.f32 [tilespmem:s25], [sflag:$0x14], $0x1, s30, s23, $0xb8;
	[tilespmem:$0x1FC68] =	vst v63  }
0x38c: {  	p3 =	seq.s32 s9, $0x5;
	_ =	swait.ge [sflag:s12], $0x2800  }
.Ltmp5:
0x38d: {  	[sflag:s12] =	ssyncset.done $0x0;
	(pc) =	sbr.rel @p3 .LBB2_15-.Ltmp5, $4  }
0x38e: {  	[sflag:s12] =	ssyncadd.s32 $0xFFFFD800  }
0x38f: {  	_ =	swait.ge [sflag:s22], $0x50  }
0x390: {  	[sflag:s22] =	ssyncset.done $0x0  }
0x391: {  	[sflag:s22] =	ssyncadd.s32 $0xFFFFFFB0  }
0x392: {  	s7 =	sadd.s32 $0x210, s31;
	s4 =	simm.s32 $0x4480  }
0x393: {  	[tilespmem:s4], [sflag:$0x2] =	stream.indirect.gather [hbm4b:s1+s23], $0x80, s7, s23, $0xb8;
	[tilespmem:$0x1FC68] =	vst v63  }
.Ltmp6:
0x394: {  	_ = 	snop;
	(pc) =	sbr.rel .LBB2_5-.Ltmp6, $4  }
0x395: {  	s28 =	simm.s32 $0x1900;
	s30 =	sadd.s32 $0xA10, s31  }
0x396: {  	[tilespmem:s28], [sflag:$0x6] =	stream.indirect.gather [spmem:s3], $0x1, s7, s23, $0xb8;
	[tilespmem:$0x1FC68] =	vst v63  }
0x397: {  	s31 =	simm.s32 $0x1B00;
	s9 =	sadd.s32 $0x1, s9;
	s21 =	simm.s32 $0x1C80  }
0x398: {  	[tilespmem:s31], [sflag:$0xA] =	stream.indirect.gather [spmem:s5], $0x1, s30, s23, $0xb8;
	[tilespmem:$0x1FC68] =	vst v63  }
.LBB2_15:
0x399: {  	_ =	swait.ge [sflag:s0], $0x50  }
0x39a: {  	[sflag:s0] =	ssyncset.done $0x0  }
0x39b: {  	[sflag:s0] =	ssyncadd.s32 $0xFFFFFFB0  }
0x39c: {  	_ =	swait.ge [sflag:s14], $0x50  }
0x39d: {  	[sflag:s14] =	ssyncset.done $0x0  }
0x39e: {  	[sflag:s14] =	ssyncadd.s32 $0xFFFFFFB0  }
0x39f: {  	v2 =	vld [tilespmem:$0x1880]  }
0x3a0: {  	v3 =	vld [tilespmem:$0x1A80]  }
0x3a1: {  	v4 =	vld [tilespmem:$0x1890]  }
0x3a2: {  	v5 =	vld [tilespmem:$0x1A90]  }
0x3a3: {  	v6 =	vld [tilespmem:$0x18A0]  }
0x3a4: {  	v7 =	vld [tilespmem:$0x1AA0]  }
0x3a5: {  	v8 =	vld [tilespmem:$0x1AB0];
	v2 =	vadd.f32 v3, v2  }
0x3a6: {  	v3 =	vld [tilespmem:$0x18B0]  }
0x3a7: {  	v10 =	vld [tilespmem:$0x1AC0];
	v4 =	vadd.f32 v5, v4;
	v9 =	vmul.f32 $2.000000030e-01, v2  }
0x3a8: {  	v5 =	vld [tilespmem:$0x18C0]  }
0x3a9: {  	v6 =	vadd.f32 v7, v6;
	v2 =	vmax.f32 v2, v9;
	v9 =	vmul.f32 $2.000000030e-01, v4  }
0x3aa: {  	v2 =	vsub.f32 v2, v1  }
0x3ab: {  	v7 =	vmul.f32 $2.000000030e-01, v6;
	v3 =	vadd.f32 v8, v3;
	v4 =	vmax.f32 v4, v9  }
0x3ac: {  	v2 =	vmul.f32 $1.442695020e+00, v2;
	v4 =	vsub.f32 v4, v1  }
0x3ad: {  	v6 =	vmax.f32 v6, v7;
	v5 =	vadd.f32 v10, v5;
	v7 =	vmul.f32 $2.000000030e-01, v3  }
0x3ae: {  	(erf) = vpow2.f32 v2;
	v2 =	vmul.f32 $1.442695020e+00, v4;
	v4 =	vsub.f32 v6, v1  }
0x3af: {  	v3 =	vmax.f32 v3, v7;
	v6 =	vmul.f32 $2.000000030e-01, v5  }
0x3b0: {  	v3 =	vsub.f32 v3, v1;
	(erf) = vpow2.f32 v2;
	v2 =	vmul.f32 $1.442695020e+00, v4  }
0x3b1: {  	v4 =	vmax.f32 v5, v6  }
0x3b2: {  	(erf) = vpow2.f32 v2;
	v2 =	vmul.f32 $1.442695020e+00, v3;
	v3 =	vsub.f32 v4, v1  }
0x3b3: {  	v5 =	vld [tilespmem:$0x1000]  }
0x3b4: {  	(erf) = vpow2.f32 v2;
	v2 =	vmul.f32 $1.442695020e+00, v3  }
0x3b5: {  	v4 =	vld [tilespmem:$0x1010]  }
0x3b6: {  	v3 =	vld [tilespmem:$0x1020]  }
0x3b7: {  	(erf) = vpow2.f32 v2  }
0x3b8: {  	[tilespmem:$0x1480] =	vst v5;
	v2 =	vpop (erf)  }
0x3b9: {  	[tilespmem:$0x1680] =	vst v2;
	v2 =	vld [tilespmem:$0x1030]  }
0x3ba: {  	[tilespmem:$0x1490] =	vst v4;
	v4 =	vld [tilespmem:$0x1040]  }
0x3bb: {  	v5 =	vpop (erf);
	[tilespmem:$0x14A0] =	vst v3  }
0x3bc: {  	[tilespmem:$0x1690] =	vst v5;
	v5 =	vpop (erf)  }
0x3bd: {  	s9 =	simm.s32 $0x0;
	[tilespmem:$0x16A0] =	vst v5  }
0x3be: {  	[tilespmem:$0x14B0] =	vst v2;
	v2 =	vmov s9  }
0x3bf: {  	[tilespmem:$0x14C0] =	vst v4;
	v3 =	vpop (erf);
	v2 =	vand.u32 $0xFFFFFFFC, v2  }
0x3c0: {  	[tilespmem:$0x16B0] =	vst v3;
	v3 =	vpop (erf);
	v2 =	vbroadcast v2, $0x0  }
0x3c1: {  	[tilespmem:$0x16C0] =	vst v3  }
0x3c2: {  	_ =	swait.ge [sflag:s15], $0x2800  }
0x3c3: {  	[sflag:s15] =	ssyncset.done $0x0  }
0x3c4: {  	s7 =	simm.s32 $0x1D80;
	[sflag:s15] =	ssyncadd.s32 $0xFFFFD800  }
0x3c5: {  	v3 =	vld [tilespmem:s7+$0xFFFFFF70]  }
0x3c6: {  	v2 =	vld.idx.msk [tilespmem:v2+s18+$0x0], $0xffff  }
0x3c7: {  	v4 =	vld [tilespmem:s7+$0xFFFFFF00]  }
0x3c8: {  	v5 =	vld [tilespmem:s7+$0xFFFFFF20]  }
0x3c9: {  	v6 =	vld [tilespmem:s7+$0xFFFFFF50]  }
0x3ca: {  	v7 =	vld [tilespmem:s7+$0xFFFFFF40]  }
0x3cb: {  	v8 =	vld [tilespmem:s7+$0xFFFFFF60];
	v3 =	vmul.f32 v3, v2  }
0x3cc: {  	s8 =	simm.s32 $0x1;
	v9 =	vld [tilespmem:s7+$0xFFFFFF30];
	v4 =	vmul.f32 v4, v2  }
0x3cd: {  	v10 =	vld [tilespmem:s7+$0xFFFFFF10];
	v5 =	vmul.f32 v5, v2;
	[tilespmem:s7+$0xFFFFFF70] =	vst v3;
	v3 =	vmov s8  }
0x3ce: {  	v6 =	vmul.f32 v6, v2;
	[tilespmem:s7+$0xFFFFFF00] =	vst v4;
	v3 =	vand.u32 $0xFFFFFFFD, v3  }
0x3cf: {  	v4 =	vmul.f32 v7, v2;
	[tilespmem:s7+$0xFFFFFF20] =	vst v5;
	v3 =	vbroadcast v3, $0x0  }
0x3d0: {  	v5 =	vmul.f32 v8, v2;
	[tilespmem:s7+$0xFFFFFF50] =	vst v6  }
0x3d1: {  	v6 =	vmul.f32 v9, v2;
	[tilespmem:s7+$0xFFFFFF40] =	vst v4  }
0x3d2: {  	v2 =	vmul.f32 v10, v2;
	[tilespmem:s7+$0xFFFFFF60] =	vst v5  }
0x3d3: {  	[tilespmem:s7+$0xFFFFFF30] =	vst v6  }
0x3d4: {  	[tilespmem:s7+$0xFFFFFF10] =	vst v2;
	v2 =	vld [tilespmem:s7+$0xFFFFFF90]  }
0x3d5: {  	v4 =	vld.idx.msk [tilespmem:v3+s18+$0x0], $0xffff  }
0x3d6: {  	v3 =	vld [tilespmem:s7+$0xFFFFFFA0]  }
0x3d7: {  	v5 =	vld [tilespmem:s7+$0xFFFFFF80]  }
0x3d8: {  	v6 =	vld [tilespmem:s7+$0xFFFFFFB0]  }
0x3d9: {  	v7 =	vld [tilespmem:s7+$0xFFFFFFC0]  }
0x3da: {  	v8 =	vld [tilespmem:s7+$0xFFFFFFD0];
	v2 =	vmul.f32 v2, v4  }
0x3db: {  	s31 =	simm.s32 $0x2;
	v9 =	vld [tilespmem:s7+$0xFFFFFFF0];
	v3 =	vmul.f32 v3, v4  }
0x3dc: {  	v10 =	vld [tilespmem:s7+$0xFFFFFFE0];
	v5 =	vmul.f32 v5, v4;
	[tilespmem:s7+$0xFFFFFF90] =	vst v2;
	v2 =	vmov s31  }
0x3dd: {  	v6 =	vmul.f32 v6, v4;
	[tilespmem:s7+$0xFFFFFFA0] =	vst v3;
	v2 =	vand.u32 $0xFFFFFFFE, v2  }
0x3de: {  	v3 =	vmul.f32 v7, v4;
	[tilespmem:s7+$0xFFFFFF80] =	vst v5;
	v7 =	vld [tilespmem:s7+$0x60];
	v11 =	vbroadcast v2, $0x0  }
0x3df: {  	v5 =	vmul.f32 v8, v4;
	[tilespmem:s7+$0xFFFFFFB0] =	vst v6;
	v8 =	vld [tilespmem:s7+$0x0]  }
0x3e0: {  	v6 =	vmul.f32 v9, v4;
	v2 =	vld [tilespmem:s7+$0x20];
	[tilespmem:s7+$0xFFFFFFC0] =	vst v3  }
0x3e1: {  	v4 =	vmul.f32 v10, v4;
	v3 =	vld [tilespmem:s7+$0x30];
	[tilespmem:s7+$0xFFFFFFD0] =	vst v5  }
0x3e2: {  	[tilespmem:s7+$0xFFFFFFF0] =	vst v6;
	v5 =	vld [tilespmem:s7+$0x40]  }
0x3e3: {  	[tilespmem:s7+$0xFFFFFFE0] =	vst v4;
	v6 =	vld [tilespmem:s7+$0x10]  }
0x3e4: {  	s10 =	simm.s32 $0x4;
	s16 =	simm.s32 $0x1D80;
	s21 =	simm.s32 $0x1C80;
	v4 =	vld.idx.msk [tilespmem:v11+s18+$0x0], $0xffff  }
.LBB2_16:
0x3e5: {  	p3 =	slt.u32 s10, $0x4C  }
0x3e6: {  	v9 =	vld [tilespmem:s7+$0x50];
	s16 =	sadd.s32 $0x200, s16;
	s8 =	smov.u32 s10;
	s10 =	sadd.s32 $0x4, s10  }
0x3e7: {  	v10 =	vld [tilespmem:s7+$0x70];
	_ =	sdelay $0x1  }
0x3e8: {  	v7 =	vmul.f32 v7, v4;
	v8 =	vmul.f32 v8, v4  }
0x3e9: {  	v5 =	vmul.f32 v5, v4;
	v6 =	vmul.f32 v6, v4  }
0x3ea: {  	v2 =	vmul.f32 v2, v4;
	v3 =	vmul.f32 v3, v4;
	[tilespmem:s7+$0x60] =	vst v7  }
0x3eb: {  	[tilespmem:s7+$0x40] =	vst v5;
	v5 =	vmul.f32 v9, v4;
	v4 =	vmul.f32 v10, v4  }
0x3ec: {  	s17 =	sadd.s32 $0x3, s9;
	s9 =	smov.u32 s8;
	[tilespmem:s7+$0x20] =	vst v2;
	v7 =	vld [tilespmem:s7+$0x80]  }
0x3ed: {  	v2 =	vld [tilespmem:s16+$0x20];
	[tilespmem:s7+$0x0] =	vst v8;
	v8 =	vmov s17  }
0x3ee: {  	[tilespmem:s7+$0x50] =	vst v5;
	v5 =	vld [tilespmem:s7+$0xE0]  }
0x3ef: {  	[tilespmem:s7+$0x30] =	vst v3;
	v9 =	vld [tilespmem:s7+$0xC0]  }
0x3f0: {  	v3 =	vld [tilespmem:s16+$0x30];
	[tilespmem:s7+$0x10] =	vst v6  }
0x3f1: {  	[tilespmem:s7+$0x70] =	vst v4;
	v4 =	vld [tilespmem:s7+$0xA0]  }
0x3f2: {  	v6 =	vld.idx.msk [tilespmem:v8+s18+$0x0], $0xffff  }
0x3f3: {  	v8 =	vld [tilespmem:s7+$0x90]  }
0x3f4: {  	v10 =	vld [tilespmem:s7+$0xB0]  }
0x3f5: {  	v11 =	vld [tilespmem:s7+$0xD0]  }
0x3f6: {  	v12 =	vld [tilespmem:s7+$0xF0];
	_ =	sdelay $0x1  }
0x3f7: {  	v7 =	vmul.f32 v7, v6;
	v8 =	vmul.f32 v8, v6  }
0x3f8: {  	v4 =	vmul.f32 v4, v6;
	v10 =	vmul.f32 v10, v6  }
0x3f9: {  	v13 =	vmov s9;
	[tilespmem:s7+$0x80] =	vst v7;
	v7 =	vmul.f32 v9, v6;
	v9 =	vmul.f32 v11, v6  }
0x3fa: {  	v11 =	vand.u32 $0xFFFFFFFC, v13;
	[tilespmem:s7+$0xA0] =	vst v4;
	v4 =	vmul.f32 v5, v6;
	v5 =	vmul.f32 v12, v6  }
0x3fb: {  	v6 =	vbroadcast v11, $0x0;
	[tilespmem:s7+$0xC0] =	vst v7  }
0x3fc: {  	[tilespmem:s7+$0xF0] =	vst v5  }
0x3fd: {  	v5 =	vld [tilespmem:s16+$0xFFFFFF40];
	[tilespmem:s7+$0xE0] =	vst v4  }
0x3fe: {  	v4 =	vld [tilespmem:s16+$0xFFFFFF50];
	[tilespmem:s7+$0x90] =	vst v8  }
0x3ff: {  	v7 =	vld [tilespmem:s16+$0xFFFFFF60];
	[tilespmem:s7+$0xB0] =	vst v10  }
0x400: {  	v8 =	vld [tilespmem:s16+$0xFFFFFF70];
	[tilespmem:s7+$0xD0] =	vst v9;
	s7 =	smov.u32 s16  }
0x401: {  	v6 =	vld.idx.msk [tilespmem:v6+s18+$0x0], $0xffff  }
0x402: {  	v9 =	vld [tilespmem:s16+$0xFFFFFF00]  }
0x403: {  	v10 =	vld [tilespmem:s16+$0xFFFFFF20]  }
0x404: {  	v11 =	vld [tilespmem:s16+$0xFFFFFF10]  }
0x405: {  	v12 =	vld [tilespmem:s16+$0xFFFFFF30];
	_ =	sdelay $0x1  }
0x406: {  	v8 =	vmul.f32 v8, v6;
	v9 =	vmul.f32 v9, v6  }
0x407: {  	s8 =	sadd.s32 $0x1, s9;
	v7 =	vmul.f32 v7, v6;
	v10 =	vmul.f32 v10, v6  }
0x408: {  	v4 =	vmul.f32 v4, v6;
	v11 =	vmul.f32 v11, v6;
	[tilespmem:s16+$0xFFFFFF70] =	vst v8;
	v8 =	vmov s8  }
0x409: {  	v5 =	vmul.f32 v5, v6;
	[tilespmem:s16+$0xFFFFFF00] =	vst v9;
	v9 =	vmul.f32 v12, v6;
	v6 =	vand.u32 $0xFFFFFFFD, v8  }
0x40a: {  	[tilespmem:s16+$0xFFFFFF20] =	vst v10;
	v6 =	vbroadcast v6, $0x0  }
0x40b: {  	[tilespmem:s16+$0xFFFFFF50] =	vst v4  }
0x40c: {  	[tilespmem:s16+$0xFFFFFF40] =	vst v5;
	v4 =	vld [tilespmem:s16+$0xFFFFFFF0]  }
0x40d: {  	[tilespmem:s16+$0xFFFFFF60] =	vst v7;
	v5 =	vld [tilespmem:s16+$0xFFFFFFC0]  }
0x40e: {  	[tilespmem:s16+$0xFFFFFF30] =	vst v9;
	v7 =	vld [tilespmem:s16+$0xFFFFFFD0]  }
0x40f: {  	[tilespmem:s16+$0xFFFFFF10] =	vst v11;
	v8 =	vld [tilespmem:s16+$0xFFFFFF90]  }
0x410: {  	v6 =	vld.idx.msk [tilespmem:v6+s18+$0x0], $0xffff  }
0x411: {  	v9 =	vld [tilespmem:s16+$0xFFFFFF80]  }
0x412: {  	v10 =	vld [tilespmem:s16+$0xFFFFFFA0]  }
0x413: {  	v11 =	vld [tilespmem:s16+$0xFFFFFFB0]  }
0x414: {  	v12 =	vld [tilespmem:s16+$0xFFFFFFE0];
	_ =	sdelay $0x1  }
0x415: {  	v8 =	vmul.f32 v8, v6;
	v9 =	vmul.f32 v9, v6  }
0x416: {  	s8 =	sadd.s32 $0x2, s9;
	v7 =	vmul.f32 v7, v6;
	v10 =	vmul.f32 v10, v6  }
0x417: {  	v5 =	vmul.f32 v5, v6;
	[tilespmem:s16+$0xFFFFFF90] =	vst v8;
	v8 =	vmul.f32 v11, v6;
	v11 =	vmov s8  }
0x418: {  	v4 =	vmul.f32 v4, v6;
	[tilespmem:s16+$0xFFFFFFA0] =	vst v10;
	v10 =	vmul.f32 v12, v6;
	v6 =	vand.u32 $0xFFFFFFFE, v11  }
0x419: {  	[tilespmem:s16+$0xFFFFFF80] =	vst v9;
	v6 =	vbroadcast v6, $0x0  }
0x41a: {  	[tilespmem:s16+$0xFFFFFFB0] =	vst v8  }
0x41b: {  	[tilespmem:s16+$0xFFFFFFC0] =	vst v5  }
0x41c: {  	[tilespmem:s16+$0xFFFFFFD0] =	vst v7  }
.Ltmp7:
0x41d: {  	[tilespmem:s16+$0xFFFFFFF0] =	vst v4;
	v5 =	vld [tilespmem:s16+$0x40];
	(pc) =	sbr.rel @p3 .LBB2_16-.Ltmp7, $4  }
0x41e: {  	[tilespmem:s16+$0xFFFFFFE0] =	vst v10;
	v7 =	vld [tilespmem:s16+$0x60]  }
0x41f: {  	v4 =	vld.idx.msk [tilespmem:v6+s18+$0x0], $0xffff  }
0x420: {  	v8 =	vld [tilespmem:s16+$0x0]  }
0x421: {  	v6 =	vld [tilespmem:s16+$0x10]  }
0x422: {  	_ =	sdelay $0x1  }
0x423: {  	v7 =	vmul.f32 v7, v4  }
0x424: {  	v9 =	vld [tilespmem:s7+$0x50];
	v5 =	vmul.f32 v5, v4  }
0x425: {  	v10 =	vld [tilespmem:s7+$0x70];
	v2 =	vmul.f32 v2, v4;
	[tilespmem:s7+$0x60] =	vst v7  }
0x426: {  	v50 =	vmul.f32 v8, v4;
	[tilespmem:s7+$0x40] =	vst v5  }
0x427: {  	s8 =	sadd.s32 $0x3, s9;
	[tilespmem:s7+$0x20] =	vst v2;
	v2 =	vmul.f32 v3, v4  }
0x428: {  	v52 =	vmov s8;
	v6 =	vmul.f32 v6, v4;
	[tilespmem:s7+$0x0] =	vst v50  }
0x429: {  	v51 =	vmul.f32 v9, v4;
	[tilespmem:s7+$0x30] =	vst v2  }
0x42a: {  	v53 =	vmul.f32 v10, v4;
	[tilespmem:s7+$0x10] =	vst v6  }
0x42b: {  	[tilespmem:s7+$0x50] =	vst v51  }
0x42c: {  	v3 =	vld [tilespmem:s7+$0x80];
	[tilespmem:s7+$0x70] =	vst v53  }
0x42d: {  	v2 =	vld.idx.msk [tilespmem:v52+s18+$0x0], $0xffff  }
0x42e: {  	v54 =	vld [tilespmem:s7+$0xA0]  }
0x42f: {  	v56 =	vld [tilespmem:s7+$0xF0]  }
0x430: {  	v57 =	vld [tilespmem:s7+$0xE0]  }
0x431: {  	v55 =	vld [tilespmem:s7+$0xC0]  }
0x432: {  	v59 =	vld [tilespmem:s7+$0xB0];
	v3 =	vmul.f32 v3, v2  }
0x433: {  	v58 =	vld [tilespmem:s7+$0x90];
	v4 =	vmul.f32 v54, v2  }
0x434: {  	v60 =	vld [tilespmem:s7+$0xD0];
	v61 =	vmul.f32 v56, v2;
	[tilespmem:s7+$0x80] =	vst v3  }
0x435: {  	v62 =	vmul.f32 v57, v2;
	[tilespmem:s7+$0xA0] =	vst v4  }
0x436: {  	v3 =	vmul.f32 v55, v2;
	[tilespmem:s7+$0xF0] =	vst v61  }
0x437: {  	v63 =	vmul.f32 v59, v2;
	[tilespmem:s7+$0xE0] =	vst v62  }
0x438: {  	[tilespmem:s7+$0xC0] =	vst v3;
	v3 =	vmul.f32 v58, v2  }
0x439: {  	[tilespmem:s7+$0xB0] =	vst v63;
	v2 =	vmul.f32 v60, v2  }
0x43a: {  	[tilespmem:s7+$0x90] =	vst v3  }
0x43b: {  	s4 =	simm.s32 $0x1480;
	[tilespmem:s7+$0xD0] =	vst v2  }
0x43c: {  	[spmem:s2] =	stream.indirect.scatter.add.f32 [tilespmem:s21], [sflag:$0xD], $0x80, s4, s23, $0xb8;
	[tilespmem:$0x1FC68] =	vst v63  }
0x43d: {  	s17 =	simm.s32 $0xF  }
0x43e: {  	[spmem:s6] =	stream.indirect.scatter.add.f32 [tilespmem:s18], [sflag:$0x11], $0x1, s4, s23, $0xb8;
	[tilespmem:$0x1FC68] =	vst v63  }
0x43f: {  	_ =	swait.ge [sflag:s17], $0x2800  }
0x440: {  	p3 =	seq.s32 s11, $0x4;
	[sflag:s17] =	ssyncset.done $0x0  }
0x441: {  	s28 =	simm.s32 $0x13;
	s7 =	sadd.s32 $0x1, s11;
	[sflag:s17] =	ssyncadd.s32 $0xFFFFD800  }
0x442: {  	s8 =	smul.u32 @!p3 $0x7D0, s7;
	_ =	swait.ge [sflag:s28], $0x50  }
0x443: {  	s9 =	rddreg [dreg:$0xa]  }
0x444: {  	s10 =	simm.s32 @!p3 $0x0;
	s8 =	sadd.s32 @!p3 s9, s8  }
0x445: {  	[sflag:s28] =	ssyncset.done $0x0;
	s4 =	rddreg [dreg:$0x7];
	s8 =	sshrl.u32 @!p3 s8, $0x3  }
0x446: {  	s16 =	simm.s32 @!p3 $0x80;
	[sflag:s28] =	ssyncadd.s32 $0xFFFFFFB0;
	s9 =	sadd.s32 @!p3 s4, s8  }
0x447: {  	[tilespmem:s16], [sflag:$0x15] =	stream.linear.gather @!p3 [hbm4b:s9+s10], $0x7D0, $0x38;
	[tilespmem:$0x1FC68] =	vst v63  }
0x448: {  	s9 =	rddreg [dreg:$0x8]  }
0x449: {  	s30 =	simm.s32 $0x10;
	s8 =	sadd.s32 @!p3 s9, s8;
	s9 =	simm.s32 @!p3 $0x880  }
0x44a: {  	[tilespmem:s9], [sflag:$0x16] =	stream.linear.gather @!p3 [hbm4b:s8+s10], $0x7D0, $0x38;
	[tilespmem:$0x1FC68] =	vst v63  }
0x44b: {  	_ =	swait.ge [sflag:s30], $0x2800  }
0x44c: {  	[sflag:s30] =	ssyncset.done $0x0  }
0x44d: {  	s31 =	simm.s32 $0x14;
	[sflag:s30] =	ssyncadd.s32 $0xFFFFD800  }
0x44e: {  	_ =	swait.ge [sflag:s31], $0x50  }
0x44f: {  	[sflag:s31] =	ssyncset.done $0x0  }
0x450: {  	[sflag:s31] =	ssyncadd.s32 $0xFFFFFFB0  }
0x451: {  	_ =	swait.ge [sflag:s19], $0x2800  }
0x452: {  	[sflag:s19] =	ssyncset.done $0x0  }
0x453: {  	[sflag:s19] =	ssyncadd.s32 $0xFFFFD800  }
0x454: {  	_ =	swait.ge [sflag:s20], $0x50  }
0x455: {  	[sflag:s20] =	ssyncset.done $0x0  }
0x456: {  	p4 =	sne.s32 @!p3 s7, $0x5;
	s8 =	simm.s32 @!p3 $0x15;
	[sflag:s20] =	ssyncadd.s32 $0xFFFFFFB0  }
0x457: {  	p4 =	por p3, !p4;
	_ =	swait.ge @!p3 [sflag:s8], $0x7D0  }
.Ltmp8:
0x458: {  	[sflag:s8] =	ssyncset.done @!p3 $0x0;
	(pc) =	sbr.rel @!p4 .LBB2_4-.Ltmp8, $4  }
0x459: {  	[sflag:s8] =	ssyncadd.s32 @!p3 $0xFFFFF830;
	s8 =	simm.s32 @!p3 $0x16  }
0x45a: {  	_ =	swait.ge @!p3 [sflag:s8], $0x7D0  }
0x45b: {  	[sflag:s8] =	ssyncset.done @!p3 $0x0  }
0x45c: {  	s11 =	smov.u32 s7;
	[sflag:s8] =	ssyncadd.s32 @!p3 $0xFFFFF830  }
0x45d: {  	s4 =	stileid.u32  }
0x45e: {  	s7 =	sadd.s32 $0x0, s4  }
0x45f: {  	[bflag:$0x0] =	sbarrier.arrive $0xFFFF;
	p3 =	sgt.u32 s7, $0x7C  }
0x460: {  	s11 =	rddreg [dreg:$0x12];
	s7 =	simm.s32 @!p3 $0x1C80;
	s8 =	simm.s32 @!p3 $0x18  }
0x461: {  	[tilespmem:s7], [sflag:$0x18] =	stream.linear.gather @!p3 [spmem:s11], $0x2800, $0x38;
	[tilespmem:$0x1FC68] =	vst v63  }
0x462: {  	_ =	swait.ge @!p3 [sflag:s8], $0x2800  }
0x463: {  	s21 =	sld [smem:$0x7FC]  }
0x464: {  	[sflag:s8] =	ssyncset.done @!p3 $0x0  }
0x465: {  	s10 =	simm.s32 @!p3 $0x0;
	[sflag:s8] =	ssyncadd.s32 @!p3 $0xFFFFD800;
	p3 =	por p3, p3  }
0x466: {  	[hbm4b:s21+s10] =	stream.linear.scatter @!p3 [tilespmem:s7], [sflag:$0x18], $0x2800, $0x38;
	[tilespmem:$0x1FC68] =	vst v63  }
0x467: {  	_ =	swait.ge @!p3 [sflag:s8], $0x2800  }
0x468: {  	[sflag:s8] =	ssyncset.done @!p3 $0x0  }
0x469: {  	s17 =	simm.s32 @!p3 $0x1680;
	s9 =	rddreg [dreg:$0x13];
	[sflag:s8] =	ssyncadd.s32 @!p3 $0xFFFFD800  }
0x46a: {  	[tilespmem:s17], [sflag:$0x18] =	stream.linear.gather @!p3 [spmem:s9], $0x50, $0x38;
	[tilespmem:$0x1FC68] =	vst v63  }
0x46b: {  	_ =	swait.ge @!p3 [sflag:s8], $0x50  }
0x46c: {  	s31 =	sadd.s32 $0x10, s4;
	s30 =	sld [smem:$0x7FD]  }
0x46d: {  	s16 =	simm.s32 $0x20;
	p5 =	sgt.u32 s31, $0x7C;
	[sflag:s8] =	ssyncset.done @!p3 $0x0  }
0x46e: {  	s28 =	simm.s32 @!p3 $0x17;
	s9 =	sadd.s32 $0x500, s9;
	[sflag:s8] =	ssyncadd.s32 @!p3 $0xFFFFFFB0  }
0x46f: {  	[hbm4b:s30+s10] =	stream.linear.scatter @!p3 [tilespmem:s17], [sflag:$0x17], $0x50, $0x38;
	[tilespmem:$0x1FC68] =	vst v63  }
0x470: {  	s7 =	sadd.s32 $0xA0, s30;
	s10 =	sadd.s32 $0x5000, s21;
	_ =	swait.ge @!p3 [sflag:s28], $0x50  }
0x471: {  	s17 =	sadd.s32 $0x28000, s11;
	s11 =	stileid.u32;
	[sflag:s28] =	ssyncset.done @!p3 $0x0  }
.LBB2_19:
0x472: {  	s8 =	simm.s32 @!p5 $0x1C80;
	s21 =	simm.s32 @!p5 $0x18;
	[sflag:s28] =	ssyncadd.s32 @!p3 $0xFFFFFFB0  }
0x473: {  	[tilespmem:s8], [sflag:$0x18] =	stream.linear.gather @!p5 [spmem:s17], $0x2800, $0x38;
	[tilespmem:$0x1FC68] =	vst v63  }
0x474: {  	s30 =	smov.u32 s16;
	s16 =	sadd.s32 $0x10, s16;
	_ =	swait.ge @!p5 [sflag:s21], $0x2800  }
0x475: {  	s31 =	smov.u32 s7;
	p4 =	sne.s32 s16, $0x80;
	[sflag:s21] =	ssyncset.done @!p5 $0x0  }
0x476: {  	s4 =	simm.s32 @!p5 $0x0;
	p3 =	por p5, p5;
	[sflag:s21] =	ssyncadd.s32 @!p5 $0xFFFFD800  }
0x477: {  	[hbm4b:s10+s4] =	stream.linear.scatter @!p3 [tilespmem:s8], [sflag:$0x18], $0x2800, $0x38;
	[tilespmem:$0x1FC68] =	vst v63  }
0x478: {  	_ =	swait.ge @!p3 [sflag:s21], $0x2800  }
0x479: {  	[sflag:s21] =	ssyncset.done @!p3 $0x0  }
0x47a: {  	s8 =	simm.s32 @!p3 $0x1680;
	[sflag:s21] =	ssyncadd.s32 @!p3 $0xFFFFD800  }
0x47b: {  	[tilespmem:s8], [sflag:$0x18] =	stream.linear.gather @!p3 [spmem:s9], $0x50, $0x38;
	[tilespmem:$0x1FC68] =	vst v63  }
0x47c: {  	_ =	swait.ge @!p3 [sflag:s21], $0x50  }
.Ltmp9:
0x47d: {  	s7 =	sadd.s32 $0xA0, s7;
	[sflag:s21] =	ssyncset.done @!p3 $0x0;
	(pc) =	sbr.rel @p4 .LBB2_19-.Ltmp9, $4  }
0x47e: {  	s28 =	simm.s32 @!p3 $0x17;
	s9 =	sadd.s32 $0x500, s9;
	[sflag:s21] =	ssyncadd.s32 @!p3 $0xFFFFFFB0  }
0x47f: {  	[hbm4b:s31+s4] =	stream.linear.scatter @!p3 [tilespmem:s8], [sflag:$0x17], $0x50, $0x38;
	[tilespmem:$0x1FC68] =	vst v63  }
0x480: {  	s10 =	sadd.s32 $0x5000, s10;
	s4 =	sadd.s32 s30, s11;
	_ =	swait.ge @!p3 [sflag:s28], $0x50  }
0x481: {  	s17 =	sadd.s32 $0x28000, s17;
	p5 =	sgt.u32 s4, $0x7C;
	[sflag:s28] =	ssyncset.done @!p3 $0x0  }
0x482: {  	s4 =	simm.s32 @!p5 $0x1C80;
	s8 =	simm.s32 @!p5 $0x18;
	[sflag:s28] =	ssyncadd.s32 @!p3 $0xFFFFFFB0  }
0x483: {  	[tilespmem:s4], [sflag:$0x18] =	stream.linear.gather @!p5 [spmem:s17], $0x2800, $0x38;
	[tilespmem:$0x1FC68] =	vst v63  }
0x484: {  	_ =	swait.ge @!p5 [sflag:s8], $0x2800  }
0x485: {  	[sflag:s8] =	ssyncset.done @!p5 $0x0  }
0x486: {  	s16 =	simm.s32 @!p5 $0x0;
	p3 =	por p5, p5;
	[sflag:s8] =	ssyncadd.s32 @!p5 $0xFFFFD800  }
0x487: {  	[hbm4b:s10+s16] =	stream.linear.scatter @!p3 [tilespmem:s4], [sflag:$0x18], $0x2800, $0x38;
	[tilespmem:$0x1FC68] =	vst v63  }
0x488: {  	_ =	swait.ge @!p3 [sflag:s8], $0x2800  }
0x489: {  	[sflag:s8] =	ssyncset.done @!p3 $0x0  }
0x48a: {  	s4 =	simm.s32 @!p3 $0x1680;
	[sflag:s8] =	ssyncadd.s32 @!p3 $0xFFFFD800  }
0x48b: {  	[tilespmem:s4], [sflag:$0x18] =	stream.linear.gather @!p3 [spmem:s9], $0x50, $0x38;
	[tilespmem:$0x1FC68] =	vst v63  }
0x48c: {  	_ =	swait.ge @!p3 [sflag:s8], $0x50  }
0x48d: {  	[sflag:s8] =	ssyncset.done @!p3 $0x0  }
0x48e: {  	[sflag:s8] =	ssyncadd.s32 @!p3 $0xFFFFFFB0;
	s8 =	simm.s32 @!p3 $0x17  }
0x48f: {  	[hbm4b:s7+s16] =	stream.linear.scatter @!p3 [tilespmem:s4], [sflag:$0x17], $0x50, $0x38;
	[tilespmem:$0x1FC68] =	vst v63  }
0x490: {  	_ =	swait.ge @!p3 [sflag:s8], $0x50  }
0x491: {  	s30 =	sld [smem:$0x7F9];
	_ =	sdelay $0x2  }
0x492: {  	s31 =	rddreg [dreg:$0x11];
	s7 =	sadd.s32 $0x1, s30  }
0x493: {  	p4 =	sne.s32 s7, s31  }
.Ltmp10:
0x494: {  	_ = 	snop;
	(pc) =	sbr.rel @p4 .LBB2_1-.Ltmp10, $3  }
0x495: {  	_ =	sdelay $0x1  }
0x496: {  	s11 =	stileid.u32;
	[sflag:s8] =	ssyncset.done @!p3 $0x0  }
0x497: {  	s21 =	simm.s32 $0x1C80;
	s10 =	simm.s32 $0x17;
	[sflag:s8] =	ssyncadd.s32 @!p3 $0xFFFFFFB0  }
0x498: {  	_ =	sfence.sel $0x180000  }
0x499: {  	[bflag:$0x0] =	sbarrier.arrive $0xFFFF  }
0x49a: {  	_ =	strace $0x90000047  }
0x49b: {  	[bflag:$0x2] =	sbarrier.arrive $0xFFFF  }
0x49c: {  	p0 =	sne.s32 s11, $0x0;
	s0 =	rddreg [dreg:$0x6]  }
0x49d: {  	s0 =	sadd.s32 @!p0 $0x100000, s0  }
0x49e: {  	[sflag:s0] =	ssyncadd.tile.s32 @!p0 $0x1;
	_ =	shalt  }
.Lfunc_end2:
_tile_overlayer_lowered:
.L_overlay_start_2:
0x49f: {  	(tag) =	ssettag $0x2  }
0x4a0: {  	s0 =	rddreg [dreg:$0x0];
	s2 =	stileid.u32  }
0x4a1: {  	s1 =	rddreg [dreg:$0x1];
	p0 =	sne.s32 s2, $0x0  }
0x4a2: {  	s3 =	rddreg [dreg:$0x2];
	[bflag:$0x3] =	sbarrier.arrive $0xFFFF;
	s2 =	simm.s32 @!p0 $0x1C17  }
0x4a3: {  	[timem:s3], [sflag:s2] =	dma.local @!p0 [hbm:s0], s1  }
0x4a4: {  	s0 =	simm.s32 @!p0 $0x17  }
0x4a5: {  	_ =	swait.ge @!p0 [sflag:s0], s1  }
0x4a6: {  	s1 =	ssub.s32 @!p0 $0x0, s1;
	[sflag:s0] =	ssyncset.done @!p0 $0x0  }
0x4a7: {  	[sflag:s0] =	ssyncadd.s32 @!p0 s1  }
0x4a8: {  	[bflag:$0x3] =	sbarrier.arrive $0xFFFF  }
0x4a9: {  	_ =	shalt  }

</sc_bundles>
